<compile_context>
chip_gen: v7x
topology: tpu7x:2x2x1
jax: 0.10.2.dev20260603
libtpu: 0.0.44.dev20260713+nightly
codegen_flags: <defaults>
</compile_context>

<pallas_src>
import functools

import jax
import jax.numpy as jnp
from jax import lax
from jax.experimental import pallas as pl
from jax.experimental.pallas import tpu as pltpu
from jax.experimental.pallas import tpu_sc as plsc

N = 10000
D_IN = 128
HEADS = 8
C_OUT = 128
NEG_SLOPE = 0.2

NPAD = 10240
ETOT = 320000 + N
NW = 32
EPW_A = 10320
EPAD = NW * EPW_A
EPW_B = EPAD // 16
KB = 80
ROWS_PW = NPAD // 16

BLK = 128

_mesh = plsc.VectorSubcoreMesh(core_axis_name="c", subcore_axis_name="s")
_sc_params = pltpu.CompilerParams(needs_layout_passes=False)



def _proj_body(x_ref, w_ref, asr_ref, adr_ref, xlp_ref, a_ref):
    y = jnp.dot(x_ref[...], w_ref[...], preferred_element_type=jnp.float32)
    y3 = y.reshape(BLK, HEADS, C_OUT)
    a_s = (y3 * asr_ref[...][None]).sum(axis=-1)
    a_d = (y3 * adr_ref[...][None]).sum(axis=-1)
    a_ref[...] = jnp.concatenate([a_s, a_d], axis=-1).T
    for h in range(HEADS):
        xlp_ref[h, :, :] = y3[:, h, :]


def _project(x_pad, W, att_src, att_dst):
    return pl.pallas_call(
        _proj_body,
        grid=(NPAD // BLK,),
        in_specs=[
            pl.BlockSpec((BLK, D_IN), lambda i: (i, 0)),
            pl.BlockSpec((D_IN, HEADS * C_OUT), lambda i: (0, 0)),
            pl.BlockSpec((HEADS, C_OUT), lambda i: (0, 0)),
            pl.BlockSpec((HEADS, C_OUT), lambda i: (0, 0)),
        ],
        out_specs=[
            pl.BlockSpec((HEADS, BLK, C_OUT), lambda i: (0, i, 0)),
            pl.BlockSpec((2 * HEADS, BLK), lambda i: (0, i)),
        ],
        out_shape=[
            jax.ShapeDtypeStruct((HEADS, NPAD, C_OUT), jnp.float32),
            jax.ShapeDtypeStruct((2 * HEADS, NPAD), jnp.float32),
        ],
    )(x_pad, W, att_src, att_dst)


@functools.partial(
    pl.kernel,
    mesh=_mesh,
    out_type=jax.ShapeDtypeStruct((HEADS * EPAD,), jnp.float32),
    scratch_types=[
        pltpu.VMEM((EPW_A,), jnp.int32),
        pltpu.VMEM((EPW_A,), jnp.int32),
        pltpu.VMEM((NPAD,), jnp.float32),
        pltpu.VMEM((NPAD,), jnp.float32),
        pltpu.VMEM((EPW_A,), jnp.float32),
        pltpu.SemaphoreType.DMA,
    ],
    compiler_params=_sc_params,
)
def _edge_weights(src_hbm, dst_hbm, at_hbm, ext_hbm,
                  srcb, dstb, asb, adb, exb, sem):
    wid = lax.axis_index("s") * 2 + lax.axis_index("c")
    base = wid * EPW_A
    pltpu.sync_copy(src_hbm.at[pl.ds(base, EPW_A)], srcb)
    pltpu.sync_copy(dst_hbm.at[pl.ds(base, EPW_A)], dstb)

    for h in range(HEADS):
        pltpu.sync_copy(at_hbm.at[pl.ds(h * NPAD, NPAD)], asb)
        pltpu.sync_copy(at_hbm.at[pl.ds((h + HEADS) * NPAD, NPAD)], adb)

        def group(j, carry):
            sl = pl.ds(j * 16, 16)
            a = (plsc.load_gather(asb, [srcb[sl]])
                 + plsc.load_gather(adb, [dstb[sl]]))
            a = jnp.where(a >= 0, a, NEG_SLOPE * a)
            exb[sl] = jnp.exp(a)
            return carry

        lax.fori_loop(0, EPW_A // 16, group, 0)
        pltpu.sync_copy(exb, ext_hbm.at[pl.ds(h * EPAD + base, EPW_A)])


@functools.partial(
    pl.kernel,
    mesh=_mesh,
    out_type=[
        jax.ShapeDtypeStruct((HEADS, NPAD, C_OUT), jnp.float32),
        jax.ShapeDtypeStruct((HEADS * NPAD,), jnp.float32),
    ],
    scratch_types=[
        pltpu.VMEM_SHARED((NPAD, C_OUT), jnp.float32),
        pltpu.VMEM_SHARED((NPAD,), jnp.float32),
        pltpu.VMEM((KB,), jnp.int32),
        pltpu.VMEM((KB,), jnp.int32),
        pltpu.VMEM((KB,), jnp.int32),
        pltpu.VMEM((KB,), jnp.int32),
        pltpu.VMEM((KB,), jnp.float32),
        pltpu.VMEM((KB,), jnp.float32),
        pltpu.VMEM((KB, C_OUT), jnp.float32),
        pltpu.VMEM((KB, C_OUT), jnp.float32),
        pltpu.VMEM((32, C_OUT), jnp.float32),
        pltpu.VMEM((32,), jnp.int32),
        pltpu.VMEM((128,), jnp.float32),
        pltpu.VMEM((128,), jnp.float32),
        pltpu.VMEM((128,), jnp.int32),
        pltpu.SemaphoreType.DMA,
        pltpu.SemaphoreType.DMA,
        pltpu.SemaphoreType.DMA,
        pltpu.SemaphoreType.DMA,
        pltpu.SemaphoreType.DMA,
        pltpu.SemaphoreType.DMA,
        pltpu.SemaphoreType.DMA,
    ],
    compiler_params=_sc_params,
)
def _scatter_acc(src_hbm, dst_hbm, ext_hbm, xlp_hbm, outf_hbm, outd_hbm,
                 acc, accd, sidx0, sidx1, didx0, didx1, exv0, exv1,
                 rows0, rows1, zbuf, zidx, zden, gden, eidx, sem,
                 semg0, semg1, sems0a, sems0b, sems1a, sems1b):
    c = lax.axis_index("c")
    s = lax.axis_index("s")
    ebase = s * EPW_B
    row0 = s * ROWS_PW
    zero16 = jnp.zeros((16,), jnp.float32)
    lane = jnp.arange(16, dtype=jnp.int32)
    col0 = jnp.full((16,), 0, jnp.int32)

    def zel(q, carry):
        zden[pl.ds(q * 16, 16)] = zero16
        return carry

    lax.fori_loop(0, 8, zel, 0)

    for hh in range(HEADS // 2):
        h = c * (HEADS // 2) + hh
        hoff = h * NPAD

        def zb(i, carry):
            isplat = col0 + i
            for j in range(C_OUT // 16):
                plsc.store_scatter(zbuf, [isplat, lane + j * 16], zero16)
            return carry

        lax.fori_loop(0, 32, zb, 0)

        def z(i, carry):
            base = row0 + i * 32
            zidx[pl.ds(0, 16)] = lane + base
            zidx[pl.ds(16, 16)] = lane + (base + 16)
            pltpu.sync_copy(zbuf, acc.at[zidx])
            return carry

        lax.fori_loop(0, ROWS_PW // 32, z, 0)

        def zd(i, carry):
            base = row0 + i * 128
            def fill(q, c2):
                eidx[pl.ds(q * 16, 16)] = lane + (base + q * 16)
                return c2
            lax.fori_loop(0, 8, fill, 0)
            pltpu.sync_copy(zden, accd.at[eidx])
            return carry

        lax.fori_loop(0, ROWS_PW // 128, zd, 0)
        plsc.subcore_barrier()

        sidxs = (sidx0, sidx1)
        didxs = (didx0, didx1)
        exvs = (exv0, exv1)
        rowss = (rows0, rows1)
        semgs = (semg0, semg1)

        def stage_gather(i, b):
            off = ebase + i * KB
            sidx_b, didx_b, exv_b = sidxs[b], didxs[b], exvs[b]
            pltpu.sync_copy(src_hbm.at[pl.ds(off, KB)], sidx_b)
            pltpu.sync_copy(dst_hbm.at[pl.ds(off, KB)], didx_b)
            eoff = pl.multiple_of(h * EPAD + off, 8)
            pltpu.sync_copy(ext_hbm.at[pl.ds(eoff, KB)], exv_b)

            def addoff(q, carry2):
                sl = pl.ds(q * 16, 16)
                sidx_b[sl] = sidx_b[sl] + hoff
                return carry2

            lax.fori_loop(0, KB // 16, addoff, 0)
            return pltpu.async_copy(xlp_hbm.at[sidx_b], rowss[b], semgs[b])

        def weight(b):
            exv_b, rows_b = exvs[b], rowss[b]

            def wgt(e, carry2):
                esplat = col0 + e
                w = plsc.load_gather(exv_b, [esplat])
                for j in range(C_OUT // 16):
                    col = lane + j * 16
                    v = plsc.load_gather(rows_b, [esplat, col])
                    plsc.store_scatter(rows_b, [esplat, col], v * w)
                return carry2

            lax.fori_loop(0, KB, wgt, 0)

        def pair(g, carry):
            g0 = stage_gather(2 * g, 0)
            g1 = stage_gather(2 * g + 1, 1)
            g0.wait()
            weight(0)
            s0a = pltpu.async_copy(rows0, acc.at[didx0], sems0a, add=True)
            s0b = pltpu.async_copy(exv0, accd.at[didx0], sems0b, add=True)
            g1.wait()
            weight(1)
            s1a = pltpu.async_copy(rows1, acc.at[didx1], sems1a, add=True)
            s1b = pltpu.async_copy(exv1, accd.at[didx1], sems1b, add=True)
            s0a.wait()
            s0b.wait()
            s1a.wait()
            s1b.wait()
            return carry

        lax.fori_loop(0, EPW_B // KB // 2, pair, 0)
        plsc.subcore_barrier()

        def wo(i, carry):
            base = row0 + i * 32
            zidx[pl.ds(0, 16)] = lane + base
            zidx[pl.ds(16, 16)] = lane + (base + 16)
            pltpu.async_copy(acc.at[zidx], zbuf, sem).wait()
            pltpu.sync_copy(zbuf, outf_hbm.at[h, pl.ds(base, 32)])
            return carry

        lax.fori_loop(0, ROWS_PW // 32, wo, 0)

        def wod(i, carry):
            base = row0 + i * 128
            def fill(q, c2):
                eidx[pl.ds(q * 16, 16)] = lane + (base + q * 16)
                return c2
            lax.fori_loop(0, 8, fill, 0)
            pltpu.async_copy(accd.at[eidx], gden, sem).wait()
            doff = pl.multiple_of(h * NPAD + base, 8)
            pltpu.sync_copy(gden, outd_hbm.at[pl.ds(doff, 128)])
            return carry

        lax.fori_loop(0, ROWS_PW // 128, wod, 0)
        plsc.subcore_barrier()


def _norm_body(u_ref, d_ref, b_ref, o_ref):
    den = d_ref[...][:, :, None]
    o_ref[...] = (jnp.sum(u_ref[...] / (den + 1e-16), axis=0)
                  * (1.0 / HEADS) + b_ref[...])


def _normalize(out_unn, out_den, bias2d):
    return pl.pallas_call(
        _norm_body,
        grid=(NPAD // BLK,),
        in_specs=[
            pl.BlockSpec((HEADS, BLK, C_OUT), lambda i: (0, i, 0)),
            pl.BlockSpec((HEADS, BLK), lambda i: (0, i)),
            pl.BlockSpec((1, C_OUT), lambda i: (0, 0)),
        ],
        out_specs=pl.BlockSpec((BLK, C_OUT), lambda i: (i, 0)),
        out_shape=jax.ShapeDtypeStruct((NPAD, C_OUT), jnp.float32),
    )(out_unn, out_den, bias2d)


def kernel(x, edge_index, batch, W, att_src, att_dst, bias):
    n = x.shape[0]
    x_pad = jnp.pad(x, ((0, NPAD - n), (0, 0)))
    xlp, A = _project(x_pad, W, att_src.reshape(HEADS, C_OUT),
                      att_dst.reshape(HEADS, C_OUT))
    loop = jnp.arange(n, dtype=jnp.int32)
    pad = jnp.full((EPAD - ETOT,), n, jnp.int32)
    src = jnp.concatenate([edge_index[0], loop, pad])
    dst = jnp.concatenate([edge_index[1], loop, pad])
    ext = _edge_weights(src, dst, A.reshape(2 * HEADS * NPAD))
    out_unn, out_den = _scatter_acc(src, dst, ext,
                                    xlp.reshape(HEADS * NPAD, C_OUT))
    out = _normalize(out_unn, out_den.reshape(HEADS, NPAD),
                     bias.reshape(1, C_OUT))
    return out[:n]

# --- scband reference (transcript-rebuilt; emitter-appended) ---
"""Pipeline reference for scband-gatlayer-53326313947259 (READ-ONLY COPY).

The authoritative reference and input builder live on the scoring server;
editing this copy changes nothing except your own understanding.
"""

import jax, jax.numpy as jnp
import numpy as np

N = 10000
E = 320000
D_IN = 128
HEADS = 8
C_OUT = 128
NEG_SLOPE = 0.2


def setup_inputs(seed: int = 0) -> dict:
    key = jax.random.key(seed)
    ks = jax.random.split(key, 6)
    x = jax.random.normal(ks[0], (N, D_IN), dtype=jnp.float32)
    edge_index = jax.random.randint(ks[1], (2, E), 0, N, dtype=jnp.int32)
    batch = jnp.zeros((N,), dtype=jnp.int32)
    W = jax.random.normal(ks[2], (D_IN, HEADS * C_OUT), dtype=jnp.float32) * (1.0 / np.sqrt(D_IN))
    att_src = jax.random.normal(ks[3], (1, HEADS, C_OUT), dtype=jnp.float32) * 0.1
    att_dst = jax.random.normal(ks[4], (1, HEADS, C_OUT), dtype=jnp.float32) * 0.1
    bias = jnp.zeros((C_OUT,), dtype=jnp.float32)
    return {"x": x, "edge_index": edge_index, "batch": batch, "W": W, "att_src": att_src, "att_dst": att_dst, "bias": bias}


def reference(x, edge_index, batch, W, att_src, att_dst, bias):
    n = x.shape[0]
    # PyG GATConv default: add self loops
    loop = jnp.arange(n, dtype=edge_index.dtype)
    src = jnp.concatenate([edge_index[0], loop])
    dst = jnp.concatenate([edge_index[1], loop])
    # linear projection -> [N, H, C]
    xl = (x @ W).reshape(n, HEADS, C_OUT)
    # per-node attention logits
    alpha_src = (xl * att_src).sum(axis=-1)  # [N, H]
    alpha_dst = (xl * att_dst).sum(axis=-1)  # [N, H]
    # gather per edge
    alpha = alpha_src[src] + alpha_dst[dst]  # [E+N, H]
    alpha = jax.nn.leaky_relu(alpha, NEG_SLOPE)
    # segment softmax over destination nodes
    amax = jax.ops.segment_max(alpha, dst, num_segments=n)
    amax = jnp.where(jnp.isfinite(amax), amax, 0.0)
    amax = jax.lax.stop_gradient(amax)
    ex = jnp.exp(alpha - amax[dst])
    denom = jax.ops.segment_sum(ex, dst, num_segments=n)
    attn = ex / (denom[dst] + 1e-16)  # [E+N, H]
    # message passing: weighted gather of source features, scatter-add to dst
    msg = xl[src] * attn[:, :, None]  # [E+N, H, C]
    out = jax.ops.segment_sum(msg, dst, num_segments=n)  # [N, H, C]
    # concat=False -> mean over heads, then bias
    out = out.mean(axis=1) + bias
    return out

if __name__ == "__main__":
    import jax
    _d = setup_inputs()
    print(jax.jit(kernel)(*tuple(_d.values())))

</pallas_src>

<mosaic_0001>
#map = affine_map<(d0, d1) -> (0)>
module attributes {stable_mosaic.version = 14 : i64} {
  func.func @_edge_weights(%arg0: i32, %arg1: i32, %arg2: memref<330240xi32, #tpu.memory_space<hbm>>, %arg3: memref<330240xi32, #tpu.memory_space<hbm>>, %arg4: memref<163840xf32, #tpu.memory_space<hbm>>, %arg5: memref<2641920xf32, #tpu.memory_space<hbm>>, %arg6: memref<10320xi32, #tpu.memory_space<vmem>>, %arg7: memref<10320xi32, #tpu.memory_space<vmem>>, %arg8: memref<10240xf32, #tpu.memory_space<vmem>>, %arg9: memref<10240xf32, #tpu.memory_space<vmem>>, %arg10: memref<10320xf32, #tpu.memory_space<vmem>>, %arg11: memref<!tpu.dma_semaphore, #tpu.memory_space<semaphore_mem>>) attributes {dimension_semantics = [#tpu.dimension_semantics<core_parallel>, #tpu.dimension_semantics<subcore_parallel>], iteration_bounds = array<i64: 2, 16>, scalar_prefetch = 0 : i64, scratch_operands = 6 : i64, tpu.core_type = #tpu.core_type<sc_vector_subcore>, window_params = [{transform_indices = #map}, {transform_indices = #map}, {transform_indices = #map}, {transform_indices = #map}]} {
    %mul3A = arith.constant 2 : i32
    %mul3A_0 = arith.muli %arg1, %mul3A : i32
    %add3A = arith.addi %mul3A_0, %arg0 : i32
    %mul3A_1 = arith.constant 10320 : i32
    %mul3A_2 = arith.muli %add3A, %mul3A_1 : i32
    "tpu.region"() ({
      %run_scoped3A = tpu.sem_alloc : memref<!tpu.dma_semaphore, #tpu.memory_space<semaphore_mem>>
      %dma_start3A = tpu.memref_slice %arg2[%mul3A_2] : memref<330240xi32, #tpu.memory_space<hbm>> -> memref<10320xi32, #tpu.memory_space<hbm>>
      %dma_start3A_66 = tpu.memref_slice %arg2[%mul3A_2] : memref<330240xi32, #tpu.memory_space<hbm>> -> memref<10320xi32, #tpu.memory_space<hbm>>
      tpu.enqueue_dma source(%dma_start3A_66 : memref<10320xi32, #tpu.memory_space<hbm>>) target(%arg6 : memref<10320xi32, #tpu.memory_space<vmem>>) target_semaphore(%run_scoped3A : memref<!tpu.dma_semaphore, #tpu.memory_space<semaphore_mem>>)
      %dma_wait3A = tpu.memref_slice %arg2[%mul3A_2] : memref<330240xi32, #tpu.memory_space<hbm>> -> memref<10320xi32, #tpu.memory_space<hbm>>
      %dma_wait3A_67 = tpu.memref_slice %arg2[%mul3A_2] : memref<330240xi32, #tpu.memory_space<hbm>> -> memref<10320xi32, #tpu.memory_space<hbm>>
      tpu.wait_dma2 semaphore(%run_scoped3A : memref<!tpu.dma_semaphore, #tpu.memory_space<semaphore_mem>>) src(%dma_wait3A_67 : memref<10320xi32, #tpu.memory_space<hbm>>) dst(%arg6 : memref<10320xi32, #tpu.memory_space<vmem>>)
      tpu.yield
    }) : () -> ()
    "tpu.region"() ({
      %run_scoped3A = tpu.sem_alloc : memref<!tpu.dma_semaphore, #tpu.memory_space<semaphore_mem>>
      %dma_start3A = tpu.memref_slice %arg3[%mul3A_2] : memref<330240xi32, #tpu.memory_space<hbm>> -> memref<10320xi32, #tpu.memory_space<hbm>>
      %dma_start3A_66 = tpu.memref_slice %arg3[%mul3A_2] : memref<330240xi32, #tpu.memory_space<hbm>> -> memref<10320xi32, #tpu.memory_space<hbm>>
      tpu.enqueue_dma source(%dma_start3A_66 : memref<10320xi32, #tpu.memory_space<hbm>>) target(%arg7 : memref<10320xi32, #tpu.memory_space<vmem>>) target_semaphore(%run_scoped3A : memref<!tpu.dma_semaphore, #tpu.memory_space<semaphore_mem>>)
      %dma_wait3A = tpu.memref_slice %arg3[%mul3A_2] : memref<330240xi32, #tpu.memory_space<hbm>> -> memref<10320xi32, #tpu.memory_space<hbm>>
      %dma_wait3A_67 = tpu.memref_slice %arg3[%mul3A_2] : memref<330240xi32, #tpu.memory_space<hbm>> -> memref<10320xi32, #tpu.memory_space<hbm>>
      tpu.wait_dma2 semaphore(%run_scoped3A : memref<!tpu.dma_semaphore, #tpu.memory_space<semaphore_mem>>) src(%dma_wait3A_67 : memref<10320xi32, #tpu.memory_space<hbm>>) dst(%arg7 : memref<10320xi32, #tpu.memory_space<vmem>>)
      tpu.yield
    }) : () -> ()
    "tpu.region"() ({
      %run_scoped3A = tpu.sem_alloc : memref<!tpu.dma_semaphore, #tpu.memory_space<semaphore_mem>>
      %dma_start3A = arith.constant 0 : i32
      %dma_start3A_66 = tpu.memref_slice %arg4[%dma_start3A] : memref<163840xf32, #tpu.memory_space<hbm>> -> memref<10240xf32, #tpu.memory_space<hbm>>
      %dma_start3A_67 = arith.constant 0 : i32
      %dma_start3A_68 = tpu.memref_slice %arg4[%dma_start3A_67] : memref<163840xf32, #tpu.memory_space<hbm>> -> memref<10240xf32, #tpu.memory_space<hbm>>
      tpu.enqueue_dma source(%dma_start3A_68 : memref<10240xf32, #tpu.memory_space<hbm>>) target(%arg8 : memref<10240xf32, #tpu.memory_space<vmem>>) target_semaphore(%run_scoped3A : memref<!tpu.dma_semaphore, #tpu.memory_space<semaphore_mem>>)
      %dma_wait3A = arith.constant 0 : i32
      %dma_wait3A_69 = tpu.memref_slice %arg4[%dma_wait3A] : memref<163840xf32, #tpu.memory_space<hbm>> -> memref<10240xf32, #tpu.memory_space<hbm>>
      %dma_wait3A_70 = arith.constant 0 : i32
      %dma_wait3A_71 = tpu.memref_slice %arg4[%dma_wait3A_70] : memref<163840xf32, #tpu.memory_space<hbm>> -> memref<10240xf32, #tpu.memory_space<hbm>>
      tpu.wait_dma2 semaphore(%run_scoped3A : memref<!tpu.dma_semaphore, #tpu.memory_space<semaphore_mem>>) src(%dma_wait3A_71 : memref<10240xf32, #tpu.memory_space<hbm>>) dst(%arg8 : memref<10240xf32, #tpu.memory_space<vmem>>)
      tpu.yield
    }) : () -> ()
    "tpu.region"() ({
      %run_scoped3A = tpu.sem_alloc : memref<!tpu.dma_semaphore, #tpu.memory_space<semaphore_mem>>
      %dma_start3A = arith.constant 81920 : i32
      %dma_start3A_66 = tpu.memref_slice %arg4[%dma_start3A] : memref<163840xf32, #tpu.memory_space<hbm>> -> memref<10240xf32, #tpu.memory_space<hbm>>
      %dma_start3A_67 = arith.constant 81920 : i32
      %dma_start3A_68 = tpu.memref_slice %arg4[%dma_start3A_67] : memref<163840xf32, #tpu.memory_space<hbm>> -> memref<10240xf32, #tpu.memory_space<hbm>>
      tpu.enqueue_dma source(%dma_start3A_68 : memref<10240xf32, #tpu.memory_space<hbm>>) target(%arg9 : memref<10240xf32, #tpu.memory_space<vmem>>) target_semaphore(%run_scoped3A : memref<!tpu.dma_semaphore, #tpu.memory_space<semaphore_mem>>)
      %dma_wait3A = arith.constant 81920 : i32
      %dma_wait3A_69 = tpu.memref_slice %arg4[%dma_wait3A] : memref<163840xf32, #tpu.memory_space<hbm>> -> memref<10240xf32, #tpu.memory_space<hbm>>
      %dma_wait3A_70 = arith.constant 81920 : i32
      %dma_wait3A_71 = tpu.memref_slice %arg4[%dma_wait3A_70] : memref<163840xf32, #tpu.memory_space<hbm>> -> memref<10240xf32, #tpu.memory_space<hbm>>
      tpu.wait_dma2 semaphore(%run_scoped3A : memref<!tpu.dma_semaphore, #tpu.memory_space<semaphore_mem>>) src(%dma_wait3A_71 : memref<10240xf32, #tpu.memory_space<hbm>>) dst(%arg9 : memref<10240xf32, #tpu.memory_space<vmem>>)
      tpu.yield
    }) : () -> ()
    %scan3A = arith.constant 0 : i32
    %scan3A_3 = arith.constant 0 : i32
    %scan3A_4 = arith.constant 645 : i32
    %scan3A_5 = arith.addi %scan3A_3, %scan3A_4 : i32
    %scan3A_6 = arith.constant 1 : i32
    scf.for %scan3A_66 = %scan3A_3 to %scan3A_5 step %scan3A_6  : i32 {
      %mul3A_67 = arith.constant 16 : i32
      %mul3A_68 = arith.muli %scan3A_66, %mul3A_67 : i32
      %get3A = arith.index_cast %mul3A_68 : i32 to index
      %get3A_69 = tpu.vector_load %arg6[%get3A] {strides = array<i32>} : memref<10320xi32, #tpu.memory_space<vmem>>, vector<16xi32>,
      %gather3A = tpu.vector_load_idx %arg8[%get3A_69] : memref<10240xf32, #tpu.memory_space<vmem>>[vector<16xi32>], vector<16xf32>,
      %get3A_70 = arith.index_cast %mul3A_68 : i32 to index
      %get3A_71 = tpu.vector_load %arg7[%get3A_70] {strides = array<i32>} : memref<10320xi32, #tpu.memory_space<vmem>>, vector<16xi32>,
      %gather3A_72 = tpu.vector_load_idx %arg9[%get3A_71] : memref<10240xf32, #tpu.memory_space<vmem>>[vector<16xi32>], vector<16xf32>,
      %add3A_73 = arith.addf %gather3A, %gather3A_72 : vector<16xf32>
      %ge3A = arith.constant 0.000000e+00 : f32
      %ge3A_74 = vector.broadcast %ge3A : f32 to vector<16xf32>
      %ge3A_75 = arith.cmpf oge, %add3A_73, %ge3A_74 : vector<16xf32>
      %mul3A_76 = arith.constant 2.000000e-01 : f32
      %mul3A_77 = vector.broadcast %mul3A_76 : f32 to vector<16xf32>
      %mul3A_78 = arith.mulf %mul3A_77, %add3A_73 : vector<16xf32>
      %select_n3A = arith.select %ge3A_75, %add3A_73, %mul3A_78 : vector<16xi1>, vector<16xf32>
      %exp3A = math.exp %select_n3A : vector<16xf32>
      %swap3A = arith.index_cast %mul3A_68 : i32 to index
      %swap3A_79 = tpu.vector_load %arg10[%swap3A] {strides = array<i32>} : memref<10320xf32, #tpu.memory_space<vmem>>, vector<16xf32>,
      tpu.vector_store %arg10[%swap3A], %exp3A {strides = array<i32>} : memref<10320xf32, #tpu.memory_space<vmem>>, vector<16xf32>,
    }
    %scan3A_7 = arith.constant 645 : i32
    %add3A_8 = arith.constant 0 : i32
    %add3A_9 = arith.addi %add3A_8, %mul3A_2 : i32
    "tpu.region"() ({
      %run_scoped3A = tpu.sem_alloc : memref<!tpu.dma_semaphore, #tpu.memory_space<semaphore_mem>>
      %dma_start3A = tpu.memref_slice %arg5[%add3A_9] : memref<2641920xf32, #tpu.memory_space<hbm>> -> memref<10320xf32, #tpu.memory_space<hbm>>
      %dma_start3A_66 = tpu.memref_slice %arg5[%add3A_9] : memref<2641920xf32, #tpu.memory_space<hbm>> -> memref<10320xf32, #tpu.memory_space<hbm>>
      tpu.enqueue_dma source(%arg10 : memref<10320xf32, #tpu.memory_space<vmem>>) target(%dma_start3A_66 : memref<10320xf32, #tpu.memory_space<hbm>>) target_semaphore(%run_scoped3A : memref<!tpu.dma_semaphore, #tpu.memory_space<semaphore_mem>>)
      %dma_wait3A = tpu.memref_slice %arg5[%add3A_9] : memref<2641920xf32, #tpu.memory_space<hbm>> -> memref<10320xf32, #tpu.memory_space<hbm>>
      %dma_wait3A_67 = tpu.memref_slice %arg5[%add3A_9] : memref<2641920xf32, #tpu.memory_space<hbm>> -> memref<10320xf32, #tpu.memory_space<hbm>>
      tpu.wait_dma2 semaphore(%run_scoped3A : memref<!tpu.dma_semaphore, #tpu.memory_space<semaphore_mem>>) src(%arg10 : memref<10320xf32, #tpu.memory_space<vmem>>) dst(%dma_wait3A_67 : memref<10320xf32, #tpu.memory_space<hbm>>)
      tpu.yield
    }) : () -> ()
    "tpu.region"() ({
      %run_scoped3A = tpu.sem_alloc : memref<!tpu.dma_semaphore, #tpu.memory_space<semaphore_mem>>
      %dma_start3A = arith.constant 10240 : i32
      %dma_start3A_66 = tpu.memref_slice %arg4[%dma_start3A] : memref<163840xf32, #tpu.memory_space<hbm>> -> memref<10240xf32, #tpu.memory_space<hbm>>
      %dma_start3A_67 = arith.constant 10240 : i32
      %dma_start3A_68 = tpu.memref_slice %arg4[%dma_start3A_67] : memref<163840xf32, #tpu.memory_space<hbm>> -> memref<10240xf32, #tpu.memory_space<hbm>>
      tpu.enqueue_dma source(%dma_start3A_68 : memref<10240xf32, #tpu.memory_space<hbm>>) target(%arg8 : memref<10240xf32, #tpu.memory_space<vmem>>) target_semaphore(%run_scoped3A : memref<!tpu.dma_semaphore, #tpu.memory_space<semaphore_mem>>)
      %dma_wait3A = arith.constant 10240 : i32
      %dma_wait3A_69 = tpu.memref_slice %arg4[%dma_wait3A] : memref<163840xf32, #tpu.memory_space<hbm>> -> memref<10240xf32, #tpu.memory_space<hbm>>
      %dma_wait3A_70 = arith.constant 10240 : i32
      %dma_wait3A_71 = tpu.memref_slice %arg4[%dma_wait3A_70] : memref<163840xf32, #tpu.memory_space<hbm>> -> memref<10240xf32, #tpu.memory_space<hbm>>
      tpu.wait_dma2 semaphore(%run_scoped3A : memref<!tpu.dma_semaphore, #tpu.memory_space<semaphore_mem>>) src(%dma_wait3A_71 : memref<10240xf32, #tpu.memory_space<hbm>>) dst(%arg8 : memref<10240xf32, #tpu.memory_space<vmem>>)
      tpu.yield
    }) : () -> ()
    "tpu.region"() ({
      %run_scoped3A = tpu.sem_alloc : memref<!tpu.dma_semaphore, #tpu.memory_space<semaphore_mem>>
      %dma_start3A = arith.constant 92160 : i32
      %dma_start3A_66 = tpu.memref_slice %arg4[%dma_start3A] : memref<163840xf32, #tpu.memory_space<hbm>> -> memref<10240xf32, #tpu.memory_space<hbm>>
      %dma_start3A_67 = arith.constant 92160 : i32
      %dma_start3A_68 = tpu.memref_slice %arg4[%dma_start3A_67] : memref<163840xf32, #tpu.memory_space<hbm>> -> memref<10240xf32, #tpu.memory_space<hbm>>
      tpu.enqueue_dma source(%dma_start3A_68 : memref<10240xf32, #tpu.memory_space<hbm>>) target(%arg9 : memref<10240xf32, #tpu.memory_space<vmem>>) target_semaphore(%run_scoped3A : memref<!tpu.dma_semaphore, #tpu.memory_space<semaphore_mem>>)
      %dma_wait3A = arith.constant 92160 : i32
      %dma_wait3A_69 = tpu.memref_slice %arg4[%dma_wait3A] : memref<163840xf32, #tpu.memory_space<hbm>> -> memref<10240xf32, #tpu.memory_space<hbm>>
      %dma_wait3A_70 = arith.constant 92160 : i32
      %dma_wait3A_71 = tpu.memref_slice %arg4[%dma_wait3A_70] : memref<163840xf32, #tpu.memory_space<hbm>> -> memref<10240xf32, #tpu.memory_space<hbm>>
      tpu.wait_dma2 semaphore(%run_scoped3A : memref<!tpu.dma_semaphore, #tpu.memory_space<semaphore_mem>>) src(%dma_wait3A_71 : memref<10240xf32, #tpu.memory_space<hbm>>) dst(%arg9 : memref<10240xf32, #tpu.memory_space<vmem>>)
      tpu.yield
    }) : () -> ()
    %scan3A_10 = arith.constant 0 : i32
    %scan3A_11 = arith.constant 0 : i32
    %scan3A_12 = arith.constant 645 : i32
    %scan3A_13 = arith.addi %scan3A_11, %scan3A_12 : i32
    %scan3A_14 = arith.constant 1 : i32
    scf.for %scan3A_66 = %scan3A_11 to %scan3A_13 step %scan3A_14  : i32 {
      %mul3A_67 = arith.constant 16 : i32
      %mul3A_68 = arith.muli %scan3A_66, %mul3A_67 : i32
      %get3A = arith.index_cast %mul3A_68 : i32 to index
      %get3A_69 = tpu.vector_load %arg6[%get3A] {strides = array<i32>} : memref<10320xi32, #tpu.memory_space<vmem>>, vector<16xi32>,
      %gather3A = tpu.vector_load_idx %arg8[%get3A_69] : memref<10240xf32, #tpu.memory_space<vmem>>[vector<16xi32>], vector<16xf32>,
      %get3A_70 = arith.index_cast %mul3A_68 : i32 to index
      %get3A_71 = tpu.vector_load %arg7[%get3A_70] {strides = array<i32>} : memref<10320xi32, #tpu.memory_space<vmem>>, vector<16xi32>,
      %gather3A_72 = tpu.vector_load_idx %arg9[%get3A_71] : memref<10240xf32, #tpu.memory_space<vmem>>[vector<16xi32>], vector<16xf32>,
      %add3A_73 = arith.addf %gather3A, %gather3A_72 : vector<16xf32>
      %ge3A = arith.constant 0.000000e+00 : f32
      %ge3A_74 = vector.broadcast %ge3A : f32 to vector<16xf32>
      %ge3A_75 = arith.cmpf oge, %add3A_73, %ge3A_74 : vector<16xf32>
      %mul3A_76 = arith.constant 2.000000e-01 : f32
      %mul3A_77 = vector.broadcast %mul3A_76 : f32 to vector<16xf32>
      %mul3A_78 = arith.mulf %mul3A_77, %add3A_73 : vector<16xf32>
      %select_n3A = arith.select %ge3A_75, %add3A_73, %mul3A_78 : vector<16xi1>, vector<16xf32>
      %exp3A = math.exp %select_n3A : vector<16xf32>
      %swap3A = arith.index_cast %mul3A_68 : i32 to index
      %swap3A_79 = tpu.vector_load %arg10[%swap3A] {strides = array<i32>} : memref<10320xf32, #tpu.memory_space<vmem>>, vector<16xf32>,
      tpu.vector_store %arg10[%swap3A], %exp3A {strides = array<i32>} : memref<10320xf32, #tpu.memory_space<vmem>>, vector<16xf32>,
    }
    %scan3A_15 = arith.constant 645 : i32
    %add3A_16 = arith.constant 330240 : i32
    %add3A_17 = arith.addi %add3A_16, %mul3A_2 : i32
    "tpu.region"() ({
      %run_scoped3A = tpu.sem_alloc : memref<!tpu.dma_semaphore, #tpu.memory_space<semaphore_mem>>
      %dma_start3A = tpu.memref_slice %arg5[%add3A_17] : memref<2641920xf32, #tpu.memory_space<hbm>> -> memref<10320xf32, #tpu.memory_space<hbm>>
      %dma_start3A_66 = tpu.memref_slice %arg5[%add3A_17] : memref<2641920xf32, #tpu.memory_space<hbm>> -> memref<10320xf32, #tpu.memory_space<hbm>>
      tpu.enqueue_dma source(%arg10 : memref<10320xf32, #tpu.memory_space<vmem>>) target(%dma_start3A_66 : memref<10320xf32, #tpu.memory_space<hbm>>) target_semaphore(%run_scoped3A : memref<!tpu.dma_semaphore, #tpu.memory_space<semaphore_mem>>)
      %dma_wait3A = tpu.memref_slice %arg5[%add3A_17] : memref<2641920xf32, #tpu.memory_space<hbm>> -> memref<10320xf32, #tpu.memory_space<hbm>>
      %dma_wait3A_67 = tpu.memref_slice %arg5[%add3A_17] : memref<2641920xf32, #tpu.memory_space<hbm>> -> memref<10320xf32, #tpu.memory_space<hbm>>
      tpu.wait_dma2 semaphore(%run_scoped3A : memref<!tpu.dma_semaphore, #tpu.memory_space<semaphore_mem>>) src(%arg10 : memref<10320xf32, #tpu.memory_space<vmem>>) dst(%dma_wait3A_67 : memref<10320xf32, #tpu.memory_space<hbm>>)
      tpu.yield
    }) : () -> ()
    "tpu.region"() ({
      %run_scoped3A = tpu.sem_alloc : memref<!tpu.dma_semaphore, #tpu.memory_space<semaphore_mem>>
      %dma_start3A = arith.constant 20480 : i32
      %dma_start3A_66 = tpu.memref_slice %arg4[%dma_start3A] : memref<163840xf32, #tpu.memory_space<hbm>> -> memref<10240xf32, #tpu.memory_space<hbm>>
      %dma_start3A_67 = arith.constant 20480 : i32
      %dma_start3A_68 = tpu.memref_slice %arg4[%dma_start3A_67] : memref<163840xf32, #tpu.memory_space<hbm>> -> memref<10240xf32, #tpu.memory_space<hbm>>
      tpu.enqueue_dma source(%dma_start3A_68 : memref<10240xf32, #tpu.memory_space<hbm>>) target(%arg8 : memref<10240xf32, #tpu.memory_space<vmem>>) target_semaphore(%run_scoped3A : memref<!tpu.dma_semaphore, #tpu.memory_space<semaphore_mem>>)
      %dma_wait3A = arith.constant 20480 : i32
      %dma_wait3A_69 = tpu.memref_slice %arg4[%dma_wait3A] : memref<163840xf32, #tpu.memory_space<hbm>> -> memref<10240xf32, #tpu.memory_space<hbm>>
      %dma_wait3A_70 = arith.constant 20480 : i32
      %dma_wait3A_71 = tpu.memref_slice %arg4[%dma_wait3A_70] : memref<163840xf32, #tpu.memory_space<hbm>> -> memref<10240xf32, #tpu.memory_space<hbm>>
      tpu.wait_dma2 semaphore(%run_scoped3A : memref<!tpu.dma_semaphore, #tpu.memory_space<semaphore_mem>>) src(%dma_wait3A_71 : memref<10240xf32, #tpu.memory_space<hbm>>) dst(%arg8 : memref<10240xf32, #tpu.memory_space<vmem>>)
      tpu.yield
    }) : () -> ()
    "tpu.region"() ({
      %run_scoped3A = tpu.sem_alloc : memref<!tpu.dma_semaphore, #tpu.memory_space<semaphore_mem>>
      %dma_start3A = arith.constant 102400 : i32
      %dma_start3A_66 = tpu.memref_slice %arg4[%dma_start3A] : memref<163840xf32, #tpu.memory_space<hbm>> -> memref<10240xf32, #tpu.memory_space<hbm>>
      %dma_start3A_67 = arith.constant 102400 : i32
      %dma_start3A_68 = tpu.memref_slice %arg4[%dma_start3A_67] : memref<163840xf32, #tpu.memory_space<hbm>> -> memref<10240xf32, #tpu.memory_space<hbm>>
      tpu.enqueue_dma source(%dma_start3A_68 : memref<10240xf32, #tpu.memory_space<hbm>>) target(%arg9 : memref<10240xf32, #tpu.memory_space<vmem>>) target_semaphore(%run_scoped3A : memref<!tpu.dma_semaphore, #tpu.memory_space<semaphore_mem>>)
      %dma_wait3A = arith.constant 102400 : i32
      %dma_wait3A_69 = tpu.memref_slice %arg4[%dma_wait3A] : memref<163840xf32, #tpu.memory_space<hbm>> -> memref<10240xf32, #tpu.memory_space<hbm>>
      %dma_wait3A_70 = arith.constant 102400 : i32
      %dma_wait3A_71 = tpu.memref_slice %arg4[%dma_wait3A_70] : memref<163840xf32, #tpu.memory_space<hbm>> -> memref<10240xf32, #tpu.memory_space<hbm>>
      tpu.wait_dma2 semaphore(%run_scoped3A : memref<!tpu.dma_semaphore, #tpu.memory_space<semaphore_mem>>) src(%dma_wait3A_71 : memref<10240xf32, #tpu.memory_space<hbm>>) dst(%arg9 : memref<10240xf32, #tpu.memory_space<vmem>>)
      tpu.yield
    }) : () -> ()
    %scan3A_18 = arith.constant 0 : i32
    %scan3A_19 = arith.constant 0 : i32
    %scan3A_20 = arith.constant 645 : i32
    %scan3A_21 = arith.addi %scan3A_19, %scan3A_20 : i32
    %scan3A_22 = arith.constant 1 : i32
    scf.for %scan3A_66 = %scan3A_19 to %scan3A_21 step %scan3A_22  : i32 {
      %mul3A_67 = arith.constant 16 : i32
      %mul3A_68 = arith.muli %scan3A_66, %mul3A_67 : i32
      %get3A = arith.index_cast %mul3A_68 : i32 to index
      %get3A_69 = tpu.vector_load %arg6[%get3A] {strides = array<i32>} : memref<10320xi32, #tpu.memory_space<vmem>>, vector<16xi32>,
      %gather3A = tpu.vector_load_idx %arg8[%get3A_69] : memref<10240xf32, #tpu.memory_space<vmem>>[vector<16xi32>], vector<16xf32>,
      %get3A_70 = arith.index_cast %mul3A_68 : i32 to index
      %get3A_71 = tpu.vector_load %arg7[%get3A_70] {strides = array<i32>} : memref<10320xi32, #tpu.memory_space<vmem>>, vector<16xi32>,
      %gather3A_72 = tpu.vector_load_idx %arg9[%get3A_71] : memref<10240xf32, #tpu.memory_space<vmem>>[vector<16xi32>], vector<16xf32>,
      %add3A_73 = arith.addf %gather3A, %gather3A_72 : vector<16xf32>
      %ge3A = arith.constant 0.000000e+00 : f32
      %ge3A_74 = vector.broadcast %ge3A : f32 to vector<16xf32>
      %ge3A_75 = arith.cmpf oge, %add3A_73, %ge3A_74 : vector<16xf32>
      %mul3A_76 = arith.constant 2.000000e-01 : f32
      %mul3A_77 = vector.broadcast %mul3A_76 : f32 to vector<16xf32>
      %mul3A_78 = arith.mulf %mul3A_77, %add3A_73 : vector<16xf32>
      %select_n3A = arith.select %ge3A_75, %add3A_73, %mul3A_78 : vector<16xi1>, vector<16xf32>
      %exp3A = math.exp %select_n3A : vector<16xf32>
      %swap3A = arith.index_cast %mul3A_68 : i32 to index
      %swap3A_79 = tpu.vector_load %arg10[%swap3A] {strides = array<i32>} : memref<10320xf32, #tpu.memory_space<vmem>>, vector<16xf32>,
      tpu.vector_store %arg10[%swap3A], %exp3A {strides = array<i32>} : memref<10320xf32, #tpu.memory_space<vmem>>, vector<16xf32>,
    }
    %scan3A_23 = arith.constant 645 : i32
    %add3A_24 = arith.constant 660480 : i32
    %add3A_25 = arith.addi %add3A_24, %mul3A_2 : i32
    "tpu.region"() ({
      %run_scoped3A = tpu.sem_alloc : memref<!tpu.dma_semaphore, #tpu.memory_space<semaphore_mem>>
      %dma_start3A = tpu.memref_slice %arg5[%add3A_25] : memref<2641920xf32, #tpu.memory_space<hbm>> -> memref<10320xf32, #tpu.memory_space<hbm>>
      %dma_start3A_66 = tpu.memref_slice %arg5[%add3A_25] : memref<2641920xf32, #tpu.memory_space<hbm>> -> memref<10320xf32, #tpu.memory_space<hbm>>
      tpu.enqueue_dma source(%arg10 : memref<10320xf32, #tpu.memory_space<vmem>>) target(%dma_start3A_66 : memref<10320xf32, #tpu.memory_space<hbm>>) target_semaphore(%run_scoped3A : memref<!tpu.dma_semaphore, #tpu.memory_space<semaphore_mem>>)
      %dma_wait3A = tpu.memref_slice %arg5[%add3A_25] : memref<2641920xf32, #tpu.memory_space<hbm>> -> memref<10320xf32, #tpu.memory_space<hbm>>
      %dma_wait3A_67 = tpu.memref_slice %arg5[%add3A_25] : memref<2641920xf32, #tpu.memory_space<hbm>> -> memref<10320xf32, #tpu.memory_space<hbm>>
      tpu.wait_dma2 semaphore(%run_scoped3A : memref<!tpu.dma_semaphore, #tpu.memory_space<semaphore_mem>>) src(%arg10 : memref<10320xf32, #tpu.memory_space<vmem>>) dst(%dma_wait3A_67 : memref<10320xf32, #tpu.memory_space<hbm>>)
      tpu.yield
    }) : () -> ()
    "tpu.region"() ({
      %run_scoped3A = tpu.sem_alloc : memref<!tpu.dma_semaphore, #tpu.memory_space<semaphore_mem>>
      %dma_start3A = arith.constant 30720 : i32
      %dma_start3A_66 = tpu.memref_slice %arg4[%dma_start3A] : memref<163840xf32, #tpu.memory_space<hbm>> -> memref<10240xf32, #tpu.memory_space<hbm>>
      %dma_start3A_67 = arith.constant 30720 : i32
      %dma_start3A_68 = tpu.memref_slice %arg4[%dma_start3A_67] : memref<163840xf32, #tpu.memory_space<hbm>> -> memref<10240xf32, #tpu.memory_space<hbm>>
      tpu.enqueue_dma source(%dma_start3A_68 : memref<10240xf32, #tpu.memory_space<hbm>>) target(%arg8 : memref<10240xf32, #tpu.memory_space<vmem>>) target_semaphore(%run_scoped3A : memref<!tpu.dma_semaphore, #tpu.memory_space<semaphore_mem>>)
      %dma_wait3A = arith.constant 30720 : i32
      %dma_wait3A_69 = tpu.memref_slice %arg4[%dma_wait3A] : memref<163840xf32, #tpu.memory_space<hbm>> -> memref<10240xf32, #tpu.memory_space<hbm>>
      %dma_wait3A_70 = arith.constant 30720 : i32
      %dma_wait3A_71 = tpu.memref_slice %arg4[%dma_wait3A_70] : memref<163840xf32, #tpu.memory_space<hbm>> -> memref<10240xf32, #tpu.memory_space<hbm>>
      tpu.wait_dma2 semaphore(%run_scoped3A : memref<!tpu.dma_semaphore, #tpu.memory_space<semaphore_mem>>) src(%dma_wait3A_71 : memref<10240xf32, #tpu.memory_space<hbm>>) dst(%arg8 : memref<10240xf32, #tpu.memory_space<vmem>>)
      tpu.yield
    }) : () -> ()
    "tpu.region"() ({
      %run_scoped3A = tpu.sem_alloc : memref<!tpu.dma_semaphore, #tpu.memory_space<semaphore_mem>>
      %dma_start3A = arith.constant 112640 : i32
      %dma_start3A_66 = tpu.memref_slice %arg4[%dma_start3A] : memref<163840xf32, #tpu.memory_space<hbm>> -> memref<10240xf32, #tpu.memory_space<hbm>>
      %dma_start3A_67 = arith.constant 112640 : i32
      %dma_start3A_68 = tpu.memref_slice %arg4[%dma_start3A_67] : memref<163840xf32, #tpu.memory_space<hbm>> -> memref<10240xf32, #tpu.memory_space<hbm>>
      tpu.enqueue_dma source(%dma_start3A_68 : memref<10240xf32, #tpu.memory_space<hbm>>) target(%arg9 : memref<10240xf32, #tpu.memory_space<vmem>>) target_semaphore(%run_scoped3A : memref<!tpu.dma_semaphore, #tpu.memory_space<semaphore_mem>>)
      %dma_wait3A = arith.constant 112640 : i32
      %dma_wait3A_69 = tpu.memref_slice %arg4[%dma_wait3A] : memref<163840xf32, #tpu.memory_space<hbm>> -> memref<10240xf32, #tpu.memory_space<hbm>>
      %dma_wait3A_70 = arith.constant 112640 : i32
      %dma_wait3A_71 = tpu.memref_slice %arg4[%dma_wait3A_70] : memref<163840xf32, #tpu.memory_space<hbm>> -> memref<10240xf32, #tpu.memory_space<hbm>>
      tpu.wait_dma2 semaphore(%run_scoped3A : memref<!tpu.dma_semaphore, #tpu.memory_space<semaphore_mem>>) src(%dma_wait3A_71 : memref<10240xf32, #tpu.memory_space<hbm>>) dst(%arg9 : memref<10240xf32, #tpu.memory_space<vmem>>)
      tpu.yield
    }) : () -> ()
    %scan3A_26 = arith.constant 0 : i32
    %scan3A_27 = arith.constant 0 : i32
    %scan3A_28 = arith.constant 645 : i32
    %scan3A_29 = arith.addi %scan3A_27, %scan3A_28 : i32
    %scan3A_30 = arith.constant 1 : i32
    scf.for %scan3A_66 = %scan3A_27 to %scan3A_29 step %scan3A_30  : i32 {
      %mul3A_67 = arith.constant 16 : i32
      %mul3A_68 = arith.muli %scan3A_66, %mul3A_67 : i32
      %get3A = arith.index_cast %mul3A_68 : i32 to index
      %get3A_69 = tpu.vector_load %arg6[%get3A] {strides = array<i32>} : memref<10320xi32, #tpu.memory_space<vmem>>, vector<16xi32>,
      %gather3A = tpu.vector_load_idx %arg8[%get3A_69] : memref<10240xf32, #tpu.memory_space<vmem>>[vector<16xi32>], vector<16xf32>,
      %get3A_70 = arith.index_cast %mul3A_68 : i32 to index
      %get3A_71 = tpu.vector_load %arg7[%get3A_70] {strides = array<i32>} : memref<10320xi32, #tpu.memory_space<vmem>>, vector<16xi32>,
      %gather3A_72 = tpu.vector_load_idx %arg9[%get3A_71] : memref<10240xf32, #tpu.memory_space<vmem>>[vector<16xi32>], vector<16xf32>,
      %add3A_73 = arith.addf %gather3A, %gather3A_72 : vector<16xf32>
      %ge3A = arith.constant 0.000000e+00 : f32
      %ge3A_74 = vector.broadcast %ge3A : f32 to vector<16xf32>
      %ge3A_75 = arith.cmpf oge, %add3A_73, %ge3A_74 : vector<16xf32>
      %mul3A_76 = arith.constant 2.000000e-01 : f32
      %mul3A_77 = vector.broadcast %mul3A_76 : f32 to vector<16xf32>
      %mul3A_78 = arith.mulf %mul3A_77, %add3A_73 : vector<16xf32>
      %select_n3A = arith.select %ge3A_75, %add3A_73, %mul3A_78 : vector<16xi1>, vector<16xf32>
      %exp3A = math.exp %select_n3A : vector<16xf32>
      %swap3A = arith.index_cast %mul3A_68 : i32 to index
      %swap3A_79 = tpu.vector_load %arg10[%swap3A] {strides = array<i32>} : memref<10320xf32, #tpu.memory_space<vmem>>, vector<16xf32>,
      tpu.vector_store %arg10[%swap3A], %exp3A {strides = array<i32>} : memref<10320xf32, #tpu.memory_space<vmem>>, vector<16xf32>,
    }
    %scan3A_31 = arith.constant 645 : i32
    %add3A_32 = arith.constant 990720 : i32
    %add3A_33 = arith.addi %add3A_32, %mul3A_2 : i32
    "tpu.region"() ({
      %run_scoped3A = tpu.sem_alloc : memref<!tpu.dma_semaphore, #tpu.memory_space<semaphore_mem>>
      %dma_start3A = tpu.memref_slice %arg5[%add3A_33] : memref<2641920xf32, #tpu.memory_space<hbm>> -> memref<10320xf32, #tpu.memory_space<hbm>>
      %dma_start3A_66 = tpu.memref_slice %arg5[%add3A_33] : memref<2641920xf32, #tpu.memory_space<hbm>> -> memref<10320xf32, #tpu.memory_space<hbm>>
      tpu.enqueue_dma source(%arg10 : memref<10320xf32, #tpu.memory_space<vmem>>) target(%dma_start3A_66 : memref<10320xf32, #tpu.memory_space<hbm>>) target_semaphore(%run_scoped3A : memref<!tpu.dma_semaphore, #tpu.memory_space<semaphore_mem>>)
      %dma_wait3A = tpu.memref_slice %arg5[%add3A_33] : memref<2641920xf32, #tpu.memory_space<hbm>> -> memref<10320xf32, #tpu.memory_space<hbm>>
      %dma_wait3A_67 = tpu.memref_slice %arg5[%add3A_33] : memref<2641920xf32, #tpu.memory_space<hbm>> -> memref<10320xf32, #tpu.memory_space<hbm>>
      tpu.wait_dma2 semaphore(%run_scoped3A : memref<!tpu.dma_semaphore, #tpu.memory_space<semaphore_mem>>) src(%arg10 : memref<10320xf32, #tpu.memory_space<vmem>>) dst(%dma_wait3A_67 : memref<10320xf32, #tpu.memory_space<hbm>>)
      tpu.yield
    }) : () -> ()
    "tpu.region"() ({
      %run_scoped3A = tpu.sem_alloc : memref<!tpu.dma_semaphore, #tpu.memory_space<semaphore_mem>>
      %dma_start3A = arith.constant 40960 : i32
      %dma_start3A_66 = tpu.memref_slice %arg4[%dma_start3A] : memref<163840xf32, #tpu.memory_space<hbm>> -> memref<10240xf32, #tpu.memory_space<hbm>>
      %dma_start3A_67 = arith.constant 40960 : i32
      %dma_start3A_68 = tpu.memref_slice %arg4[%dma_start3A_67] : memref<163840xf32, #tpu.memory_space<hbm>> -> memref<10240xf32, #tpu.memory_space<hbm>>
      tpu.enqueue_dma source(%dma_start3A_68 : memref<10240xf32, #tpu.memory_space<hbm>>) target(%arg8 : memref<10240xf32, #tpu.memory_space<vmem>>) target_semaphore(%run_scoped3A : memref<!tpu.dma_semaphore, #tpu.memory_space<semaphore_mem>>)
      %dma_wait3A = arith.constant 40960 : i32
      %dma_wait3A_69 = tpu.memref_slice %arg4[%dma_wait3A] : memref<163840xf32, #tpu.memory_space<hbm>> -> memref<10240xf32, #tpu.memory_space<hbm>>
      %dma_wait3A_70 = arith.constant 40960 : i32
      %dma_wait3A_71 = tpu.memref_slice %arg4[%dma_wait3A_70] : memref<163840xf32, #tpu.memory_space<hbm>> -> memref<10240xf32, #tpu.memory_space<hbm>>
      tpu.wait_dma2 semaphore(%run_scoped3A : memref<!tpu.dma_semaphore, #tpu.memory_space<semaphore_mem>>) src(%dma_wait3A_71 : memref<10240xf32, #tpu.memory_space<hbm>>) dst(%arg8 : memref<10240xf32, #tpu.memory_space<vmem>>)
      tpu.yield
    }) : () -> ()
    "tpu.region"() ({
      %run_scoped3A = tpu.sem_alloc : memref<!tpu.dma_semaphore, #tpu.memory_space<semaphore_mem>>
      %dma_start3A = arith.constant 122880 : i32
      %dma_start3A_66 = tpu.memref_slice %arg4[%dma_start3A] : memref<163840xf32, #tpu.memory_space<hbm>> -> memref<10240xf32, #tpu.memory_space<hbm>>
      %dma_start3A_67 = arith.constant 122880 : i32
      %dma_start3A_68 = tpu.memref_slice %arg4[%dma_start3A_67] : memref<163840xf32, #tpu.memory_space<hbm>> -> memref<10240xf32, #tpu.memory_space<hbm>>
      tpu.enqueue_dma source(%dma_start3A_68 : memref<10240xf32, #tpu.memory_space<hbm>>) target(%arg9 : memref<10240xf32, #tpu.memory_space<vmem>>) target_semaphore(%run_scoped3A : memref<!tpu.dma_semaphore, #tpu.memory_space<semaphore_mem>>)
      %dma_wait3A = arith.constant 122880 : i32
      %dma_wait3A_69 = tpu.memref_slice %arg4[%dma_wait3A] : memref<163840xf32, #tpu.memory_space<hbm>> -> memref<10240xf32, #tpu.memory_space<hbm>>
      %dma_wait3A_70 = arith.constant 122880 : i32
      %dma_wait3A_71 = tpu.memref_slice %arg4[%dma_wait3A_70] : memref<163840xf32, #tpu.memory_space<hbm>> -> memref<10240xf32, #tpu.memory_space<hbm>>
      tpu.wait_dma2 semaphore(%run_scoped3A : memref<!tpu.dma_semaphore, #tpu.memory_space<semaphore_mem>>) src(%dma_wait3A_71 : memref<10240xf32, #tpu.memory_space<hbm>>) dst(%arg9 : memref<10240xf32, #tpu.memory_space<vmem>>)
      tpu.yield
    }) : () -> ()
    %scan3A_34 = arith.constant 0 : i32
    %scan3A_35 = arith.constant 0 : i32
    %scan3A_36 = arith.constant 645 : i32
    %scan3A_37 = arith.addi %scan3A_35, %scan3A_36 : i32
    %scan3A_38 = arith.constant 1 : i32
    scf.for %scan3A_66 = %scan3A_35 to %scan3A_37 step %scan3A_38  : i32 {
      %mul3A_67 = arith.constant 16 : i32
      %mul3A_68 = arith.muli %scan3A_66, %mul3A_67 : i32
      %get3A = arith.index_cast %mul3A_68 : i32 to index
      %get3A_69 = tpu.vector_load %arg6[%get3A] {strides = array<i32>} : memref<10320xi32, #tpu.memory_space<vmem>>, vector<16xi32>,
      %gather3A = tpu.vector_load_idx %arg8[%get3A_69] : memref<10240xf32, #tpu.memory_space<vmem>>[vector<16xi32>], vector<16xf32>,
      %get3A_70 = arith.index_cast %mul3A_68 : i32 to index
      %get3A_71 = tpu.vector_load %arg7[%get3A_70] {strides = array<i32>} : memref<10320xi32, #tpu.memory_space<vmem>>, vector<16xi32>,
      %gather3A_72 = tpu.vector_load_idx %arg9[%get3A_71] : memref<10240xf32, #tpu.memory_space<vmem>>[vector<16xi32>], vector<16xf32>,
      %add3A_73 = arith.addf %gather3A, %gather3A_72 : vector<16xf32>
      %ge3A = arith.constant 0.000000e+00 : f32
      %ge3A_74 = vector.broadcast %ge3A : f32 to vector<16xf32>
      %ge3A_75 = arith.cmpf oge, %add3A_73, %ge3A_74 : vector<16xf32>
      %mul3A_76 = arith.constant 2.000000e-01 : f32
      %mul3A_77 = vector.broadcast %mul3A_76 : f32 to vector<16xf32>
      %mul3A_78 = arith.mulf %mul3A_77, %add3A_73 : vector<16xf32>
      %select_n3A = arith.select %ge3A_75, %add3A_73, %mul3A_78 : vector<16xi1>, vector<16xf32>
      %exp3A = math.exp %select_n3A : vector<16xf32>
      %swap3A = arith.index_cast %mul3A_68 : i32 to index
      %swap3A_79 = tpu.vector_load %arg10[%swap3A] {strides = array<i32>} : memref<10320xf32, #tpu.memory_space<vmem>>, vector<16xf32>,
      tpu.vector_store %arg10[%swap3A], %exp3A {strides = array<i32>} : memref<10320xf32, #tpu.memory_space<vmem>>, vector<16xf32>,
    }
    %scan3A_39 = arith.constant 645 : i32
    %add3A_40 = arith.constant 1320960 : i32
    %add3A_41 = arith.addi %add3A_40, %mul3A_2 : i32
    "tpu.region"() ({
      %run_scoped3A = tpu.sem_alloc : memref<!tpu.dma_semaphore, #tpu.memory_space<semaphore_mem>>
      %dma_start3A = tpu.memref_slice %arg5[%add3A_41] : memref<2641920xf32, #tpu.memory_space<hbm>> -> memref<10320xf32, #tpu.memory_space<hbm>>
      %dma_start3A_66 = tpu.memref_slice %arg5[%add3A_41] : memref<2641920xf32, #tpu.memory_space<hbm>> -> memref<10320xf32, #tpu.memory_space<hbm>>
      tpu.enqueue_dma source(%arg10 : memref<10320xf32, #tpu.memory_space<vmem>>) target(%dma_start3A_66 : memref<10320xf32, #tpu.memory_space<hbm>>) target_semaphore(%run_scoped3A : memref<!tpu.dma_semaphore, #tpu.memory_space<semaphore_mem>>)
      %dma_wait3A = tpu.memref_slice %arg5[%add3A_41] : memref<2641920xf32, #tpu.memory_space<hbm>> -> memref<10320xf32, #tpu.memory_space<hbm>>
      %dma_wait3A_67 = tpu.memref_slice %arg5[%add3A_41] : memref<2641920xf32, #tpu.memory_space<hbm>> -> memref<10320xf32, #tpu.memory_space<hbm>>
      tpu.wait_dma2 semaphore(%run_scoped3A : memref<!tpu.dma_semaphore, #tpu.memory_space<semaphore_mem>>) src(%arg10 : memref<10320xf32, #tpu.memory_space<vmem>>) dst(%dma_wait3A_67 : memref<10320xf32, #tpu.memory_space<hbm>>)
      tpu.yield
    }) : () -> ()
    "tpu.region"() ({
      %run_scoped3A = tpu.sem_alloc : memref<!tpu.dma_semaphore, #tpu.memory_space<semaphore_mem>>
      %dma_start3A = arith.constant 51200 : i32
      %dma_start3A_66 = tpu.memref_slice %arg4[%dma_start3A] : memref<163840xf32, #tpu.memory_space<hbm>> -> memref<10240xf32, #tpu.memory_space<hbm>>
      %dma_start3A_67 = arith.constant 51200 : i32
      %dma_start3A_68 = tpu.memref_slice %arg4[%dma_start3A_67] : memref<163840xf32, #tpu.memory_space<hbm>> -> memref<10240xf32, #tpu.memory_space<hbm>>
      tpu.enqueue_dma source(%dma_start3A_68 : memref<10240xf32, #tpu.memory_space<hbm>>) target(%arg8 : memref<10240xf32, #tpu.memory_space<vmem>>) target_semaphore(%run_scoped3A : memref<!tpu.dma_semaphore, #tpu.memory_space<semaphore_mem>>)
      %dma_wait3A = arith.constant 51200 : i32
      %dma_wait3A_69 = tpu.memref_slice %arg4[%dma_wait3A] : memref<163840xf32, #tpu.memory_space<hbm>> -> memref<10240xf32, #tpu.memory_space<hbm>>
      %dma_wait3A_70 = arith.constant 51200 : i32
      %dma_wait3A_71 = tpu.memref_slice %arg4[%dma_wait3A_70] : memref<163840xf32, #tpu.memory_space<hbm>> -> memref<10240xf32, #tpu.memory_space<hbm>>
      tpu.wait_dma2 semaphore(%run_scoped3A : memref<!tpu.dma_semaphore, #tpu.memory_space<semaphore_mem>>) src(%dma_wait3A_71 : memref<10240xf32, #tpu.memory_space<hbm>>) dst(%arg8 : memref<10240xf32, #tpu.memory_space<vmem>>)
      tpu.yield
    }) : () -> ()
    "tpu.region"() ({
      %run_scoped3A = tpu.sem_alloc : memref<!tpu.dma_semaphore, #tpu.memory_space<semaphore_mem>>
      %dma_start3A = arith.constant 133120 : i32
      %dma_start3A_66 = tpu.memref_slice %arg4[%dma_start3A] : memref<163840xf32, #tpu.memory_space<hbm>> -> memref<10240xf32, #tpu.memory_space<hbm>>
      %dma_start3A_67 = arith.constant 133120 : i32
      %dma_start3A_68 = tpu.memref_slice %arg4[%dma_start3A_67] : memref<163840xf32, #tpu.memory_space<hbm>> -> memref<10240xf32, #tpu.memory_space<hbm>>
      tpu.enqueue_dma source(%dma_start3A_68 : memref<10240xf32, #tpu.memory_space<hbm>>) target(%arg9 : memref<10240xf32, #tpu.memory_space<vmem>>) target_semaphore(%run_scoped3A : memref<!tpu.dma_semaphore, #tpu.memory_space<semaphore_mem>>)
      %dma_wait3A = arith.constant 133120 : i32
      %dma_wait3A_69 = tpu.memref_slice %arg4[%dma_wait3A] : memref<163840xf32, #tpu.memory_space<hbm>> -> memref<10240xf32, #tpu.memory_space<hbm>>
      %dma_wait3A_70 = arith.constant 133120 : i32
      %dma_wait3A_71 = tpu.memref_slice %arg4[%dma_wait3A_70] : memref<163840xf32, #tpu.memory_space<hbm>> -> memref<10240xf32, #tpu.memory_space<hbm>>
      tpu.wait_dma2 semaphore(%run_scoped3A : memref<!tpu.dma_semaphore, #tpu.memory_space<semaphore_mem>>) src(%dma_wait3A_71 : memref<10240xf32, #tpu.memory_space<hbm>>) dst(%arg9 : memref<10240xf32, #tpu.memory_space<vmem>>)
      tpu.yield
    }) : () -> ()
    %scan3A_42 = arith.constant 0 : i32
    %scan3A_43 = arith.constant 0 : i32
    %scan3A_44 = arith.constant 645 : i32
    %scan3A_45 = arith.addi %scan3A_43, %scan3A_44 : i32
    %scan3A_46 = arith.constant 1 : i32
    scf.for %scan3A_66 = %scan3A_43 to %scan3A_45 step %scan3A_46  : i32 {
      %mul3A_67 = arith.constant 16 : i32
      %mul3A_68 = arith.muli %scan3A_66, %mul3A_67 : i32
      %get3A = arith.index_cast %mul3A_68 : i32 to index
      %get3A_69 = tpu.vector_load %arg6[%get3A] {strides = array<i32>} : memref<10320xi32, #tpu.memory_space<vmem>>, vector<16xi32>,
      %gather3A = tpu.vector_load_idx %arg8[%get3A_69] : memref<10240xf32, #tpu.memory_space<vmem>>[vector<16xi32>], vector<16xf32>,
      %get3A_70 = arith.index_cast %mul3A_68 : i32 to index
      %get3A_71 = tpu.vector_load %arg7[%get3A_70] {strides = array<i32>} : memref<10320xi32, #tpu.memory_space<vmem>>, vector<16xi32>,
      %gather3A_72 = tpu.vector_load_idx %arg9[%get3A_71] : memref<10240xf32, #tpu.memory_space<vmem>>[vector<16xi32>], vector<16xf32>,
      %add3A_73 = arith.addf %gather3A, %gather3A_72 : vector<16xf32>
      %ge3A = arith.constant 0.000000e+00 : f32
      %ge3A_74 = vector.broadcast %ge3A : f32 to vector<16xf32>
      %ge3A_75 = arith.cmpf oge, %add3A_73, %ge3A_74 : vector<16xf32>
      %mul3A_76 = arith.constant 2.000000e-01 : f32
      %mul3A_77 = vector.broadcast %mul3A_76 : f32 to vector<16xf32>
      %mul3A_78 = arith.mulf %mul3A_77, %add3A_73 : vector<16xf32>
      %select_n3A = arith.select %ge3A_75, %add3A_73, %mul3A_78 : vector<16xi1>, vector<16xf32>
      %exp3A = math.exp %select_n3A : vector<16xf32>
      %swap3A = arith.index_cast %mul3A_68 : i32 to index
      %swap3A_79 = tpu.vector_load %arg10[%swap3A] {strides = array<i32>} : memref<10320xf32, #tpu.memory_space<vmem>>, vector<16xf32>,
      tpu.vector_store %arg10[%swap3A], %exp3A {strides = array<i32>} : memref<10320xf32, #tpu.memory_space<vmem>>, vector<16xf32>,
    }
    %scan3A_47 = arith.constant 645 : i32
    %add3A_48 = arith.constant 1651200 : i32
    %add3A_49 = arith.addi %add3A_48, %mul3A_2 : i32
    "tpu.region"() ({
      %run_scoped3A = tpu.sem_alloc : memref<!tpu.dma_semaphore, #tpu.memory_space<semaphore_mem>>
      %dma_start3A = tpu.memref_slice %arg5[%add3A_49] : memref<2641920xf32, #tpu.memory_space<hbm>> -> memref<10320xf32, #tpu.memory_space<hbm>>
      %dma_start3A_66 = tpu.memref_slice %arg5[%add3A_49] : memref<2641920xf32, #tpu.memory_space<hbm>> -> memref<10320xf32, #tpu.memory_space<hbm>>
      tpu.enqueue_dma source(%arg10 : memref<10320xf32, #tpu.memory_space<vmem>>) target(%dma_start3A_66 : memref<10320xf32, #tpu.memory_space<hbm>>) target_semaphore(%run_scoped3A : memref<!tpu.dma_semaphore, #tpu.memory_space<semaphore_mem>>)
      %dma_wait3A = tpu.memref_slice %arg5[%add3A_49] : memref<2641920xf32, #tpu.memory_space<hbm>> -> memref<10320xf32, #tpu.memory_space<hbm>>
      %dma_wait3A_67 = tpu.memref_slice %arg5[%add3A_49] : memref<2641920xf32, #tpu.memory_space<hbm>> -> memref<10320xf32, #tpu.memory_space<hbm>>
      tpu.wait_dma2 semaphore(%run_scoped3A : memref<!tpu.dma_semaphore, #tpu.memory_space<semaphore_mem>>) src(%arg10 : memref<10320xf32, #tpu.memory_space<vmem>>) dst(%dma_wait3A_67 : memref<10320xf32, #tpu.memory_space<hbm>>)
      tpu.yield
    }) : () -> ()
    "tpu.region"() ({
      %run_scoped3A = tpu.sem_alloc : memref<!tpu.dma_semaphore, #tpu.memory_space<semaphore_mem>>
      %dma_start3A = arith.constant 61440 : i32
      %dma_start3A_66 = tpu.memref_slice %arg4[%dma_start3A] : memref<163840xf32, #tpu.memory_space<hbm>> -> memref<10240xf32, #tpu.memory_space<hbm>>
      %dma_start3A_67 = arith.constant 61440 : i32
      %dma_start3A_68 = tpu.memref_slice %arg4[%dma_start3A_67] : memref<163840xf32, #tpu.memory_space<hbm>> -> memref<10240xf32, #tpu.memory_space<hbm>>
      tpu.enqueue_dma source(%dma_start3A_68 : memref<10240xf32, #tpu.memory_space<hbm>>) target(%arg8 : memref<10240xf32, #tpu.memory_space<vmem>>) target_semaphore(%run_scoped3A : memref<!tpu.dma_semaphore, #tpu.memory_space<semaphore_mem>>)
      %dma_wait3A = arith.constant 61440 : i32
      %dma_wait3A_69 = tpu.memref_slice %arg4[%dma_wait3A] : memref<163840xf32, #tpu.memory_space<hbm>> -> memref<10240xf32, #tpu.memory_space<hbm>>
      %dma_wait3A_70 = arith.constant 61440 : i32
      %dma_wait3A_71 = tpu.memref_slice %arg4[%dma_wait3A_70] : memref<163840xf32, #tpu.memory_space<hbm>> -> memref<10240xf32, #tpu.memory_space<hbm>>
      tpu.wait_dma2 semaphore(%run_scoped3A : memref<!tpu.dma_semaphore, #tpu.memory_space<semaphore_mem>>) src(%dma_wait3A_71 : memref<10240xf32, #tpu.memory_space<hbm>>) dst(%arg8 : memref<10240xf32, #tpu.memory_space<vmem>>)
      tpu.yield
    }) : () -> ()
    "tpu.region"() ({
      %run_scoped3A = tpu.sem_alloc : memref<!tpu.dma_semaphore, #tpu.memory_space<semaphore_mem>>
      %dma_start3A = arith.constant 143360 : i32
      %dma_start3A_66 = tpu.memref_slice %arg4[%dma_start3A] : memref<163840xf32, #tpu.memory_space<hbm>> -> memref<10240xf32, #tpu.memory_space<hbm>>
      %dma_start3A_67 = arith.constant 143360 : i32
      %dma_start3A_68 = tpu.memref_slice %arg4[%dma_start3A_67] : memref<163840xf32, #tpu.memory_space<hbm>> -> memref<10240xf32, #tpu.memory_space<hbm>>
      tpu.enqueue_dma source(%dma_start3A_68 : memref<10240xf32, #tpu.memory_space<hbm>>) target(%arg9 : memref<10240xf32, #tpu.memory_space<vmem>>) target_semaphore(%run_scoped3A : memref<!tpu.dma_semaphore, #tpu.memory_space<semaphore_mem>>)
      %dma_wait3A = arith.constant 143360 : i32
      %dma_wait3A_69 = tpu.memref_slice %arg4[%dma_wait3A] : memref<163840xf32, #tpu.memory_space<hbm>> -> memref<10240xf32, #tpu.memory_space<hbm>>
      %dma_wait3A_70 = arith.constant 143360 : i32
      %dma_wait3A_71 = tpu.memref_slice %arg4[%dma_wait3A_70] : memref<163840xf32, #tpu.memory_space<hbm>> -> memref<10240xf32, #tpu.memory_space<hbm>>
      tpu.wait_dma2 semaphore(%run_scoped3A : memref<!tpu.dma_semaphore, #tpu.memory_space<semaphore_mem>>) src(%dma_wait3A_71 : memref<10240xf32, #tpu.memory_space<hbm>>) dst(%arg9 : memref<10240xf32, #tpu.memory_space<vmem>>)
      tpu.yield
    }) : () -> ()
    %scan3A_50 = arith.constant 0 : i32
    %scan3A_51 = arith.constant 0 : i32
    %scan3A_52 = arith.constant 645 : i32
    %scan3A_53 = arith.addi %scan3A_51, %scan3A_52 : i32
    %scan3A_54 = arith.constant 1 : i32
    scf.for %scan3A_66 = %scan3A_51 to %scan3A_53 step %scan3A_54  : i32 {
      %mul3A_67 = arith.constant 16 : i32
      %mul3A_68 = arith.muli %scan3A_66, %mul3A_67 : i32
      %get3A = arith.index_cast %mul3A_68 : i32 to index
      %get3A_69 = tpu.vector_load %arg6[%get3A] {strides = array<i32>} : memref<10320xi32, #tpu.memory_space<vmem>>, vector<16xi32>,
      %gather3A = tpu.vector_load_idx %arg8[%get3A_69] : memref<10240xf32, #tpu.memory_space<vmem>>[vector<16xi32>], vector<16xf32>,
      %get3A_70 = arith.index_cast %mul3A_68 : i32 to index
      %get3A_71 = tpu.vector_load %arg7[%get3A_70] {strides = array<i32>} : memref<10320xi32, #tpu.memory_space<vmem>>, vector<16xi32>,
      %gather3A_72 = tpu.vector_load_idx %arg9[%get3A_71] : memref<10240xf32, #tpu.memory_space<vmem>>[vector<16xi32>], vector<16xf32>,
      %add3A_73 = arith.addf %gather3A, %gather3A_72 : vector<16xf32>
      %ge3A = arith.constant 0.000000e+00 : f32
      %ge3A_74 = vector.broadcast %ge3A : f32 to vector<16xf32>
      %ge3A_75 = arith.cmpf oge, %add3A_73, %ge3A_74 : vector<16xf32>
      %mul3A_76 = arith.constant 2.000000e-01 : f32
      %mul3A_77 = vector.broadcast %mul3A_76 : f32 to vector<16xf32>
      %mul3A_78 = arith.mulf %mul3A_77, %add3A_73 : vector<16xf32>
      %select_n3A = arith.select %ge3A_75, %add3A_73, %mul3A_78 : vector<16xi1>, vector<16xf32>
      %exp3A = math.exp %select_n3A : vector<16xf32>
      %swap3A = arith.index_cast %mul3A_68 : i32 to index
      %swap3A_79 = tpu.vector_load %arg10[%swap3A] {strides = array<i32>} : memref<10320xf32, #tpu.memory_space<vmem>>, vector<16xf32>,
      tpu.vector_store %arg10[%swap3A], %exp3A {strides = array<i32>} : memref<10320xf32, #tpu.memory_space<vmem>>, vector<16xf32>,
    }
    %scan3A_55 = arith.constant 645 : i32
    %add3A_56 = arith.constant 1981440 : i32
    %add3A_57 = arith.addi %add3A_56, %mul3A_2 : i32
    "tpu.region"() ({
      %run_scoped3A = tpu.sem_alloc : memref<!tpu.dma_semaphore, #tpu.memory_space<semaphore_mem>>
      %dma_start3A = tpu.memref_slice %arg5[%add3A_57] : memref<2641920xf32, #tpu.memory_space<hbm>> -> memref<10320xf32, #tpu.memory_space<hbm>>
      %dma_start3A_66 = tpu.memref_slice %arg5[%add3A_57] : memref<2641920xf32, #tpu.memory_space<hbm>> -> memref<10320xf32, #tpu.memory_space<hbm>>
      tpu.enqueue_dma source(%arg10 : memref<10320xf32, #tpu.memory_space<vmem>>) target(%dma_start3A_66 : memref<10320xf32, #tpu.memory_space<hbm>>) target_semaphore(%run_scoped3A : memref<!tpu.dma_semaphore, #tpu.memory_space<semaphore_mem>>)
      %dma_wait3A = tpu.memref_slice %arg5[%add3A_57] : memref<2641920xf32, #tpu.memory_space<hbm>> -> memref<10320xf32, #tpu.memory_space<hbm>>
      %dma_wait3A_67 = tpu.memref_slice %arg5[%add3A_57] : memref<2641920xf32, #tpu.memory_space<hbm>> -> memref<10320xf32, #tpu.memory_space<hbm>>
      tpu.wait_dma2 semaphore(%run_scoped3A : memref<!tpu.dma_semaphore, #tpu.memory_space<semaphore_mem>>) src(%arg10 : memref<10320xf32, #tpu.memory_space<vmem>>) dst(%dma_wait3A_67 : memref<10320xf32, #tpu.memory_space<hbm>>)
      tpu.yield
    }) : () -> ()
    "tpu.region"() ({
      %run_scoped3A = tpu.sem_alloc : memref<!tpu.dma_semaphore, #tpu.memory_space<semaphore_mem>>
      %dma_start3A = arith.constant 71680 : i32
      %dma_start3A_66 = tpu.memref_slice %arg4[%dma_start3A] : memref<163840xf32, #tpu.memory_space<hbm>> -> memref<10240xf32, #tpu.memory_space<hbm>>
      %dma_start3A_67 = arith.constant 71680 : i32
      %dma_start3A_68 = tpu.memref_slice %arg4[%dma_start3A_67] : memref<163840xf32, #tpu.memory_space<hbm>> -> memref<10240xf32, #tpu.memory_space<hbm>>
      tpu.enqueue_dma source(%dma_start3A_68 : memref<10240xf32, #tpu.memory_space<hbm>>) target(%arg8 : memref<10240xf32, #tpu.memory_space<vmem>>) target_semaphore(%run_scoped3A : memref<!tpu.dma_semaphore, #tpu.memory_space<semaphore_mem>>)
      %dma_wait3A = arith.constant 71680 : i32
      %dma_wait3A_69 = tpu.memref_slice %arg4[%dma_wait3A] : memref<163840xf32, #tpu.memory_space<hbm>> -> memref<10240xf32, #tpu.memory_space<hbm>>
      %dma_wait3A_70 = arith.constant 71680 : i32
      %dma_wait3A_71 = tpu.memref_slice %arg4[%dma_wait3A_70] : memref<163840xf32, #tpu.memory_space<hbm>> -> memref<10240xf32, #tpu.memory_space<hbm>>
      tpu.wait_dma2 semaphore(%run_scoped3A : memref<!tpu.dma_semaphore, #tpu.memory_space<semaphore_mem>>) src(%dma_wait3A_71 : memref<10240xf32, #tpu.memory_space<hbm>>) dst(%arg8 : memref<10240xf32, #tpu.memory_space<vmem>>)
      tpu.yield
    }) : () -> ()
    "tpu.region"() ({
      %run_scoped3A = tpu.sem_alloc : memref<!tpu.dma_semaphore, #tpu.memory_space<semaphore_mem>>
      %dma_start3A = arith.constant 153600 : i32
      %dma_start3A_66 = tpu.memref_slice %arg4[%dma_start3A] : memref<163840xf32, #tpu.memory_space<hbm>> -> memref<10240xf32, #tpu.memory_space<hbm>>
      %dma_start3A_67 = arith.constant 153600 : i32
      %dma_start3A_68 = tpu.memref_slice %arg4[%dma_start3A_67] : memref<163840xf32, #tpu.memory_space<hbm>> -> memref<10240xf32, #tpu.memory_space<hbm>>
      tpu.enqueue_dma source(%dma_start3A_68 : memref<10240xf32, #tpu.memory_space<hbm>>) target(%arg9 : memref<10240xf32, #tpu.memory_space<vmem>>) target_semaphore(%run_scoped3A : memref<!tpu.dma_semaphore, #tpu.memory_space<semaphore_mem>>)
      %dma_wait3A = arith.constant 153600 : i32
      %dma_wait3A_69 = tpu.memref_slice %arg4[%dma_wait3A] : memref<163840xf32, #tpu.memory_space<hbm>> -> memref<10240xf32, #tpu.memory_space<hbm>>
      %dma_wait3A_70 = arith.constant 153600 : i32
      %dma_wait3A_71 = tpu.memref_slice %arg4[%dma_wait3A_70] : memref<163840xf32, #tpu.memory_space<hbm>> -> memref<10240xf32, #tpu.memory_space<hbm>>
      tpu.wait_dma2 semaphore(%run_scoped3A : memref<!tpu.dma_semaphore, #tpu.memory_space<semaphore_mem>>) src(%dma_wait3A_71 : memref<10240xf32, #tpu.memory_space<hbm>>) dst(%arg9 : memref<10240xf32, #tpu.memory_space<vmem>>)
      tpu.yield
    }) : () -> ()
    %scan3A_58 = arith.constant 0 : i32
    %scan3A_59 = arith.constant 0 : i32
    %scan3A_60 = arith.constant 645 : i32
    %scan3A_61 = arith.addi %scan3A_59, %scan3A_60 : i32
    %scan3A_62 = arith.constant 1 : i32
    scf.for %scan3A_66 = %scan3A_59 to %scan3A_61 step %scan3A_62  : i32 {
      %mul3A_67 = arith.constant 16 : i32
      %mul3A_68 = arith.muli %scan3A_66, %mul3A_67 : i32
      %get3A = arith.index_cast %mul3A_68 : i32 to index
      %get3A_69 = tpu.vector_load %arg6[%get3A] {strides = array<i32>} : memref<10320xi32, #tpu.memory_space<vmem>>, vector<16xi32>,
      %gather3A = tpu.vector_load_idx %arg8[%get3A_69] : memref<10240xf32, #tpu.memory_space<vmem>>[vector<16xi32>], vector<16xf32>,
      %get3A_70 = arith.index_cast %mul3A_68 : i32 to index
      %get3A_71 = tpu.vector_load %arg7[%get3A_70] {strides = array<i32>} : memref<10320xi32, #tpu.memory_space<vmem>>, vector<16xi32>,
      %gather3A_72 = tpu.vector_load_idx %arg9[%get3A_71] : memref<10240xf32, #tpu.memory_space<vmem>>[vector<16xi32>], vector<16xf32>,
      %add3A_73 = arith.addf %gather3A, %gather3A_72 : vector<16xf32>
      %ge3A = arith.constant 0.000000e+00 : f32
      %ge3A_74 = vector.broadcast %ge3A : f32 to vector<16xf32>
      %ge3A_75 = arith.cmpf oge, %add3A_73, %ge3A_74 : vector<16xf32>
      %mul3A_76 = arith.constant 2.000000e-01 : f32
      %mul3A_77 = vector.broadcast %mul3A_76 : f32 to vector<16xf32>
      %mul3A_78 = arith.mulf %mul3A_77, %add3A_73 : vector<16xf32>
      %select_n3A = arith.select %ge3A_75, %add3A_73, %mul3A_78 : vector<16xi1>, vector<16xf32>
      %exp3A = math.exp %select_n3A : vector<16xf32>
      %swap3A = arith.index_cast %mul3A_68 : i32 to index
      %swap3A_79 = tpu.vector_load %arg10[%swap3A] {strides = array<i32>} : memref<10320xf32, #tpu.memory_space<vmem>>, vector<16xf32>,
      tpu.vector_store %arg10[%swap3A], %exp3A {strides = array<i32>} : memref<10320xf32, #tpu.memory_space<vmem>>, vector<16xf32>,
    }
    %scan3A_63 = arith.constant 645 : i32
    %add3A_64 = arith.constant 2311680 : i32
    %add3A_65 = arith.addi %add3A_64, %mul3A_2 : i32
    "tpu.region"() ({
      %run_scoped3A = tpu.sem_alloc : memref<!tpu.dma_semaphore, #tpu.memory_space<semaphore_mem>>
      %dma_start3A = tpu.memref_slice %arg5[%add3A_65] : memref<2641920xf32, #tpu.memory_space<hbm>> -> memref<10320xf32, #tpu.memory_space<hbm>>
      %dma_start3A_66 = tpu.memref_slice %arg5[%add3A_65] : memref<2641920xf32, #tpu.memory_space<hbm>> -> memref<10320xf32, #tpu.memory_space<hbm>>
      tpu.enqueue_dma source(%arg10 : memref<10320xf32, #tpu.memory_space<vmem>>) target(%dma_start3A_66 : memref<10320xf32, #tpu.memory_space<hbm>>) target_semaphore(%run_scoped3A : memref<!tpu.dma_semaphore, #tpu.memory_space<semaphore_mem>>)
      %dma_wait3A = tpu.memref_slice %arg5[%add3A_65] : memref<2641920xf32, #tpu.memory_space<hbm>> -> memref<10320xf32, #tpu.memory_space<hbm>>
      %dma_wait3A_67 = tpu.memref_slice %arg5[%add3A_65] : memref<2641920xf32, #tpu.memory_space<hbm>> -> memref<10320xf32, #tpu.memory_space<hbm>>
      tpu.wait_dma2 semaphore(%run_scoped3A : memref<!tpu.dma_semaphore, #tpu.memory_space<semaphore_mem>>) src(%arg10 : memref<10320xf32, #tpu.memory_space<vmem>>) dst(%dma_wait3A_67 : memref<10320xf32, #tpu.memory_space<hbm>>)
      tpu.yield
    }) : () -> ()
    return
  }
}

#map = affine_map<(d0, d1) -> (0)>
#map1 = affine_map<(d0, d1) -> (0, 0)>
#map2 = affine_map<(d0, d1) -> (0, 0, 0)>
module attributes {stable_mosaic.version = 14 : i64} {
  func.func @_scatter_acc(%arg0: i32, %arg1: i32, %arg2: memref<330240xi32, #tpu.memory_space<hbm>>, %arg3: memref<330240xi32, #tpu.memory_space<hbm>>, %arg4: memref<2641920xf32, #tpu.memory_space<hbm>>, %arg5: memref<81920x128xf32, #tpu.memory_space<hbm>>, %arg6: memref<8x10240x128xf32, #tpu.memory_space<hbm>>, %arg7: memref<81920xf32, #tpu.memory_space<hbm>>, %arg8: memref<10240x128xf32, #tpu.memory_space<vmem_shared>>, %arg9: memref<10240xf32, #tpu.memory_space<vmem_shared>>, %arg10: memref<80xi32, #tpu.memory_space<vmem>>, %arg11: memref<80xi32, #tpu.memory_space<vmem>>, %arg12: memref<80xi32, #tpu.memory_space<vmem>>, %arg13: memref<80xi32, #tpu.memory_space<vmem>>, %arg14: memref<80xf32, #tpu.memory_space<vmem>>, %arg15: memref<80xf32, #tpu.memory_space<vmem>>, %arg16: memref<80x128xf32, #tpu.memory_space<vmem>>, %arg17: memref<80x128xf32, #tpu.memory_space<vmem>>, %arg18: memref<32x128xf32, #tpu.memory_space<vmem>>, %arg19: memref<32xi32, #tpu.memory_space<vmem>>, %arg20: memref<128xf32, #tpu.memory_space<vmem>>, %arg21: memref<128xf32, #tpu.memory_space<vmem>>, %arg22: memref<128xi32, #tpu.memory_space<vmem>>, %arg23: memref<!tpu.dma_semaphore, #tpu.memory_space<semaphore_mem>>, %arg24: memref<!tpu.dma_semaphore, #tpu.memory_space<semaphore_mem>>, %arg25: memref<!tpu.dma_semaphore, #tpu.memory_space<semaphore_mem>>, %arg26: memref<!tpu.dma_semaphore, #tpu.memory_space<semaphore_mem>>, %arg27: memref<!tpu.dma_semaphore, #tpu.memory_space<semaphore_mem>>, %arg28: memref<!tpu.dma_semaphore, #tpu.memory_space<semaphore_mem>>, %arg29: memref<!tpu.dma_semaphore, #tpu.memory_space<semaphore_mem>>) attributes {dimension_semantics = [#tpu.dimension_semantics<core_parallel>, #tpu.dimension_semantics<subcore_parallel>], iteration_bounds = array<i64: 2, 16>, scalar_prefetch = 0 : i64, scratch_operands = 22 : i64, tpu.core_type = #tpu.core_type<sc_vector_subcore>, window_params = [{transform_indices = #map}, {transform_indices = #map}, {transform_indices = #map}, {transform_indices = #map1}, {transform_indices = #map2}, {transform_indices = #map}]} {
    %mul3A = arith.constant 20640 : i32
    %mul3A_0 = arith.muli %arg1, %mul3A : i32
    %mul3A_1 = arith.constant 640 : i32
    %mul3A_2 = arith.muli %arg1, %mul3A_1 : i32
    %broadcast_in_dim3A = arith.constant 0.000000e+00 : f32
    %broadcast_in_dim3A_3 = vector.broadcast %broadcast_in_dim3A : f32 to vector<16xf32>
    %iota3A = tpu.iota {dimensions = array<i32: 0>} : vector<16xi32>
    %broadcast_in_dim3A_4 = arith.constant 0 : i32
    %broadcast_in_dim3A_5 = vector.broadcast %broadcast_in_dim3A_4 : i32 to vector<16xi32>
    %scan3A = arith.constant 0 : i32
    %scan3A_6 = arith.constant 0 : i32
    %scan3A_7 = arith.constant 8 : i32
    %scan3A_8 = arith.addi %scan3A_6, %scan3A_7 : i32
    %scan3A_9 = arith.constant 1 : i32
    scf.for %scan3A_189 = %scan3A_6 to %scan3A_8 step %scan3A_9  : i32 {
      %mul3A_190 = arith.constant 16 : i32
      %mul3A_191 = arith.muli %scan3A_189, %mul3A_190 : i32
      %swap3A = arith.index_cast %mul3A_191 : i32 to index
      %swap3A_192 = tpu.vector_load %arg20[%swap3A] {strides = array<i32>} : memref<128xf32, #tpu.memory_space<vmem>>, vector<16xf32>,
      tpu.vector_store %arg20[%swap3A], %broadcast_in_dim3A_3 {strides = array<i32>} : memref<128xf32, #tpu.memory_space<vmem>>, vector<16xf32>,
    }
    %scan3A_10 = arith.constant 8 : i32
    %mul3A_11 = arith.constant 4 : i32
    %mul3A_12 = arith.muli %arg0, %mul3A_11 : i32
    %add3A = arith.constant 0 : i32
    %add3A_13 = arith.addi %mul3A_12, %add3A : i32
    %mul3A_14 = arith.constant 10240 : i32
    %mul3A_15 = arith.muli %add3A_13, %mul3A_14 : i32
    %scan3A_16 = arith.constant 0 : i32
    %scan3A_17 = arith.constant 0 : i32
    %scan3A_18 = arith.constant 32 : i32
    %scan3A_19 = arith.addi %scan3A_17, %scan3A_18 : i32
    %scan3A_20 = arith.constant 1 : i32
    scf.for %scan3A_189 = %scan3A_17 to %scan3A_19 step %scan3A_20  : i32 {
      %add3A_190 = vector.broadcast %scan3A_189 : i32 to vector<16xi32>
      %add3A_191 = arith.addi %broadcast_in_dim3A_5, %add3A_190 : vector<16xi32>
      %add3A_192 = arith.constant 0 : i32
      %add3A_193 = vector.broadcast %add3A_192 : i32 to vector<16xi32>
      %add3A_194 = arith.addi %iota3A, %add3A_193 : vector<16xi32>
      tpu.vector_store_idx %arg18[%add3A_191, %add3A_194], %broadcast_in_dim3A_3 : memref<32x128xf32, #tpu.memory_space<vmem>>[vector<16xi32>, vector<16xi32>], vector<16xf32>,
      %add3A_195 = arith.constant 16 : i32
      %add3A_196 = vector.broadcast %add3A_195 : i32 to vector<16xi32>
      %add3A_197 = arith.addi %iota3A, %add3A_196 : vector<16xi32>
      tpu.vector_store_idx %arg18[%add3A_191, %add3A_197], %broadcast_in_dim3A_3 : memref<32x128xf32, #tpu.memory_space<vmem>>[vector<16xi32>, vector<16xi32>], vector<16xf32>,
      %add3A_198 = arith.constant 32 : i32
      %add3A_199 = vector.broadcast %add3A_198 : i32 to vector<16xi32>
      %add3A_200 = arith.addi %iota3A, %add3A_199 : vector<16xi32>
      tpu.vector_store_idx %arg18[%add3A_191, %add3A_200], %broadcast_in_dim3A_3 : memref<32x128xf32, #tpu.memory_space<vmem>>[vector<16xi32>, vector<16xi32>], vector<16xf32>,
      %add3A_201 = arith.constant 48 : i32
      %add3A_202 = vector.broadcast %add3A_201 : i32 to vector<16xi32>
      %add3A_203 = arith.addi %iota3A, %add3A_202 : vector<16xi32>
      tpu.vector_store_idx %arg18[%add3A_191, %add3A_203], %broadcast_in_dim3A_3 : memref<32x128xf32, #tpu.memory_space<vmem>>[vector<16xi32>, vector<16xi32>], vector<16xf32>,
      %add3A_204 = arith.constant 64 : i32
      %add3A_205 = vector.broadcast %add3A_204 : i32 to vector<16xi32>
      %add3A_206 = arith.addi %iota3A, %add3A_205 : vector<16xi32>
      tpu.vector_store_idx %arg18[%add3A_191, %add3A_206], %broadcast_in_dim3A_3 : memref<32x128xf32, #tpu.memory_space<vmem>>[vector<16xi32>, vector<16xi32>], vector<16xf32>,
      %add3A_207 = arith.constant 80 : i32
      %add3A_208 = vector.broadcast %add3A_207 : i32 to vector<16xi32>
      %add3A_209 = arith.addi %iota3A, %add3A_208 : vector<16xi32>
      tpu.vector_store_idx %arg18[%add3A_191, %add3A_209], %broadcast_in_dim3A_3 : memref<32x128xf32, #tpu.memory_space<vmem>>[vector<16xi32>, vector<16xi32>], vector<16xf32>,
      %add3A_210 = arith.constant 96 : i32
      %add3A_211 = vector.broadcast %add3A_210 : i32 to vector<16xi32>
      %add3A_212 = arith.addi %iota3A, %add3A_211 : vector<16xi32>
      tpu.vector_store_idx %arg18[%add3A_191, %add3A_212], %broadcast_in_dim3A_3 : memref<32x128xf32, #tpu.memory_space<vmem>>[vector<16xi32>, vector<16xi32>], vector<16xf32>,
      %add3A_213 = arith.constant 112 : i32
      %add3A_214 = vector.broadcast %add3A_213 : i32 to vector<16xi32>
      %add3A_215 = arith.addi %iota3A, %add3A_214 : vector<16xi32>
      tpu.vector_store_idx %arg18[%add3A_191, %add3A_215], %broadcast_in_dim3A_3 : memref<32x128xf32, #tpu.memory_space<vmem>>[vector<16xi32>, vector<16xi32>], vector<16xf32>,
    }
    %scan3A_21 = arith.constant 32 : i32
    %scan3A_22 = arith.constant 0 : i32
    %scan3A_23 = arith.constant 0 : i32
    %scan3A_24 = arith.constant 20 : i32
    %scan3A_25 = arith.addi %scan3A_23, %scan3A_24 : i32
    %scan3A_26 = arith.constant 1 : i32
    scf.for %scan3A_189 = %scan3A_23 to %scan3A_25 step %scan3A_26  : i32 {
      %mul3A_190 = arith.constant 32 : i32
      %mul3A_191 = arith.muli %scan3A_189, %mul3A_190 : i32
      %add3A_192 = arith.addi %mul3A_2, %mul3A_191 : i32
      %add3A_193 = vector.broadcast %add3A_192 : i32 to vector<16xi32>
      %add3A_194 = arith.addi %iota3A, %add3A_193 : vector<16xi32>
      %swap3A = arith.constant 0 : index
      %swap3A_195 = tpu.vector_load %arg19[%swap3A] {strides = array<i32>} : memref<32xi32, #tpu.memory_space<vmem>>, vector<16xi32>,
      tpu.vector_store %arg19[%swap3A], %add3A_194 {strides = array<i32>} : memref<32xi32, #tpu.memory_space<vmem>>, vector<16xi32>,
      %add3A_196 = arith.constant 16 : i32
      %add3A_197 = arith.addi %add3A_192, %add3A_196 : i32
      %add3A_198 = vector.broadcast %add3A_197 : i32 to vector<16xi32>
      %add3A_199 = arith.addi %iota3A, %add3A_198 : vector<16xi32>
      %swap3A_200 = arith.constant 16 : index
      %swap3A_201 = tpu.vector_load %arg19[%swap3A_200] {strides = array<i32>} : memref<32xi32, #tpu.memory_space<vmem>>, vector<16xi32>,
      tpu.vector_store %arg19[%swap3A_200], %add3A_199 {strides = array<i32>} : memref<32xi32, #tpu.memory_space<vmem>>, vector<16xi32>,
      "tpu.region"() ({
        %run_scoped3A = tpu.sem_alloc : memref<!tpu.dma_semaphore, #tpu.memory_space<semaphore_mem>>
        %dma_start3A = arith.constant 0 : i32
        %dma_start3A_202 = arith.constant 0 : i32
        %dma_start3A_203 = tpu.memref_slice %arg8[%dma_start3A, %dma_start3A_202] : memref<10240x128xf32, #tpu.memory_space<vmem_shared>> -> memref<10240x128xf32, #tpu.memory_space<vmem_shared>>
        tpu.enqueue_indirect_dma source(%arg18 : memref<32x128xf32, #tpu.memory_space<vmem>>) target(%dma_start3A_203 : memref<10240x128xf32, #tpu.memory_space<vmem_shared>>) offsets(%arg19 : memref<32xi32, #tpu.memory_space<vmem>>) semaphore(%run_scoped3A : memref<!tpu.dma_semaphore, #tpu.memory_space<semaphore_mem>>)
        %dma_wait3A = arith.constant 0 : i32
        %dma_wait3A_204 = arith.constant 0 : i32
        %dma_wait3A_205 = tpu.memref_slice %arg8[%dma_wait3A, %dma_wait3A_204] : memref<10240x128xf32, #tpu.memory_space<vmem_shared>> -> memref<10240x128xf32, #tpu.memory_space<vmem_shared>>
        tpu.wait_indirect_dma semaphore(%run_scoped3A : memref<!tpu.dma_semaphore, #tpu.memory_space<semaphore_mem>>) src(%arg18 : memref<32x128xf32, #tpu.memory_space<vmem>>) dst(%dma_wait3A_205 : memref<10240x128xf32, #tpu.memory_space<vmem_shared>>)
        tpu.yield
      }) : () -> ()
    }
    %scan3A_27 = arith.constant 20 : i32
    %scan3A_28 = arith.constant 0 : i32
    %scan3A_29 = arith.constant 0 : i32
    %scan3A_30 = arith.constant 5 : i32
    %scan3A_31 = arith.addi %scan3A_29, %scan3A_30 : i32
    %scan3A_32 = arith.constant 1 : i32
    scf.for %scan3A_189 = %scan3A_29 to %scan3A_31 step %scan3A_32  : i32 {
      %mul3A_190 = arith.constant 128 : i32
      %mul3A_191 = arith.muli %scan3A_189, %mul3A_190 : i32
      %add3A_192 = arith.addi %mul3A_2, %mul3A_191 : i32
      %scan3A_193 = arith.constant 0 : i32
      %scan3A_194 = arith.constant 0 : i32
      %scan3A_195 = arith.constant 8 : i32
      %scan3A_196 = arith.addi %scan3A_194, %scan3A_195 : i32
      %scan3A_197 = arith.constant 1 : i32
      scf.for %scan3A_199 = %scan3A_194 to %scan3A_196 step %scan3A_197  : i32 {
        %mul3A_200 = arith.constant 16 : i32
        %mul3A_201 = arith.muli %scan3A_199, %mul3A_200 : i32
        %add3A_202 = arith.addi %add3A_192, %mul3A_201 : i32
        %add3A_203 = vector.broadcast %add3A_202 : i32 to vector<16xi32>
        %add3A_204 = arith.addi %iota3A, %add3A_203 : vector<16xi32>
        %mul3A_205 = arith.constant 16 : i32
        %mul3A_206 = arith.muli %scan3A_199, %mul3A_205 : i32
        %swap3A = arith.index_cast %mul3A_206 : i32 to index
        %swap3A_207 = tpu.vector_load %arg22[%swap3A] {strides = array<i32>} : memref<128xi32, #tpu.memory_space<vmem>>, vector<16xi32>,
        tpu.vector_store %arg22[%swap3A], %add3A_204 {strides = array<i32>} : memref<128xi32, #tpu.memory_space<vmem>>, vector<16xi32>,
      }
      %scan3A_198 = arith.constant 8 : i32
      "tpu.region"() ({
        %run_scoped3A = tpu.sem_alloc : memref<!tpu.dma_semaphore, #tpu.memory_space<semaphore_mem>>
        %dma_start3A = arith.constant 0 : i32
        %dma_start3A_199 = tpu.memref_slice %arg9[%dma_start3A] : memref<10240xf32, #tpu.memory_space<vmem_shared>> -> memref<10240xf32, #tpu.memory_space<vmem_shared>>
        tpu.enqueue_indirect_dma source(%arg20 : memref<128xf32, #tpu.memory_space<vmem>>) target(%dma_start3A_199 : memref<10240xf32, #tpu.memory_space<vmem_shared>>) offsets(%arg22 : memref<128xi32, #tpu.memory_space<vmem>>) semaphore(%run_scoped3A : memref<!tpu.dma_semaphore, #tpu.memory_space<semaphore_mem>>)
        %dma_wait3A = arith.constant 0 : i32
        %dma_wait3A_200 = tpu.memref_slice %arg9[%dma_wait3A] : memref<10240xf32, #tpu.memory_space<vmem_shared>> -> memref<10240xf32, #tpu.memory_space<vmem_shared>>
        tpu.wait_indirect_dma semaphore(%run_scoped3A : memref<!tpu.dma_semaphore, #tpu.memory_space<semaphore_mem>>) src(%arg20 : memref<128xf32, #tpu.memory_space<vmem>>) dst(%dma_wait3A_200 : memref<10240xf32, #tpu.memory_space<vmem_shared>>)
        tpu.yield
      }) : () -> ()
    }
    %scan3A_33 = arith.constant 5 : i32
    %barrier3A = arith.constant 0 : index
    tpu.barrier barrier_id(%barrier3A)
    %scan3A_34 = arith.constant 0 : i32
    %scan3A_35 = arith.constant 0 : i32
    %scan3A_36 = arith.constant 129 : i32
    %scan3A_37 = arith.addi %scan3A_35, %scan3A_36 : i32
    %scan3A_38 = arith.constant 1 : i32
    scf.for %scan3A_189 = %scan3A_35 to %scan3A_37 step %scan3A_38  : i32 {
      %mul3A_190 = arith.constant 2 : i32
      %mul3A_191 = arith.muli %mul3A_190, %scan3A_189 : i32
      %mul3A_192 = arith.constant 80 : i32
      %mul3A_193 = arith.muli %mul3A_191, %mul3A_192 : i32
      %add3A_194 = arith.addi %mul3A_0, %mul3A_193 : i32
      "tpu.region"() ({
        %run_scoped3A = tpu.sem_alloc : memref<!tpu.dma_semaphore, #tpu.memory_space<semaphore_mem>>
        %dma_start3A_263 = tpu.memref_slice %arg2[%add3A_194] : memref<330240xi32, #tpu.memory_space<hbm>> -> memref<80xi32, #tpu.memory_space<hbm>>
        %dma_start3A_264 = tpu.memref_slice %arg2[%add3A_194] : memref<330240xi32, #tpu.memory_space<hbm>> -> memref<80xi32, #tpu.memory_space<hbm>>
        tpu.enqueue_dma source(%dma_start3A_264 : memref<80xi32, #tpu.memory_space<hbm>>) target(%arg10 : memref<80xi32, #tpu.memory_space<vmem>>) target_semaphore(%run_scoped3A : memref<!tpu.dma_semaphore, #tpu.memory_space<semaphore_mem>>)
        %dma_wait3A_265 = tpu.memref_slice %arg2[%add3A_194] : memref<330240xi32, #tpu.memory_space<hbm>> -> memref<80xi32, #tpu.memory_space<hbm>>
        %dma_wait3A_266 = tpu.memref_slice %arg2[%add3A_194] : memref<330240xi32, #tpu.memory_space<hbm>> -> memref<80xi32, #tpu.memory_space<hbm>>
        tpu.wait_dma2 semaphore(%run_scoped3A : memref<!tpu.dma_semaphore, #tpu.memory_space<semaphore_mem>>) src(%dma_wait3A_266 : memref<80xi32, #tpu.memory_space<hbm>>) dst(%arg10 : memref<80xi32, #tpu.memory_space<vmem>>)
        tpu.yield
      }) : () -> ()
      "tpu.region"() ({
        %run_scoped3A = tpu.sem_alloc : memref<!tpu.dma_semaphore, #tpu.memory_space<semaphore_mem>>
        %dma_start3A_263 = tpu.memref_slice %arg3[%add3A_194] : memref<330240xi32, #tpu.memory_space<hbm>> -> memref<80xi32, #tpu.memory_space<hbm>>
        %dma_start3A_264 = tpu.memref_slice %arg3[%add3A_194] : memref<330240xi32, #tpu.memory_space<hbm>> -> memref<80xi32, #tpu.memory_space<hbm>>
        tpu.enqueue_dma source(%dma_start3A_264 : memref<80xi32, #tpu.memory_space<hbm>>) target(%arg12 : memref<80xi32, #tpu.memory_space<vmem>>) target_semaphore(%run_scoped3A : memref<!tpu.dma_semaphore, #tpu.memory_space<semaphore_mem>>)
        %dma_wait3A_265 = tpu.memref_slice %arg3[%add3A_194] : memref<330240xi32, #tpu.memory_space<hbm>> -> memref<80xi32, #tpu.memory_space<hbm>>
        %dma_wait3A_266 = tpu.memref_slice %arg3[%add3A_194] : memref<330240xi32, #tpu.memory_space<hbm>> -> memref<80xi32, #tpu.memory_space<hbm>>
        tpu.wait_dma2 semaphore(%run_scoped3A : memref<!tpu.dma_semaphore, #tpu.memory_space<semaphore_mem>>) src(%dma_wait3A_266 : memref<80xi32, #tpu.memory_space<hbm>>) dst(%arg12 : memref<80xi32, #tpu.memory_space<vmem>>)
        tpu.yield
      }) : () -> ()
      %mul3A_195 = arith.constant 330240 : i32
      %mul3A_196 = arith.muli %add3A_13, %mul3A_195 : i32
      %add3A_197 = arith.addi %mul3A_196, %add3A_194 : i32
      %multiple_of3A = tpu.assume_multiple %add3A_197, 8 : i32
      "tpu.region"() ({
        %run_scoped3A = tpu.sem_alloc : memref<!tpu.dma_semaphore, #tpu.memory_space<semaphore_mem>>
        %dma_start3A_263 = tpu.memref_slice %arg4[%multiple_of3A] : memref<2641920xf32, #tpu.memory_space<hbm>> -> memref<80xf32, #tpu.memory_space<hbm>>
        %dma_start3A_264 = tpu.memref_slice %arg4[%multiple_of3A] : memref<2641920xf32, #tpu.memory_space<hbm>> -> memref<80xf32, #tpu.memory_space<hbm>>
        tpu.enqueue_dma source(%dma_start3A_264 : memref<80xf32, #tpu.memory_space<hbm>>) target(%arg14 : memref<80xf32, #tpu.memory_space<vmem>>) target_semaphore(%run_scoped3A : memref<!tpu.dma_semaphore, #tpu.memory_space<semaphore_mem>>)
        %dma_wait3A_265 = tpu.memref_slice %arg4[%multiple_of3A] : memref<2641920xf32, #tpu.memory_space<hbm>> -> memref<80xf32, #tpu.memory_space<hbm>>
        %dma_wait3A_266 = tpu.memref_slice %arg4[%multiple_of3A] : memref<2641920xf32, #tpu.memory_space<hbm>> -> memref<80xf32, #tpu.memory_space<hbm>>
        tpu.wait_dma2 semaphore(%run_scoped3A : memref<!tpu.dma_semaphore, #tpu.memory_space<semaphore_mem>>) src(%dma_wait3A_266 : memref<80xf32, #tpu.memory_space<hbm>>) dst(%arg14 : memref<80xf32, #tpu.memory_space<vmem>>)
        tpu.yield
      }) : () -> ()
      %scan3A_198 = arith.constant 0 : i32
      %scan3A_199 = arith.constant 0 : i32
      %scan3A_200 = arith.constant 5 : i32
      %scan3A_201 = arith.addi %scan3A_199, %scan3A_200 : i32
      %scan3A_202 = arith.constant 1 : i32
      scf.for %scan3A_263 = %scan3A_199 to %scan3A_201 step %scan3A_202  : i32 {
        %mul3A_264 = arith.constant 16 : i32
        %mul3A_265 = arith.muli %scan3A_263, %mul3A_264 : i32
        %get3A = arith.index_cast %mul3A_265 : i32 to index
        %get3A_266 = tpu.vector_load %arg10[%get3A] {strides = array<i32>} : memref<80xi32, #tpu.memory_space<vmem>>, vector<16xi32>,
        %add3A_267 = vector.broadcast %mul3A_15 : i32 to vector<16xi32>
        %add3A_268 = arith.addi %get3A_266, %add3A_267 : vector<16xi32>
        %swap3A = arith.index_cast %mul3A_265 : i32 to index
        %swap3A_269 = tpu.vector_load %arg10[%swap3A] {strides = array<i32>} : memref<80xi32, #tpu.memory_space<vmem>>, vector<16xi32>,
        tpu.vector_store %arg10[%swap3A], %add3A_268 {strides = array<i32>} : memref<80xi32, #tpu.memory_space<vmem>>, vector<16xi32>,
      }
      %scan3A_203 = arith.constant 5 : i32
      %dma_start3A = arith.constant 0 : i32
      %dma_start3A_204 = arith.constant 0 : i32
      %dma_start3A_205 = tpu.memref_slice %arg5[%dma_start3A, %dma_start3A_204] : memref<81920x128xf32, #tpu.memory_space<hbm>> -> memref<81920x128xf32, #tpu.memory_space<hbm>>
      tpu.enqueue_indirect_dma source(%dma_start3A_205 : memref<81920x128xf32, #tpu.memory_space<hbm>>) target(%arg16 : memref<80x128xf32, #tpu.memory_space<vmem>>) offsets(%arg10 : memref<80xi32, #tpu.memory_space<vmem>>) semaphore(%arg24 : memref<!tpu.dma_semaphore, #tpu.memory_space<semaphore_mem>>)
      %mul3A_206 = arith.constant 2 : i32
      %mul3A_207 = arith.muli %mul3A_206, %scan3A_189 : i32
      %add3A_208 = arith.constant 1 : i32
      %add3A_209 = arith.addi %mul3A_207, %add3A_208 : i32
      %mul3A_210 = arith.constant 80 : i32
      %mul3A_211 = arith.muli %add3A_209, %mul3A_210 : i32
      %add3A_212 = arith.addi %mul3A_0, %mul3A_211 : i32
      "tpu.region"() ({
        %run_scoped3A = tpu.sem_alloc : memref<!tpu.dma_semaphore, #tpu.memory_space<semaphore_mem>>
        %dma_start3A_263 = tpu.memref_slice %arg2[%add3A_212] : memref<330240xi32, #tpu.memory_space<hbm>> -> memref<80xi32, #tpu.memory_space<hbm>>
        %dma_start3A_264 = tpu.memref_slice %arg2[%add3A_212] : memref<330240xi32, #tpu.memory_space<hbm>> -> memref<80xi32, #tpu.memory_space<hbm>>
        tpu.enqueue_dma source(%dma_start3A_264 : memref<80xi32, #tpu.memory_space<hbm>>) target(%arg11 : memref<80xi32, #tpu.memory_space<vmem>>) target_semaphore(%run_scoped3A : memref<!tpu.dma_semaphore, #tpu.memory_space<semaphore_mem>>)
        %dma_wait3A_265 = tpu.memref_slice %arg2[%add3A_212] : memref<330240xi32, #tpu.memory_space<hbm>> -> memref<80xi32, #tpu.memory_space<hbm>>
        %dma_wait3A_266 = tpu.memref_slice %arg2[%add3A_212] : memref<330240xi32, #tpu.memory_space<hbm>> -> memref<80xi32, #tpu.memory_space<hbm>>
        tpu.wait_dma2 semaphore(%run_scoped3A : memref<!tpu.dma_semaphore, #tpu.memory_space<semaphore_mem>>) src(%dma_wait3A_266 : memref<80xi32, #tpu.memory_space<hbm>>) dst(%arg11 : memref<80xi32, #tpu.memory_space<vmem>>)
        tpu.yield
      }) : () -> ()
      "tpu.region"() ({
        %run_scoped3A = tpu.sem_alloc : memref<!tpu.dma_semaphore, #tpu.memory_space<semaphore_mem>>
        %dma_start3A_263 = tpu.memref_slice %arg3[%add3A_212] : memref<330240xi32, #tpu.memory_space<hbm>> -> memref<80xi32, #tpu.memory_space<hbm>>
        %dma_start3A_264 = tpu.memref_slice %arg3[%add3A_212] : memref<330240xi32, #tpu.memory_space<hbm>> -> memref<80xi32, #tpu.memory_space<hbm>>
        tpu.enqueue_dma source(%dma_start3A_264 : memref<80xi32, #tpu.memory_space<hbm>>) target(%arg13 : memref<80xi32, #tpu.memory_space<vmem>>) target_semaphore(%run_scoped3A : memref<!tpu.dma_semaphore, #tpu.memory_space<semaphore_mem>>)
        %dma_wait3A_265 = tpu.memref_slice %arg3[%add3A_212] : memref<330240xi32, #tpu.memory_space<hbm>> -> memref<80xi32, #tpu.memory_space<hbm>>
        %dma_wait3A_266 = tpu.memref_slice %arg3[%add3A_212] : memref<330240xi32, #tpu.memory_space<hbm>> -> memref<80xi32, #tpu.memory_space<hbm>>
        tpu.wait_dma2 semaphore(%run_scoped3A : memref<!tpu.dma_semaphore, #tpu.memory_space<semaphore_mem>>) src(%dma_wait3A_266 : memref<80xi32, #tpu.memory_space<hbm>>) dst(%arg13 : memref<80xi32, #tpu.memory_space<vmem>>)
        tpu.yield
      }) : () -> ()
      %mul3A_213 = arith.constant 330240 : i32
      %mul3A_214 = arith.muli %add3A_13, %mul3A_213 : i32
      %add3A_215 = arith.addi %mul3A_214, %add3A_212 : i32
      %multiple_of3A_216 = tpu.assume_multiple %add3A_215, 8 : i32
      "tpu.region"() ({
        %run_scoped3A = tpu.sem_alloc : memref<!tpu.dma_semaphore, #tpu.memory_space<semaphore_mem>>
        %dma_start3A_263 = tpu.memref_slice %arg4[%multiple_of3A_216] : memref<2641920xf32, #tpu.memory_space<hbm>> -> memref<80xf32, #tpu.memory_space<hbm>>
        %dma_start3A_264 = tpu.memref_slice %arg4[%multiple_of3A_216] : memref<2641920xf32, #tpu.memory_space<hbm>> -> memref<80xf32, #tpu.memory_space<hbm>>
        tpu.enqueue_dma source(%dma_start3A_264 : memref<80xf32, #tpu.memory_space<hbm>>) target(%arg15 : memref<80xf32, #tpu.memory_space<vmem>>) target_semaphore(%run_scoped3A : memref<!tpu.dma_semaphore, #tpu.memory_space<semaphore_mem>>)
        %dma_wait3A_265 = tpu.memref_slice %arg4[%multiple_of3A_216] : memref<2641920xf32, #tpu.memory_space<hbm>> -> memref<80xf32, #tpu.memory_space<hbm>>
        %dma_wait3A_266 = tpu.memref_slice %arg4[%multiple_of3A_216] : memref<2641920xf32, #tpu.memory_space<hbm>> -> memref<80xf32, #tpu.memory_space<hbm>>
        tpu.wait_dma2 semaphore(%run_scoped3A : memref<!tpu.dma_semaphore, #tpu.memory_space<semaphore_mem>>) src(%dma_wait3A_266 : memref<80xf32, #tpu.memory_space<hbm>>) dst(%arg15 : memref<80xf32, #tpu.memory_space<vmem>>)
        tpu.yield
      }) : () -> ()
      %scan3A_217 = arith.constant 0 : i32
      %scan3A_218 = arith.constant 0 : i32
      %scan3A_219 = arith.constant 5 : i32
      %scan3A_220 = arith.addi %scan3A_218, %scan3A_219 : i32
      %scan3A_221 = arith.constant 1 : i32
      scf.for %scan3A_263 = %scan3A_218 to %scan3A_220 step %scan3A_221  : i32 {
        %mul3A_264 = arith.constant 16 : i32
        %mul3A_265 = arith.muli %scan3A_263, %mul3A_264 : i32
        %get3A = arith.index_cast %mul3A_265 : i32 to index
        %get3A_266 = tpu.vector_load %arg11[%get3A] {strides = array<i32>} : memref<80xi32, #tpu.memory_space<vmem>>, vector<16xi32>,
        %add3A_267 = vector.broadcast %mul3A_15 : i32 to vector<16xi32>
        %add3A_268 = arith.addi %get3A_266, %add3A_267 : vector<16xi32>
        %swap3A = arith.index_cast %mul3A_265 : i32 to index
        %swap3A_269 = tpu.vector_load %arg11[%swap3A] {strides = array<i32>} : memref<80xi32, #tpu.memory_space<vmem>>, vector<16xi32>,
        tpu.vector_store %arg11[%swap3A], %add3A_268 {strides = array<i32>} : memref<80xi32, #tpu.memory_space<vmem>>, vector<16xi32>,
      }
      %scan3A_222 = arith.constant 5 : i32
      %dma_start3A_223 = arith.constant 0 : i32
      %dma_start3A_224 = arith.constant 0 : i32
      %dma_start3A_225 = tpu.memref_slice %arg5[%dma_start3A_223, %dma_start3A_224] : memref<81920x128xf32, #tpu.memory_space<hbm>> -> memref<81920x128xf32, #tpu.memory_space<hbm>>
      tpu.enqueue_indirect_dma source(%dma_start3A_225 : memref<81920x128xf32, #tpu.memory_space<hbm>>) target(%arg17 : memref<80x128xf32, #tpu.memory_space<vmem>>) offsets(%arg11 : memref<80xi32, #tpu.memory_space<vmem>>) semaphore(%arg25 : memref<!tpu.dma_semaphore, #tpu.memory_space<semaphore_mem>>)
      %dma_wait3A = arith.constant 0 : i32
      %dma_wait3A_226 = arith.constant 0 : i32
      %dma_wait3A_227 = tpu.memref_slice %arg5[%dma_wait3A, %dma_wait3A_226] : memref<81920x128xf32, #tpu.memory_space<hbm>> -> memref<81920x128xf32, #tpu.memory_space<hbm>>
      tpu.wait_indirect_dma semaphore(%arg24 : memref<!tpu.dma_semaphore, #tpu.memory_space<semaphore_mem>>) src(%dma_wait3A_227 : memref<81920x128xf32, #tpu.memory_space<hbm>>) dst(%arg16 : memref<80x128xf32, #tpu.memory_space<vmem>>)
      %scan3A_228 = arith.constant 0 : i32
      %scan3A_229 = arith.constant 0 : i32
      %scan3A_230 = arith.constant 80 : i32
      %scan3A_231 = arith.addi %scan3A_229, %scan3A_230 : i32
      %scan3A_232 = arith.constant 1 : i32
      scf.for %scan3A_263 = %scan3A_229 to %scan3A_231 step %scan3A_232  : i32 {
        %add3A_264 = vector.broadcast %scan3A_263 : i32 to vector<16xi32>
        %add3A_265 = arith.addi %broadcast_in_dim3A_5, %add3A_264 : vector<16xi32>
        %gather3A = tpu.vector_load_idx %arg14[%add3A_265] : memref<80xf32, #tpu.memory_space<vmem>>[vector<16xi32>], vector<16xf32>,
        %add3A_266 = arith.constant 0 : i32
        %add3A_267 = vector.broadcast %add3A_266 : i32 to vector<16xi32>
        %add3A_268 = arith.addi %iota3A, %add3A_267 : vector<16xi32>
        %gather3A_269 = tpu.vector_load_idx %arg16[%add3A_265, %add3A_268] : memref<80x128xf32, #tpu.memory_space<vmem>>[vector<16xi32>, vector<16xi32>], vector<16xf32>,
        %mul3A_270 = arith.mulf %gather3A_269, %gather3A : vector<16xf32>
        tpu.vector_store_idx %arg16[%add3A_265, %add3A_268], %mul3A_270 : memref<80x128xf32, #tpu.memory_space<vmem>>[vector<16xi32>, vector<16xi32>], vector<16xf32>,
        %add3A_271 = arith.constant 16 : i32
        %add3A_272 = vector.broadcast %add3A_271 : i32 to vector<16xi32>
        %add3A_273 = arith.addi %iota3A, %add3A_272 : vector<16xi32>
        %gather3A_274 = tpu.vector_load_idx %arg16[%add3A_265, %add3A_273] : memref<80x128xf32, #tpu.memory_space<vmem>>[vector<16xi32>, vector<16xi32>], vector<16xf32>,
        %mul3A_275 = arith.mulf %gather3A_274, %gather3A : vector<16xf32>
        tpu.vector_store_idx %arg16[%add3A_265, %add3A_273], %mul3A_275 : memref<80x128xf32, #tpu.memory_space<vmem>>[vector<16xi32>, vector<16xi32>], vector<16xf32>,
        %add3A_276 = arith.constant 32 : i32
        %add3A_277 = vector.broadcast %add3A_276 : i32 to vector<16xi32>
        %add3A_278 = arith.addi %iota3A, %add3A_277 : vector<16xi32>
        %gather3A_279 = tpu.vector_load_idx %arg16[%add3A_265, %add3A_278] : memref<80x128xf32, #tpu.memory_space<vmem>>[vector<16xi32>, vector<16xi32>], vector<16xf32>,
        %mul3A_280 = arith.mulf %gather3A_279, %gather3A : vector<16xf32>
        tpu.vector_store_idx %arg16[%add3A_265, %add3A_278], %mul3A_280 : memref<80x128xf32, #tpu.memory_space<vmem>>[vector<16xi32>, vector<16xi32>], vector<16xf32>,
        %add3A_281 = arith.constant 48 : i32
        %add3A_282 = vector.broadcast %add3A_281 : i32 to vector<16xi32>
        %add3A_283 = arith.addi %iota3A, %add3A_282 : vector<16xi32>
        %gather3A_284 = tpu.vector_load_idx %arg16[%add3A_265, %add3A_283] : memref<80x128xf32, #tpu.memory_space<vmem>>[vector<16xi32>, vector<16xi32>], vector<16xf32>,
        %mul3A_285 = arith.mulf %gather3A_284, %gather3A : vector<16xf32>
        tpu.vector_store_idx %arg16[%add3A_265, %add3A_283], %mul3A_285 : memref<80x128xf32, #tpu.memory_space<vmem>>[vector<16xi32>, vector<16xi32>], vector<16xf32>,
        %add3A_286 = arith.constant 64 : i32
        %add3A_287 = vector.broadcast %add3A_286 : i32 to vector<16xi32>
        %add3A_288 = arith.addi %iota3A, %add3A_287 : vector<16xi32>
        %gather3A_289 = tpu.vector_load_idx %arg16[%add3A_265, %add3A_288] : memref<80x128xf32, #tpu.memory_space<vmem>>[vector<16xi32>, vector<16xi32>], vector<16xf32>,
        %mul3A_290 = arith.mulf %gather3A_289, %gather3A : vector<16xf32>
        tpu.vector_store_idx %arg16[%add3A_265, %add3A_288], %mul3A_290 : memref<80x128xf32, #tpu.memory_space<vmem>>[vector<16xi32>, vector<16xi32>], vector<16xf32>,
        %add3A_291 = arith.constant 80 : i32
        %add3A_292 = vector.broadcast %add3A_291 : i32 to vector<16xi32>
        %add3A_293 = arith.addi %iota3A, %add3A_292 : vector<16xi32>
        %gather3A_294 = tpu.vector_load_idx %arg16[%add3A_265, %add3A_293] : memref<80x128xf32, #tpu.memory_space<vmem>>[vector<16xi32>, vector<16xi32>], vector<16xf32>,
        %mul3A_295 = arith.mulf %gather3A_294, %gather3A : vector<16xf32>
        tpu.vector_store_idx %arg16[%add3A_265, %add3A_293], %mul3A_295 : memref<80x128xf32, #tpu.memory_space<vmem>>[vector<16xi32>, vector<16xi32>], vector<16xf32>,
        %add3A_296 = arith.constant 96 : i32
        %add3A_297 = vector.broadcast %add3A_296 : i32 to vector<16xi32>
        %add3A_298 = arith.addi %iota3A, %add3A_297 : vector<16xi32>
        %gather3A_299 = tpu.vector_load_idx %arg16[%add3A_265, %add3A_298] : memref<80x128xf32, #tpu.memory_space<vmem>>[vector<16xi32>, vector<16xi32>], vector<16xf32>,
        %mul3A_300 = arith.mulf %gather3A_299, %gather3A : vector<16xf32>
        tpu.vector_store_idx %arg16[%add3A_265, %add3A_298], %mul3A_300 : memref<80x128xf32, #tpu.memory_space<vmem>>[vector<16xi32>, vector<16xi32>], vector<16xf32>,
        %add3A_301 = arith.constant 112 : i32
        %add3A_302 = vector.broadcast %add3A_301 : i32 to vector<16xi32>
        %add3A_303 = arith.addi %iota3A, %add3A_302 : vector<16xi32>
        %gather3A_304 = tpu.vector_load_idx %arg16[%add3A_265, %add3A_303] : memref<80x128xf32, #tpu.memory_space<vmem>>[vector<16xi32>, vector<16xi32>], vector<16xf32>,
        %mul3A_305 = arith.mulf %gather3A_304, %gather3A : vector<16xf32>
        tpu.vector_store_idx %arg16[%add3A_265, %add3A_303], %mul3A_305 : memref<80x128xf32, #tpu.memory_space<vmem>>[vector<16xi32>, vector<16xi32>], vector<16xf32>,
      }
      %scan3A_233 = arith.constant 80 : i32
      %dma_start3A_234 = arith.constant 0 : i32
      %dma_start3A_235 = arith.constant 0 : i32
      %dma_start3A_236 = tpu.memref_slice %arg8[%dma_start3A_234, %dma_start3A_235] : memref<10240x128xf32, #tpu.memory_space<vmem_shared>> -> memref<10240x128xf32, #tpu.memory_space<vmem_shared>>
      tpu.enqueue_indirect_dma source(%arg16 : memref<80x128xf32, #tpu.memory_space<vmem>>) target(%dma_start3A_236 : memref<10240x128xf32, #tpu.memory_space<vmem_shared>>) offsets(%arg12 : memref<80xi32, #tpu.memory_space<vmem>>) semaphore(%arg26 : memref<!tpu.dma_semaphore, #tpu.memory_space<semaphore_mem>>) {add = true}
      %dma_start3A_237 = arith.constant 0 : i32
      %dma_start3A_238 = tpu.memref_slice %arg9[%dma_start3A_237] : memref<10240xf32, #tpu.memory_space<vmem_shared>> -> memref<10240xf32, #tpu.memory_space<vmem_shared>>
      tpu.enqueue_indirect_dma source(%arg14 : memref<80xf32, #tpu.memory_space<vmem>>) target(%dma_start3A_238 : memref<10240xf32, #tpu.memory_space<vmem_shared>>) offsets(%arg12 : memref<80xi32, #tpu.memory_space<vmem>>) semaphore(%arg27 : memref<!tpu.dma_semaphore, #tpu.memory_space<semaphore_mem>>) {add = true}
      %dma_wait3A_239 = arith.constant 0 : i32
      %dma_wait3A_240 = arith.constant 0 : i32
      %dma_wait3A_241 = tpu.memref_slice %arg5[%dma_wait3A_239, %dma_wait3A_240] : memref<81920x128xf32, #tpu.memory_space<hbm>> -> memref<81920x128xf32, #tpu.memory_space<hbm>>
      tpu.wait_indirect_dma semaphore(%arg25 : memref<!tpu.dma_semaphore, #tpu.memory_space<semaphore_mem>>) src(%dma_wait3A_241 : memref<81920x128xf32, #tpu.memory_space<hbm>>) dst(%arg17 : memref<80x128xf32, #tpu.memory_space<vmem>>)
      %scan3A_242 = arith.constant 0 : i32
      %scan3A_243 = arith.constant 0 : i32
      %scan3A_244 = arith.constant 80 : i32
      %scan3A_245 = arith.addi %scan3A_243, %scan3A_244 : i32
      %scan3A_246 = arith.constant 1 : i32
      scf.for %scan3A_263 = %scan3A_243 to %scan3A_245 step %scan3A_246  : i32 {
        %add3A_264 = vector.broadcast %scan3A_263 : i32 to vector<16xi32>
        %add3A_265 = arith.addi %broadcast_in_dim3A_5, %add3A_264 : vector<16xi32>
        %gather3A = tpu.vector_load_idx %arg15[%add3A_265] : memref<80xf32, #tpu.memory_space<vmem>>[vector<16xi32>], vector<16xf32>,
        %add3A_266 = arith.constant 0 : i32
        %add3A_267 = vector.broadcast %add3A_266 : i32 to vector<16xi32>
        %add3A_268 = arith.addi %iota3A, %add3A_267 : vector<16xi32>
        %gather3A_269 = tpu.vector_load_idx %arg17[%add3A_265, %add3A_268] : memref<80x128xf32, #tpu.memory_space<vmem>>[vector<16xi32>, vector<16xi32>], vector<16xf32>,
        %mul3A_270 = arith.mulf %gather3A_269, %gather3A : vector<16xf32>
        tpu.vector_store_idx %arg17[%add3A_265, %add3A_268], %mul3A_270 : memref<80x128xf32, #tpu.memory_space<vmem>>[vector<16xi32>, vector<16xi32>], vector<16xf32>,
        %add3A_271 = arith.constant 16 : i32
        %add3A_272 = vector.broadcast %add3A_271 : i32 to vector<16xi32>
        %add3A_273 = arith.addi %iota3A, %add3A_272 : vector<16xi32>
        %gather3A_274 = tpu.vector_load_idx %arg17[%add3A_265, %add3A_273] : memref<80x128xf32, #tpu.memory_space<vmem>>[vector<16xi32>, vector<16xi32>], vector<16xf32>,
        %mul3A_275 = arith.mulf %gather3A_274, %gather3A : vector<16xf32>
        tpu.vector_store_idx %arg17[%add3A_265, %add3A_273], %mul3A_275 : memref<80x128xf32, #tpu.memory_space<vmem>>[vector<16xi32>, vector<16xi32>], vector<16xf32>,
        %add3A_276 = arith.constant 32 : i32
        %add3A_277 = vector.broadcast %add3A_276 : i32 to vector<16xi32>
        %add3A_278 = arith.addi %iota3A, %add3A_277 : vector<16xi32>
        %gather3A_279 = tpu.vector_load_idx %arg17[%add3A_265, %add3A_278] : memref<80x128xf32, #tpu.memory_space<vmem>>[vector<16xi32>, vector<16xi32>], vector<16xf32>,
        %mul3A_280 = arith.mulf %gather3A_279, %gather3A : vector<16xf32>
        tpu.vector_store_idx %arg17[%add3A_265, %add3A_278], %mul3A_280 : memref<80x128xf32, #tpu.memory_space<vmem>>[vector<16xi32>, vector<16xi32>], vector<16xf32>,
        %add3A_281 = arith.constant 48 : i32
        %add3A_282 = vector.broadcast %add3A_281 : i32 to vector<16xi32>
        %add3A_283 = arith.addi %iota3A, %add3A_282 : vector<16xi32>
        %gather3A_284 = tpu.vector_load_idx %arg17[%add3A_265, %add3A_283] : memref<80x128xf32, #tpu.memory_space<vmem>>[vector<16xi32>, vector<16xi32>], vector<16xf32>,
        %mul3A_285 = arith.mulf %gather3A_284, %gather3A : vector<16xf32>
        tpu.vector_store_idx %arg17[%add3A_265, %add3A_283], %mul3A_285 : memref<80x128xf32, #tpu.memory_space<vmem>>[vector<16xi32>, vector<16xi32>], vector<16xf32>,
        %add3A_286 = arith.constant 64 : i32
        %add3A_287 = vector.broadcast %add3A_286 : i32 to vector<16xi32>
        %add3A_288 = arith.addi %iota3A, %add3A_287 : vector<16xi32>
        %gather3A_289 = tpu.vector_load_idx %arg17[%add3A_265, %add3A_288] : memref<80x128xf32, #tpu.memory_space<vmem>>[vector<16xi32>, vector<16xi32>], vector<16xf32>,
        %mul3A_290 = arith.mulf %gather3A_289, %gather3A : vector<16xf32>
        tpu.vector_store_idx %arg17[%add3A_265, %add3A_288], %mul3A_290 : memref<80x128xf32, #tpu.memory_space<vmem>>[vector<16xi32>, vector<16xi32>], vector<16xf32>,
        %add3A_291 = arith.constant 80 : i32
        %add3A_292 = vector.broadcast %add3A_291 : i32 to vector<16xi32>
        %add3A_293 = arith.addi %iota3A, %add3A_292 : vector<16xi32>
        %gather3A_294 = tpu.vector_load_idx %arg17[%add3A_265, %add3A_293] : memref<80x128xf32, #tpu.memory_space<vmem>>[vector<16xi32>, vector<16xi32>], vector<16xf32>,
        %mul3A_295 = arith.mulf %gather3A_294, %gather3A : vector<16xf32>
        tpu.vector_store_idx %arg17[%add3A_265, %add3A_293], %mul3A_295 : memref<80x128xf32, #tpu.memory_space<vmem>>[vector<16xi32>, vector<16xi32>], vector<16xf32>,
        %add3A_296 = arith.constant 96 : i32
        %add3A_297 = vector.broadcast %add3A_296 : i32 to vector<16xi32>
        %add3A_298 = arith.addi %iota3A, %add3A_297 : vector<16xi32>
        %gather3A_299 = tpu.vector_load_idx %arg17[%add3A_265, %add3A_298] : memref<80x128xf32, #tpu.memory_space<vmem>>[vector<16xi32>, vector<16xi32>], vector<16xf32>,
        %mul3A_300 = arith.mulf %gather3A_299, %gather3A : vector<16xf32>
        tpu.vector_store_idx %arg17[%add3A_265, %add3A_298], %mul3A_300 : memref<80x128xf32, #tpu.memory_space<vmem>>[vector<16xi32>, vector<16xi32>], vector<16xf32>,
        %add3A_301 = arith.constant 112 : i32
        %add3A_302 = vector.broadcast %add3A_301 : i32 to vector<16xi32>
        %add3A_303 = arith.addi %iota3A, %add3A_302 : vector<16xi32>
        %gather3A_304 = tpu.vector_load_idx %arg17[%add3A_265, %add3A_303] : memref<80x128xf32, #tpu.memory_space<vmem>>[vector<16xi32>, vector<16xi32>], vector<16xf32>,
        %mul3A_305 = arith.mulf %gather3A_304, %gather3A : vector<16xf32>
        tpu.vector_store_idx %arg17[%add3A_265, %add3A_303], %mul3A_305 : memref<80x128xf32, #tpu.memory_space<vmem>>[vector<16xi32>, vector<16xi32>], vector<16xf32>,
      }
      %scan3A_247 = arith.constant 80 : i32
      %dma_start3A_248 = arith.constant 0 : i32
      %dma_start3A_249 = arith.constant 0 : i32
      %dma_start3A_250 = tpu.memref_slice %arg8[%dma_start3A_248, %dma_start3A_249] : memref<10240x128xf32, #tpu.memory_space<vmem_shared>> -> memref<10240x128xf32, #tpu.memory_space<vmem_shared>>
      tpu.enqueue_indirect_dma source(%arg17 : memref<80x128xf32, #tpu.memory_space<vmem>>) target(%dma_start3A_250 : memref<10240x128xf32, #tpu.memory_space<vmem_shared>>) offsets(%arg13 : memref<80xi32, #tpu.memory_space<vmem>>) semaphore(%arg28 : memref<!tpu.dma_semaphore, #tpu.memory_space<semaphore_mem>>) {add = true}
      %dma_start3A_251 = arith.constant 0 : i32
      %dma_start3A_252 = tpu.memref_slice %arg9[%dma_start3A_251] : memref<10240xf32, #tpu.memory_space<vmem_shared>> -> memref<10240xf32, #tpu.memory_space<vmem_shared>>
      tpu.enqueue_indirect_dma source(%arg15 : memref<80xf32, #tpu.memory_space<vmem>>) target(%dma_start3A_252 : memref<10240xf32, #tpu.memory_space<vmem_shared>>) offsets(%arg13 : memref<80xi32, #tpu.memory_space<vmem>>) semaphore(%arg29 : memref<!tpu.dma_semaphore, #tpu.memory_space<semaphore_mem>>) {add = true}
      %dma_wait3A_253 = arith.constant 0 : i32
      %dma_wait3A_254 = arith.constant 0 : i32
      %dma_wait3A_255 = tpu.memref_slice %arg8[%dma_wait3A_253, %dma_wait3A_254] : memref<10240x128xf32, #tpu.memory_space<vmem_shared>> -> memref<10240x128xf32, #tpu.memory_space<vmem_shared>>
      tpu.wait_indirect_dma semaphore(%arg26 : memref<!tpu.dma_semaphore, #tpu.memory_space<semaphore_mem>>) src(%arg16 : memref<80x128xf32, #tpu.memory_space<vmem>>) dst(%dma_wait3A_255 : memref<10240x128xf32, #tpu.memory_space<vmem_shared>>)
      %dma_wait3A_256 = arith.constant 0 : i32
      %dma_wait3A_257 = tpu.memref_slice %arg9[%dma_wait3A_256] : memref<10240xf32, #tpu.memory_space<vmem_shared>> -> memref<10240xf32, #tpu.memory_space<vmem_shared>>
      tpu.wait_indirect_dma semaphore(%arg27 : memref<!tpu.dma_semaphore, #tpu.memory_space<semaphore_mem>>) src(%arg14 : memref<80xf32, #tpu.memory_space<vmem>>) dst(%dma_wait3A_257 : memref<10240xf32, #tpu.memory_space<vmem_shared>>)
      %dma_wait3A_258 = arith.constant 0 : i32
      %dma_wait3A_259 = arith.constant 0 : i32
      %dma_wait3A_260 = tpu.memref_slice %arg8[%dma_wait3A_258, %dma_wait3A_259] : memref<10240x128xf32, #tpu.memory_space<vmem_shared>> -> memref<10240x128xf32, #tpu.memory_space<vmem_shared>>
      tpu.wait_indirect_dma semaphore(%arg28 : memref<!tpu.dma_semaphore, #tpu.memory_space<semaphore_mem>>) src(%arg17 : memref<80x128xf32, #tpu.memory_space<vmem>>) dst(%dma_wait3A_260 : memref<10240x128xf32, #tpu.memory_space<vmem_shared>>)
      %dma_wait3A_261 = arith.constant 0 : i32
      %dma_wait3A_262 = tpu.memref_slice %arg9[%dma_wait3A_261] : memref<10240xf32, #tpu.memory_space<vmem_shared>> -> memref<10240xf32, #tpu.memory_space<vmem_shared>>
      tpu.wait_indirect_dma semaphore(%arg29 : memref<!tpu.dma_semaphore, #tpu.memory_space<semaphore_mem>>) src(%arg15 : memref<80xf32, #tpu.memory_space<vmem>>) dst(%dma_wait3A_262 : memref<10240xf32, #tpu.memory_space<vmem_shared>>)
    }
    %scan3A_39 = arith.constant 129 : i32
    %barrier3A_40 = arith.constant 0 : index
    tpu.barrier barrier_id(%barrier3A_40)
    %scan3A_41 = arith.constant 0 : i32
    %scan3A_42 = arith.constant 0 : i32
    %scan3A_43 = arith.constant 20 : i32
    %scan3A_44 = arith.addi %scan3A_42, %scan3A_43 : i32
    %scan3A_45 = arith.constant 1 : i32
    scf.for %scan3A_189 = %scan3A_42 to %scan3A_44 step %scan3A_45  : i32 {
      %mul3A_190 = arith.constant 32 : i32
      %mul3A_191 = arith.muli %scan3A_189, %mul3A_190 : i32
      %add3A_192 = arith.addi %mul3A_2, %mul3A_191 : i32
      %add3A_193 = vector.broadcast %add3A_192 : i32 to vector<16xi32>
      %add3A_194 = arith.addi %iota3A, %add3A_193 : vector<16xi32>
      %swap3A = arith.constant 0 : index
      %swap3A_195 = tpu.vector_load %arg19[%swap3A] {strides = array<i32>} : memref<32xi32, #tpu.memory_space<vmem>>, vector<16xi32>,
      tpu.vector_store %arg19[%swap3A], %add3A_194 {strides = array<i32>} : memref<32xi32, #tpu.memory_space<vmem>>, vector<16xi32>,
      %add3A_196 = arith.constant 16 : i32
      %add3A_197 = arith.addi %add3A_192, %add3A_196 : i32
      %add3A_198 = vector.broadcast %add3A_197 : i32 to vector<16xi32>
      %add3A_199 = arith.addi %iota3A, %add3A_198 : vector<16xi32>
      %swap3A_200 = arith.constant 16 : index
      %swap3A_201 = tpu.vector_load %arg19[%swap3A_200] {strides = array<i32>} : memref<32xi32, #tpu.memory_space<vmem>>, vector<16xi32>,
      tpu.vector_store %arg19[%swap3A_200], %add3A_199 {strides = array<i32>} : memref<32xi32, #tpu.memory_space<vmem>>, vector<16xi32>,
      %dma_start3A = arith.constant 0 : i32
      %dma_start3A_202 = arith.constant 0 : i32
      %dma_start3A_203 = tpu.memref_slice %arg8[%dma_start3A, %dma_start3A_202] : memref<10240x128xf32, #tpu.memory_space<vmem_shared>> -> memref<10240x128xf32, #tpu.memory_space<vmem_shared>>
      tpu.enqueue_indirect_dma source(%dma_start3A_203 : memref<10240x128xf32, #tpu.memory_space<vmem_shared>>) target(%arg18 : memref<32x128xf32, #tpu.memory_space<vmem>>) offsets(%arg19 : memref<32xi32, #tpu.memory_space<vmem>>) semaphore(%arg23 : memref<!tpu.dma_semaphore, #tpu.memory_space<semaphore_mem>>)
      %dma_wait3A = arith.constant 0 : i32
      %dma_wait3A_204 = arith.constant 0 : i32
      %dma_wait3A_205 = tpu.memref_slice %arg8[%dma_wait3A, %dma_wait3A_204] : memref<10240x128xf32, #tpu.memory_space<vmem_shared>> -> memref<10240x128xf32, #tpu.memory_space<vmem_shared>>
      tpu.wait_indirect_dma semaphore(%arg23 : memref<!tpu.dma_semaphore, #tpu.memory_space<semaphore_mem>>) src(%dma_wait3A_205 : memref<10240x128xf32, #tpu.memory_space<vmem_shared>>) dst(%arg18 : memref<32x128xf32, #tpu.memory_space<vmem>>)
      "tpu.region"() ({
        %run_scoped3A = tpu.sem_alloc : memref<!tpu.dma_semaphore, #tpu.memory_space<semaphore_mem>>
        %dma_start3A_206 = arith.constant 0 : i32
        %dma_start3A_207 = tpu.memref_slice %arg6[%add3A_13, %add3A_192, %dma_start3A_206] : memref<8x10240x128xf32, #tpu.memory_space<hbm>> -> memref<1x32x128xf32, #tpu.memory_space<hbm>>
        %dma_start3A_208 = tpu.memref_squeeze %dma_start3A_207 : memref<1x32x128xf32, #tpu.memory_space<hbm>> -> memref<32x128xf32, #tpu.memory_space<hbm>>
        %dma_start3A_209 = arith.constant 0 : i32
        %dma_start3A_210 = tpu.memref_slice %arg6[%add3A_13, %add3A_192, %dma_start3A_209] : memref<8x10240x128xf32, #tpu.memory_space<hbm>> -> memref<1x32x128xf32, #tpu.memory_space<hbm>>
        %dma_start3A_211 = tpu.memref_squeeze %dma_start3A_210 : memref<1x32x128xf32, #tpu.memory_space<hbm>> -> memref<32x128xf32, #tpu.memory_space<hbm>>
        tpu.enqueue_dma source(%arg18 : memref<32x128xf32, #tpu.memory_space<vmem>>) target(%dma_start3A_211 : memref<32x128xf32, #tpu.memory_space<hbm>>) target_semaphore(%run_scoped3A : memref<!tpu.dma_semaphore, #tpu.memory_space<semaphore_mem>>)
        %dma_wait3A_212 = arith.constant 0 : i32
        %dma_wait3A_213 = tpu.memref_slice %arg6[%add3A_13, %add3A_192, %dma_wait3A_212] : memref<8x10240x128xf32, #tpu.memory_space<hbm>> -> memref<1x32x128xf32, #tpu.memory_space<hbm>>
        %dma_wait3A_214 = tpu.memref_squeeze %dma_wait3A_213 : memref<1x32x128xf32, #tpu.memory_space<hbm>> -> memref<32x128xf32, #tpu.memory_space<hbm>>
        %dma_wait3A_215 = arith.constant 0 : i32
        %dma_wait3A_216 = tpu.memref_slice %arg6[%add3A_13, %add3A_192, %dma_wait3A_215] : memref<8x10240x128xf32, #tpu.memory_space<hbm>> -> memref<1x32x128xf32, #tpu.memory_space<hbm>>
        %dma_wait3A_217 = tpu.memref_squeeze %dma_wait3A_216 : memref<1x32x128xf32, #tpu.memory_space<hbm>> -> memref<32x128xf32, #tpu.memory_space<hbm>>
        tpu.wait_dma2 semaphore(%run_scoped3A : memref<!tpu.dma_semaphore, #tpu.memory_space<semaphore_mem>>) src(%arg18 : memref<32x128xf32, #tpu.memory_space<vmem>>) dst(%dma_wait3A_217 : memref<32x128xf32, #tpu.memory_space<hbm>>)
        tpu.yield
      }) : () -> ()
    }
    %scan3A_46 = arith.constant 20 : i32
    %scan3A_47 = arith.constant 0 : i32
    %scan3A_48 = arith.constant 0 : i32
    %scan3A_49 = arith.constant 5 : i32
    %scan3A_50 = arith.addi %scan3A_48, %scan3A_49 : i32
    %scan3A_51 = arith.constant 1 : i32
    scf.for %scan3A_189 = %scan3A_48 to %scan3A_50 step %scan3A_51  : i32 {
      %mul3A_190 = arith.constant 128 : i32
      %mul3A_191 = arith.muli %scan3A_189, %mul3A_190 : i32
      %add3A_192 = arith.addi %mul3A_2, %mul3A_191 : i32
      %scan3A_193 = arith.constant 0 : i32
      %scan3A_194 = arith.constant 0 : i32
      %scan3A_195 = arith.constant 8 : i32
      %scan3A_196 = arith.addi %scan3A_194, %scan3A_195 : i32
      %scan3A_197 = arith.constant 1 : i32
      scf.for %scan3A_204 = %scan3A_194 to %scan3A_196 step %scan3A_197  : i32 {
        %mul3A_205 = arith.constant 16 : i32
        %mul3A_206 = arith.muli %scan3A_204, %mul3A_205 : i32
        %add3A_207 = arith.addi %add3A_192, %mul3A_206 : i32
        %add3A_208 = vector.broadcast %add3A_207 : i32 to vector<16xi32>
        %add3A_209 = arith.addi %iota3A, %add3A_208 : vector<16xi32>
        %mul3A_210 = arith.constant 16 : i32
        %mul3A_211 = arith.muli %scan3A_204, %mul3A_210 : i32
        %swap3A = arith.index_cast %mul3A_211 : i32 to index
        %swap3A_212 = tpu.vector_load %arg22[%swap3A] {strides = array<i32>} : memref<128xi32, #tpu.memory_space<vmem>>, vector<16xi32>,
        tpu.vector_store %arg22[%swap3A], %add3A_209 {strides = array<i32>} : memref<128xi32, #tpu.memory_space<vmem>>, vector<16xi32>,
      }
      %scan3A_198 = arith.constant 8 : i32
      %dma_start3A = arith.constant 0 : i32
      %dma_start3A_199 = tpu.memref_slice %arg9[%dma_start3A] : memref<10240xf32, #tpu.memory_space<vmem_shared>> -> memref<10240xf32, #tpu.memory_space<vmem_shared>>
      tpu.enqueue_indirect_dma source(%dma_start3A_199 : memref<10240xf32, #tpu.memory_space<vmem_shared>>) target(%arg21 : memref<128xf32, #tpu.memory_space<vmem>>) offsets(%arg22 : memref<128xi32, #tpu.memory_space<vmem>>) semaphore(%arg23 : memref<!tpu.dma_semaphore, #tpu.memory_space<semaphore_mem>>)
      %dma_wait3A = arith.constant 0 : i32
      %dma_wait3A_200 = tpu.memref_slice %arg9[%dma_wait3A] : memref<10240xf32, #tpu.memory_space<vmem_shared>> -> memref<10240xf32, #tpu.memory_space<vmem_shared>>
      tpu.wait_indirect_dma semaphore(%arg23 : memref<!tpu.dma_semaphore, #tpu.memory_space<semaphore_mem>>) src(%dma_wait3A_200 : memref<10240xf32, #tpu.memory_space<vmem_shared>>) dst(%arg21 : memref<128xf32, #tpu.memory_space<vmem>>)
      %mul3A_201 = arith.constant 10240 : i32
      %mul3A_202 = arith.muli %add3A_13, %mul3A_201 : i32
      %add3A_203 = arith.addi %mul3A_202, %add3A_192 : i32
      %multiple_of3A = tpu.assume_multiple %add3A_203, 8 : i32
      "tpu.region"() ({
        %run_scoped3A = tpu.sem_alloc : memref<!tpu.dma_semaphore, #tpu.memory_space<semaphore_mem>>
        %dma_start3A_204 = tpu.memref_slice %arg7[%multiple_of3A] : memref<81920xf32, #tpu.memory_space<hbm>> -> memref<128xf32, #tpu.memory_space<hbm>>
        %dma_start3A_205 = tpu.memref_slice %arg7[%multiple_of3A] : memref<81920xf32, #tpu.memory_space<hbm>> -> memref<128xf32, #tpu.memory_space<hbm>>
        tpu.enqueue_dma source(%arg21 : memref<128xf32, #tpu.memory_space<vmem>>) target(%dma_start3A_205 : memref<128xf32, #tpu.memory_space<hbm>>) target_semaphore(%run_scoped3A : memref<!tpu.dma_semaphore, #tpu.memory_space<semaphore_mem>>)
        %dma_wait3A_206 = tpu.memref_slice %arg7[%multiple_of3A] : memref<81920xf32, #tpu.memory_space<hbm>> -> memref<128xf32, #tpu.memory_space<hbm>>
        %dma_wait3A_207 = tpu.memref_slice %arg7[%multiple_of3A] : memref<81920xf32, #tpu.memory_space<hbm>> -> memref<128xf32, #tpu.memory_space<hbm>>
        tpu.wait_dma2 semaphore(%run_scoped3A : memref<!tpu.dma_semaphore, #tpu.memory_space<semaphore_mem>>) src(%arg21 : memref<128xf32, #tpu.memory_space<vmem>>) dst(%dma_wait3A_207 : memref<128xf32, #tpu.memory_space<hbm>>)
        tpu.yield
      }) : () -> ()
    }
    %scan3A_52 = arith.constant 5 : i32
    %barrier3A_53 = arith.constant 0 : index
    tpu.barrier barrier_id(%barrier3A_53)
    %mul3A_54 = arith.constant 4 : i32
    %mul3A_55 = arith.muli %arg0, %mul3A_54 : i32
    %add3A_56 = arith.constant 1 : i32
    %add3A_57 = arith.addi %mul3A_55, %add3A_56 : i32
    %mul3A_58 = arith.constant 10240 : i32
    %mul3A_59 = arith.muli %add3A_57, %mul3A_58 : i32
    %scan3A_60 = arith.constant 0 : i32
    %scan3A_61 = arith.constant 0 : i32
    %scan3A_62 = arith.constant 32 : i32
    %scan3A_63 = arith.addi %scan3A_61, %scan3A_62 : i32
    %scan3A_64 = arith.constant 1 : i32
    scf.for %scan3A_189 = %scan3A_61 to %scan3A_63 step %scan3A_64  : i32 {
      %add3A_190 = vector.broadcast %scan3A_189 : i32 to vector<16xi32>
      %add3A_191 = arith.addi %broadcast_in_dim3A_5, %add3A_190 : vector<16xi32>
      %add3A_192 = arith.constant 0 : i32
      %add3A_193 = vector.broadcast %add3A_192 : i32 to vector<16xi32>
      %add3A_194 = arith.addi %iota3A, %add3A_193 : vector<16xi32>
      tpu.vector_store_idx %arg18[%add3A_191, %add3A_194], %broadcast_in_dim3A_3 : memref<32x128xf32, #tpu.memory_space<vmem>>[vector<16xi32>, vector<16xi32>], vector<16xf32>,
      %add3A_195 = arith.constant 16 : i32
      %add3A_196 = vector.broadcast %add3A_195 : i32 to vector<16xi32>
      %add3A_197 = arith.addi %iota3A, %add3A_196 : vector<16xi32>
      tpu.vector_store_idx %arg18[%add3A_191, %add3A_197], %broadcast_in_dim3A_3 : memref<32x128xf32, #tpu.memory_space<vmem>>[vector<16xi32>, vector<16xi32>], vector<16xf32>,
      %add3A_198 = arith.constant 32 : i32
      %add3A_199 = vector.broadcast %add3A_198 : i32 to vector<16xi32>
      %add3A_200 = arith.addi %iota3A, %add3A_199 : vector<16xi32>
      tpu.vector_store_idx %arg18[%add3A_191, %add3A_200], %broadcast_in_dim3A_3 : memref<32x128xf32, #tpu.memory_space<vmem>>[vector<16xi32>, vector<16xi32>], vector<16xf32>,
      %add3A_201 = arith.constant 48 : i32
      %add3A_202 = vector.broadcast %add3A_201 : i32 to vector<16xi32>
      %add3A_203 = arith.addi %iota3A, %add3A_202 : vector<16xi32>
      tpu.vector_store_idx %arg18[%add3A_191, %add3A_203], %broadcast_in_dim3A_3 : memref<32x128xf32, #tpu.memory_space<vmem>>[vector<16xi32>, vector<16xi32>], vector<16xf32>,
      %add3A_204 = arith.constant 64 : i32
      %add3A_205 = vector.broadcast %add3A_204 : i32 to vector<16xi32>
      %add3A_206 = arith.addi %iota3A, %add3A_205 : vector<16xi32>
      tpu.vector_store_idx %arg18[%add3A_191, %add3A_206], %broadcast_in_dim3A_3 : memref<32x128xf32, #tpu.memory_space<vmem>>[vector<16xi32>, vector<16xi32>], vector<16xf32>,
      %add3A_207 = arith.constant 80 : i32
      %add3A_208 = vector.broadcast %add3A_207 : i32 to vector<16xi32>
      %add3A_209 = arith.addi %iota3A, %add3A_208 : vector<16xi32>
      tpu.vector_store_idx %arg18[%add3A_191, %add3A_209], %broadcast_in_dim3A_3 : memref<32x128xf32, #tpu.memory_space<vmem>>[vector<16xi32>, vector<16xi32>], vector<16xf32>,
      %add3A_210 = arith.constant 96 : i32
      %add3A_211 = vector.broadcast %add3A_210 : i32 to vector<16xi32>
      %add3A_212 = arith.addi %iota3A, %add3A_211 : vector<16xi32>
      tpu.vector_store_idx %arg18[%add3A_191, %add3A_212], %broadcast_in_dim3A_3 : memref<32x128xf32, #tpu.memory_space<vmem>>[vector<16xi32>, vector<16xi32>], vector<16xf32>,
      %add3A_213 = arith.constant 112 : i32
      %add3A_214 = vector.broadcast %add3A_213 : i32 to vector<16xi32>
      %add3A_215 = arith.addi %iota3A, %add3A_214 : vector<16xi32>
      tpu.vector_store_idx %arg18[%add3A_191, %add3A_215], %broadcast_in_dim3A_3 : memref<32x128xf32, #tpu.memory_space<vmem>>[vector<16xi32>, vector<16xi32>], vector<16xf32>,
    }
    %scan3A_65 = arith.constant 32 : i32
    %scan3A_66 = arith.constant 0 : i32
    %scan3A_67 = arith.constant 0 : i32
    %scan3A_68 = arith.constant 20 : i32
    %scan3A_69 = arith.addi %scan3A_67, %scan3A_68 : i32
    %scan3A_70 = arith.constant 1 : i32
    scf.for %scan3A_189 = %scan3A_67 to %scan3A_69 step %scan3A_70  : i32 {
      %mul3A_190 = arith.constant 32 : i32
      %mul3A_191 = arith.muli %scan3A_189, %mul3A_190 : i32
      %add3A_192 = arith.addi %mul3A_2, %mul3A_191 : i32
      %add3A_193 = vector.broadcast %add3A_192 : i32 to vector<16xi32>
      %add3A_194 = arith.addi %iota3A, %add3A_193 : vector<16xi32>
      %swap3A = arith.constant 0 : index
      %swap3A_195 = tpu.vector_load %arg19[%swap3A] {strides = array<i32>} : memref<32xi32, #tpu.memory_space<vmem>>, vector<16xi32>,
      tpu.vector_store %arg19[%swap3A], %add3A_194 {strides = array<i32>} : memref<32xi32, #tpu.memory_space<vmem>>, vector<16xi32>,
      %add3A_196 = arith.constant 16 : i32
      %add3A_197 = arith.addi %add3A_192, %add3A_196 : i32
      %add3A_198 = vector.broadcast %add3A_197 : i32 to vector<16xi32>
      %add3A_199 = arith.addi %iota3A, %add3A_198 : vector<16xi32>
      %swap3A_200 = arith.constant 16 : index
      %swap3A_201 = tpu.vector_load %arg19[%swap3A_200] {strides = array<i32>} : memref<32xi32, #tpu.memory_space<vmem>>, vector<16xi32>,
      tpu.vector_store %arg19[%swap3A_200], %add3A_199 {strides = array<i32>} : memref<32xi32, #tpu.memory_space<vmem>>, vector<16xi32>,
      "tpu.region"() ({
        %run_scoped3A = tpu.sem_alloc : memref<!tpu.dma_semaphore, #tpu.memory_space<semaphore_mem>>
        %dma_start3A = arith.constant 0 : i32
        %dma_start3A_202 = arith.constant 0 : i32
        %dma_start3A_203 = tpu.memref_slice %arg8[%dma_start3A, %dma_start3A_202] : memref<10240x128xf32, #tpu.memory_space<vmem_shared>> -> memref<10240x128xf32, #tpu.memory_space<vmem_shared>>
        tpu.enqueue_indirect_dma source(%arg18 : memref<32x128xf32, #tpu.memory_space<vmem>>) target(%dma_start3A_203 : memref<10240x128xf32, #tpu.memory_space<vmem_shared>>) offsets(%arg19 : memref<32xi32, #tpu.memory_space<vmem>>) semaphore(%run_scoped3A : memref<!tpu.dma_semaphore, #tpu.memory_space<semaphore_mem>>)
        %dma_wait3A = arith.constant 0 : i32
        %dma_wait3A_204 = arith.constant 0 : i32
        %dma_wait3A_205 = tpu.memref_slice %arg8[%dma_wait3A, %dma_wait3A_204] : memref<10240x128xf32, #tpu.memory_space<vmem_shared>> -> memref<10240x128xf32, #tpu.memory_space<vmem_shared>>
        tpu.wait_indirect_dma semaphore(%run_scoped3A : memref<!tpu.dma_semaphore, #tpu.memory_space<semaphore_mem>>) src(%arg18 : memref<32x128xf32, #tpu.memory_space<vmem>>) dst(%dma_wait3A_205 : memref<10240x128xf32, #tpu.memory_space<vmem_shared>>)
        tpu.yield
      }) : () -> ()
    }
    %scan3A_71 = arith.constant 20 : i32
    %scan3A_72 = arith.constant 0 : i32
    %scan3A_73 = arith.constant 0 : i32
    %scan3A_74 = arith.constant 5 : i32
    %scan3A_75 = arith.addi %scan3A_73, %scan3A_74 : i32
    %scan3A_76 = arith.constant 1 : i32
    scf.for %scan3A_189 = %scan3A_73 to %scan3A_75 step %scan3A_76  : i32 {
      %mul3A_190 = arith.constant 128 : i32
      %mul3A_191 = arith.muli %scan3A_189, %mul3A_190 : i32
      %add3A_192 = arith.addi %mul3A_2, %mul3A_191 : i32
      %scan3A_193 = arith.constant 0 : i32
      %scan3A_194 = arith.constant 0 : i32
      %scan3A_195 = arith.constant 8 : i32
      %scan3A_196 = arith.addi %scan3A_194, %scan3A_195 : i32
      %scan3A_197 = arith.constant 1 : i32
      scf.for %scan3A_199 = %scan3A_194 to %scan3A_196 step %scan3A_197  : i32 {
        %mul3A_200 = arith.constant 16 : i32
        %mul3A_201 = arith.muli %scan3A_199, %mul3A_200 : i32
        %add3A_202 = arith.addi %add3A_192, %mul3A_201 : i32
        %add3A_203 = vector.broadcast %add3A_202 : i32 to vector<16xi32>
        %add3A_204 = arith.addi %iota3A, %add3A_203 : vector<16xi32>
        %mul3A_205 = arith.constant 16 : i32
        %mul3A_206 = arith.muli %scan3A_199, %mul3A_205 : i32
        %swap3A = arith.index_cast %mul3A_206 : i32 to index
        %swap3A_207 = tpu.vector_load %arg22[%swap3A] {strides = array<i32>} : memref<128xi32, #tpu.memory_space<vmem>>, vector<16xi32>,
        tpu.vector_store %arg22[%swap3A], %add3A_204 {strides = array<i32>} : memref<128xi32, #tpu.memory_space<vmem>>, vector<16xi32>,
      }
      %scan3A_198 = arith.constant 8 : i32
      "tpu.region"() ({
        %run_scoped3A = tpu.sem_alloc : memref<!tpu.dma_semaphore, #tpu.memory_space<semaphore_mem>>
        %dma_start3A = arith.constant 0 : i32
        %dma_start3A_199 = tpu.memref_slice %arg9[%dma_start3A] : memref<10240xf32, #tpu.memory_space<vmem_shared>> -> memref<10240xf32, #tpu.memory_space<vmem_shared>>
        tpu.enqueue_indirect_dma source(%arg20 : memref<128xf32, #tpu.memory_space<vmem>>) target(%dma_start3A_199 : memref<10240xf32, #tpu.memory_space<vmem_shared>>) offsets(%arg22 : memref<128xi32, #tpu.memory_space<vmem>>) semaphore(%run_scoped3A : memref<!tpu.dma_semaphore, #tpu.memory_space<semaphore_mem>>)
        %dma_wait3A = arith.constant 0 : i32
        %dma_wait3A_200 = tpu.memref_slice %arg9[%dma_wait3A] : memref<10240xf32, #tpu.memory_space<vmem_shared>> -> memref<10240xf32, #tpu.memory_space<vmem_shared>>
        tpu.wait_indirect_dma semaphore(%run_scoped3A : memref<!tpu.dma_semaphore, #tpu.memory_space<semaphore_mem>>) src(%arg20 : memref<128xf32, #tpu.memory_space<vmem>>) dst(%dma_wait3A_200 : memref<10240xf32, #tpu.memory_space<vmem_shared>>)
        tpu.yield
      }) : () -> ()
    }
    %scan3A_77 = arith.constant 5 : i32
    %barrier3A_78 = arith.constant 0 : index
    tpu.barrier barrier_id(%barrier3A_78)
    %scan3A_79 = arith.constant 0 : i32
    %scan3A_80 = arith.constant 0 : i32
    %scan3A_81 = arith.constant 129 : i32
    %scan3A_82 = arith.addi %scan3A_80, %scan3A_81 : i32
    %scan3A_83 = arith.constant 1 : i32
    scf.for %scan3A_189 = %scan3A_80 to %scan3A_82 step %scan3A_83  : i32 {
      %mul3A_190 = arith.constant 2 : i32
      %mul3A_191 = arith.muli %mul3A_190, %scan3A_189 : i32
      %mul3A_192 = arith.constant 80 : i32
      %mul3A_193 = arith.muli %mul3A_191, %mul3A_192 : i32
      %add3A_194 = arith.addi %mul3A_0, %mul3A_193 : i32
      "tpu.region"() ({
        %run_scoped3A = tpu.sem_alloc : memref<!tpu.dma_semaphore, #tpu.memory_space<semaphore_mem>>
        %dma_start3A_263 = tpu.memref_slice %arg2[%add3A_194] : memref<330240xi32, #tpu.memory_space<hbm>> -> memref<80xi32, #tpu.memory_space<hbm>>
        %dma_start3A_264 = tpu.memref_slice %arg2[%add3A_194] : memref<330240xi32, #tpu.memory_space<hbm>> -> memref<80xi32, #tpu.memory_space<hbm>>
        tpu.enqueue_dma source(%dma_start3A_264 : memref<80xi32, #tpu.memory_space<hbm>>) target(%arg10 : memref<80xi32, #tpu.memory_space<vmem>>) target_semaphore(%run_scoped3A : memref<!tpu.dma_semaphore, #tpu.memory_space<semaphore_mem>>)
        %dma_wait3A_265 = tpu.memref_slice %arg2[%add3A_194] : memref<330240xi32, #tpu.memory_space<hbm>> -> memref<80xi32, #tpu.memory_space<hbm>>
        %dma_wait3A_266 = tpu.memref_slice %arg2[%add3A_194] : memref<330240xi32, #tpu.memory_space<hbm>> -> memref<80xi32, #tpu.memory_space<hbm>>
        tpu.wait_dma2 semaphore(%run_scoped3A : memref<!tpu.dma_semaphore, #tpu.memory_space<semaphore_mem>>) src(%dma_wait3A_266 : memref<80xi32, #tpu.memory_space<hbm>>) dst(%arg10 : memref<80xi32, #tpu.memory_space<vmem>>)
        tpu.yield
      }) : () -> ()
      "tpu.region"() ({
        %run_scoped3A = tpu.sem_alloc : memref<!tpu.dma_semaphore, #tpu.memory_space<semaphore_mem>>
        %dma_start3A_263 = tpu.memref_slice %arg3[%add3A_194] : memref<330240xi32, #tpu.memory_space<hbm>> -> memref<80xi32, #tpu.memory_space<hbm>>
        %dma_start3A_264 = tpu.memref_slice %arg3[%add3A_194] : memref<330240xi32, #tpu.memory_space<hbm>> -> memref<80xi32, #tpu.memory_space<hbm>>
        tpu.enqueue_dma source(%dma_start3A_264 : memref<80xi32, #tpu.memory_space<hbm>>) target(%arg12 : memref<80xi32, #tpu.memory_space<vmem>>) target_semaphore(%run_scoped3A : memref<!tpu.dma_semaphore, #tpu.memory_space<semaphore_mem>>)
        %dma_wait3A_265 = tpu.memref_slice %arg3[%add3A_194] : memref<330240xi32, #tpu.memory_space<hbm>> -> memref<80xi32, #tpu.memory_space<hbm>>
        %dma_wait3A_266 = tpu.memref_slice %arg3[%add3A_194] : memref<330240xi32, #tpu.memory_space<hbm>> -> memref<80xi32, #tpu.memory_space<hbm>>
        tpu.wait_dma2 semaphore(%run_scoped3A : memref<!tpu.dma_semaphore, #tpu.memory_space<semaphore_mem>>) src(%dma_wait3A_266 : memref<80xi32, #tpu.memory_space<hbm>>) dst(%arg12 : memref<80xi32, #tpu.memory_space<vmem>>)
        tpu.yield
      }) : () -> ()
      %mul3A_195 = arith.constant 330240 : i32
      %mul3A_196 = arith.muli %add3A_57, %mul3A_195 : i32
      %add3A_197 = arith.addi %mul3A_196, %add3A_194 : i32
      %multiple_of3A = tpu.assume_multiple %add3A_197, 8 : i32
      "tpu.region"() ({
        %run_scoped3A = tpu.sem_alloc : memref<!tpu.dma_semaphore, #tpu.memory_space<semaphore_mem>>
        %dma_start3A_263 = tpu.memref_slice %arg4[%multiple_of3A] : memref<2641920xf32, #tpu.memory_space<hbm>> -> memref<80xf32, #tpu.memory_space<hbm>>
        %dma_start3A_264 = tpu.memref_slice %arg4[%multiple_of3A] : memref<2641920xf32, #tpu.memory_space<hbm>> -> memref<80xf32, #tpu.memory_space<hbm>>
        tpu.enqueue_dma source(%dma_start3A_264 : memref<80xf32, #tpu.memory_space<hbm>>) target(%arg14 : memref<80xf32, #tpu.memory_space<vmem>>) target_semaphore(%run_scoped3A : memref<!tpu.dma_semaphore, #tpu.memory_space<semaphore_mem>>)
        %dma_wait3A_265 = tpu.memref_slice %arg4[%multiple_of3A] : memref<2641920xf32, #tpu.memory_space<hbm>> -> memref<80xf32, #tpu.memory_space<hbm>>
        %dma_wait3A_266 = tpu.memref_slice %arg4[%multiple_of3A] : memref<2641920xf32, #tpu.memory_space<hbm>> -> memref<80xf32, #tpu.memory_space<hbm>>
        tpu.wait_dma2 semaphore(%run_scoped3A : memref<!tpu.dma_semaphore, #tpu.memory_space<semaphore_mem>>) src(%dma_wait3A_266 : memref<80xf32, #tpu.memory_space<hbm>>) dst(%arg14 : memref<80xf32, #tpu.memory_space<vmem>>)
        tpu.yield
      }) : () -> ()
      %scan3A_198 = arith.constant 0 : i32
      %scan3A_199 = arith.constant 0 : i32
      %scan3A_200 = arith.constant 5 : i32
      %scan3A_201 = arith.addi %scan3A_199, %scan3A_200 : i32
      %scan3A_202 = arith.constant 1 : i32
      scf.for %scan3A_263 = %scan3A_199 to %scan3A_201 step %scan3A_202  : i32 {
        %mul3A_264 = arith.constant 16 : i32
        %mul3A_265 = arith.muli %scan3A_263, %mul3A_264 : i32
        %get3A = arith.index_cast %mul3A_265 : i32 to index
        %get3A_266 = tpu.vector_load %arg10[%get3A] {strides = array<i32>} : memref<80xi32, #tpu.memory_space<vmem>>, vector<16xi32>,
        %add3A_267 = vector.broadcast %mul3A_59 : i32 to vector<16xi32>
        %add3A_268 = arith.addi %get3A_266, %add3A_267 : vector<16xi32>
        %swap3A = arith.index_cast %mul3A_265 : i32 to index
        %swap3A_269 = tpu.vector_load %arg10[%swap3A] {strides = array<i32>} : memref<80xi32, #tpu.memory_space<vmem>>, vector<16xi32>,
        tpu.vector_store %arg10[%swap3A], %add3A_268 {strides = array<i32>} : memref<80xi32, #tpu.memory_space<vmem>>, vector<16xi32>,
      }
      %scan3A_203 = arith.constant 5 : i32
      %dma_start3A = arith.constant 0 : i32
      %dma_start3A_204 = arith.constant 0 : i32
      %dma_start3A_205 = tpu.memref_slice %arg5[%dma_start3A, %dma_start3A_204] : memref<81920x128xf32, #tpu.memory_space<hbm>> -> memref<81920x128xf32, #tpu.memory_space<hbm>>
      tpu.enqueue_indirect_dma source(%dma_start3A_205 : memref<81920x128xf32, #tpu.memory_space<hbm>>) target(%arg16 : memref<80x128xf32, #tpu.memory_space<vmem>>) offsets(%arg10 : memref<80xi32, #tpu.memory_space<vmem>>) semaphore(%arg24 : memref<!tpu.dma_semaphore, #tpu.memory_space<semaphore_mem>>)
      %mul3A_206 = arith.constant 2 : i32
      %mul3A_207 = arith.muli %mul3A_206, %scan3A_189 : i32
      %add3A_208 = arith.constant 1 : i32
      %add3A_209 = arith.addi %mul3A_207, %add3A_208 : i32
      %mul3A_210 = arith.constant 80 : i32
      %mul3A_211 = arith.muli %add3A_209, %mul3A_210 : i32
      %add3A_212 = arith.addi %mul3A_0, %mul3A_211 : i32
      "tpu.region"() ({
        %run_scoped3A = tpu.sem_alloc : memref<!tpu.dma_semaphore, #tpu.memory_space<semaphore_mem>>
        %dma_start3A_263 = tpu.memref_slice %arg2[%add3A_212] : memref<330240xi32, #tpu.memory_space<hbm>> -> memref<80xi32, #tpu.memory_space<hbm>>
        %dma_start3A_264 = tpu.memref_slice %arg2[%add3A_212] : memref<330240xi32, #tpu.memory_space<hbm>> -> memref<80xi32, #tpu.memory_space<hbm>>
        tpu.enqueue_dma source(%dma_start3A_264 : memref<80xi32, #tpu.memory_space<hbm>>) target(%arg11 : memref<80xi32, #tpu.memory_space<vmem>>) target_semaphore(%run_scoped3A : memref<!tpu.dma_semaphore, #tpu.memory_space<semaphore_mem>>)
        %dma_wait3A_265 = tpu.memref_slice %arg2[%add3A_212] : memref<330240xi32, #tpu.memory_space<hbm>> -> memref<80xi32, #tpu.memory_space<hbm>>
        %dma_wait3A_266 = tpu.memref_slice %arg2[%add3A_212] : memref<330240xi32, #tpu.memory_space<hbm>> -> memref<80xi32, #tpu.memory_space<hbm>>
        tpu.wait_dma2 semaphore(%run_scoped3A : memref<!tpu.dma_semaphore, #tpu.memory_space<semaphore_mem>>) src(%dma_wait3A_266 : memref<80xi32, #tpu.memory_space<hbm>>) dst(%arg11 : memref<80xi32, #tpu.memory_space<vmem>>)
        tpu.yield
      }) : () -> ()
      "tpu.region"() ({
        %run_scoped3A = tpu.sem_alloc : memref<!tpu.dma_semaphore, #tpu.memory_space<semaphore_mem>>
        %dma_start3A_263 = tpu.memref_slice %arg3[%add3A_212] : memref<330240xi32, #tpu.memory_space<hbm>> -> memref<80xi32, #tpu.memory_space<hbm>>
        %dma_start3A_264 = tpu.memref_slice %arg3[%add3A_212] : memref<330240xi32, #tpu.memory_space<hbm>> -> memref<80xi32, #tpu.memory_space<hbm>>
        tpu.enqueue_dma source(%dma_start3A_264 : memref<80xi32, #tpu.memory_space<hbm>>) target(%arg13 : memref<80xi32, #tpu.memory_space<vmem>>) target_semaphore(%run_scoped3A : memref<!tpu.dma_semaphore, #tpu.memory_space<semaphore_mem>>)
        %dma_wait3A_265 = tpu.memref_slice %arg3[%add3A_212] : memref<330240xi32, #tpu.memory_space<hbm>> -> memref<80xi32, #tpu.memory_space<hbm>>
        %dma_wait3A_266 = tpu.memref_slice %arg3[%add3A_212] : memref<330240xi32, #tpu.memory_space<hbm>> -> memref<80xi32, #tpu.memory_space<hbm>>
        tpu.wait_dma2 semaphore(%run_scoped3A : memref<!tpu.dma_semaphore, #tpu.memory_space<semaphore_mem>>) src(%dma_wait3A_266 : memref<80xi32, #tpu.memory_space<hbm>>) dst(%arg13 : memref<80xi32, #tpu.memory_space<vmem>>)
        tpu.yield
      }) : () -> ()
      %mul3A_213 = arith.constant 330240 : i32
      %mul3A_214 = arith.muli %add3A_57, %mul3A_213 : i32
      %add3A_215 = arith.addi %mul3A_214, %add3A_212 : i32
      %multiple_of3A_216 = tpu.assume_multiple %add3A_215, 8 : i32
      "tpu.region"() ({
        %run_scoped3A = tpu.sem_alloc : memref<!tpu.dma_semaphore, #tpu.memory_space<semaphore_mem>>
        %dma_start3A_263 = tpu.memref_slice %arg4[%multiple_of3A_216] : memref<2641920xf32, #tpu.memory_space<hbm>> -> memref<80xf32, #tpu.memory_space<hbm>>
        %dma_start3A_264 = tpu.memref_slice %arg4[%multiple_of3A_216] : memref<2641920xf32, #tpu.memory_space<hbm>> -> memref<80xf32, #tpu.memory_space<hbm>>
        tpu.enqueue_dma source(%dma_start3A_264 : memref<80xf32, #tpu.memory_space<hbm>>) target(%arg15 : memref<80xf32, #tpu.memory_space<vmem>>) target_semaphore(%run_scoped3A : memref<!tpu.dma_semaphore, #tpu.memory_space<semaphore_mem>>)
        %dma_wait3A_265 = tpu.memref_slice %arg4[%multiple_of3A_216] : memref<2641920xf32, #tpu.memory_space<hbm>> -> memref<80xf32, #tpu.memory_space<hbm>>
        %dma_wait3A_266 = tpu.memref_slice %arg4[%multiple_of3A_216] : memref<2641920xf32, #tpu.memory_space<hbm>> -> memref<80xf32, #tpu.memory_space<hbm>>
        tpu.wait_dma2 semaphore(%run_scoped3A : memref<!tpu.dma_semaphore, #tpu.memory_space<semaphore_mem>>) src(%dma_wait3A_266 : memref<80xf32, #tpu.memory_space<hbm>>) dst(%arg15 : memref<80xf32, #tpu.memory_space<vmem>>)
        tpu.yield
      }) : () -> ()
      %scan3A_217 = arith.constant 0 : i32
      %scan3A_218 = arith.constant 0 : i32
      %scan3A_219 = arith.constant 5 : i32
      %scan3A_220 = arith.addi %scan3A_218, %scan3A_219 : i32
      %scan3A_221 = arith.constant 1 : i32
      scf.for %scan3A_263 = %scan3A_218 to %scan3A_220 step %scan3A_221  : i32 {
        %mul3A_264 = arith.constant 16 : i32
        %mul3A_265 = arith.muli %scan3A_263, %mul3A_264 : i32
        %get3A = arith.index_cast %mul3A_265 : i32 to index
        %get3A_266 = tpu.vector_load %arg11[%get3A] {strides = array<i32>} : memref<80xi32, #tpu.memory_space<vmem>>, vector<16xi32>,
        %add3A_267 = vector.broadcast %mul3A_59 : i32 to vector<16xi32>
        %add3A_268 = arith.addi %get3A_266, %add3A_267 : vector<16xi32>
        %swap3A = arith.index_cast %mul3A_265 : i32 to index
        %swap3A_269 = tpu.vector_load %arg11[%swap3A] {strides = array<i32>} : memref<80xi32, #tpu.memory_space<vmem>>, vector<16xi32>,
        tpu.vector_store %arg11[%swap3A], %add3A_268 {strides = array<i32>} : memref<80xi32, #tpu.memory_space<vmem>>, vector<16xi32>,
      }
      %scan3A_222 = arith.constant 5 : i32
      %dma_start3A_223 = arith.constant 0 : i32
      %dma_start3A_224 = arith.constant 0 : i32
      %dma_start3A_225 = tpu.memref_slice %arg5[%dma_start3A_223, %dma_start3A_224] : memref<81920x128xf32, #tpu.memory_space<hbm>> -> memref<81920x128xf32, #tpu.memory_space<hbm>>
      tpu.enqueue_indirect_dma source(%dma_start3A_225 : memref<81920x128xf32, #tpu.memory_space<hbm>>) target(%arg17 : memref<80x128xf32, #tpu.memory_space<vmem>>) offsets(%arg11 : memref<80xi32, #tpu.memory_space<vmem>>) semaphore(%arg25 : memref<!tpu.dma_semaphore, #tpu.memory_space<semaphore_mem>>)
      %dma_wait3A = arith.constant 0 : i32
      %dma_wait3A_226 = arith.constant 0 : i32
      %dma_wait3A_227 = tpu.memref_slice %arg5[%dma_wait3A, %dma_wait3A_226] : memref<81920x128xf32, #tpu.memory_space<hbm>> -> memref<81920x128xf32, #tpu.memory_space<hbm>>
      tpu.wait_indirect_dma semaphore(%arg24 : memref<!tpu.dma_semaphore, #tpu.memory_space<semaphore_mem>>) src(%dma_wait3A_227 : memref<81920x128xf32, #tpu.memory_space<hbm>>) dst(%arg16 : memref<80x128xf32, #tpu.memory_space<vmem>>)
      %scan3A_228 = arith.constant 0 : i32
      %scan3A_229 = arith.constant 0 : i32
      %scan3A_230 = arith.constant 80 : i32
      %scan3A_231 = arith.addi %scan3A_229, %scan3A_230 : i32
      %scan3A_232 = arith.constant 1 : i32
      scf.for %scan3A_263 = %scan3A_229 to %scan3A_231 step %scan3A_232  : i32 {
        %add3A_264 = vector.broadcast %scan3A_263 : i32 to vector<16xi32>
        %add3A_265 = arith.addi %broadcast_in_dim3A_5, %add3A_264 : vector<16xi32>
        %gather3A = tpu.vector_load_idx %arg14[%add3A_265] : memref<80xf32, #tpu.memory_space<vmem>>[vector<16xi32>], vector<16xf32>,
        %add3A_266 = arith.constant 0 : i32
        %add3A_267 = vector.broadcast %add3A_266 : i32 to vector<16xi32>
        %add3A_268 = arith.addi %iota3A, %add3A_267 : vector<16xi32>
        %gather3A_269 = tpu.vector_load_idx %arg16[%add3A_265, %add3A_268] : memref<80x128xf32, #tpu.memory_space<vmem>>[vector<16xi32>, vector<16xi32>], vector<16xf32>,
        %mul3A_270 = arith.mulf %gather3A_269, %gather3A : vector<16xf32>
        tpu.vector_store_idx %arg16[%add3A_265, %add3A_268], %mul3A_270 : memref<80x128xf32, #tpu.memory_space<vmem>>[vector<16xi32>, vector<16xi32>], vector<16xf32>,
        %add3A_271 = arith.constant 16 : i32
        %add3A_272 = vector.broadcast %add3A_271 : i32 to vector<16xi32>
        %add3A_273 = arith.addi %iota3A, %add3A_272 : vector<16xi32>
        %gather3A_274 = tpu.vector_load_idx %arg16[%add3A_265, %add3A_273] : memref<80x128xf32, #tpu.memory_space<vmem>>[vector<16xi32>, vector<16xi32>], vector<16xf32>,
        %mul3A_275 = arith.mulf %gather3A_274, %gather3A : vector<16xf32>
        tpu.vector_store_idx %arg16[%add3A_265, %add3A_273], %mul3A_275 : memref<80x128xf32, #tpu.memory_space<vmem>>[vector<16xi32>, vector<16xi32>], vector<16xf32>,
        %add3A_276 = arith.constant 32 : i32
        %add3A_277 = vector.broadcast %add3A_276 : i32 to vector<16xi32>
        %add3A_278 = arith.addi %iota3A, %add3A_277 : vector<16xi32>
        %gather3A_279 = tpu.vector_load_idx %arg16[%add3A_265, %add3A_278] : memref<80x128xf32, #tpu.memory_space<vmem>>[vector<16xi32>, vector<16xi32>], vector<16xf32>,
        %mul3A_280 = arith.mulf %gather3A_279, %gather3A : vector<16xf32>
        tpu.vector_store_idx %arg16[%add3A_265, %add3A_278], %mul3A_280 : memref<80x128xf32, #tpu.memory_space<vmem>>[vector<16xi32>, vector<16xi32>], vector<16xf32>,
        %add3A_281 = arith.constant 48 : i32
        %add3A_282 = vector.broadcast %add3A_281 : i32 to vector<16xi32>
        %add3A_283 = arith.addi %iota3A, %add3A_282 : vector<16xi32>
        %gather3A_284 = tpu.vector_load_idx %arg16[%add3A_265, %add3A_283] : memref<80x128xf32, #tpu.memory_space<vmem>>[vector<16xi32>, vector<16xi32>], vector<16xf32>,
        %mul3A_285 = arith.mulf %gather3A_284, %gather3A : vector<16xf32>
        tpu.vector_store_idx %arg16[%add3A_265, %add3A_283], %mul3A_285 : memref<80x128xf32, #tpu.memory_space<vmem>>[vector<16xi32>, vector<16xi32>], vector<16xf32>,
        %add3A_286 = arith.constant 64 : i32
        %add3A_287 = vector.broadcast %add3A_286 : i32 to vector<16xi32>
        %add3A_288 = arith.addi %iota3A, %add3A_287 : vector<16xi32>
        %gather3A_289 = tpu.vector_load_idx %arg16[%add3A_265, %add3A_288] : memref<80x128xf32, #tpu.memory_space<vmem>>[vector<16xi32>, vector<16xi32>], vector<16xf32>,
        %mul3A_290 = arith.mulf %gather3A_289, %gather3A : vector<16xf32>
        tpu.vector_store_idx %arg16[%add3A_265, %add3A_288], %mul3A_290 : memref<80x128xf32, #tpu.memory_space<vmem>>[vector<16xi32>, vector<16xi32>], vector<16xf32>,
        %add3A_291 = arith.constant 80 : i32
        %add3A_292 = vector.broadcast %add3A_291 : i32 to vector<16xi32>
        %add3A_293 = arith.addi %iota3A, %add3A_292 : vector<16xi32>
        %gather3A_294 = tpu.vector_load_idx %arg16[%add3A_265, %add3A_293] : memref<80x128xf32, #tpu.memory_space<vmem>>[vector<16xi32>, vector<16xi32>], vector<16xf32>,
        %mul3A_295 = arith.mulf %gather3A_294, %gather3A : vector<16xf32>
        tpu.vector_store_idx %arg16[%add3A_265, %add3A_293], %mul3A_295 : memref<80x128xf32, #tpu.memory_space<vmem>>[vector<16xi32>, vector<16xi32>], vector<16xf32>,
        %add3A_296 = arith.constant 96 : i32
        %add3A_297 = vector.broadcast %add3A_296 : i32 to vector<16xi32>
        %add3A_298 = arith.addi %iota3A, %add3A_297 : vector<16xi32>
        %gather3A_299 = tpu.vector_load_idx %arg16[%add3A_265, %add3A_298] : memref<80x128xf32, #tpu.memory_space<vmem>>[vector<16xi32>, vector<16xi32>], vector<16xf32>,
        %mul3A_300 = arith.mulf %gather3A_299, %gather3A : vector<16xf32>
        tpu.vector_store_idx %arg16[%add3A_265, %add3A_298], %mul3A_300 : memref<80x128xf32, #tpu.memory_space<vmem>>[vector<16xi32>, vector<16xi32>], vector<16xf32>,
        %add3A_301 = arith.constant 112 : i32
        %add3A_302 = vector.broadcast %add3A_301 : i32 to vector<16xi32>
        %add3A_303 = arith.addi %iota3A, %add3A_302 : vector<16xi32>
        %gather3A_304 = tpu.vector_load_idx %arg16[%add3A_265, %add3A_303] : memref<80x128xf32, #tpu.memory_space<vmem>>[vector<16xi32>, vector<16xi32>], vector<16xf32>,
        %mul3A_305 = arith.mulf %gather3A_304, %gather3A : vector<16xf32>
        tpu.vector_store_idx %arg16[%add3A_265, %add3A_303], %mul3A_305 : memref<80x128xf32, #tpu.memory_space<vmem>>[vector<16xi32>, vector<16xi32>], vector<16xf32>,
      }
      %scan3A_233 = arith.constant 80 : i32
      %dma_start3A_234 = arith.constant 0 : i32
      %dma_start3A_235 = arith.constant 0 : i32
      %dma_start3A_236 = tpu.memref_slice %arg8[%dma_start3A_234, %dma_start3A_235] : memref<10240x128xf32, #tpu.memory_space<vmem_shared>> -> memref<10240x128xf32, #tpu.memory_space<vmem_shared>>
      tpu.enqueue_indirect_dma source(%arg16 : memref<80x128xf32, #tpu.memory_space<vmem>>) target(%dma_start3A_236 : memref<10240x128xf32, #tpu.memory_space<vmem_shared>>) offsets(%arg12 : memref<80xi32, #tpu.memory_space<vmem>>) semaphore(%arg26 : memref<!tpu.dma_semaphore, #tpu.memory_space<semaphore_mem>>) {add = true}
      %dma_start3A_237 = arith.constant 0 : i32
      %dma_start3A_238 = tpu.memref_slice %arg9[%dma_start3A_237] : memref<10240xf32, #tpu.memory_space<vmem_shared>> -> memref<10240xf32, #tpu.memory_space<vmem_shared>>
      tpu.enqueue_indirect_dma source(%arg14 : memref<80xf32, #tpu.memory_space<vmem>>) target(%dma_start3A_238 : memref<10240xf32, #tpu.memory_space<vmem_shared>>) offsets(%arg12 : memref<80xi32, #tpu.memory_space<vmem>>) semaphore(%arg27 : memref<!tpu.dma_semaphore, #tpu.memory_space<semaphore_mem>>) {add = true}
      %dma_wait3A_239 = arith.constant 0 : i32
      %dma_wait3A_240 = arith.constant 0 : i32
      %dma_wait3A_241 = tpu.memref_slice %arg5[%dma_wait3A_239, %dma_wait3A_240] : memref<81920x128xf32, #tpu.memory_space<hbm>> -> memref<81920x128xf32, #tpu.memory_space<hbm>>
      tpu.wait_indirect_dma semaphore(%arg25 : memref<!tpu.dma_semaphore, #tpu.memory_space<semaphore_mem>>) src(%dma_wait3A_241 : memref<81920x128xf32, #tpu.memory_space<hbm>>) dst(%arg17 : memref<80x128xf32, #tpu.memory_space<vmem>>)
      %scan3A_242 = arith.constant 0 : i32
      %scan3A_243 = arith.constant 0 : i32
      %scan3A_244 = arith.constant 80 : i32
      %scan3A_245 = arith.addi %scan3A_243, %scan3A_244 : i32
      %scan3A_246 = arith.constant 1 : i32
      scf.for %scan3A_263 = %scan3A_243 to %scan3A_245 step %scan3A_246  : i32 {
        %add3A_264 = vector.broadcast %scan3A_263 : i32 to vector<16xi32>
        %add3A_265 = arith.addi %broadcast_in_dim3A_5, %add3A_264 : vector<16xi32>
        %gather3A = tpu.vector_load_idx %arg15[%add3A_265] : memref<80xf32, #tpu.memory_space<vmem>>[vector<16xi32>], vector<16xf32>,
        %add3A_266 = arith.constant 0 : i32
        %add3A_267 = vector.broadcast %add3A_266 : i32 to vector<16xi32>
        %add3A_268 = arith.addi %iota3A, %add3A_267 : vector<16xi32>
        %gather3A_269 = tpu.vector_load_idx %arg17[%add3A_265, %add3A_268] : memref<80x128xf32, #tpu.memory_space<vmem>>[vector<16xi32>, vector<16xi32>], vector<16xf32>,
        %mul3A_270 = arith.mulf %gather3A_269, %gather3A : vector<16xf32>
        tpu.vector_store_idx %arg17[%add3A_265, %add3A_268], %mul3A_270 : memref<80x128xf32, #tpu.memory_space<vmem>>[vector<16xi32>, vector<16xi32>], vector<16xf32>,
        %add3A_271 = arith.constant 16 : i32
        %add3A_272 = vector.broadcast %add3A_271 : i32 to vector<16xi32>
        %add3A_273 = arith.addi %iota3A, %add3A_272 : vector<16xi32>
        %gather3A_274 = tpu.vector_load_idx %arg17[%add3A_265, %add3A_273] : memref<80x128xf32, #tpu.memory_space<vmem>>[vector<16xi32>, vector<16xi32>], vector<16xf32>,
        %mul3A_275 = arith.mulf %gather3A_274, %gather3A : vector<16xf32>
        tpu.vector_store_idx %arg17[%add3A_265, %add3A_273], %mul3A_275 : memref<80x128xf32, #tpu.memory_space<vmem>>[vector<16xi32>, vector<16xi32>], vector<16xf32>,
        %add3A_276 = arith.constant 32 : i32
        %add3A_277 = vector.broadcast %add3A_276 : i32 to vector<16xi32>
        %add3A_278 = arith.addi %iota3A, %add3A_277 : vector<16xi32>
        %gather3A_279 = tpu.vector_load_idx %arg17[%add3A_265, %add3A_278] : memref<80x128xf32, #tpu.memory_space<vmem>>[vector<16xi32>, vector<16xi32>], vector<16xf32>,
        %mul3A_280 = arith.mulf %gather3A_279, %gather3A : vector<16xf32>
        tpu.vector_store_idx %arg17[%add3A_265, %add3A_278], %mul3A_280 : memref<80x128xf32, #tpu.memory_space<vmem>>[vector<16xi32>, vector<16xi32>], vector<16xf32>,
        %add3A_281 = arith.constant 48 : i32
        %add3A_282 = vector.broadcast %add3A_281 : i32 to vector<16xi32>
        %add3A_283 = arith.addi %iota3A, %add3A_282 : vector<16xi32>
        %gather3A_284 = tpu.vector_load_idx %arg17[%add3A_265, %add3A_283] : memref<80x128xf32, #tpu.memory_space<vmem>>[vector<16xi32>, vector<16xi32>], vector<16xf32>,
        %mul3A_285 = arith.mulf %gather3A_284, %gather3A : vector<16xf32>
        tpu.vector_store_idx %arg17[%add3A_265, %add3A_283], %mul3A_285 : memref<80x128xf32, #tpu.memory_space<vmem>>[vector<16xi32>, vector<16xi32>], vector<16xf32>,
        %add3A_286 = arith.constant 64 : i32
        %add3A_287 = vector.broadcast %add3A_286 : i32 to vector<16xi32>
        %add3A_288 = arith.addi %iota3A, %add3A_287 : vector<16xi32>
        %gather3A_289 = tpu.vector_load_idx %arg17[%add3A_265, %add3A_288] : memref<80x128xf32, #tpu.memory_space<vmem>>[vector<16xi32>, vector<16xi32>], vector<16xf32>,
        %mul3A_290 = arith.mulf %gather3A_289, %gather3A : vector<16xf32>
        tpu.vector_store_idx %arg17[%add3A_265, %add3A_288], %mul3A_290 : memref<80x128xf32, #tpu.memory_space<vmem>>[vector<16xi32>, vector<16xi32>], vector<16xf32>,
        %add3A_291 = arith.constant 80 : i32
        %add3A_292 = vector.broadcast %add3A_291 : i32 to vector<16xi32>
        %add3A_293 = arith.addi %iota3A, %add3A_292 : vector<16xi32>
        %gather3A_294 = tpu.vector_load_idx %arg17[%add3A_265, %add3A_293] : memref<80x128xf32, #tpu.memory_space<vmem>>[vector<16xi32>, vector<16xi32>], vector<16xf32>,
        %mul3A_295 = arith.mulf %gather3A_294, %gather3A : vector<16xf32>
        tpu.vector_store_idx %arg17[%add3A_265, %add3A_293], %mul3A_295 : memref<80x128xf32, #tpu.memory_space<vmem>>[vector<16xi32>, vector<16xi32>], vector<16xf32>,
        %add3A_296 = arith.constant 96 : i32
        %add3A_297 = vector.broadcast %add3A_296 : i32 to vector<16xi32>
        %add3A_298 = arith.addi %iota3A, %add3A_297 : vector<16xi32>
        %gather3A_299 = tpu.vector_load_idx %arg17[%add3A_265, %add3A_298] : memref<80x128xf32, #tpu.memory_space<vmem>>[vector<16xi32>, vector<16xi32>], vector<16xf32>,
        %mul3A_300 = arith.mulf %gather3A_299, %gather3A : vector<16xf32>
        tpu.vector_store_idx %arg17[%add3A_265, %add3A_298], %mul3A_300 : memref<80x128xf32, #tpu.memory_space<vmem>>[vector<16xi32>, vector<16xi32>], vector<16xf32>,
        %add3A_301 = arith.constant 112 : i32
        %add3A_302 = vector.broadcast %add3A_301 : i32 to vector<16xi32>
        %add3A_303 = arith.addi %iota3A, %add3A_302 : vector<16xi32>
        %gather3A_304 = tpu.vector_load_idx %arg17[%add3A_265, %add3A_303] : memref<80x128xf32, #tpu.memory_space<vmem>>[vector<16xi32>, vector<16xi32>], vector<16xf32>,
        %mul3A_305 = arith.mulf %gather3A_304, %gather3A : vector<16xf32>
        tpu.vector_store_idx %arg17[%add3A_265, %add3A_303], %mul3A_305 : memref<80x128xf32, #tpu.memory_space<vmem>>[vector<16xi32>, vector<16xi32>], vector<16xf32>,
      }
      %scan3A_247 = arith.constant 80 : i32
      %dma_start3A_248 = arith.constant 0 : i32
      %dma_start3A_249 = arith.constant 0 : i32
      %dma_start3A_250 = tpu.memref_slice %arg8[%dma_start3A_248, %dma_start3A_249] : memref<10240x128xf32, #tpu.memory_space<vmem_shared>> -> memref<10240x128xf32, #tpu.memory_space<vmem_shared>>
      tpu.enqueue_indirect_dma source(%arg17 : memref<80x128xf32, #tpu.memory_space<vmem>>) target(%dma_start3A_250 : memref<10240x128xf32, #tpu.memory_space<vmem_shared>>) offsets(%arg13 : memref<80xi32, #tpu.memory_space<vmem>>) semaphore(%arg28 : memref<!tpu.dma_semaphore, #tpu.memory_space<semaphore_mem>>) {add = true}
      %dma_start3A_251 = arith.constant 0 : i32
      %dma_start3A_252 = tpu.memref_slice %arg9[%dma_start3A_251] : memref<10240xf32, #tpu.memory_space<vmem_shared>> -> memref<10240xf32, #tpu.memory_space<vmem_shared>>
      tpu.enqueue_indirect_dma source(%arg15 : memref<80xf32, #tpu.memory_space<vmem>>) target(%dma_start3A_252 : memref<10240xf32, #tpu.memory_space<vmem_shared>>) offsets(%arg13 : memref<80xi32, #tpu.memory_space<vmem>>) semaphore(%arg29 : memref<!tpu.dma_semaphore, #tpu.memory_space<semaphore_mem>>) {add = true}
      %dma_wait3A_253 = arith.constant 0 : i32
      %dma_wait3A_254 = arith.constant 0 : i32
      %dma_wait3A_255 = tpu.memref_slice %arg8[%dma_wait3A_253, %dma_wait3A_254] : memref<10240x128xf32, #tpu.memory_space<vmem_shared>> -> memref<10240x128xf32, #tpu.memory_space<vmem_shared>>
      tpu.wait_indirect_dma semaphore(%arg26 : memref<!tpu.dma_semaphore, #tpu.memory_space<semaphore_mem>>) src(%arg16 : memref<80x128xf32, #tpu.memory_space<vmem>>) dst(%dma_wait3A_255 : memref<10240x128xf32, #tpu.memory_space<vmem_shared>>)
      %dma_wait3A_256 = arith.constant 0 : i32
      %dma_wait3A_257 = tpu.memref_slice %arg9[%dma_wait3A_256] : memref<10240xf32, #tpu.memory_space<vmem_shared>> -> memref<10240xf32, #tpu.memory_space<vmem_shared>>
      tpu.wait_indirect_dma semaphore(%arg27 : memref<!tpu.dma_semaphore, #tpu.memory_space<semaphore_mem>>) src(%arg14 : memref<80xf32, #tpu.memory_space<vmem>>) dst(%dma_wait3A_257 : memref<10240xf32, #tpu.memory_space<vmem_shared>>)
      %dma_wait3A_258 = arith.constant 0 : i32
      %dma_wait3A_259 = arith.constant 0 : i32
      %dma_wait3A_260 = tpu.memref_slice %arg8[%dma_wait3A_258, %dma_wait3A_259] : memref<10240x128xf32, #tpu.memory_space<vmem_shared>> -> memref<10240x128xf32, #tpu.memory_space<vmem_shared>>
      tpu.wait_indirect_dma semaphore(%arg28 : memref<!tpu.dma_semaphore, #tpu.memory_space<semaphore_mem>>) src(%arg17 : memref<80x128xf32, #tpu.memory_space<vmem>>) dst(%dma_wait3A_260 : memref<10240x128xf32, #tpu.memory_space<vmem_shared>>)
      %dma_wait3A_261 = arith.constant 0 : i32
      %dma_wait3A_262 = tpu.memref_slice %arg9[%dma_wait3A_261] : memref<10240xf32, #tpu.memory_space<vmem_shared>> -> memref<10240xf32, #tpu.memory_space<vmem_shared>>
      tpu.wait_indirect_dma semaphore(%arg29 : memref<!tpu.dma_semaphore, #tpu.memory_space<semaphore_mem>>) src(%arg15 : memref<80xf32, #tpu.memory_space<vmem>>) dst(%dma_wait3A_262 : memref<10240xf32, #tpu.memory_space<vmem_shared>>)
    }
    %scan3A_84 = arith.constant 129 : i32
    %barrier3A_85 = arith.constant 0 : index
    tpu.barrier barrier_id(%barrier3A_85)
    %scan3A_86 = arith.constant 0 : i32
    %scan3A_87 = arith.constant 0 : i32
    %scan3A_88 = arith.constant 20 : i32
    %scan3A_89 = arith.addi %scan3A_87, %scan3A_88 : i32
    %scan3A_90 = arith.constant 1 : i32
    scf.for %scan3A_189 = %scan3A_87 to %scan3A_89 step %scan3A_90  : i32 {
      %mul3A_190 = arith.constant 32 : i32
      %mul3A_191 = arith.muli %scan3A_189, %mul3A_190 : i32
      %add3A_192 = arith.addi %mul3A_2, %mul3A_191 : i32
      %add3A_193 = vector.broadcast %add3A_192 : i32 to vector<16xi32>
      %add3A_194 = arith.addi %iota3A, %add3A_193 : vector<16xi32>
      %swap3A = arith.constant 0 : index
      %swap3A_195 = tpu.vector_load %arg19[%swap3A] {strides = array<i32>} : memref<32xi32, #tpu.memory_space<vmem>>, vector<16xi32>,
      tpu.vector_store %arg19[%swap3A], %add3A_194 {strides = array<i32>} : memref<32xi32, #tpu.memory_space<vmem>>, vector<16xi32>,
      %add3A_196 = arith.constant 16 : i32
      %add3A_197 = arith.addi %add3A_192, %add3A_196 : i32
      %add3A_198 = vector.broadcast %add3A_197 : i32 to vector<16xi32>
      %add3A_199 = arith.addi %iota3A, %add3A_198 : vector<16xi32>
      %swap3A_200 = arith.constant 16 : index
      %swap3A_201 = tpu.vector_load %arg19[%swap3A_200] {strides = array<i32>} : memref<32xi32, #tpu.memory_space<vmem>>, vector<16xi32>,
      tpu.vector_store %arg19[%swap3A_200], %add3A_199 {strides = array<i32>} : memref<32xi32, #tpu.memory_space<vmem>>, vector<16xi32>,
      %dma_start3A = arith.constant 0 : i32
      %dma_start3A_202 = arith.constant 0 : i32
      %dma_start3A_203 = tpu.memref_slice %arg8[%dma_start3A, %dma_start3A_202] : memref<10240x128xf32, #tpu.memory_space<vmem_shared>> -> memref<10240x128xf32, #tpu.memory_space<vmem_shared>>
      tpu.enqueue_indirect_dma source(%dma_start3A_203 : memref<10240x128xf32, #tpu.memory_space<vmem_shared>>) target(%arg18 : memref<32x128xf32, #tpu.memory_space<vmem>>) offsets(%arg19 : memref<32xi32, #tpu.memory_space<vmem>>) semaphore(%arg23 : memref<!tpu.dma_semaphore, #tpu.memory_space<semaphore_mem>>)
      %dma_wait3A = arith.constant 0 : i32
      %dma_wait3A_204 = arith.constant 0 : i32
      %dma_wait3A_205 = tpu.memref_slice %arg8[%dma_wait3A, %dma_wait3A_204] : memref<10240x128xf32, #tpu.memory_space<vmem_shared>> -> memref<10240x128xf32, #tpu.memory_space<vmem_shared>>
      tpu.wait_indirect_dma semaphore(%arg23 : memref<!tpu.dma_semaphore, #tpu.memory_space<semaphore_mem>>) src(%dma_wait3A_205 : memref<10240x128xf32, #tpu.memory_space<vmem_shared>>) dst(%arg18 : memref<32x128xf32, #tpu.memory_space<vmem>>)
      "tpu.region"() ({
        %run_scoped3A = tpu.sem_alloc : memref<!tpu.dma_semaphore, #tpu.memory_space<semaphore_mem>>
        %dma_start3A_206 = arith.constant 0 : i32
        %dma_start3A_207 = tpu.memref_slice %arg6[%add3A_57, %add3A_192, %dma_start3A_206] : memref<8x10240x128xf32, #tpu.memory_space<hbm>> -> memref<1x32x128xf32, #tpu.memory_space<hbm>>
        %dma_start3A_208 = tpu.memref_squeeze %dma_start3A_207 : memref<1x32x128xf32, #tpu.memory_space<hbm>> -> memref<32x128xf32, #tpu.memory_space<hbm>>
        %dma_start3A_209 = arith.constant 0 : i32
        %dma_start3A_210 = tpu.memref_slice %arg6[%add3A_57, %add3A_192, %dma_start3A_209] : memref<8x10240x128xf32, #tpu.memory_space<hbm>> -> memref<1x32x128xf32, #tpu.memory_space<hbm>>
        %dma_start3A_211 = tpu.memref_squeeze %dma_start3A_210 : memref<1x32x128xf32, #tpu.memory_space<hbm>> -> memref<32x128xf32, #tpu.memory_space<hbm>>
        tpu.enqueue_dma source(%arg18 : memref<32x128xf32, #tpu.memory_space<vmem>>) target(%dma_start3A_211 : memref<32x128xf32, #tpu.memory_space<hbm>>) target_semaphore(%run_scoped3A : memref<!tpu.dma_semaphore, #tpu.memory_space<semaphore_mem>>)
        %dma_wait3A_212 = arith.constant 0 : i32
        %dma_wait3A_213 = tpu.memref_slice %arg6[%add3A_57, %add3A_192, %dma_wait3A_212] : memref<8x10240x128xf32, #tpu.memory_space<hbm>> -> memref<1x32x128xf32, #tpu.memory_space<hbm>>
        %dma_wait3A_214 = tpu.memref_squeeze %dma_wait3A_213 : memref<1x32x128xf32, #tpu.memory_space<hbm>> -> memref<32x128xf32, #tpu.memory_space<hbm>>
        %dma_wait3A_215 = arith.constant 0 : i32
        %dma_wait3A_216 = tpu.memref_slice %arg6[%add3A_57, %add3A_192, %dma_wait3A_215] : memref<8x10240x128xf32, #tpu.memory_space<hbm>> -> memref<1x32x128xf32, #tpu.memory_space<hbm>>
        %dma_wait3A_217 = tpu.memref_squeeze %dma_wait3A_216 : memref<1x32x128xf32, #tpu.memory_space<hbm>> -> memref<32x128xf32, #tpu.memory_space<hbm>>
        tpu.wait_dma2 semaphore(%run_scoped3A : memref<!tpu.dma_semaphore, #tpu.memory_space<semaphore_mem>>) src(%arg18 : memref<32x128xf32, #tpu.memory_space<vmem>>) dst(%dma_wait3A_217 : memref<32x128xf32, #tpu.memory_space<hbm>>)
        tpu.yield
      }) : () -> ()
    }
    %scan3A_91 = arith.constant 20 : i32
    %scan3A_92 = arith.constant 0 : i32
    %scan3A_93 = arith.constant 0 : i32
    %scan3A_94 = arith.constant 5 : i32
    %scan3A_95 = arith.addi %scan3A_93, %scan3A_94 : i32
    %scan3A_96 = arith.constant 1 : i32
    scf.for %scan3A_189 = %scan3A_93 to %scan3A_95 step %scan3A_96  : i32 {
      %mul3A_190 = arith.constant 128 : i32
      %mul3A_191 = arith.muli %scan3A_189, %mul3A_190 : i32
      %add3A_192 = arith.addi %mul3A_2, %mul3A_191 : i32
      %scan3A_193 = arith.constant 0 : i32
      %scan3A_194 = arith.constant 0 : i32
      %scan3A_195 = arith.constant 8 : i32
      %scan3A_196 = arith.addi %scan3A_194, %scan3A_195 : i32
      %scan3A_197 = arith.constant 1 : i32
      scf.for %scan3A_204 = %scan3A_194 to %scan3A_196 step %scan3A_197  : i32 {
        %mul3A_205 = arith.constant 16 : i32
        %mul3A_206 = arith.muli %scan3A_204, %mul3A_205 : i32
        %add3A_207 = arith.addi %add3A_192, %mul3A_206 : i32
        %add3A_208 = vector.broadcast %add3A_207 : i32 to vector<16xi32>
        %add3A_209 = arith.addi %iota3A, %add3A_208 : vector<16xi32>
        %mul3A_210 = arith.constant 16 : i32
        %mul3A_211 = arith.muli %scan3A_204, %mul3A_210 : i32
        %swap3A = arith.index_cast %mul3A_211 : i32 to index
        %swap3A_212 = tpu.vector_load %arg22[%swap3A] {strides = array<i32>} : memref<128xi32, #tpu.memory_space<vmem>>, vector<16xi32>,
        tpu.vector_store %arg22[%swap3A], %add3A_209 {strides = array<i32>} : memref<128xi32, #tpu.memory_space<vmem>>, vector<16xi32>,
      }
      %scan3A_198 = arith.constant 8 : i32
      %dma_start3A = arith.constant 0 : i32
      %dma_start3A_199 = tpu.memref_slice %arg9[%dma_start3A] : memref<10240xf32, #tpu.memory_space<vmem_shared>> -> memref<10240xf32, #tpu.memory_space<vmem_shared>>
      tpu.enqueue_indirect_dma source(%dma_start3A_199 : memref<10240xf32, #tpu.memory_space<vmem_shared>>) target(%arg21 : memref<128xf32, #tpu.memory_space<vmem>>) offsets(%arg22 : memref<128xi32, #tpu.memory_space<vmem>>) semaphore(%arg23 : memref<!tpu.dma_semaphore, #tpu.memory_space<semaphore_mem>>)
      %dma_wait3A = arith.constant 0 : i32
      %dma_wait3A_200 = tpu.memref_slice %arg9[%dma_wait3A] : memref<10240xf32, #tpu.memory_space<vmem_shared>> -> memref<10240xf32, #tpu.memory_space<vmem_shared>>
      tpu.wait_indirect_dma semaphore(%arg23 : memref<!tpu.dma_semaphore, #tpu.memory_space<semaphore_mem>>) src(%dma_wait3A_200 : memref<10240xf32, #tpu.memory_space<vmem_shared>>) dst(%arg21 : memref<128xf32, #tpu.memory_space<vmem>>)
      %mul3A_201 = arith.constant 10240 : i32
      %mul3A_202 = arith.muli %add3A_57, %mul3A_201 : i32
      %add3A_203 = arith.addi %mul3A_202, %add3A_192 : i32
      %multiple_of3A = tpu.assume_multiple %add3A_203, 8 : i32
      "tpu.region"() ({
        %run_scoped3A = tpu.sem_alloc : memref<!tpu.dma_semaphore, #tpu.memory_space<semaphore_mem>>
        %dma_start3A_204 = tpu.memref_slice %arg7[%multiple_of3A] : memref<81920xf32, #tpu.memory_space<hbm>> -> memref<128xf32, #tpu.memory_space<hbm>>
        %dma_start3A_205 = tpu.memref_slice %arg7[%multiple_of3A] : memref<81920xf32, #tpu.memory_space<hbm>> -> memref<128xf32, #tpu.memory_space<hbm>>
        tpu.enqueue_dma source(%arg21 : memref<128xf32, #tpu.memory_space<vmem>>) target(%dma_start3A_205 : memref<128xf32, #tpu.memory_space<hbm>>) target_semaphore(%run_scoped3A : memref<!tpu.dma_semaphore, #tpu.memory_space<semaphore_mem>>)
        %dma_wait3A_206 = tpu.memref_slice %arg7[%multiple_of3A] : memref<81920xf32, #tpu.memory_space<hbm>> -> memref<128xf32, #tpu.memory_space<hbm>>
        %dma_wait3A_207 = tpu.memref_slice %arg7[%multiple_of3A] : memref<81920xf32, #tpu.memory_space<hbm>> -> memref<128xf32, #tpu.memory_space<hbm>>
        tpu.wait_dma2 semaphore(%run_scoped3A : memref<!tpu.dma_semaphore, #tpu.memory_space<semaphore_mem>>) src(%arg21 : memref<128xf32, #tpu.memory_space<vmem>>) dst(%dma_wait3A_207 : memref<128xf32, #tpu.memory_space<hbm>>)
        tpu.yield
      }) : () -> ()
    }
    %scan3A_97 = arith.constant 5 : i32
    %barrier3A_98 = arith.constant 0 : index
    tpu.barrier barrier_id(%barrier3A_98)
    %mul3A_99 = arith.constant 4 : i32
    %mul3A_100 = arith.muli %arg0, %mul3A_99 : i32
    %add3A_101 = arith.constant 2 : i32
    %add3A_102 = arith.addi %mul3A_100, %add3A_101 : i32
    %mul3A_103 = arith.constant 10240 : i32
    %mul3A_104 = arith.muli %add3A_102, %mul3A_103 : i32
    %scan3A_105 = arith.constant 0 : i32
    %scan3A_106 = arith.constant 0 : i32
    %scan3A_107 = arith.constant 32 : i32
    %scan3A_108 = arith.addi %scan3A_106, %scan3A_107 : i32
    %scan3A_109 = arith.constant 1 : i32
    scf.for %scan3A_189 = %scan3A_106 to %scan3A_108 step %scan3A_109  : i32 {
      %add3A_190 = vector.broadcast %scan3A_189 : i32 to vector<16xi32>
      %add3A_191 = arith.addi %broadcast_in_dim3A_5, %add3A_190 : vector<16xi32>
      %add3A_192 = arith.constant 0 : i32
      %add3A_193 = vector.broadcast %add3A_192 : i32 to vector<16xi32>
      %add3A_194 = arith.addi %iota3A, %add3A_193 : vector<16xi32>
      tpu.vector_store_idx %arg18[%add3A_191, %add3A_194], %broadcast_in_dim3A_3 : memref<32x128xf32, #tpu.memory_space<vmem>>[vector<16xi32>, vector<16xi32>], vector<16xf32>,
      %add3A_195 = arith.constant 16 : i32
      %add3A_196 = vector.broadcast %add3A_195 : i32 to vector<16xi32>
      %add3A_197 = arith.addi %iota3A, %add3A_196 : vector<16xi32>
      tpu.vector_store_idx %arg18[%add3A_191, %add3A_197], %broadcast_in_dim3A_3 : memref<32x128xf32, #tpu.memory_space<vmem>>[vector<16xi32>, vector<16xi32>], vector<16xf32>,
      %add3A_198 = arith.constant 32 : i32
      %add3A_199 = vector.broadcast %add3A_198 : i32 to vector<16xi32>
      %add3A_200 = arith.addi %iota3A, %add3A_199 : vector<16xi32>
      tpu.vector_store_idx %arg18[%add3A_191, %add3A_200], %broadcast_in_dim3A_3 : memref<32x128xf32, #tpu.memory_space<vmem>>[vector<16xi32>, vector<16xi32>], vector<16xf32>,
      %add3A_201 = arith.constant 48 : i32
      %add3A_202 = vector.broadcast %add3A_201 : i32 to vector<16xi32>
      %add3A_203 = arith.addi %iota3A, %add3A_202 : vector<16xi32>
      tpu.vector_store_idx %arg18[%add3A_191, %add3A_203], %broadcast_in_dim3A_3 : memref<32x128xf32, #tpu.memory_space<vmem>>[vector<16xi32>, vector<16xi32>], vector<16xf32>,
      %add3A_204 = arith.constant 64 : i32
      %add3A_205 = vector.broadcast %add3A_204 : i32 to vector<16xi32>
      %add3A_206 = arith.addi %iota3A, %add3A_205 : vector<16xi32>
      tpu.vector_store_idx %arg18[%add3A_191, %add3A_206], %broadcast_in_dim3A_3 : memref<32x128xf32, #tpu.memory_space<vmem>>[vector<16xi32>, vector<16xi32>], vector<16xf32>,
      %add3A_207 = arith.constant 80 : i32
      %add3A_208 = vector.broadcast %add3A_207 : i32 to vector<16xi32>
      %add3A_209 = arith.addi %iota3A, %add3A_208 : vector<16xi32>
      tpu.vector_store_idx %arg18[%add3A_191, %add3A_209], %broadcast_in_dim3A_3 : memref<32x128xf32, #tpu.memory_space<vmem>>[vector<16xi32>, vector<16xi32>], vector<16xf32>,
      %add3A_210 = arith.constant 96 : i32
      %add3A_211 = vector.broadcast %add3A_210 : i32 to vector<16xi32>
      %add3A_212 = arith.addi %iota3A, %add3A_211 : vector<16xi32>
      tpu.vector_store_idx %arg18[%add3A_191, %add3A_212], %broadcast_in_dim3A_3 : memref<32x128xf32, #tpu.memory_space<vmem>>[vector<16xi32>, vector<16xi32>], vector<16xf32>,
      %add3A_213 = arith.constant 112 : i32
      %add3A_214 = vector.broadcast %add3A_213 : i32 to vector<16xi32>
      %add3A_215 = arith.addi %iota3A, %add3A_214 : vector<16xi32>
      tpu.vector_store_idx %arg18[%add3A_191, %add3A_215], %broadcast_in_dim3A_3 : memref<32x128xf32, #tpu.memory_space<vmem>>[vector<16xi32>, vector<16xi32>], vector<16xf32>,
    }
    %scan3A_110 = arith.constant 32 : i32
    %scan3A_111 = arith.constant 0 : i32
    %scan3A_112 = arith.constant 0 : i32
    %scan3A_113 = arith.constant 20 : i32
    %scan3A_114 = arith.addi %scan3A_112, %scan3A_113 : i32
    %scan3A_115 = arith.constant 1 : i32
    scf.for %scan3A_189 = %scan3A_112 to %scan3A_114 step %scan3A_115  : i32 {
      %mul3A_190 = arith.constant 32 : i32
      %mul3A_191 = arith.muli %scan3A_189, %mul3A_190 : i32
      %add3A_192 = arith.addi %mul3A_2, %mul3A_191 : i32
      %add3A_193 = vector.broadcast %add3A_192 : i32 to vector<16xi32>
      %add3A_194 = arith.addi %iota3A, %add3A_193 : vector<16xi32>
      %swap3A = arith.constant 0 : index
      %swap3A_195 = tpu.vector_load %arg19[%swap3A] {strides = array<i32>} : memref<32xi32, #tpu.memory_space<vmem>>, vector<16xi32>,
      tpu.vector_store %arg19[%swap3A], %add3A_194 {strides = array<i32>} : memref<32xi32, #tpu.memory_space<vmem>>, vector<16xi32>,
      %add3A_196 = arith.constant 16 : i32
      %add3A_197 = arith.addi %add3A_192, %add3A_196 : i32
      %add3A_198 = vector.broadcast %add3A_197 : i32 to vector<16xi32>
      %add3A_199 = arith.addi %iota3A, %add3A_198 : vector<16xi32>
      %swap3A_200 = arith.constant 16 : index
      %swap3A_201 = tpu.vector_load %arg19[%swap3A_200] {strides = array<i32>} : memref<32xi32, #tpu.memory_space<vmem>>, vector<16xi32>,
      tpu.vector_store %arg19[%swap3A_200], %add3A_199 {strides = array<i32>} : memref<32xi32, #tpu.memory_space<vmem>>, vector<16xi32>,
      "tpu.region"() ({
        %run_scoped3A = tpu.sem_alloc : memref<!tpu.dma_semaphore, #tpu.memory_space<semaphore_mem>>
        %dma_start3A = arith.constant 0 : i32
        %dma_start3A_202 = arith.constant 0 : i32
        %dma_start3A_203 = tpu.memref_slice %arg8[%dma_start3A, %dma_start3A_202] : memref<10240x128xf32, #tpu.memory_space<vmem_shared>> -> memref<10240x128xf32, #tpu.memory_space<vmem_shared>>
        tpu.enqueue_indirect_dma source(%arg18 : memref<32x128xf32, #tpu.memory_space<vmem>>) target(%dma_start3A_203 : memref<10240x128xf32, #tpu.memory_space<vmem_shared>>) offsets(%arg19 : memref<32xi32, #tpu.memory_space<vmem>>) semaphore(%run_scoped3A : memref<!tpu.dma_semaphore, #tpu.memory_space<semaphore_mem>>)
        %dma_wait3A = arith.constant 0 : i32
        %dma_wait3A_204 = arith.constant 0 : i32
        %dma_wait3A_205 = tpu.memref_slice %arg8[%dma_wait3A, %dma_wait3A_204] : memref<10240x128xf32, #tpu.memory_space<vmem_shared>> -> memref<10240x128xf32, #tpu.memory_space<vmem_shared>>
        tpu.wait_indirect_dma semaphore(%run_scoped3A : memref<!tpu.dma_semaphore, #tpu.memory_space<semaphore_mem>>) src(%arg18 : memref<32x128xf32, #tpu.memory_space<vmem>>) dst(%dma_wait3A_205 : memref<10240x128xf32, #tpu.memory_space<vmem_shared>>)
        tpu.yield
      }) : () -> ()
    }
    %scan3A_116 = arith.constant 20 : i32
    %scan3A_117 = arith.constant 0 : i32
    %scan3A_118 = arith.constant 0 : i32
    %scan3A_119 = arith.constant 5 : i32
    %scan3A_120 = arith.addi %scan3A_118, %scan3A_119 : i32
    %scan3A_121 = arith.constant 1 : i32
    scf.for %scan3A_189 = %scan3A_118 to %scan3A_120 step %scan3A_121  : i32 {
      %mul3A_190 = arith.constant 128 : i32
      %mul3A_191 = arith.muli %scan3A_189, %mul3A_190 : i32
      %add3A_192 = arith.addi %mul3A_2, %mul3A_191 : i32
      %scan3A_193 = arith.constant 0 : i32
      %scan3A_194 = arith.constant 0 : i32
      %scan3A_195 = arith.constant 8 : i32
      %scan3A_196 = arith.addi %scan3A_194, %scan3A_195 : i32
      %scan3A_197 = arith.constant 1 : i32
      scf.for %scan3A_199 = %scan3A_194 to %scan3A_196 step %scan3A_197  : i32 {
        %mul3A_200 = arith.constant 16 : i32
        %mul3A_201 = arith.muli %scan3A_199, %mul3A_200 : i32
        %add3A_202 = arith.addi %add3A_192, %mul3A_201 : i32
        %add3A_203 = vector.broadcast %add3A_202 : i32 to vector<16xi32>
        %add3A_204 = arith.addi %iota3A, %add3A_203 : vector<16xi32>
        %mul3A_205 = arith.constant 16 : i32
        %mul3A_206 = arith.muli %scan3A_199, %mul3A_205 : i32
        %swap3A = arith.index_cast %mul3A_206 : i32 to index
        %swap3A_207 = tpu.vector_load %arg22[%swap3A] {strides = array<i32>} : memref<128xi32, #tpu.memory_space<vmem>>, vector<16xi32>,
        tpu.vector_store %arg22[%swap3A], %add3A_204 {strides = array<i32>} : memref<128xi32, #tpu.memory_space<vmem>>, vector<16xi32>,
      }
      %scan3A_198 = arith.constant 8 : i32
      "tpu.region"() ({
        %run_scoped3A = tpu.sem_alloc : memref<!tpu.dma_semaphore, #tpu.memory_space<semaphore_mem>>
        %dma_start3A = arith.constant 0 : i32
        %dma_start3A_199 = tpu.memref_slice %arg9[%dma_start3A] : memref<10240xf32, #tpu.memory_space<vmem_shared>> -> memref<10240xf32, #tpu.memory_space<vmem_shared>>
        tpu.enqueue_indirect_dma source(%arg20 : memref<128xf32, #tpu.memory_space<vmem>>) target(%dma_start3A_199 : memref<10240xf32, #tpu.memory_space<vmem_shared>>) offsets(%arg22 : memref<128xi32, #tpu.memory_space<vmem>>) semaphore(%run_scoped3A : memref<!tpu.dma_semaphore, #tpu.memory_space<semaphore_mem>>)
        %dma_wait3A = arith.constant 0 : i32
        %dma_wait3A_200 = tpu.memref_slice %arg9[%dma_wait3A] : memref<10240xf32, #tpu.memory_space<vmem_shared>> -> memref<10240xf32, #tpu.memory_space<vmem_shared>>
        tpu.wait_indirect_dma semaphore(%run_scoped3A : memref<!tpu.dma_semaphore, #tpu.memory_space<semaphore_mem>>) src(%arg20 : memref<128xf32, #tpu.memory_space<vmem>>) dst(%dma_wait3A_200 : memref<10240xf32, #tpu.memory_space<vmem_shared>>)
        tpu.yield
      }) : () -> ()
    }
    %scan3A_122 = arith.constant 5 : i32
    %barrier3A_123 = arith.constant 0 : index
    tpu.barrier barrier_id(%barrier3A_123)
    %scan3A_124 = arith.constant 0 : i32
    %scan3A_125 = arith.constant 0 : i32
    %scan3A_126 = arith.constant 129 : i32
    %scan3A_127 = arith.addi %scan3A_125, %scan3A_126 : i32
    %scan3A_128 = arith.constant 1 : i32
    scf.for %scan3A_189 = %scan3A_125 to %scan3A_127 step %scan3A_128  : i32 {
      %mul3A_190 = arith.constant 2 : i32
      %mul3A_191 = arith.muli %mul3A_190, %scan3A_189 : i32
      %mul3A_192 = arith.constant 80 : i32
      %mul3A_193 = arith.muli %mul3A_191, %mul3A_192 : i32
      %add3A_194 = arith.addi %mul3A_0, %mul3A_193 : i32
      "tpu.region"() ({
        %run_scoped3A = tpu.sem_alloc : memref<!tpu.dma_semaphore, #tpu.memory_space<semaphore_mem>>
        %dma_start3A_263 = tpu.memref_slice %arg2[%add3A_194] : memref<330240xi32, #tpu.memory_space<hbm>> -> memref<80xi32, #tpu.memory_space<hbm>>
        %dma_start3A_264 = tpu.memref_slice %arg2[%add3A_194] : memref<330240xi32, #tpu.memory_space<hbm>> -> memref<80xi32, #tpu.memory_space<hbm>>
        tpu.enqueue_dma source(%dma_start3A_264 : memref<80xi32, #tpu.memory_space<hbm>>) target(%arg10 : memref<80xi32, #tpu.memory_space<vmem>>) target_semaphore(%run_scoped3A : memref<!tpu.dma_semaphore, #tpu.memory_space<semaphore_mem>>)
        %dma_wait3A_265 = tpu.memref_slice %arg2[%add3A_194] : memref<330240xi32, #tpu.memory_space<hbm>> -> memref<80xi32, #tpu.memory_space<hbm>>
        %dma_wait3A_266 = tpu.memref_slice %arg2[%add3A_194] : memref<330240xi32, #tpu.memory_space<hbm>> -> memref<80xi32, #tpu.memory_space<hbm>>
        tpu.wait_dma2 semaphore(%run_scoped3A : memref<!tpu.dma_semaphore, #tpu.memory_space<semaphore_mem>>) src(%dma_wait3A_266 : memref<80xi32, #tpu.memory_space<hbm>>) dst(%arg10 : memref<80xi32, #tpu.memory_space<vmem>>)
        tpu.yield
      }) : () -> ()
      "tpu.region"() ({
        %run_scoped3A = tpu.sem_alloc : memref<!tpu.dma_semaphore, #tpu.memory_space<semaphore_mem>>
        %dma_start3A_263 = tpu.memref_slice %arg3[%add3A_194] : memref<330240xi32, #tpu.memory_space<hbm>> -> memref<80xi32, #tpu.memory_space<hbm>>
        %dma_start3A_264 = tpu.memref_slice %arg3[%add3A_194] : memref<330240xi32, #tpu.memory_space<hbm>> -> memref<80xi32, #tpu.memory_space<hbm>>
        tpu.enqueue_dma source(%dma_start3A_264 : memref<80xi32, #tpu.memory_space<hbm>>) target(%arg12 : memref<80xi32, #tpu.memory_space<vmem>>) target_semaphore(%run_scoped3A : memref<!tpu.dma_semaphore, #tpu.memory_space<semaphore_mem>>)
        %dma_wait3A_265 = tpu.memref_slice %arg3[%add3A_194] : memref<330240xi32, #tpu.memory_space<hbm>> -> memref<80xi32, #tpu.memory_space<hbm>>
        %dma_wait3A_266 = tpu.memref_slice %arg3[%add3A_194] : memref<330240xi32, #tpu.memory_space<hbm>> -> memref<80xi32, #tpu.memory_space<hbm>>
        tpu.wait_dma2 semaphore(%run_scoped3A : memref<!tpu.dma_semaphore, #tpu.memory_space<semaphore_mem>>) src(%dma_wait3A_266 : memref<80xi32, #tpu.memory_space<hbm>>) dst(%arg12 : memref<80xi32, #tpu.memory_space<vmem>>)
        tpu.yield
      }) : () -> ()
      %mul3A_195 = arith.constant 330240 : i32
      %mul3A_196 = arith.muli %add3A_102, %mul3A_195 : i32
      %add3A_197 = arith.addi %mul3A_196, %add3A_194 : i32
      %multiple_of3A = tpu.assume_multiple %add3A_197, 8 : i32
      "tpu.region"() ({
        %run_scoped3A = tpu.sem_alloc : memref<!tpu.dma_semaphore, #tpu.memory_space<semaphore_mem>>
        %dma_start3A_263 = tpu.memref_slice %arg4[%multiple_of3A] : memref<2641920xf32, #tpu.memory_space<hbm>> -> memref<80xf32, #tpu.memory_space<hbm>>
        %dma_start3A_264 = tpu.memref_slice %arg4[%multiple_of3A] : memref<2641920xf32, #tpu.memory_space<hbm>> -> memref<80xf32, #tpu.memory_space<hbm>>
        tpu.enqueue_dma source(%dma_start3A_264 : memref<80xf32, #tpu.memory_space<hbm>>) target(%arg14 : memref<80xf32, #tpu.memory_space<vmem>>) target_semaphore(%run_scoped3A : memref<!tpu.dma_semaphore, #tpu.memory_space<semaphore_mem>>)
        %dma_wait3A_265 = tpu.memref_slice %arg4[%multiple_of3A] : memref<2641920xf32, #tpu.memory_space<hbm>> -> memref<80xf32, #tpu.memory_space<hbm>>
        %dma_wait3A_266 = tpu.memref_slice %arg4[%multiple_of3A] : memref<2641920xf32, #tpu.memory_space<hbm>> -> memref<80xf32, #tpu.memory_space<hbm>>
        tpu.wait_dma2 semaphore(%run_scoped3A : memref<!tpu.dma_semaphore, #tpu.memory_space<semaphore_mem>>) src(%dma_wait3A_266 : memref<80xf32, #tpu.memory_space<hbm>>) dst(%arg14 : memref<80xf32, #tpu.memory_space<vmem>>)
        tpu.yield
      }) : () -> ()
      %scan3A_198 = arith.constant 0 : i32
      %scan3A_199 = arith.constant 0 : i32
      %scan3A_200 = arith.constant 5 : i32
      %scan3A_201 = arith.addi %scan3A_199, %scan3A_200 : i32
      %scan3A_202 = arith.constant 1 : i32
      scf.for %scan3A_263 = %scan3A_199 to %scan3A_201 step %scan3A_202  : i32 {
        %mul3A_264 = arith.constant 16 : i32
        %mul3A_265 = arith.muli %scan3A_263, %mul3A_264 : i32
        %get3A = arith.index_cast %mul3A_265 : i32 to index
        %get3A_266 = tpu.vector_load %arg10[%get3A] {strides = array<i32>} : memref<80xi32, #tpu.memory_space<vmem>>, vector<16xi32>,
        %add3A_267 = vector.broadcast %mul3A_104 : i32 to vector<16xi32>
        %add3A_268 = arith.addi %get3A_266, %add3A_267 : vector<16xi32>
        %swap3A = arith.index_cast %mul3A_265 : i32 to index
        %swap3A_269 = tpu.vector_load %arg10[%swap3A] {strides = array<i32>} : memref<80xi32, #tpu.memory_space<vmem>>, vector<16xi32>,
        tpu.vector_store %arg10[%swap3A], %add3A_268 {strides = array<i32>} : memref<80xi32, #tpu.memory_space<vmem>>, vector<16xi32>,
      }
      %scan3A_203 = arith.constant 5 : i32
      %dma_start3A = arith.constant 0 : i32
      %dma_start3A_204 = arith.constant 0 : i32
      %dma_start3A_205 = tpu.memref_slice %arg5[%dma_start3A, %dma_start3A_204] : memref<81920x128xf32, #tpu.memory_space<hbm>> -> memref<81920x128xf32, #tpu.memory_space<hbm>>
      tpu.enqueue_indirect_dma source(%dma_start3A_205 : memref<81920x128xf32, #tpu.memory_space<hbm>>) target(%arg16 : memref<80x128xf32, #tpu.memory_space<vmem>>) offsets(%arg10 : memref<80xi32, #tpu.memory_space<vmem>>) semaphore(%arg24 : memref<!tpu.dma_semaphore, #tpu.memory_space<semaphore_mem>>)
      %mul3A_206 = arith.constant 2 : i32
      %mul3A_207 = arith.muli %mul3A_206, %scan3A_189 : i32
      %add3A_208 = arith.constant 1 : i32
      %add3A_209 = arith.addi %mul3A_207, %add3A_208 : i32
      %mul3A_210 = arith.constant 80 : i32
      %mul3A_211 = arith.muli %add3A_209, %mul3A_210 : i32
      %add3A_212 = arith.addi %mul3A_0, %mul3A_211 : i32
      "tpu.region"() ({
        %run_scoped3A = tpu.sem_alloc : memref<!tpu.dma_semaphore, #tpu.memory_space<semaphore_mem>>
        %dma_start3A_263 = tpu.memref_slice %arg2[%add3A_212] : memref<330240xi32, #tpu.memory_space<hbm>> -> memref<80xi32, #tpu.memory_space<hbm>>
        %dma_start3A_264 = tpu.memref_slice %arg2[%add3A_212] : memref<330240xi32, #tpu.memory_space<hbm>> -> memref<80xi32, #tpu.memory_space<hbm>>
        tpu.enqueue_dma source(%dma_start3A_264 : memref<80xi32, #tpu.memory_space<hbm>>) target(%arg11 : memref<80xi32, #tpu.memory_space<vmem>>) target_semaphore(%run_scoped3A : memref<!tpu.dma_semaphore, #tpu.memory_space<semaphore_mem>>)
        %dma_wait3A_265 = tpu.memref_slice %arg2[%add3A_212] : memref<330240xi32, #tpu.memory_space<hbm>> -> memref<80xi32, #tpu.memory_space<hbm>>
        %dma_wait3A_266 = tpu.memref_slice %arg2[%add3A_212] : memref<330240xi32, #tpu.memory_space<hbm>> -> memref<80xi32, #tpu.memory_space<hbm>>
        tpu.wait_dma2 semaphore(%run_scoped3A : memref<!tpu.dma_semaphore, #tpu.memory_space<semaphore_mem>>) src(%dma_wait3A_266 : memref<80xi32, #tpu.memory_space<hbm>>) dst(%arg11 : memref<80xi32, #tpu.memory_space<vmem>>)
        tpu.yield
      }) : () -> ()
      "tpu.region"() ({
        %run_scoped3A = tpu.sem_alloc : memref<!tpu.dma_semaphore, #tpu.memory_space<semaphore_mem>>
        %dma_start3A_263 = tpu.memref_slice %arg3[%add3A_212] : memref<330240xi32, #tpu.memory_space<hbm>> -> memref<80xi32, #tpu.memory_space<hbm>>
        %dma_start3A_264 = tpu.memref_slice %arg3[%add3A_212] : memref<330240xi32, #tpu.memory_space<hbm>> -> memref<80xi32, #tpu.memory_space<hbm>>
        tpu.enqueue_dma source(%dma_start3A_264 : memref<80xi32, #tpu.memory_space<hbm>>) target(%arg13 : memref<80xi32, #tpu.memory_space<vmem>>) target_semaphore(%run_scoped3A : memref<!tpu.dma_semaphore, #tpu.memory_space<semaphore_mem>>)
        %dma_wait3A_265 = tpu.memref_slice %arg3[%add3A_212] : memref<330240xi32, #tpu.memory_space<hbm>> -> memref<80xi32, #tpu.memory_space<hbm>>
        %dma_wait3A_266 = tpu.memref_slice %arg3[%add3A_212] : memref<330240xi32, #tpu.memory_space<hbm>> -> memref<80xi32, #tpu.memory_space<hbm>>
        tpu.wait_dma2 semaphore(%run_scoped3A : memref<!tpu.dma_semaphore, #tpu.memory_space<semaphore_mem>>) src(%dma_wait3A_266 : memref<80xi32, #tpu.memory_space<hbm>>) dst(%arg13 : memref<80xi32, #tpu.memory_space<vmem>>)
        tpu.yield
      }) : () -> ()
      %mul3A_213 = arith.constant 330240 : i32
      %mul3A_214 = arith.muli %add3A_102, %mul3A_213 : i32
      %add3A_215 = arith.addi %mul3A_214, %add3A_212 : i32
      %multiple_of3A_216 = tpu.assume_multiple %add3A_215, 8 : i32
      "tpu.region"() ({
        %run_scoped3A = tpu.sem_alloc : memref<!tpu.dma_semaphore, #tpu.memory_space<semaphore_mem>>
        %dma_start3A_263 = tpu.memref_slice %arg4[%multiple_of3A_216] : memref<2641920xf32, #tpu.memory_space<hbm>> -> memref<80xf32, #tpu.memory_space<hbm>>
        %dma_start3A_264 = tpu.memref_slice %arg4[%multiple_of3A_216] : memref<2641920xf32, #tpu.memory_space<hbm>> -> memref<80xf32, #tpu.memory_space<hbm>>
        tpu.enqueue_dma source(%dma_start3A_264 : memref<80xf32, #tpu.memory_space<hbm>>) target(%arg15 : memref<80xf32, #tpu.memory_space<vmem>>) target_semaphore(%run_scoped3A : memref<!tpu.dma_semaphore, #tpu.memory_space<semaphore_mem>>)
        %dma_wait3A_265 = tpu.memref_slice %arg4[%multiple_of3A_216] : memref<2641920xf32, #tpu.memory_space<hbm>> -> memref<80xf32, #tpu.memory_space<hbm>>
        %dma_wait3A_266 = tpu.memref_slice %arg4[%multiple_of3A_216] : memref<2641920xf32, #tpu.memory_space<hbm>> -> memref<80xf32, #tpu.memory_space<hbm>>
        tpu.wait_dma2 semaphore(%run_scoped3A : memref<!tpu.dma_semaphore, #tpu.memory_space<semaphore_mem>>) src(%dma_wait3A_266 : memref<80xf32, #tpu.memory_space<hbm>>) dst(%arg15 : memref<80xf32, #tpu.memory_space<vmem>>)
        tpu.yield
      }) : () -> ()
      %scan3A_217 = arith.constant 0 : i32
      %scan3A_218 = arith.constant 0 : i32
      %scan3A_219 = arith.constant 5 : i32
      %scan3A_220 = arith.addi %scan3A_218, %scan3A_219 : i32
      %scan3A_221 = arith.constant 1 : i32
      scf.for %scan3A_263 = %scan3A_218 to %scan3A_220 step %scan3A_221  : i32 {
        %mul3A_264 = arith.constant 16 : i32
        %mul3A_265 = arith.muli %scan3A_263, %mul3A_264 : i32
        %get3A = arith.index_cast %mul3A_265 : i32 to index
        %get3A_266 = tpu.vector_load %arg11[%get3A] {strides = array<i32>} : memref<80xi32, #tpu.memory_space<vmem>>, vector<16xi32>,
        %add3A_267 = vector.broadcast %mul3A_104 : i32 to vector<16xi32>
        %add3A_268 = arith.addi %get3A_266, %add3A_267 : vector<16xi32>
        %swap3A = arith.index_cast %mul3A_265 : i32 to index
        %swap3A_269 = tpu.vector_load %arg11[%swap3A] {strides = array<i32>} : memref<80xi32, #tpu.memory_space<vmem>>, vector<16xi32>,
        tpu.vector_store %arg11[%swap3A], %add3A_268 {strides = array<i32>} : memref<80xi32, #tpu.memory_space<vmem>>, vector<16xi32>,
      }
      %scan3A_222 = arith.constant 5 : i32
      %dma_start3A_223 = arith.constant 0 : i32
      %dma_start3A_224 = arith.constant 0 : i32
      %dma_start3A_225 = tpu.memref_slice %arg5[%dma_start3A_223, %dma_start3A_224] : memref<81920x128xf32, #tpu.memory_space<hbm>> -> memref<81920x128xf32, #tpu.memory_space<hbm>>
      tpu.enqueue_indirect_dma source(%dma_start3A_225 : memref<81920x128xf32, #tpu.memory_space<hbm>>) target(%arg17 : memref<80x128xf32, #tpu.memory_space<vmem>>) offsets(%arg11 : memref<80xi32, #tpu.memory_space<vmem>>) semaphore(%arg25 : memref<!tpu.dma_semaphore, #tpu.memory_space<semaphore_mem>>)
      %dma_wait3A = arith.constant 0 : i32
      %dma_wait3A_226 = arith.constant 0 : i32
      %dma_wait3A_227 = tpu.memref_slice %arg5[%dma_wait3A, %dma_wait3A_226] : memref<81920x128xf32, #tpu.memory_space<hbm>> -> memref<81920x128xf32, #tpu.memory_space<hbm>>
      tpu.wait_indirect_dma semaphore(%arg24 : memref<!tpu.dma_semaphore, #tpu.memory_space<semaphore_mem>>) src(%dma_wait3A_227 : memref<81920x128xf32, #tpu.memory_space<hbm>>) dst(%arg16 : memref<80x128xf32, #tpu.memory_space<vmem>>)
      %scan3A_228 = arith.constant 0 : i32
      %scan3A_229 = arith.constant 0 : i32
      %scan3A_230 = arith.constant 80 : i32
      %scan3A_231 = arith.addi %scan3A_229, %scan3A_230 : i32
      %scan3A_232 = arith.constant 1 : i32
      scf.for %scan3A_263 = %scan3A_229 to %scan3A_231 step %scan3A_232  : i32 {
        %add3A_264 = vector.broadcast %scan3A_263 : i32 to vector<16xi32>
        %add3A_265 = arith.addi %broadcast_in_dim3A_5, %add3A_264 : vector<16xi32>
        %gather3A = tpu.vector_load_idx %arg14[%add3A_265] : memref<80xf32, #tpu.memory_space<vmem>>[vector<16xi32>], vector<16xf32>,
        %add3A_266 = arith.constant 0 : i32
        %add3A_267 = vector.broadcast %add3A_266 : i32 to vector<16xi32>
        %add3A_268 = arith.addi %iota3A, %add3A_267 : vector<16xi32>
        %gather3A_269 = tpu.vector_load_idx %arg16[%add3A_265, %add3A_268] : memref<80x128xf32, #tpu.memory_space<vmem>>[vector<16xi32>, vector<16xi32>], vector<16xf32>,
        %mul3A_270 = arith.mulf %gather3A_269, %gather3A : vector<16xf32>
        tpu.vector_store_idx %arg16[%add3A_265, %add3A_268], %mul3A_270 : memref<80x128xf32, #tpu.memory_space<vmem>>[vector<16xi32>, vector<16xi32>], vector<16xf32>,
        %add3A_271 = arith.constant 16 : i32
        %add3A_272 = vector.broadcast %add3A_271 : i32 to vector<16xi32>
        %add3A_273 = arith.addi %iota3A, %add3A_272 : vector<16xi32>
        %gather3A_274 = tpu.vector_load_idx %arg16[%add3A_265, %add3A_273] : memref<80x128xf32, #tpu.memory_space<vmem>>[vector<16xi32>, vector<16xi32>], vector<16xf32>,
        %mul3A_275 = arith.mulf %gather3A_274, %gather3A : vector<16xf32>
        tpu.vector_store_idx %arg16[%add3A_265, %add3A_273], %mul3A_275 : memref<80x128xf32, #tpu.memory_space<vmem>>[vector<16xi32>, vector<16xi32>], vector<16xf32>,
        %add3A_276 = arith.constant 32 : i32
        %add3A_277 = vector.broadcast %add3A_276 : i32 to vector<16xi32>
        %add3A_278 = arith.addi %iota3A, %add3A_277 : vector<16xi32>
        %gather3A_279 = tpu.vector_load_idx %arg16[%add3A_265, %add3A_278] : memref<80x128xf32, #tpu.memory_space<vmem>>[vector<16xi32>, vector<16xi32>], vector<16xf32>,
        %mul3A_280 = arith.mulf %gather3A_279, %gather3A : vector<16xf32>
        tpu.vector_store_idx %arg16[%add3A_265, %add3A_278], %mul3A_280 : memref<80x128xf32, #tpu.memory_space<vmem>>[vector<16xi32>, vector<16xi32>], vector<16xf32>,
        %add3A_281 = arith.constant 48 : i32
        %add3A_282 = vector.broadcast %add3A_281 : i32 to vector<16xi32>
        %add3A_283 = arith.addi %iota3A, %add3A_282 : vector<16xi32>
        %gather3A_284 = tpu.vector_load_idx %arg16[%add3A_265, %add3A_283] : memref<80x128xf32, #tpu.memory_space<vmem>>[vector<16xi32>, vector<16xi32>], vector<16xf32>,
        %mul3A_285 = arith.mulf %gather3A_284, %gather3A : vector<16xf32>
        tpu.vector_store_idx %arg16[%add3A_265, %add3A_283], %mul3A_285 : memref<80x128xf32, #tpu.memory_space<vmem>>[vector<16xi32>, vector<16xi32>], vector<16xf32>,
        %add3A_286 = arith.constant 64 : i32
        %add3A_287 = vector.broadcast %add3A_286 : i32 to vector<16xi32>
        %add3A_288 = arith.addi %iota3A, %add3A_287 : vector<16xi32>
        %gather3A_289 = tpu.vector_load_idx %arg16[%add3A_265, %add3A_288] : memref<80x128xf32, #tpu.memory_space<vmem>>[vector<16xi32>, vector<16xi32>], vector<16xf32>,
        %mul3A_290 = arith.mulf %gather3A_289, %gather3A : vector<16xf32>
        tpu.vector_store_idx %arg16[%add3A_265, %add3A_288], %mul3A_290 : memref<80x128xf32, #tpu.memory_space<vmem>>[vector<16xi32>, vector<16xi32>], vector<16xf32>,
        %add3A_291 = arith.constant 80 : i32
        %add3A_292 = vector.broadcast %add3A_291 : i32 to vector<16xi32>
        %add3A_293 = arith.addi %iota3A, %add3A_292 : vector<16xi32>
        %gather3A_294 = tpu.vector_load_idx %arg16[%add3A_265, %add3A_293] : memref<80x128xf32, #tpu.memory_space<vmem>>[vector<16xi32>, vector<16xi32>], vector<16xf32>,
        %mul3A_295 = arith.mulf %gather3A_294, %gather3A : vector<16xf32>
        tpu.vector_store_idx %arg16[%add3A_265, %add3A_293], %mul3A_295 : memref<80x128xf32, #tpu.memory_space<vmem>>[vector<16xi32>, vector<16xi32>], vector<16xf32>,
        %add3A_296 = arith.constant 96 : i32
        %add3A_297 = vector.broadcast %add3A_296 : i32 to vector<16xi32>
        %add3A_298 = arith.addi %iota3A, %add3A_297 : vector<16xi32>
        %gather3A_299 = tpu.vector_load_idx %arg16[%add3A_265, %add3A_298] : memref<80x128xf32, #tpu.memory_space<vmem>>[vector<16xi32>, vector<16xi32>], vector<16xf32>,
        %mul3A_300 = arith.mulf %gather3A_299, %gather3A : vector<16xf32>
        tpu.vector_store_idx %arg16[%add3A_265, %add3A_298], %mul3A_300 : memref<80x128xf32, #tpu.memory_space<vmem>>[vector<16xi32>, vector<16xi32>], vector<16xf32>,
        %add3A_301 = arith.constant 112 : i32
        %add3A_302 = vector.broadcast %add3A_301 : i32 to vector<16xi32>
        %add3A_303 = arith.addi %iota3A, %add3A_302 : vector<16xi32>
        %gather3A_304 = tpu.vector_load_idx %arg16[%add3A_265, %add3A_303] : memref<80x128xf32, #tpu.memory_space<vmem>>[vector<16xi32>, vector<16xi32>], vector<16xf32>,
        %mul3A_305 = arith.mulf %gather3A_304, %gather3A : vector<16xf32>
        tpu.vector_store_idx %arg16[%add3A_265, %add3A_303], %mul3A_305 : memref<80x128xf32, #tpu.memory_space<vmem>>[vector<16xi32>, vector<16xi32>], vector<16xf32>,
      }
      %scan3A_233 = arith.constant 80 : i32
      %dma_start3A_234 = arith.constant 0 : i32
      %dma_start3A_235 = arith.constant 0 : i32
      %dma_start3A_236 = tpu.memref_slice %arg8[%dma_start3A_234, %dma_start3A_235] : memref<10240x128xf32, #tpu.memory_space<vmem_shared>> -> memref<10240x128xf32, #tpu.memory_space<vmem_shared>>
      tpu.enqueue_indirect_dma source(%arg16 : memref<80x128xf32, #tpu.memory_space<vmem>>) target(%dma_start3A_236 : memref<10240x128xf32, #tpu.memory_space<vmem_shared>>) offsets(%arg12 : memref<80xi32, #tpu.memory_space<vmem>>) semaphore(%arg26 : memref<!tpu.dma_semaphore, #tpu.memory_space<semaphore_mem>>) {add = true}
      %dma_start3A_237 = arith.constant 0 : i32
      %dma_start3A_238 = tpu.memref_slice %arg9[%dma_start3A_237] : memref<10240xf32, #tpu.memory_space<vmem_shared>> -> memref<10240xf32, #tpu.memory_space<vmem_shared>>
      tpu.enqueue_indirect_dma source(%arg14 : memref<80xf32, #tpu.memory_space<vmem>>) target(%dma_start3A_238 : memref<10240xf32, #tpu.memory_space<vmem_shared>>) offsets(%arg12 : memref<80xi32, #tpu.memory_space<vmem>>) semaphore(%arg27 : memref<!tpu.dma_semaphore, #tpu.memory_space<semaphore_mem>>) {add = true}
      %dma_wait3A_239 = arith.constant 0 : i32
      %dma_wait3A_240 = arith.constant 0 : i32
      %dma_wait3A_241 = tpu.memref_slice %arg5[%dma_wait3A_239, %dma_wait3A_240] : memref<81920x128xf32, #tpu.memory_space<hbm>> -> memref<81920x128xf32, #tpu.memory_space<hbm>>
      tpu.wait_indirect_dma semaphore(%arg25 : memref<!tpu.dma_semaphore, #tpu.memory_space<semaphore_mem>>) src(%dma_wait3A_241 : memref<81920x128xf32, #tpu.memory_space<hbm>>) dst(%arg17 : memref<80x128xf32, #tpu.memory_space<vmem>>)
      %scan3A_242 = arith.constant 0 : i32
      %scan3A_243 = arith.constant 0 : i32
      %scan3A_244 = arith.constant 80 : i32
      %scan3A_245 = arith.addi %scan3A_243, %scan3A_244 : i32
      %scan3A_246 = arith.constant 1 : i32
      scf.for %scan3A_263 = %scan3A_243 to %scan3A_245 step %scan3A_246  : i32 {
        %add3A_264 = vector.broadcast %scan3A_263 : i32 to vector<16xi32>
        %add3A_265 = arith.addi %broadcast_in_dim3A_5, %add3A_264 : vector<16xi32>
        %gather3A = tpu.vector_load_idx %arg15[%add3A_265] : memref<80xf32, #tpu.memory_space<vmem>>[vector<16xi32>], vector<16xf32>,
        %add3A_266 = arith.constant 0 : i32
        %add3A_267 = vector.broadcast %add3A_266 : i32 to vector<16xi32>
        %add3A_268 = arith.addi %iota3A, %add3A_267 : vector<16xi32>
        %gather3A_269 = tpu.vector_load_idx %arg17[%add3A_265, %add3A_268] : memref<80x128xf32, #tpu.memory_space<vmem>>[vector<16xi32>, vector<16xi32>], vector<16xf32>,
        %mul3A_270 = arith.mulf %gather3A_269, %gather3A : vector<16xf32>
        tpu.vector_store_idx %arg17[%add3A_265, %add3A_268], %mul3A_270 : memref<80x128xf32, #tpu.memory_space<vmem>>[vector<16xi32>, vector<16xi32>], vector<16xf32>,
        %add3A_271 = arith.constant 16 : i32
        %add3A_272 = vector.broadcast %add3A_271 : i32 to vector<16xi32>
        %add3A_273 = arith.addi %iota3A, %add3A_272 : vector<16xi32>
        %gather3A_274 = tpu.vector_load_idx %arg17[%add3A_265, %add3A_273] : memref<80x128xf32, #tpu.memory_space<vmem>>[vector<16xi32>, vector<16xi32>], vector<16xf32>,
        %mul3A_275 = arith.mulf %gather3A_274, %gather3A : vector<16xf32>
        tpu.vector_store_idx %arg17[%add3A_265, %add3A_273], %mul3A_275 : memref<80x128xf32, #tpu.memory_space<vmem>>[vector<16xi32>, vector<16xi32>], vector<16xf32>,
        %add3A_276 = arith.constant 32 : i32
        %add3A_277 = vector.broadcast %add3A_276 : i32 to vector<16xi32>
        %add3A_278 = arith.addi %iota3A, %add3A_277 : vector<16xi32>
        %gather3A_279 = tpu.vector_load_idx %arg17[%add3A_265, %add3A_278] : memref<80x128xf32, #tpu.memory_space<vmem>>[vector<16xi32>, vector<16xi32>], vector<16xf32>,
        %mul3A_280 = arith.mulf %gather3A_279, %gather3A : vector<16xf32>
        tpu.vector_store_idx %arg17[%add3A_265, %add3A_278], %mul3A_280 : memref<80x128xf32, #tpu.memory_space<vmem>>[vector<16xi32>, vector<16xi32>], vector<16xf32>,
        %add3A_281 = arith.constant 48 : i32
        %add3A_282 = vector.broadcast %add3A_281 : i32 to vector<16xi32>
        %add3A_283 = arith.addi %iota3A, %add3A_282 : vector<16xi32>
        %gather3A_284 = tpu.vector_load_idx %arg17[%add3A_265, %add3A_283] : memref<80x128xf32, #tpu.memory_space<vmem>>[vector<16xi32>, vector<16xi32>], vector<16xf32>,
        %mul3A_285 = arith.mulf %gather3A_284, %gather3A : vector<16xf32>
        tpu.vector_store_idx %arg17[%add3A_265, %add3A_283], %mul3A_285 : memref<80x128xf32, #tpu.memory_space<vmem>>[vector<16xi32>, vector<16xi32>], vector<16xf32>,
        %add3A_286 = arith.constant 64 : i32
        %add3A_287 = vector.broadcast %add3A_286 : i32 to vector<16xi32>
        %add3A_288 = arith.addi %iota3A, %add3A_287 : vector<16xi32>
        %gather3A_289 = tpu.vector_load_idx %arg17[%add3A_265, %add3A_288] : memref<80x128xf32, #tpu.memory_space<vmem>>[vector<16xi32>, vector<16xi32>], vector<16xf32>,
        %mul3A_290 = arith.mulf %gather3A_289, %gather3A : vector<16xf32>
        tpu.vector_store_idx %arg17[%add3A_265, %add3A_288], %mul3A_290 : memref<80x128xf32, #tpu.memory_space<vmem>>[vector<16xi32>, vector<16xi32>], vector<16xf32>,
        %add3A_291 = arith.constant 80 : i32
        %add3A_292 = vector.broadcast %add3A_291 : i32 to vector<16xi32>
        %add3A_293 = arith.addi %iota3A, %add3A_292 : vector<16xi32>
        %gather3A_294 = tpu.vector_load_idx %arg17[%add3A_265, %add3A_293] : memref<80x128xf32, #tpu.memory_space<vmem>>[vector<16xi32>, vector<16xi32>], vector<16xf32>,
        %mul3A_295 = arith.mulf %gather3A_294, %gather3A : vector<16xf32>
        tpu.vector_store_idx %arg17[%add3A_265, %add3A_293], %mul3A_295 : memref<80x128xf32, #tpu.memory_space<vmem>>[vector<16xi32>, vector<16xi32>], vector<16xf32>,
        %add3A_296 = arith.constant 96 : i32
        %add3A_297 = vector.broadcast %add3A_296 : i32 to vector<16xi32>
        %add3A_298 = arith.addi %iota3A, %add3A_297 : vector<16xi32>
        %gather3A_299 = tpu.vector_load_idx %arg17[%add3A_265, %add3A_298] : memref<80x128xf32, #tpu.memory_space<vmem>>[vector<16xi32>, vector<16xi32>], vector<16xf32>,
        %mul3A_300 = arith.mulf %gather3A_299, %gather3A : vector<16xf32>
        tpu.vector_store_idx %arg17[%add3A_265, %add3A_298], %mul3A_300 : memref<80x128xf32, #tpu.memory_space<vmem>>[vector<16xi32>, vector<16xi32>], vector<16xf32>,
        %add3A_301 = arith.constant 112 : i32
        %add3A_302 = vector.broadcast %add3A_301 : i32 to vector<16xi32>
        %add3A_303 = arith.addi %iota3A, %add3A_302 : vector<16xi32>
        %gather3A_304 = tpu.vector_load_idx %arg17[%add3A_265, %add3A_303] : memref<80x128xf32, #tpu.memory_space<vmem>>[vector<16xi32>, vector<16xi32>], vector<16xf32>,
        %mul3A_305 = arith.mulf %gather3A_304, %gather3A : vector<16xf32>
        tpu.vector_store_idx %arg17[%add3A_265, %add3A_303], %mul3A_305 : memref<80x128xf32, #tpu.memory_space<vmem>>[vector<16xi32>, vector<16xi32>], vector<16xf32>,
      }
      %scan3A_247 = arith.constant 80 : i32
      %dma_start3A_248 = arith.constant 0 : i32
      %dma_start3A_249 = arith.constant 0 : i32
      %dma_start3A_250 = tpu.memref_slice %arg8[%dma_start3A_248, %dma_start3A_249] : memref<10240x128xf32, #tpu.memory_space<vmem_shared>> -> memref<10240x128xf32, #tpu.memory_space<vmem_shared>>
      tpu.enqueue_indirect_dma source(%arg17 : memref<80x128xf32, #tpu.memory_space<vmem>>) target(%dma_start3A_250 : memref<10240x128xf32, #tpu.memory_space<vmem_shared>>) offsets(%arg13 : memref<80xi32, #tpu.memory_space<vmem>>) semaphore(%arg28 : memref<!tpu.dma_semaphore, #tpu.memory_space<semaphore_mem>>) {add = true}
      %dma_start3A_251 = arith.constant 0 : i32
      %dma_start3A_252 = tpu.memref_slice %arg9[%dma_start3A_251] : memref<10240xf32, #tpu.memory_space<vmem_shared>> -> memref<10240xf32, #tpu.memory_space<vmem_shared>>
      tpu.enqueue_indirect_dma source(%arg15 : memref<80xf32, #tpu.memory_space<vmem>>) target(%dma_start3A_252 : memref<10240xf32, #tpu.memory_space<vmem_shared>>) offsets(%arg13 : memref<80xi32, #tpu.memory_space<vmem>>) semaphore(%arg29 : memref<!tpu.dma_semaphore, #tpu.memory_space<semaphore_mem>>) {add = true}
      %dma_wait3A_253 = arith.constant 0 : i32
      %dma_wait3A_254 = arith.constant 0 : i32
      %dma_wait3A_255 = tpu.memref_slice %arg8[%dma_wait3A_253, %dma_wait3A_254] : memref<10240x128xf32, #tpu.memory_space<vmem_shared>> -> memref<10240x128xf32, #tpu.memory_space<vmem_shared>>
      tpu.wait_indirect_dma semaphore(%arg26 : memref<!tpu.dma_semaphore, #tpu.memory_space<semaphore_mem>>) src(%arg16 : memref<80x128xf32, #tpu.memory_space<vmem>>) dst(%dma_wait3A_255 : memref<10240x128xf32, #tpu.memory_space<vmem_shared>>)
      %dma_wait3A_256 = arith.constant 0 : i32
      %dma_wait3A_257 = tpu.memref_slice %arg9[%dma_wait3A_256] : memref<10240xf32, #tpu.memory_space<vmem_shared>> -> memref<10240xf32, #tpu.memory_space<vmem_shared>>
      tpu.wait_indirect_dma semaphore(%arg27 : memref<!tpu.dma_semaphore, #tpu.memory_space<semaphore_mem>>) src(%arg14 : memref<80xf32, #tpu.memory_space<vmem>>) dst(%dma_wait3A_257 : memref<10240xf32, #tpu.memory_space<vmem_shared>>)
      %dma_wait3A_258 = arith.constant 0 : i32
      %dma_wait3A_259 = arith.constant 0 : i32
      %dma_wait3A_260 = tpu.memref_slice %arg8[%dma_wait3A_258, %dma_wait3A_259] : memref<10240x128xf32, #tpu.memory_space<vmem_shared>> -> memref<10240x128xf32, #tpu.memory_space<vmem_shared>>
      tpu.wait_indirect_dma semaphore(%arg28 : memref<!tpu.dma_semaphore, #tpu.memory_space<semaphore_mem>>) src(%arg17 : memref<80x128xf32, #tpu.memory_space<vmem>>) dst(%dma_wait3A_260 : memref<10240x128xf32, #tpu.memory_space<vmem_shared>>)
      %dma_wait3A_261 = arith.constant 0 : i32
      %dma_wait3A_262 = tpu.memref_slice %arg9[%dma_wait3A_261] : memref<10240xf32, #tpu.memory_space<vmem_shared>> -> memref<10240xf32, #tpu.memory_space<vmem_shared>>
      tpu.wait_indirect_dma semaphore(%arg29 : memref<!tpu.dma_semaphore, #tpu.memory_space<semaphore_mem>>) src(%arg15 : memref<80xf32, #tpu.memory_space<vmem>>) dst(%dma_wait3A_262 : memref<10240xf32, #tpu.memory_space<vmem_shared>>)
    }
    %scan3A_129 = arith.constant 129 : i32
    %barrier3A_130 = arith.constant 0 : index
    tpu.barrier barrier_id(%barrier3A_130)
    %scan3A_131 = arith.constant 0 : i32
    %scan3A_132 = arith.constant 0 : i32
    %scan3A_133 = arith.constant 20 : i32
    %scan3A_134 = arith.addi %scan3A_132, %scan3A_133 : i32
    %scan3A_135 = arith.constant 1 : i32
    scf.for %scan3A_189 = %scan3A_132 to %scan3A_134 step %scan3A_135  : i32 {
      %mul3A_190 = arith.constant 32 : i32
      %mul3A_191 = arith.muli %scan3A_189, %mul3A_190 : i32
      %add3A_192 = arith.addi %mul3A_2, %mul3A_191 : i32
      %add3A_193 = vector.broadcast %add3A_192 : i32 to vector<16xi32>
      %add3A_194 = arith.addi %iota3A, %add3A_193 : vector<16xi32>
      %swap3A = arith.constant 0 : index
      %swap3A_195 = tpu.vector_load %arg19[%swap3A] {strides = array<i32>} : memref<32xi32, #tpu.memory_space<vmem>>, vector<16xi32>,
      tpu.vector_store %arg19[%swap3A], %add3A_194 {strides = array<i32>} : memref<32xi32, #tpu.memory_space<vmem>>, vector<16xi32>,
      %add3A_196 = arith.constant 16 : i32
      %add3A_197 = arith.addi %add3A_192, %add3A_196 : i32
      %add3A_198 = vector.broadcast %add3A_197 : i32 to vector<16xi32>
      %add3A_199 = arith.addi %iota3A, %add3A_198 : vector<16xi32>
      %swap3A_200 = arith.constant 16 : index
      %swap3A_201 = tpu.vector_load %arg19[%swap3A_200] {strides = array<i32>} : memref<32xi32, #tpu.memory_space<vmem>>, vector<16xi32>,
      tpu.vector_store %arg19[%swap3A_200], %add3A_199 {strides = array<i32>} : memref<32xi32, #tpu.memory_space<vmem>>, vector<16xi32>,
      %dma_start3A = arith.constant 0 : i32
      %dma_start3A_202 = arith.constant 0 : i32
      %dma_start3A_203 = tpu.memref_slice %arg8[%dma_start3A, %dma_start3A_202] : memref<10240x128xf32, #tpu.memory_space<vmem_shared>> -> memref<10240x128xf32, #tpu.memory_space<vmem_shared>>
      tpu.enqueue_indirect_dma source(%dma_start3A_203 : memref<10240x128xf32, #tpu.memory_space<vmem_shared>>) target(%arg18 : memref<32x128xf32, #tpu.memory_space<vmem>>) offsets(%arg19 : memref<32xi32, #tpu.memory_space<vmem>>) semaphore(%arg23 : memref<!tpu.dma_semaphore, #tpu.memory_space<semaphore_mem>>)
      %dma_wait3A = arith.constant 0 : i32
      %dma_wait3A_204 = arith.constant 0 : i32
      %dma_wait3A_205 = tpu.memref_slice %arg8[%dma_wait3A, %dma_wait3A_204] : memref<10240x128xf32, #tpu.memory_space<vmem_shared>> -> memref<10240x128xf32, #tpu.memory_space<vmem_shared>>
      tpu.wait_indirect_dma semaphore(%arg23 : memref<!tpu.dma_semaphore, #tpu.memory_space<semaphore_mem>>) src(%dma_wait3A_205 : memref<10240x128xf32, #tpu.memory_space<vmem_shared>>) dst(%arg18 : memref<32x128xf32, #tpu.memory_space<vmem>>)
      "tpu.region"() ({
        %run_scoped3A = tpu.sem_alloc : memref<!tpu.dma_semaphore, #tpu.memory_space<semaphore_mem>>
        %dma_start3A_206 = arith.constant 0 : i32
        %dma_start3A_207 = tpu.memref_slice %arg6[%add3A_102, %add3A_192, %dma_start3A_206] : memref<8x10240x128xf32, #tpu.memory_space<hbm>> -> memref<1x32x128xf32, #tpu.memory_space<hbm>>
        %dma_start3A_208 = tpu.memref_squeeze %dma_start3A_207 : memref<1x32x128xf32, #tpu.memory_space<hbm>> -> memref<32x128xf32, #tpu.memory_space<hbm>>
        %dma_start3A_209 = arith.constant 0 : i32
        %dma_start3A_210 = tpu.memref_slice %arg6[%add3A_102, %add3A_192, %dma_start3A_209] : memref<8x10240x128xf32, #tpu.memory_space<hbm>> -> memref<1x32x128xf32, #tpu.memory_space<hbm>>
        %dma_start3A_211 = tpu.memref_squeeze %dma_start3A_210 : memref<1x32x128xf32, #tpu.memory_space<hbm>> -> memref<32x128xf32, #tpu.memory_space<hbm>>
        tpu.enqueue_dma source(%arg18 : memref<32x128xf32, #tpu.memory_space<vmem>>) target(%dma_start3A_211 : memref<32x128xf32, #tpu.memory_space<hbm>>) target_semaphore(%run_scoped3A : memref<!tpu.dma_semaphore, #tpu.memory_space<semaphore_mem>>)
        %dma_wait3A_212 = arith.constant 0 : i32
        %dma_wait3A_213 = tpu.memref_slice %arg6[%add3A_102, %add3A_192, %dma_wait3A_212] : memref<8x10240x128xf32, #tpu.memory_space<hbm>> -> memref<1x32x128xf32, #tpu.memory_space<hbm>>
        %dma_wait3A_214 = tpu.memref_squeeze %dma_wait3A_213 : memref<1x32x128xf32, #tpu.memory_space<hbm>> -> memref<32x128xf32, #tpu.memory_space<hbm>>
        %dma_wait3A_215 = arith.constant 0 : i32
        %dma_wait3A_216 = tpu.memref_slice %arg6[%add3A_102, %add3A_192, %dma_wait3A_215] : memref<8x10240x128xf32, #tpu.memory_space<hbm>> -> memref<1x32x128xf32, #tpu.memory_space<hbm>>
        %dma_wait3A_217 = tpu.memref_squeeze %dma_wait3A_216 : memref<1x32x128xf32, #tpu.memory_space<hbm>> -> memref<32x128xf32, #tpu.memory_space<hbm>>
        tpu.wait_dma2 semaphore(%run_scoped3A : memref<!tpu.dma_semaphore, #tpu.memory_space<semaphore_mem>>) src(%arg18 : memref<32x128xf32, #tpu.memory_space<vmem>>) dst(%dma_wait3A_217 : memref<32x128xf32, #tpu.memory_space<hbm>>)
        tpu.yield
      }) : () -> ()
    }
    %scan3A_136 = arith.constant 20 : i32
    %scan3A_137 = arith.constant 0 : i32
    %scan3A_138 = arith.constant 0 : i32
    %scan3A_139 = arith.constant 5 : i32
    %scan3A_140 = arith.addi %scan3A_138, %scan3A_139 : i32
    %scan3A_141 = arith.constant 1 : i32
    scf.for %scan3A_189 = %scan3A_138 to %scan3A_140 step %scan3A_141  : i32 {
      %mul3A_190 = arith.constant 128 : i32
      %mul3A_191 = arith.muli %scan3A_189, %mul3A_190 : i32
      %add3A_192 = arith.addi %mul3A_2, %mul3A_191 : i32
      %scan3A_193 = arith.constant 0 : i32
      %scan3A_194 = arith.constant 0 : i32
      %scan3A_195 = arith.constant 8 : i32
      %scan3A_196 = arith.addi %scan3A_194, %scan3A_195 : i32
      %scan3A_197 = arith.constant 1 : i32
      scf.for %scan3A_204 = %scan3A_194 to %scan3A_196 step %scan3A_197  : i32 {
        %mul3A_205 = arith.constant 16 : i32
        %mul3A_206 = arith.muli %scan3A_204, %mul3A_205 : i32
        %add3A_207 = arith.addi %add3A_192, %mul3A_206 : i32
        %add3A_208 = vector.broadcast %add3A_207 : i32 to vector<16xi32>
        %add3A_209 = arith.addi %iota3A, %add3A_208 : vector<16xi32>
        %mul3A_210 = arith.constant 16 : i32
        %mul3A_211 = arith.muli %scan3A_204, %mul3A_210 : i32
        %swap3A = arith.index_cast %mul3A_211 : i32 to index
        %swap3A_212 = tpu.vector_load %arg22[%swap3A] {strides = array<i32>} : memref<128xi32, #tpu.memory_space<vmem>>, vector<16xi32>,
        tpu.vector_store %arg22[%swap3A], %add3A_209 {strides = array<i32>} : memref<128xi32, #tpu.memory_space<vmem>>, vector<16xi32>,
      }
      %scan3A_198 = arith.constant 8 : i32
      %dma_start3A = arith.constant 0 : i32
      %dma_start3A_199 = tpu.memref_slice %arg9[%dma_start3A] : memref<10240xf32, #tpu.memory_space<vmem_shared>> -> memref<10240xf32, #tpu.memory_space<vmem_shared>>
      tpu.enqueue_indirect_dma source(%dma_start3A_199 : memref<10240xf32, #tpu.memory_space<vmem_shared>>) target(%arg21 : memref<128xf32, #tpu.memory_space<vmem>>) offsets(%arg22 : memref<128xi32, #tpu.memory_space<vmem>>) semaphore(%arg23 : memref<!tpu.dma_semaphore, #tpu.memory_space<semaphore_mem>>)
      %dma_wait3A = arith.constant 0 : i32
      %dma_wait3A_200 = tpu.memref_slice %arg9[%dma_wait3A] : memref<10240xf32, #tpu.memory_space<vmem_shared>> -> memref<10240xf32, #tpu.memory_space<vmem_shared>>
      tpu.wait_indirect_dma semaphore(%arg23 : memref<!tpu.dma_semaphore, #tpu.memory_space<semaphore_mem>>) src(%dma_wait3A_200 : memref<10240xf32, #tpu.memory_space<vmem_shared>>) dst(%arg21 : memref<128xf32, #tpu.memory_space<vmem>>)
      %mul3A_201 = arith.constant 10240 : i32
      %mul3A_202 = arith.muli %add3A_102, %mul3A_201 : i32
      %add3A_203 = arith.addi %mul3A_202, %add3A_192 : i32
      %multiple_of3A = tpu.assume_multiple %add3A_203, 8 : i32
      "tpu.region"() ({
        %run_scoped3A = tpu.sem_alloc : memref<!tpu.dma_semaphore, #tpu.memory_space<semaphore_mem>>
        %dma_start3A_204 = tpu.memref_slice %arg7[%multiple_of3A] : memref<81920xf32, #tpu.memory_space<hbm>> -> memref<128xf32, #tpu.memory_space<hbm>>
        %dma_start3A_205 = tpu.memref_slice %arg7[%multiple_of3A] : memref<81920xf32, #tpu.memory_space<hbm>> -> memref<128xf32, #tpu.memory_space<hbm>>
        tpu.enqueue_dma source(%arg21 : memref<128xf32, #tpu.memory_space<vmem>>) target(%dma_start3A_205 : memref<128xf32, #tpu.memory_space<hbm>>) target_semaphore(%run_scoped3A : memref<!tpu.dma_semaphore, #tpu.memory_space<semaphore_mem>>)
        %dma_wait3A_206 = tpu.memref_slice %arg7[%multiple_of3A] : memref<81920xf32, #tpu.memory_space<hbm>> -> memref<128xf32, #tpu.memory_space<hbm>>
        %dma_wait3A_207 = tpu.memref_slice %arg7[%multiple_of3A] : memref<81920xf32, #tpu.memory_space<hbm>> -> memref<128xf32, #tpu.memory_space<hbm>>
        tpu.wait_dma2 semaphore(%run_scoped3A : memref<!tpu.dma_semaphore, #tpu.memory_space<semaphore_mem>>) src(%arg21 : memref<128xf32, #tpu.memory_space<vmem>>) dst(%dma_wait3A_207 : memref<128xf32, #tpu.memory_space<hbm>>)
        tpu.yield
      }) : () -> ()
    }
    %scan3A_142 = arith.constant 5 : i32
    %barrier3A_143 = arith.constant 0 : index
    tpu.barrier barrier_id(%barrier3A_143)
    %mul3A_144 = arith.constant 4 : i32
    %mul3A_145 = arith.muli %arg0, %mul3A_144 : i32
    %add3A_146 = arith.constant 3 : i32
    %add3A_147 = arith.addi %mul3A_145, %add3A_146 : i32
    %mul3A_148 = arith.constant 10240 : i32
    %mul3A_149 = arith.muli %add3A_147, %mul3A_148 : i32
    %scan3A_150 = arith.constant 0 : i32
    %scan3A_151 = arith.constant 0 : i32
    %scan3A_152 = arith.constant 32 : i32
    %scan3A_153 = arith.addi %scan3A_151, %scan3A_152 : i32
    %scan3A_154 = arith.constant 1 : i32
    scf.for %scan3A_189 = %scan3A_151 to %scan3A_153 step %scan3A_154  : i32 {
      %add3A_190 = vector.broadcast %scan3A_189 : i32 to vector<16xi32>
      %add3A_191 = arith.addi %broadcast_in_dim3A_5, %add3A_190 : vector<16xi32>
      %add3A_192 = arith.constant 0 : i32
      %add3A_193 = vector.broadcast %add3A_192 : i32 to vector<16xi32>
      %add3A_194 = arith.addi %iota3A, %add3A_193 : vector<16xi32>
      tpu.vector_store_idx %arg18[%add3A_191, %add3A_194], %broadcast_in_dim3A_3 : memref<32x128xf32, #tpu.memory_space<vmem>>[vector<16xi32>, vector<16xi32>], vector<16xf32>,
      %add3A_195 = arith.constant 16 : i32
      %add3A_196 = vector.broadcast %add3A_195 : i32 to vector<16xi32>
      %add3A_197 = arith.addi %iota3A, %add3A_196 : vector<16xi32>
      tpu.vector_store_idx %arg18[%add3A_191, %add3A_197], %broadcast_in_dim3A_3 : memref<32x128xf32, #tpu.memory_space<vmem>>[vector<16xi32>, vector<16xi32>], vector<16xf32>,
      %add3A_198 = arith.constant 32 : i32
      %add3A_199 = vector.broadcast %add3A_198 : i32 to vector<16xi32>
      %add3A_200 = arith.addi %iota3A, %add3A_199 : vector<16xi32>
      tpu.vector_store_idx %arg18[%add3A_191, %add3A_200], %broadcast_in_dim3A_3 : memref<32x128xf32, #tpu.memory_space<vmem>>[vector<16xi32>, vector<16xi32>], vector<16xf32>,
      %add3A_201 = arith.constant 48 : i32
      %add3A_202 = vector.broadcast %add3A_201 : i32 to vector<16xi32>
      %add3A_203 = arith.addi %iota3A, %add3A_202 : vector<16xi32>
      tpu.vector_store_idx %arg18[%add3A_191, %add3A_203], %broadcast_in_dim3A_3 : memref<32x128xf32, #tpu.memory_space<vmem>>[vector<16xi32>, vector<16xi32>], vector<16xf32>,
      %add3A_204 = arith.constant 64 : i32
      %add3A_205 = vector.broadcast %add3A_204 : i32 to vector<16xi32>
      %add3A_206 = arith.addi %iota3A, %add3A_205 : vector<16xi32>
      tpu.vector_store_idx %arg18[%add3A_191, %add3A_206], %broadcast_in_dim3A_3 : memref<32x128xf32, #tpu.memory_space<vmem>>[vector<16xi32>, vector<16xi32>], vector<16xf32>,
      %add3A_207 = arith.constant 80 : i32
      %add3A_208 = vector.broadcast %add3A_207 : i32 to vector<16xi32>
      %add3A_209 = arith.addi %iota3A, %add3A_208 : vector<16xi32>
      tpu.vector_store_idx %arg18[%add3A_191, %add3A_209], %broadcast_in_dim3A_3 : memref<32x128xf32, #tpu.memory_space<vmem>>[vector<16xi32>, vector<16xi32>], vector<16xf32>,
      %add3A_210 = arith.constant 96 : i32
      %add3A_211 = vector.broadcast %add3A_210 : i32 to vector<16xi32>
      %add3A_212 = arith.addi %iota3A, %add3A_211 : vector<16xi32>
      tpu.vector_store_idx %arg18[%add3A_191, %add3A_212], %broadcast_in_dim3A_3 : memref<32x128xf32, #tpu.memory_space<vmem>>[vector<16xi32>, vector<16xi32>], vector<16xf32>,
      %add3A_213 = arith.constant 112 : i32
      %add3A_214 = vector.broadcast %add3A_213 : i32 to vector<16xi32>
      %add3A_215 = arith.addi %iota3A, %add3A_214 : vector<16xi32>
      tpu.vector_store_idx %arg18[%add3A_191, %add3A_215], %broadcast_in_dim3A_3 : memref<32x128xf32, #tpu.memory_space<vmem>>[vector<16xi32>, vector<16xi32>], vector<16xf32>,
    }
    %scan3A_155 = arith.constant 32 : i32
    %scan3A_156 = arith.constant 0 : i32
    %scan3A_157 = arith.constant 0 : i32
    %scan3A_158 = arith.constant 20 : i32
    %scan3A_159 = arith.addi %scan3A_157, %scan3A_158 : i32
    %scan3A_160 = arith.constant 1 : i32
    scf.for %scan3A_189 = %scan3A_157 to %scan3A_159 step %scan3A_160  : i32 {
      %mul3A_190 = arith.constant 32 : i32
      %mul3A_191 = arith.muli %scan3A_189, %mul3A_190 : i32
      %add3A_192 = arith.addi %mul3A_2, %mul3A_191 : i32
      %add3A_193 = vector.broadcast %add3A_192 : i32 to vector<16xi32>
      %add3A_194 = arith.addi %iota3A, %add3A_193 : vector<16xi32>
      %swap3A = arith.constant 0 : index
      %swap3A_195 = tpu.vector_load %arg19[%swap3A] {strides = array<i32>} : memref<32xi32, #tpu.memory_space<vmem>>, vector<16xi32>,
      tpu.vector_store %arg19[%swap3A], %add3A_194 {strides = array<i32>} : memref<32xi32, #tpu.memory_space<vmem>>, vector<16xi32>,
      %add3A_196 = arith.constant 16 : i32
      %add3A_197 = arith.addi %add3A_192, %add3A_196 : i32
      %add3A_198 = vector.broadcast %add3A_197 : i32 to vector<16xi32>
      %add3A_199 = arith.addi %iota3A, %add3A_198 : vector<16xi32>
      %swap3A_200 = arith.constant 16 : index
      %swap3A_201 = tpu.vector_load %arg19[%swap3A_200] {strides = array<i32>} : memref<32xi32, #tpu.memory_space<vmem>>, vector<16xi32>,
      tpu.vector_store %arg19[%swap3A_200], %add3A_199 {strides = array<i32>} : memref<32xi32, #tpu.memory_space<vmem>>, vector<16xi32>,
      "tpu.region"() ({
        %run_scoped3A = tpu.sem_alloc : memref<!tpu.dma_semaphore, #tpu.memory_space<semaphore_mem>>
        %dma_start3A = arith.constant 0 : i32
        %dma_start3A_202 = arith.constant 0 : i32
        %dma_start3A_203 = tpu.memref_slice %arg8[%dma_start3A, %dma_start3A_202] : memref<10240x128xf32, #tpu.memory_space<vmem_shared>> -> memref<10240x128xf32, #tpu.memory_space<vmem_shared>>
        tpu.enqueue_indirect_dma source(%arg18 : memref<32x128xf32, #tpu.memory_space<vmem>>) target(%dma_start3A_203 : memref<10240x128xf32, #tpu.memory_space<vmem_shared>>) offsets(%arg19 : memref<32xi32, #tpu.memory_space<vmem>>) semaphore(%run_scoped3A : memref<!tpu.dma_semaphore, #tpu.memory_space<semaphore_mem>>)
        %dma_wait3A = arith.constant 0 : i32
        %dma_wait3A_204 = arith.constant 0 : i32
        %dma_wait3A_205 = tpu.memref_slice %arg8[%dma_wait3A, %dma_wait3A_204] : memref<10240x128xf32, #tpu.memory_space<vmem_shared>> -> memref<10240x128xf32, #tpu.memory_space<vmem_shared>>
        tpu.wait_indirect_dma semaphore(%run_scoped3A : memref<!tpu.dma_semaphore, #tpu.memory_space<semaphore_mem>>) src(%arg18 : memref<32x128xf32, #tpu.memory_space<vmem>>) dst(%dma_wait3A_205 : memref<10240x128xf32, #tpu.memory_space<vmem_shared>>)
        tpu.yield
      }) : () -> ()
    }
    %scan3A_161 = arith.constant 20 : i32
    %scan3A_162 = arith.constant 0 : i32
    %scan3A_163 = arith.constant 0 : i32
    %scan3A_164 = arith.constant 5 : i32
    %scan3A_165 = arith.addi %scan3A_163, %scan3A_164 : i32
    %scan3A_166 = arith.constant 1 : i32
    scf.for %scan3A_189 = %scan3A_163 to %scan3A_165 step %scan3A_166  : i32 {
      %mul3A_190 = arith.constant 128 : i32
      %mul3A_191 = arith.muli %scan3A_189, %mul3A_190 : i32
      %add3A_192 = arith.addi %mul3A_2, %mul3A_191 : i32
      %scan3A_193 = arith.constant 0 : i32
      %scan3A_194 = arith.constant 0 : i32
      %scan3A_195 = arith.constant 8 : i32
      %scan3A_196 = arith.addi %scan3A_194, %scan3A_195 : i32
      %scan3A_197 = arith.constant 1 : i32
      scf.for %scan3A_199 = %scan3A_194 to %scan3A_196 step %scan3A_197  : i32 {
        %mul3A_200 = arith.constant 16 : i32
        %mul3A_201 = arith.muli %scan3A_199, %mul3A_200 : i32
        %add3A_202 = arith.addi %add3A_192, %mul3A_201 : i32
        %add3A_203 = vector.broadcast %add3A_202 : i32 to vector<16xi32>
        %add3A_204 = arith.addi %iota3A, %add3A_203 : vector<16xi32>
        %mul3A_205 = arith.constant 16 : i32
        %mul3A_206 = arith.muli %scan3A_199, %mul3A_205 : i32
        %swap3A = arith.index_cast %mul3A_206 : i32 to index
        %swap3A_207 = tpu.vector_load %arg22[%swap3A] {strides = array<i32>} : memref<128xi32, #tpu.memory_space<vmem>>, vector<16xi32>,
        tpu.vector_store %arg22[%swap3A], %add3A_204 {strides = array<i32>} : memref<128xi32, #tpu.memory_space<vmem>>, vector<16xi32>,
      }
      %scan3A_198 = arith.constant 8 : i32
      "tpu.region"() ({
        %run_scoped3A = tpu.sem_alloc : memref<!tpu.dma_semaphore, #tpu.memory_space<semaphore_mem>>
        %dma_start3A = arith.constant 0 : i32
        %dma_start3A_199 = tpu.memref_slice %arg9[%dma_start3A] : memref<10240xf32, #tpu.memory_space<vmem_shared>> -> memref<10240xf32, #tpu.memory_space<vmem_shared>>
        tpu.enqueue_indirect_dma source(%arg20 : memref<128xf32, #tpu.memory_space<vmem>>) target(%dma_start3A_199 : memref<10240xf32, #tpu.memory_space<vmem_shared>>) offsets(%arg22 : memref<128xi32, #tpu.memory_space<vmem>>) semaphore(%run_scoped3A : memref<!tpu.dma_semaphore, #tpu.memory_space<semaphore_mem>>)
        %dma_wait3A = arith.constant 0 : i32
        %dma_wait3A_200 = tpu.memref_slice %arg9[%dma_wait3A] : memref<10240xf32, #tpu.memory_space<vmem_shared>> -> memref<10240xf32, #tpu.memory_space<vmem_shared>>
        tpu.wait_indirect_dma semaphore(%run_scoped3A : memref<!tpu.dma_semaphore, #tpu.memory_space<semaphore_mem>>) src(%arg20 : memref<128xf32, #tpu.memory_space<vmem>>) dst(%dma_wait3A_200 : memref<10240xf32, #tpu.memory_space<vmem_shared>>)
        tpu.yield
      }) : () -> ()
    }
    %scan3A_167 = arith.constant 5 : i32
    %barrier3A_168 = arith.constant 0 : index
    tpu.barrier barrier_id(%barrier3A_168)
    %scan3A_169 = arith.constant 0 : i32
    %scan3A_170 = arith.constant 0 : i32
    %scan3A_171 = arith.constant 129 : i32
    %scan3A_172 = arith.addi %scan3A_170, %scan3A_171 : i32
    %scan3A_173 = arith.constant 1 : i32
    scf.for %scan3A_189 = %scan3A_170 to %scan3A_172 step %scan3A_173  : i32 {
      %mul3A_190 = arith.constant 2 : i32
      %mul3A_191 = arith.muli %mul3A_190, %scan3A_189 : i32
      %mul3A_192 = arith.constant 80 : i32
      %mul3A_193 = arith.muli %mul3A_191, %mul3A_192 : i32
      %add3A_194 = arith.addi %mul3A_0, %mul3A_193 : i32
      "tpu.region"() ({
        %run_scoped3A = tpu.sem_alloc : memref<!tpu.dma_semaphore, #tpu.memory_space<semaphore_mem>>
        %dma_start3A_263 = tpu.memref_slice %arg2[%add3A_194] : memref<330240xi32, #tpu.memory_space<hbm>> -> memref<80xi32, #tpu.memory_space<hbm>>
        %dma_start3A_264 = tpu.memref_slice %arg2[%add3A_194] : memref<330240xi32, #tpu.memory_space<hbm>> -> memref<80xi32, #tpu.memory_space<hbm>>
        tpu.enqueue_dma source(%dma_start3A_264 : memref<80xi32, #tpu.memory_space<hbm>>) target(%arg10 : memref<80xi32, #tpu.memory_space<vmem>>) target_semaphore(%run_scoped3A : memref<!tpu.dma_semaphore, #tpu.memory_space<semaphore_mem>>)
        %dma_wait3A_265 = tpu.memref_slice %arg2[%add3A_194] : memref<330240xi32, #tpu.memory_space<hbm>> -> memref<80xi32, #tpu.memory_space<hbm>>
        %dma_wait3A_266 = tpu.memref_slice %arg2[%add3A_194] : memref<330240xi32, #tpu.memory_space<hbm>> -> memref<80xi32, #tpu.memory_space<hbm>>
        tpu.wait_dma2 semaphore(%run_scoped3A : memref<!tpu.dma_semaphore, #tpu.memory_space<semaphore_mem>>) src(%dma_wait3A_266 : memref<80xi32, #tpu.memory_space<hbm>>) dst(%arg10 : memref<80xi32, #tpu.memory_space<vmem>>)
        tpu.yield
      }) : () -> ()
      "tpu.region"() ({
        %run_scoped3A = tpu.sem_alloc : memref<!tpu.dma_semaphore, #tpu.memory_space<semaphore_mem>>
        %dma_start3A_263 = tpu.memref_slice %arg3[%add3A_194] : memref<330240xi32, #tpu.memory_space<hbm>> -> memref<80xi32, #tpu.memory_space<hbm>>
        %dma_start3A_264 = tpu.memref_slice %arg3[%add3A_194] : memref<330240xi32, #tpu.memory_space<hbm>> -> memref<80xi32, #tpu.memory_space<hbm>>
        tpu.enqueue_dma source(%dma_start3A_264 : memref<80xi32, #tpu.memory_space<hbm>>) target(%arg12 : memref<80xi32, #tpu.memory_space<vmem>>) target_semaphore(%run_scoped3A : memref<!tpu.dma_semaphore, #tpu.memory_space<semaphore_mem>>)
        %dma_wait3A_265 = tpu.memref_slice %arg3[%add3A_194] : memref<330240xi32, #tpu.memory_space<hbm>> -> memref<80xi32, #tpu.memory_space<hbm>>
        %dma_wait3A_266 = tpu.memref_slice %arg3[%add3A_194] : memref<330240xi32, #tpu.memory_space<hbm>> -> memref<80xi32, #tpu.memory_space<hbm>>
        tpu.wait_dma2 semaphore(%run_scoped3A : memref<!tpu.dma_semaphore, #tpu.memory_space<semaphore_mem>>) src(%dma_wait3A_266 : memref<80xi32, #tpu.memory_space<hbm>>) dst(%arg12 : memref<80xi32, #tpu.memory_space<vmem>>)
        tpu.yield
      }) : () -> ()
      %mul3A_195 = arith.constant 330240 : i32
      %mul3A_196 = arith.muli %add3A_147, %mul3A_195 : i32
      %add3A_197 = arith.addi %mul3A_196, %add3A_194 : i32
      %multiple_of3A = tpu.assume_multiple %add3A_197, 8 : i32
      "tpu.region"() ({
        %run_scoped3A = tpu.sem_alloc : memref<!tpu.dma_semaphore, #tpu.memory_space<semaphore_mem>>
        %dma_start3A_263 = tpu.memref_slice %arg4[%multiple_of3A] : memref<2641920xf32, #tpu.memory_space<hbm>> -> memref<80xf32, #tpu.memory_space<hbm>>
        %dma_start3A_264 = tpu.memref_slice %arg4[%multiple_of3A] : memref<2641920xf32, #tpu.memory_space<hbm>> -> memref<80xf32, #tpu.memory_space<hbm>>
        tpu.enqueue_dma source(%dma_start3A_264 : memref<80xf32, #tpu.memory_space<hbm>>) target(%arg14 : memref<80xf32, #tpu.memory_space<vmem>>) target_semaphore(%run_scoped3A : memref<!tpu.dma_semaphore, #tpu.memory_space<semaphore_mem>>)
        %dma_wait3A_265 = tpu.memref_slice %arg4[%multiple_of3A] : memref<2641920xf32, #tpu.memory_space<hbm>> -> memref<80xf32, #tpu.memory_space<hbm>>
        %dma_wait3A_266 = tpu.memref_slice %arg4[%multiple_of3A] : memref<2641920xf32, #tpu.memory_space<hbm>> -> memref<80xf32, #tpu.memory_space<hbm>>
        tpu.wait_dma2 semaphore(%run_scoped3A : memref<!tpu.dma_semaphore, #tpu.memory_space<semaphore_mem>>) src(%dma_wait3A_266 : memref<80xf32, #tpu.memory_space<hbm>>) dst(%arg14 : memref<80xf32, #tpu.memory_space<vmem>>)
        tpu.yield
      }) : () -> ()
      %scan3A_198 = arith.constant 0 : i32
      %scan3A_199 = arith.constant 0 : i32
      %scan3A_200 = arith.constant 5 : i32
      %scan3A_201 = arith.addi %scan3A_199, %scan3A_200 : i32
      %scan3A_202 = arith.constant 1 : i32
      scf.for %scan3A_263 = %scan3A_199 to %scan3A_201 step %scan3A_202  : i32 {
        %mul3A_264 = arith.constant 16 : i32
        %mul3A_265 = arith.muli %scan3A_263, %mul3A_264 : i32
        %get3A = arith.index_cast %mul3A_265 : i32 to index
        %get3A_266 = tpu.vector_load %arg10[%get3A] {strides = array<i32>} : memref<80xi32, #tpu.memory_space<vmem>>, vector<16xi32>,
        %add3A_267 = vector.broadcast %mul3A_149 : i32 to vector<16xi32>
        %add3A_268 = arith.addi %get3A_266, %add3A_267 : vector<16xi32>
        %swap3A = arith.index_cast %mul3A_265 : i32 to index
        %swap3A_269 = tpu.vector_load %arg10[%swap3A] {strides = array<i32>} : memref<80xi32, #tpu.memory_space<vmem>>, vector<16xi32>,
        tpu.vector_store %arg10[%swap3A], %add3A_268 {strides = array<i32>} : memref<80xi32, #tpu.memory_space<vmem>>, vector<16xi32>,
      }
      %scan3A_203 = arith.constant 5 : i32
      %dma_start3A = arith.constant 0 : i32
      %dma_start3A_204 = arith.constant 0 : i32
      %dma_start3A_205 = tpu.memref_slice %arg5[%dma_start3A, %dma_start3A_204] : memref<81920x128xf32, #tpu.memory_space<hbm>> -> memref<81920x128xf32, #tpu.memory_space<hbm>>
      tpu.enqueue_indirect_dma source(%dma_start3A_205 : memref<81920x128xf32, #tpu.memory_space<hbm>>) target(%arg16 : memref<80x128xf32, #tpu.memory_space<vmem>>) offsets(%arg10 : memref<80xi32, #tpu.memory_space<vmem>>) semaphore(%arg24 : memref<!tpu.dma_semaphore, #tpu.memory_space<semaphore_mem>>)
      %mul3A_206 = arith.constant 2 : i32
      %mul3A_207 = arith.muli %mul3A_206, %scan3A_189 : i32
      %add3A_208 = arith.constant 1 : i32
      %add3A_209 = arith.addi %mul3A_207, %add3A_208 : i32
      %mul3A_210 = arith.constant 80 : i32
      %mul3A_211 = arith.muli %add3A_209, %mul3A_210 : i32
      %add3A_212 = arith.addi %mul3A_0, %mul3A_211 : i32
      "tpu.region"() ({
        %run_scoped3A = tpu.sem_alloc : memref<!tpu.dma_semaphore, #tpu.memory_space<semaphore_mem>>
        %dma_start3A_263 = tpu.memref_slice %arg2[%add3A_212] : memref<330240xi32, #tpu.memory_space<hbm>> -> memref<80xi32, #tpu.memory_space<hbm>>
        %dma_start3A_264 = tpu.memref_slice %arg2[%add3A_212] : memref<330240xi32, #tpu.memory_space<hbm>> -> memref<80xi32, #tpu.memory_space<hbm>>
        tpu.enqueue_dma source(%dma_start3A_264 : memref<80xi32, #tpu.memory_space<hbm>>) target(%arg11 : memref<80xi32, #tpu.memory_space<vmem>>) target_semaphore(%run_scoped3A : memref<!tpu.dma_semaphore, #tpu.memory_space<semaphore_mem>>)
        %dma_wait3A_265 = tpu.memref_slice %arg2[%add3A_212] : memref<330240xi32, #tpu.memory_space<hbm>> -> memref<80xi32, #tpu.memory_space<hbm>>
        %dma_wait3A_266 = tpu.memref_slice %arg2[%add3A_212] : memref<330240xi32, #tpu.memory_space<hbm>> -> memref<80xi32, #tpu.memory_space<hbm>>
        tpu.wait_dma2 semaphore(%run_scoped3A : memref<!tpu.dma_semaphore, #tpu.memory_space<semaphore_mem>>) src(%dma_wait3A_266 : memref<80xi32, #tpu.memory_space<hbm>>) dst(%arg11 : memref<80xi32, #tpu.memory_space<vmem>>)
        tpu.yield
      }) : () -> ()
      "tpu.region"() ({
        %run_scoped3A = tpu.sem_alloc : memref<!tpu.dma_semaphore, #tpu.memory_space<semaphore_mem>>
        %dma_start3A_263 = tpu.memref_slice %arg3[%add3A_212] : memref<330240xi32, #tpu.memory_space<hbm>> -> memref<80xi32, #tpu.memory_space<hbm>>
        %dma_start3A_264 = tpu.memref_slice %arg3[%add3A_212] : memref<330240xi32, #tpu.memory_space<hbm>> -> memref<80xi32, #tpu.memory_space<hbm>>
        tpu.enqueue_dma source(%dma_start3A_264 : memref<80xi32, #tpu.memory_space<hbm>>) target(%arg13 : memref<80xi32, #tpu.memory_space<vmem>>) target_semaphore(%run_scoped3A : memref<!tpu.dma_semaphore, #tpu.memory_space<semaphore_mem>>)
        %dma_wait3A_265 = tpu.memref_slice %arg3[%add3A_212] : memref<330240xi32, #tpu.memory_space<hbm>> -> memref<80xi32, #tpu.memory_space<hbm>>
        %dma_wait3A_266 = tpu.memref_slice %arg3[%add3A_212] : memref<330240xi32, #tpu.memory_space<hbm>> -> memref<80xi32, #tpu.memory_space<hbm>>
        tpu.wait_dma2 semaphore(%run_scoped3A : memref<!tpu.dma_semaphore, #tpu.memory_space<semaphore_mem>>) src(%dma_wait3A_266 : memref<80xi32, #tpu.memory_space<hbm>>) dst(%arg13 : memref<80xi32, #tpu.memory_space<vmem>>)
        tpu.yield
      }) : () -> ()
      %mul3A_213 = arith.constant 330240 : i32
      %mul3A_214 = arith.muli %add3A_147, %mul3A_213 : i32
      %add3A_215 = arith.addi %mul3A_214, %add3A_212 : i32
      %multiple_of3A_216 = tpu.assume_multiple %add3A_215, 8 : i32
      "tpu.region"() ({
        %run_scoped3A = tpu.sem_alloc : memref<!tpu.dma_semaphore, #tpu.memory_space<semaphore_mem>>
        %dma_start3A_263 = tpu.memref_slice %arg4[%multiple_of3A_216] : memref<2641920xf32, #tpu.memory_space<hbm>> -> memref<80xf32, #tpu.memory_space<hbm>>
        %dma_start3A_264 = tpu.memref_slice %arg4[%multiple_of3A_216] : memref<2641920xf32, #tpu.memory_space<hbm>> -> memref<80xf32, #tpu.memory_space<hbm>>
        tpu.enqueue_dma source(%dma_start3A_264 : memref<80xf32, #tpu.memory_space<hbm>>) target(%arg15 : memref<80xf32, #tpu.memory_space<vmem>>) target_semaphore(%run_scoped3A : memref<!tpu.dma_semaphore, #tpu.memory_space<semaphore_mem>>)
        %dma_wait3A_265 = tpu.memref_slice %arg4[%multiple_of3A_216] : memref<2641920xf32, #tpu.memory_space<hbm>> -> memref<80xf32, #tpu.memory_space<hbm>>
        %dma_wait3A_266 = tpu.memref_slice %arg4[%multiple_of3A_216] : memref<2641920xf32, #tpu.memory_space<hbm>> -> memref<80xf32, #tpu.memory_space<hbm>>
        tpu.wait_dma2 semaphore(%run_scoped3A : memref<!tpu.dma_semaphore, #tpu.memory_space<semaphore_mem>>) src(%dma_wait3A_266 : memref<80xf32, #tpu.memory_space<hbm>>) dst(%arg15 : memref<80xf32, #tpu.memory_space<vmem>>)
        tpu.yield
      }) : () -> ()
      %scan3A_217 = arith.constant 0 : i32
      %scan3A_218 = arith.constant 0 : i32
      %scan3A_219 = arith.constant 5 : i32
      %scan3A_220 = arith.addi %scan3A_218, %scan3A_219 : i32
      %scan3A_221 = arith.constant 1 : i32
      scf.for %scan3A_263 = %scan3A_218 to %scan3A_220 step %scan3A_221  : i32 {
        %mul3A_264 = arith.constant 16 : i32
        %mul3A_265 = arith.muli %scan3A_263, %mul3A_264 : i32
        %get3A = arith.index_cast %mul3A_265 : i32 to index
        %get3A_266 = tpu.vector_load %arg11[%get3A] {strides = array<i32>} : memref<80xi32, #tpu.memory_space<vmem>>, vector<16xi32>,
        %add3A_267 = vector.broadcast %mul3A_149 : i32 to vector<16xi32>
        %add3A_268 = arith.addi %get3A_266, %add3A_267 : vector<16xi32>
        %swap3A = arith.index_cast %mul3A_265 : i32 to index
        %swap3A_269 = tpu.vector_load %arg11[%swap3A] {strides = array<i32>} : memref<80xi32, #tpu.memory_space<vmem>>, vector<16xi32>,
        tpu.vector_store %arg11[%swap3A], %add3A_268 {strides = array<i32>} : memref<80xi32, #tpu.memory_space<vmem>>, vector<16xi32>,
      }
      %scan3A_222 = arith.constant 5 : i32
      %dma_start3A_223 = arith.constant 0 : i32
      %dma_start3A_224 = arith.constant 0 : i32
      %dma_start3A_225 = tpu.memref_slice %arg5[%dma_start3A_223, %dma_start3A_224] : memref<81920x128xf32, #tpu.memory_space<hbm>> -> memref<81920x128xf32, #tpu.memory_space<hbm>>
      tpu.enqueue_indirect_dma source(%dma_start3A_225 : memref<81920x128xf32, #tpu.memory_space<hbm>>) target(%arg17 : memref<80x128xf32, #tpu.memory_space<vmem>>) offsets(%arg11 : memref<80xi32, #tpu.memory_space<vmem>>) semaphore(%arg25 : memref<!tpu.dma_semaphore, #tpu.memory_space<semaphore_mem>>)
      %dma_wait3A = arith.constant 0 : i32
      %dma_wait3A_226 = arith.constant 0 : i32
      %dma_wait3A_227 = tpu.memref_slice %arg5[%dma_wait3A, %dma_wait3A_226] : memref<81920x128xf32, #tpu.memory_space<hbm>> -> memref<81920x128xf32, #tpu.memory_space<hbm>>
      tpu.wait_indirect_dma semaphore(%arg24 : memref<!tpu.dma_semaphore, #tpu.memory_space<semaphore_mem>>) src(%dma_wait3A_227 : memref<81920x128xf32, #tpu.memory_space<hbm>>) dst(%arg16 : memref<80x128xf32, #tpu.memory_space<vmem>>)
      %scan3A_228 = arith.constant 0 : i32
      %scan3A_229 = arith.constant 0 : i32
      %scan3A_230 = arith.constant 80 : i32
      %scan3A_231 = arith.addi %scan3A_229, %scan3A_230 : i32
      %scan3A_232 = arith.constant 1 : i32
      scf.for %scan3A_263 = %scan3A_229 to %scan3A_231 step %scan3A_232  : i32 {
        %add3A_264 = vector.broadcast %scan3A_263 : i32 to vector<16xi32>
        %add3A_265 = arith.addi %broadcast_in_dim3A_5, %add3A_264 : vector<16xi32>
        %gather3A = tpu.vector_load_idx %arg14[%add3A_265] : memref<80xf32, #tpu.memory_space<vmem>>[vector<16xi32>], vector<16xf32>,
        %add3A_266 = arith.constant 0 : i32
        %add3A_267 = vector.broadcast %add3A_266 : i32 to vector<16xi32>
        %add3A_268 = arith.addi %iota3A, %add3A_267 : vector<16xi32>
        %gather3A_269 = tpu.vector_load_idx %arg16[%add3A_265, %add3A_268] : memref<80x128xf32, #tpu.memory_space<vmem>>[vector<16xi32>, vector<16xi32>], vector<16xf32>,
        %mul3A_270 = arith.mulf %gather3A_269, %gather3A : vector<16xf32>
        tpu.vector_store_idx %arg16[%add3A_265, %add3A_268], %mul3A_270 : memref<80x128xf32, #tpu.memory_space<vmem>>[vector<16xi32>, vector<16xi32>], vector<16xf32>,
        %add3A_271 = arith.constant 16 : i32
        %add3A_272 = vector.broadcast %add3A_271 : i32 to vector<16xi32>
        %add3A_273 = arith.addi %iota3A, %add3A_272 : vector<16xi32>
        %gather3A_274 = tpu.vector_load_idx %arg16[%add3A_265, %add3A_273] : memref<80x128xf32, #tpu.memory_space<vmem>>[vector<16xi32>, vector<16xi32>], vector<16xf32>,
        %mul3A_275 = arith.mulf %gather3A_274, %gather3A : vector<16xf32>
        tpu.vector_store_idx %arg16[%add3A_265, %add3A_273], %mul3A_275 : memref<80x128xf32, #tpu.memory_space<vmem>>[vector<16xi32>, vector<16xi32>], vector<16xf32>,
        %add3A_276 = arith.constant 32 : i32
        %add3A_277 = vector.broadcast %add3A_276 : i32 to vector<16xi32>
        %add3A_278 = arith.addi %iota3A, %add3A_277 : vector<16xi32>
        %gather3A_279 = tpu.vector_load_idx %arg16[%add3A_265, %add3A_278] : memref<80x128xf32, #tpu.memory_space<vmem>>[vector<16xi32>, vector<16xi32>], vector<16xf32>,
        %mul3A_280 = arith.mulf %gather3A_279, %gather3A : vector<16xf32>
        tpu.vector_store_idx %arg16[%add3A_265, %add3A_278], %mul3A_280 : memref<80x128xf32, #tpu.memory_space<vmem>>[vector<16xi32>, vector<16xi32>], vector<16xf32>,
        %add3A_281 = arith.constant 48 : i32
        %add3A_282 = vector.broadcast %add3A_281 : i32 to vector<16xi32>
        %add3A_283 = arith.addi %iota3A, %add3A_282 : vector<16xi32>
        %gather3A_284 = tpu.vector_load_idx %arg16[%add3A_265, %add3A_283] : memref<80x128xf32, #tpu.memory_space<vmem>>[vector<16xi32>, vector<16xi32>], vector<16xf32>,
        %mul3A_285 = arith.mulf %gather3A_284, %gather3A : vector<16xf32>
        tpu.vector_store_idx %arg16[%add3A_265, %add3A_283], %mul3A_285 : memref<80x128xf32, #tpu.memory_space<vmem>>[vector<16xi32>, vector<16xi32>], vector<16xf32>,
        %add3A_286 = arith.constant 64 : i32
        %add3A_287 = vector.broadcast %add3A_286 : i32 to vector<16xi32>
        %add3A_288 = arith.addi %iota3A, %add3A_287 : vector<16xi32>
        %gather3A_289 = tpu.vector_load_idx %arg16[%add3A_265, %add3A_288] : memref<80x128xf32, #tpu.memory_space<vmem>>[vector<16xi32>, vector<16xi32>], vector<16xf32>,
        %mul3A_290 = arith.mulf %gather3A_289, %gather3A : vector<16xf32>
        tpu.vector_store_idx %arg16[%add3A_265, %add3A_288], %mul3A_290 : memref<80x128xf32, #tpu.memory_space<vmem>>[vector<16xi32>, vector<16xi32>], vector<16xf32>,
        %add3A_291 = arith.constant 80 : i32
        %add3A_292 = vector.broadcast %add3A_291 : i32 to vector<16xi32>
        %add3A_293 = arith.addi %iota3A, %add3A_292 : vector<16xi32>
        %gather3A_294 = tpu.vector_load_idx %arg16[%add3A_265, %add3A_293] : memref<80x128xf32, #tpu.memory_space<vmem>>[vector<16xi32>, vector<16xi32>], vector<16xf32>,
        %mul3A_295 = arith.mulf %gather3A_294, %gather3A : vector<16xf32>
        tpu.vector_store_idx %arg16[%add3A_265, %add3A_293], %mul3A_295 : memref<80x128xf32, #tpu.memory_space<vmem>>[vector<16xi32>, vector<16xi32>], vector<16xf32>,
        %add3A_296 = arith.constant 96 : i32
        %add3A_297 = vector.broadcast %add3A_296 : i32 to vector<16xi32>
        %add3A_298 = arith.addi %iota3A, %add3A_297 : vector<16xi32>
        %gather3A_299 = tpu.vector_load_idx %arg16[%add3A_265, %add3A_298] : memref<80x128xf32, #tpu.memory_space<vmem>>[vector<16xi32>, vector<16xi32>], vector<16xf32>,
        %mul3A_300 = arith.mulf %gather3A_299, %gather3A : vector<16xf32>
        tpu.vector_store_idx %arg16[%add3A_265, %add3A_298], %mul3A_300 : memref<80x128xf32, #tpu.memory_space<vmem>>[vector<16xi32>, vector<16xi32>], vector<16xf32>,
        %add3A_301 = arith.constant 112 : i32
        %add3A_302 = vector.broadcast %add3A_301 : i32 to vector<16xi32>
        %add3A_303 = arith.addi %iota3A, %add3A_302 : vector<16xi32>
        %gather3A_304 = tpu.vector_load_idx %arg16[%add3A_265, %add3A_303] : memref<80x128xf32, #tpu.memory_space<vmem>>[vector<16xi32>, vector<16xi32>], vector<16xf32>,
        %mul3A_305 = arith.mulf %gather3A_304, %gather3A : vector<16xf32>
        tpu.vector_store_idx %arg16[%add3A_265, %add3A_303], %mul3A_305 : memref<80x128xf32, #tpu.memory_space<vmem>>[vector<16xi32>, vector<16xi32>], vector<16xf32>,
      }
      %scan3A_233 = arith.constant 80 : i32
      %dma_start3A_234 = arith.constant 0 : i32
      %dma_start3A_235 = arith.constant 0 : i32
      %dma_start3A_236 = tpu.memref_slice %arg8[%dma_start3A_234, %dma_start3A_235] : memref<10240x128xf32, #tpu.memory_space<vmem_shared>> -> memref<10240x128xf32, #tpu.memory_space<vmem_shared>>
      tpu.enqueue_indirect_dma source(%arg16 : memref<80x128xf32, #tpu.memory_space<vmem>>) target(%dma_start3A_236 : memref<10240x128xf32, #tpu.memory_space<vmem_shared>>) offsets(%arg12 : memref<80xi32, #tpu.memory_space<vmem>>) semaphore(%arg26 : memref<!tpu.dma_semaphore, #tpu.memory_space<semaphore_mem>>) {add = true}
      %dma_start3A_237 = arith.constant 0 : i32
      %dma_start3A_238 = tpu.memref_slice %arg9[%dma_start3A_237] : memref<10240xf32, #tpu.memory_space<vmem_shared>> -> memref<10240xf32, #tpu.memory_space<vmem_shared>>
      tpu.enqueue_indirect_dma source(%arg14 : memref<80xf32, #tpu.memory_space<vmem>>) target(%dma_start3A_238 : memref<10240xf32, #tpu.memory_space<vmem_shared>>) offsets(%arg12 : memref<80xi32, #tpu.memory_space<vmem>>) semaphore(%arg27 : memref<!tpu.dma_semaphore, #tpu.memory_space<semaphore_mem>>) {add = true}
      %dma_wait3A_239 = arith.constant 0 : i32
      %dma_wait3A_240 = arith.constant 0 : i32
      %dma_wait3A_241 = tpu.memref_slice %arg5[%dma_wait3A_239, %dma_wait3A_240] : memref<81920x128xf32, #tpu.memory_space<hbm>> -> memref<81920x128xf32, #tpu.memory_space<hbm>>
      tpu.wait_indirect_dma semaphore(%arg25 : memref<!tpu.dma_semaphore, #tpu.memory_space<semaphore_mem>>) src(%dma_wait3A_241 : memref<81920x128xf32, #tpu.memory_space<hbm>>) dst(%arg17 : memref<80x128xf32, #tpu.memory_space<vmem>>)
      %scan3A_242 = arith.constant 0 : i32
      %scan3A_243 = arith.constant 0 : i32
      %scan3A_244 = arith.constant 80 : i32
      %scan3A_245 = arith.addi %scan3A_243, %scan3A_244 : i32
      %scan3A_246 = arith.constant 1 : i32
      scf.for %scan3A_263 = %scan3A_243 to %scan3A_245 step %scan3A_246  : i32 {
        %add3A_264 = vector.broadcast %scan3A_263 : i32 to vector<16xi32>
        %add3A_265 = arith.addi %broadcast_in_dim3A_5, %add3A_264 : vector<16xi32>
        %gather3A = tpu.vector_load_idx %arg15[%add3A_265] : memref<80xf32, #tpu.memory_space<vmem>>[vector<16xi32>], vector<16xf32>,
        %add3A_266 = arith.constant 0 : i32
        %add3A_267 = vector.broadcast %add3A_266 : i32 to vector<16xi32>
        %add3A_268 = arith.addi %iota3A, %add3A_267 : vector<16xi32>
        %gather3A_269 = tpu.vector_load_idx %arg17[%add3A_265, %add3A_268] : memref<80x128xf32, #tpu.memory_space<vmem>>[vector<16xi32>, vector<16xi32>], vector<16xf32>,
        %mul3A_270 = arith.mulf %gather3A_269, %gather3A : vector<16xf32>
        tpu.vector_store_idx %arg17[%add3A_265, %add3A_268], %mul3A_270 : memref<80x128xf32, #tpu.memory_space<vmem>>[vector<16xi32>, vector<16xi32>], vector<16xf32>,
        %add3A_271 = arith.constant 16 : i32
        %add3A_272 = vector.broadcast %add3A_271 : i32 to vector<16xi32>
        %add3A_273 = arith.addi %iota3A, %add3A_272 : vector<16xi32>
        %gather3A_274 = tpu.vector_load_idx %arg17[%add3A_265, %add3A_273] : memref<80x128xf32, #tpu.memory_space<vmem>>[vector<16xi32>, vector<16xi32>], vector<16xf32>,
        %mul3A_275 = arith.mulf %gather3A_274, %gather3A : vector<16xf32>
        tpu.vector_store_idx %arg17[%add3A_265, %add3A_273], %mul3A_275 : memref<80x128xf32, #tpu.memory_space<vmem>>[vector<16xi32>, vector<16xi32>], vector<16xf32>,
        %add3A_276 = arith.constant 32 : i32
        %add3A_277 = vector.broadcast %add3A_276 : i32 to vector<16xi32>
        %add3A_278 = arith.addi %iota3A, %add3A_277 : vector<16xi32>
        %gather3A_279 = tpu.vector_load_idx %arg17[%add3A_265, %add3A_278] : memref<80x128xf32, #tpu.memory_space<vmem>>[vector<16xi32>, vector<16xi32>], vector<16xf32>,
        %mul3A_280 = arith.mulf %gather3A_279, %gather3A : vector<16xf32>
        tpu.vector_store_idx %arg17[%add3A_265, %add3A_278], %mul3A_280 : memref<80x128xf32, #tpu.memory_space<vmem>>[vector<16xi32>, vector<16xi32>], vector<16xf32>,
        %add3A_281 = arith.constant 48 : i32
        %add3A_282 = vector.broadcast %add3A_281 : i32 to vector<16xi32>
        %add3A_283 = arith.addi %iota3A, %add3A_282 : vector<16xi32>
        %gather3A_284 = tpu.vector_load_idx %arg17[%add3A_265, %add3A_283] : memref<80x128xf32, #tpu.memory_space<vmem>>[vector<16xi32>, vector<16xi32>], vector<16xf32>,
        %mul3A_285 = arith.mulf %gather3A_284, %gather3A : vector<16xf32>
        tpu.vector_store_idx %arg17[%add3A_265, %add3A_283], %mul3A_285 : memref<80x128xf32, #tpu.memory_space<vmem>>[vector<16xi32>, vector<16xi32>], vector<16xf32>,
        %add3A_286 = arith.constant 64 : i32
        %add3A_287 = vector.broadcast %add3A_286 : i32 to vector<16xi32>
        %add3A_288 = arith.addi %iota3A, %add3A_287 : vector<16xi32>
        %gather3A_289 = tpu.vector_load_idx %arg17[%add3A_265, %add3A_288] : memref<80x128xf32, #tpu.memory_space<vmem>>[vector<16xi32>, vector<16xi32>], vector<16xf32>,
        %mul3A_290 = arith.mulf %gather3A_289, %gather3A : vector<16xf32>
        tpu.vector_store_idx %arg17[%add3A_265, %add3A_288], %mul3A_290 : memref<80x128xf32, #tpu.memory_space<vmem>>[vector<16xi32>, vector<16xi32>], vector<16xf32>,
        %add3A_291 = arith.constant 80 : i32
        %add3A_292 = vector.broadcast %add3A_291 : i32 to vector<16xi32>
        %add3A_293 = arith.addi %iota3A, %add3A_292 : vector<16xi32>
        %gather3A_294 = tpu.vector_load_idx %arg17[%add3A_265, %add3A_293] : memref<80x128xf32, #tpu.memory_space<vmem>>[vector<16xi32>, vector<16xi32>], vector<16xf32>,
        %mul3A_295 = arith.mulf %gather3A_294, %gather3A : vector<16xf32>
        tpu.vector_store_idx %arg17[%add3A_265, %add3A_293], %mul3A_295 : memref<80x128xf32, #tpu.memory_space<vmem>>[vector<16xi32>, vector<16xi32>], vector<16xf32>,
        %add3A_296 = arith.constant 96 : i32
        %add3A_297 = vector.broadcast %add3A_296 : i32 to vector<16xi32>
        %add3A_298 = arith.addi %iota3A, %add3A_297 : vector<16xi32>
        %gather3A_299 = tpu.vector_load_idx %arg17[%add3A_265, %add3A_298] : memref<80x128xf32, #tpu.memory_space<vmem>>[vector<16xi32>, vector<16xi32>], vector<16xf32>,
        %mul3A_300 = arith.mulf %gather3A_299, %gather3A : vector<16xf32>
        tpu.vector_store_idx %arg17[%add3A_265, %add3A_298], %mul3A_300 : memref<80x128xf32, #tpu.memory_space<vmem>>[vector<16xi32>, vector<16xi32>], vector<16xf32>,
        %add3A_301 = arith.constant 112 : i32
        %add3A_302 = vector.broadcast %add3A_301 : i32 to vector<16xi32>
        %add3A_303 = arith.addi %iota3A, %add3A_302 : vector<16xi32>
        %gather3A_304 = tpu.vector_load_idx %arg17[%add3A_265, %add3A_303] : memref<80x128xf32, #tpu.memory_space<vmem>>[vector<16xi32>, vector<16xi32>], vector<16xf32>,
        %mul3A_305 = arith.mulf %gather3A_304, %gather3A : vector<16xf32>
        tpu.vector_store_idx %arg17[%add3A_265, %add3A_303], %mul3A_305 : memref<80x128xf32, #tpu.memory_space<vmem>>[vector<16xi32>, vector<16xi32>], vector<16xf32>,
      }
      %scan3A_247 = arith.constant 80 : i32
      %dma_start3A_248 = arith.constant 0 : i32
      %dma_start3A_249 = arith.constant 0 : i32
      %dma_start3A_250 = tpu.memref_slice %arg8[%dma_start3A_248, %dma_start3A_249] : memref<10240x128xf32, #tpu.memory_space<vmem_shared>> -> memref<10240x128xf32, #tpu.memory_space<vmem_shared>>
      tpu.enqueue_indirect_dma source(%arg17 : memref<80x128xf32, #tpu.memory_space<vmem>>) target(%dma_start3A_250 : memref<10240x128xf32, #tpu.memory_space<vmem_shared>>) offsets(%arg13 : memref<80xi32, #tpu.memory_space<vmem>>) semaphore(%arg28 : memref<!tpu.dma_semaphore, #tpu.memory_space<semaphore_mem>>) {add = true}
      %dma_start3A_251 = arith.constant 0 : i32
      %dma_start3A_252 = tpu.memref_slice %arg9[%dma_start3A_251] : memref<10240xf32, #tpu.memory_space<vmem_shared>> -> memref<10240xf32, #tpu.memory_space<vmem_shared>>
      tpu.enqueue_indirect_dma source(%arg15 : memref<80xf32, #tpu.memory_space<vmem>>) target(%dma_start3A_252 : memref<10240xf32, #tpu.memory_space<vmem_shared>>) offsets(%arg13 : memref<80xi32, #tpu.memory_space<vmem>>) semaphore(%arg29 : memref<!tpu.dma_semaphore, #tpu.memory_space<semaphore_mem>>) {add = true}
      %dma_wait3A_253 = arith.constant 0 : i32
      %dma_wait3A_254 = arith.constant 0 : i32
      %dma_wait3A_255 = tpu.memref_slice %arg8[%dma_wait3A_253, %dma_wait3A_254] : memref<10240x128xf32, #tpu.memory_space<vmem_shared>> -> memref<10240x128xf32, #tpu.memory_space<vmem_shared>>
      tpu.wait_indirect_dma semaphore(%arg26 : memref<!tpu.dma_semaphore, #tpu.memory_space<semaphore_mem>>) src(%arg16 : memref<80x128xf32, #tpu.memory_space<vmem>>) dst(%dma_wait3A_255 : memref<10240x128xf32, #tpu.memory_space<vmem_shared>>)
      %dma_wait3A_256 = arith.constant 0 : i32
      %dma_wait3A_257 = tpu.memref_slice %arg9[%dma_wait3A_256] : memref<10240xf32, #tpu.memory_space<vmem_shared>> -> memref<10240xf32, #tpu.memory_space<vmem_shared>>
      tpu.wait_indirect_dma semaphore(%arg27 : memref<!tpu.dma_semaphore, #tpu.memory_space<semaphore_mem>>) src(%arg14 : memref<80xf32, #tpu.memory_space<vmem>>) dst(%dma_wait3A_257 : memref<10240xf32, #tpu.memory_space<vmem_shared>>)
      %dma_wait3A_258 = arith.constant 0 : i32
      %dma_wait3A_259 = arith.constant 0 : i32
      %dma_wait3A_260 = tpu.memref_slice %arg8[%dma_wait3A_258, %dma_wait3A_259] : memref<10240x128xf32, #tpu.memory_space<vmem_shared>> -> memref<10240x128xf32, #tpu.memory_space<vmem_shared>>
      tpu.wait_indirect_dma semaphore(%arg28 : memref<!tpu.dma_semaphore, #tpu.memory_space<semaphore_mem>>) src(%arg17 : memref<80x128xf32, #tpu.memory_space<vmem>>) dst(%dma_wait3A_260 : memref<10240x128xf32, #tpu.memory_space<vmem_shared>>)
      %dma_wait3A_261 = arith.constant 0 : i32
      %dma_wait3A_262 = tpu.memref_slice %arg9[%dma_wait3A_261] : memref<10240xf32, #tpu.memory_space<vmem_shared>> -> memref<10240xf32, #tpu.memory_space<vmem_shared>>
      tpu.wait_indirect_dma semaphore(%arg29 : memref<!tpu.dma_semaphore, #tpu.memory_space<semaphore_mem>>) src(%arg15 : memref<80xf32, #tpu.memory_space<vmem>>) dst(%dma_wait3A_262 : memref<10240xf32, #tpu.memory_space<vmem_shared>>)
    }
    %scan3A_174 = arith.constant 129 : i32
    %barrier3A_175 = arith.constant 0 : index
    tpu.barrier barrier_id(%barrier3A_175)
    %scan3A_176 = arith.constant 0 : i32
    %scan3A_177 = arith.constant 0 : i32
    %scan3A_178 = arith.constant 20 : i32
    %scan3A_179 = arith.addi %scan3A_177, %scan3A_178 : i32
    %scan3A_180 = arith.constant 1 : i32
    scf.for %scan3A_189 = %scan3A_177 to %scan3A_179 step %scan3A_180  : i32 {
      %mul3A_190 = arith.constant 32 : i32
      %mul3A_191 = arith.muli %scan3A_189, %mul3A_190 : i32
      %add3A_192 = arith.addi %mul3A_2, %mul3A_191 : i32
      %add3A_193 = vector.broadcast %add3A_192 : i32 to vector<16xi32>
      %add3A_194 = arith.addi %iota3A, %add3A_193 : vector<16xi32>
      %swap3A = arith.constant 0 : index
      %swap3A_195 = tpu.vector_load %arg19[%swap3A] {strides = array<i32>} : memref<32xi32, #tpu.memory_space<vmem>>, vector<16xi32>,
      tpu.vector_store %arg19[%swap3A], %add3A_194 {strides = array<i32>} : memref<32xi32, #tpu.memory_space<vmem>>, vector<16xi32>,
      %add3A_196 = arith.constant 16 : i32
      %add3A_197 = arith.addi %add3A_192, %add3A_196 : i32
      %add3A_198 = vector.broadcast %add3A_197 : i32 to vector<16xi32>
      %add3A_199 = arith.addi %iota3A, %add3A_198 : vector<16xi32>
      %swap3A_200 = arith.constant 16 : index
      %swap3A_201 = tpu.vector_load %arg19[%swap3A_200] {strides = array<i32>} : memref<32xi32, #tpu.memory_space<vmem>>, vector<16xi32>,
      tpu.vector_store %arg19[%swap3A_200], %add3A_199 {strides = array<i32>} : memref<32xi32, #tpu.memory_space<vmem>>, vector<16xi32>,
      %dma_start3A = arith.constant 0 : i32
      %dma_start3A_202 = arith.constant 0 : i32
      %dma_start3A_203 = tpu.memref_slice %arg8[%dma_start3A, %dma_start3A_202] : memref<10240x128xf32, #tpu.memory_space<vmem_shared>> -> memref<10240x128xf32, #tpu.memory_space<vmem_shared>>
      tpu.enqueue_indirect_dma source(%dma_start3A_203 : memref<10240x128xf32, #tpu.memory_space<vmem_shared>>) target(%arg18 : memref<32x128xf32, #tpu.memory_space<vmem>>) offsets(%arg19 : memref<32xi32, #tpu.memory_space<vmem>>) semaphore(%arg23 : memref<!tpu.dma_semaphore, #tpu.memory_space<semaphore_mem>>)
      %dma_wait3A = arith.constant 0 : i32
      %dma_wait3A_204 = arith.constant 0 : i32
      %dma_wait3A_205 = tpu.memref_slice %arg8[%dma_wait3A, %dma_wait3A_204] : memref<10240x128xf32, #tpu.memory_space<vmem_shared>> -> memref<10240x128xf32, #tpu.memory_space<vmem_shared>>
      tpu.wait_indirect_dma semaphore(%arg23 : memref<!tpu.dma_semaphore, #tpu.memory_space<semaphore_mem>>) src(%dma_wait3A_205 : memref<10240x128xf32, #tpu.memory_space<vmem_shared>>) dst(%arg18 : memref<32x128xf32, #tpu.memory_space<vmem>>)
      "tpu.region"() ({
        %run_scoped3A = tpu.sem_alloc : memref<!tpu.dma_semaphore, #tpu.memory_space<semaphore_mem>>
        %dma_start3A_206 = arith.constant 0 : i32
        %dma_start3A_207 = tpu.memref_slice %arg6[%add3A_147, %add3A_192, %dma_start3A_206] : memref<8x10240x128xf32, #tpu.memory_space<hbm>> -> memref<1x32x128xf32, #tpu.memory_space<hbm>>
        %dma_start3A_208 = tpu.memref_squeeze %dma_start3A_207 : memref<1x32x128xf32, #tpu.memory_space<hbm>> -> memref<32x128xf32, #tpu.memory_space<hbm>>
        %dma_start3A_209 = arith.constant 0 : i32
        %dma_start3A_210 = tpu.memref_slice %arg6[%add3A_147, %add3A_192, %dma_start3A_209] : memref<8x10240x128xf32, #tpu.memory_space<hbm>> -> memref<1x32x128xf32, #tpu.memory_space<hbm>>
        %dma_start3A_211 = tpu.memref_squeeze %dma_start3A_210 : memref<1x32x128xf32, #tpu.memory_space<hbm>> -> memref<32x128xf32, #tpu.memory_space<hbm>>
        tpu.enqueue_dma source(%arg18 : memref<32x128xf32, #tpu.memory_space<vmem>>) target(%dma_start3A_211 : memref<32x128xf32, #tpu.memory_space<hbm>>) target_semaphore(%run_scoped3A : memref<!tpu.dma_semaphore, #tpu.memory_space<semaphore_mem>>)
        %dma_wait3A_212 = arith.constant 0 : i32
        %dma_wait3A_213 = tpu.memref_slice %arg6[%add3A_147, %add3A_192, %dma_wait3A_212] : memref<8x10240x128xf32, #tpu.memory_space<hbm>> -> memref<1x32x128xf32, #tpu.memory_space<hbm>>
        %dma_wait3A_214 = tpu.memref_squeeze %dma_wait3A_213 : memref<1x32x128xf32, #tpu.memory_space<hbm>> -> memref<32x128xf32, #tpu.memory_space<hbm>>
        %dma_wait3A_215 = arith.constant 0 : i32
        %dma_wait3A_216 = tpu.memref_slice %arg6[%add3A_147, %add3A_192, %dma_wait3A_215] : memref<8x10240x128xf32, #tpu.memory_space<hbm>> -> memref<1x32x128xf32, #tpu.memory_space<hbm>>
        %dma_wait3A_217 = tpu.memref_squeeze %dma_wait3A_216 : memref<1x32x128xf32, #tpu.memory_space<hbm>> -> memref<32x128xf32, #tpu.memory_space<hbm>>
        tpu.wait_dma2 semaphore(%run_scoped3A : memref<!tpu.dma_semaphore, #tpu.memory_space<semaphore_mem>>) src(%arg18 : memref<32x128xf32, #tpu.memory_space<vmem>>) dst(%dma_wait3A_217 : memref<32x128xf32, #tpu.memory_space<hbm>>)
        tpu.yield
      }) : () -> ()
    }
    %scan3A_181 = arith.constant 20 : i32
    %scan3A_182 = arith.constant 0 : i32
    %scan3A_183 = arith.constant 0 : i32
    %scan3A_184 = arith.constant 5 : i32
    %scan3A_185 = arith.addi %scan3A_183, %scan3A_184 : i32
    %scan3A_186 = arith.constant 1 : i32
    scf.for %scan3A_189 = %scan3A_183 to %scan3A_185 step %scan3A_186  : i32 {
      %mul3A_190 = arith.constant 128 : i32
      %mul3A_191 = arith.muli %scan3A_189, %mul3A_190 : i32
      %add3A_192 = arith.addi %mul3A_2, %mul3A_191 : i32
      %scan3A_193 = arith.constant 0 : i32
      %scan3A_194 = arith.constant 0 : i32
      %scan3A_195 = arith.constant 8 : i32
      %scan3A_196 = arith.addi %scan3A_194, %scan3A_195 : i32
      %scan3A_197 = arith.constant 1 : i32
      scf.for %scan3A_204 = %scan3A_194 to %scan3A_196 step %scan3A_197  : i32 {
        %mul3A_205 = arith.constant 16 : i32
        %mul3A_206 = arith.muli %scan3A_204, %mul3A_205 : i32
        %add3A_207 = arith.addi %add3A_192, %mul3A_206 : i32
        %add3A_208 = vector.broadcast %add3A_207 : i32 to vector<16xi32>
        %add3A_209 = arith.addi %iota3A, %add3A_208 : vector<16xi32>
        %mul3A_210 = arith.constant 16 : i32
        %mul3A_211 = arith.muli %scan3A_204, %mul3A_210 : i32
        %swap3A = arith.index_cast %mul3A_211 : i32 to index
        %swap3A_212 = tpu.vector_load %arg22[%swap3A] {strides = array<i32>} : memref<128xi32, #tpu.memory_space<vmem>>, vector<16xi32>,
        tpu.vector_store %arg22[%swap3A], %add3A_209 {strides = array<i32>} : memref<128xi32, #tpu.memory_space<vmem>>, vector<16xi32>,
      }
      %scan3A_198 = arith.constant 8 : i32
      %dma_start3A = arith.constant 0 : i32
      %dma_start3A_199 = tpu.memref_slice %arg9[%dma_start3A] : memref<10240xf32, #tpu.memory_space<vmem_shared>> -> memref<10240xf32, #tpu.memory_space<vmem_shared>>
      tpu.enqueue_indirect_dma source(%dma_start3A_199 : memref<10240xf32, #tpu.memory_space<vmem_shared>>) target(%arg21 : memref<128xf32, #tpu.memory_space<vmem>>) offsets(%arg22 : memref<128xi32, #tpu.memory_space<vmem>>) semaphore(%arg23 : memref<!tpu.dma_semaphore, #tpu.memory_space<semaphore_mem>>)
      %dma_wait3A = arith.constant 0 : i32
      %dma_wait3A_200 = tpu.memref_slice %arg9[%dma_wait3A] : memref<10240xf32, #tpu.memory_space<vmem_shared>> -> memref<10240xf32, #tpu.memory_space<vmem_shared>>
      tpu.wait_indirect_dma semaphore(%arg23 : memref<!tpu.dma_semaphore, #tpu.memory_space<semaphore_mem>>) src(%dma_wait3A_200 : memref<10240xf32, #tpu.memory_space<vmem_shared>>) dst(%arg21 : memref<128xf32, #tpu.memory_space<vmem>>)
      %mul3A_201 = arith.constant 10240 : i32
      %mul3A_202 = arith.muli %add3A_147, %mul3A_201 : i32
      %add3A_203 = arith.addi %mul3A_202, %add3A_192 : i32
      %multiple_of3A = tpu.assume_multiple %add3A_203, 8 : i32
      "tpu.region"() ({
        %run_scoped3A = tpu.sem_alloc : memref<!tpu.dma_semaphore, #tpu.memory_space<semaphore_mem>>
        %dma_start3A_204 = tpu.memref_slice %arg7[%multiple_of3A] : memref<81920xf32, #tpu.memory_space<hbm>> -> memref<128xf32, #tpu.memory_space<hbm>>
        %dma_start3A_205 = tpu.memref_slice %arg7[%multiple_of3A] : memref<81920xf32, #tpu.memory_space<hbm>> -> memref<128xf32, #tpu.memory_space<hbm>>
        tpu.enqueue_dma source(%arg21 : memref<128xf32, #tpu.memory_space<vmem>>) target(%dma_start3A_205 : memref<128xf32, #tpu.memory_space<hbm>>) target_semaphore(%run_scoped3A : memref<!tpu.dma_semaphore, #tpu.memory_space<semaphore_mem>>)
        %dma_wait3A_206 = tpu.memref_slice %arg7[%multiple_of3A] : memref<81920xf32, #tpu.memory_space<hbm>> -> memref<128xf32, #tpu.memory_space<hbm>>
        %dma_wait3A_207 = tpu.memref_slice %arg7[%multiple_of3A] : memref<81920xf32, #tpu.memory_space<hbm>> -> memref<128xf32, #tpu.memory_space<hbm>>
        tpu.wait_dma2 semaphore(%run_scoped3A : memref<!tpu.dma_semaphore, #tpu.memory_space<semaphore_mem>>) src(%arg21 : memref<128xf32, #tpu.memory_space<vmem>>) dst(%dma_wait3A_207 : memref<128xf32, #tpu.memory_space<hbm>>)
        tpu.yield
      }) : () -> ()
    }
    %scan3A_187 = arith.constant 5 : i32
    %barrier3A_188 = arith.constant 0 : index
    tpu.barrier barrier_id(%barrier3A_188)
    return
  }
}

module attributes {stable_mosaic.version = 14 : i64} {
  func.func @_proj_body(%arg0: i32, %arg1: memref<128x128xf32, #tpu.memory_space<vmem>>, %arg2: memref<128x1024xf32, #tpu.memory_space<vmem>>, %arg3: memref<8x128xf32, #tpu.memory_space<vmem>>, %arg4: memref<8x128xf32, #tpu.memory_space<vmem>>, %arg5: memref<8x128x128xf32, #tpu.memory_space<vmem>>, %arg6: memref<16x128xf32, #tpu.memory_space<vmem>>) attributes {dimension_semantics = [#tpu.dimension_semantics<arbitrary>], iteration_bounds = array<i64: 80>, scalar_prefetch = 0 : i64, scratch_operands = 0 : i64, tpu.core_type = #tpu.core_type<tc>, window_params = [{transform_indices = @transform_0, window_bounds = array<i64: 128, 128>}, {pipeline_mode = #tpu.pipeline_mode<synchronous>, transform_indices = @transform_1, window_bounds = array<i64: 128, 1024>}, {pipeline_mode = #tpu.pipeline_mode<synchronous>, transform_indices = @transform_2, window_bounds = array<i64: 8, 128>}, {pipeline_mode = #tpu.pipeline_mode<synchronous>, transform_indices = @transform_3, window_bounds = array<i64: 8, 128>}, {transform_indices = @transform_4, window_bounds = array<i64: 8, 128, 128>}, {transform_indices = @transform_5, window_bounds = array<i64: 16, 128>}]} {
    %get3A = arith.constant 0 : index
    %get3A_0 = arith.constant 0 : index
    %get3A_1 = vector.load %arg1[%get3A, %get3A_0] : memref<128x128xf32, #tpu.memory_space<vmem>>, vector<128x128xf32>
    %get3A_2 = arith.constant 0 : index
    %get3A_3 = arith.constant 0 : index
    %get3A_4 = vector.load %arg2[%get3A_2, %get3A_3] : memref<128x1024xf32, #tpu.memory_space<vmem>>, vector<128x1024xf32>
    %dot_general3A = arith.constant dense<0.000000e+00> : vector<128x1024xf32>
    %dot_general3A_5 = tpu.matmul %get3A_1, %get3A_4, %dot_general3A {dimension_numbers = #tpu.dot_dimension_numbers<[1], [0], [0], [1], [0, 0, 1, 1], [], []>, transpose_lhs_hint = false} : vector<128x128xf32>, vector<128x1024xf32>, vector<128x1024xf32> -> vector<128x1024xf32>
    %reshape3A = vector.shape_cast %dot_general3A_5 : vector<128x1024xf32> to vector<128x8x128xf32>
    %get3A_6 = arith.constant 0 : index
    %get3A_7 = arith.constant 0 : index
    %get3A_8 = vector.load %arg3[%get3A_6, %get3A_7] : memref<8x128xf32, #tpu.memory_space<vmem>>, vector<8x128xf32>
    %broadcast_in_dim3A = vector.shape_cast %get3A_8 : vector<8x128xf32> to vector<1x8x128xf32>
    %mul3A = vector.broadcast %broadcast_in_dim3A : vector<1x8x128xf32> to vector<128x8x128xf32>
    %mul3A_9 = arith.mulf %reshape3A, %mul3A : vector<128x8x128xf32>
    %reduce_sum3A = arith.constant dense<0.000000e+00> : vector<128x8xf32>
    %reduce_sum3A_10 = vector.multi_reduction <add>, %mul3A_9, %reduce_sum3A [2] : vector<128x8x128xf32> to vector<128x8xf32>
    %get3A_11 = arith.constant 0 : index
    %get3A_12 = arith.constant 0 : index
    %get3A_13 = vector.load %arg4[%get3A_11, %get3A_12] : memref<8x128xf32, #tpu.memory_space<vmem>>, vector<8x128xf32>
    %broadcast_in_dim3A_14 = vector.shape_cast %get3A_13 : vector<8x128xf32> to vector<1x8x128xf32>
    %mul3A_15 = vector.broadcast %broadcast_in_dim3A_14 : vector<1x8x128xf32> to vector<128x8x128xf32>
    %mul3A_16 = arith.mulf %reshape3A, %mul3A_15 : vector<128x8x128xf32>
    %reduce_sum3A_17 = arith.constant dense<0.000000e+00> : vector<128x8xf32>
    %reduce_sum3A_18 = vector.multi_reduction <add>, %mul3A_16, %reduce_sum3A_17 [2] : vector<128x8x128xf32> to vector<128x8xf32>
    %concatenate3A = tpu.concatenate %reduce_sum3A_10, %reduce_sum3A_18 in 1 : vector<128x8xf32>, vector<128x8xf32> -> vector<128x16xf32>
    %transpose3A = tpu.transpose %concatenate3A, [1, 0] : vector<128x16xf32> -> vector<16x128xf32>
    %swap3A = arith.constant 0 : index
    %swap3A_19 = arith.constant 0 : index
    %swap3A_20 = vector.load %arg6[%swap3A, %swap3A_19] : memref<16x128xf32, #tpu.memory_space<vmem>>, vector<16x128xf32>
    tpu.vector_store %arg6[%swap3A, %swap3A_19], %transpose3A {strides = array<i32>} : memref<16x128xf32, #tpu.memory_space<vmem>>, vector<16x128xf32>,
    %slice3A = vector.extract_strided_slice %reshape3A {offsets = [0, 0, 0], sizes = [128, 1, 128], strides = [1, 1, 1]} : vector<128x8x128xf32> to vector<128x1x128xf32>
    %squeeze3A = vector.shape_cast %slice3A : vector<128x1x128xf32> to vector<128x128xf32>
    %swap3A_21 = arith.constant 0 : index
    %swap3A_22 = arith.constant 0 : index
    %swap3A_23 = arith.constant 0 : index
    %swap3A_24 = vector.load %arg5[%swap3A_21, %swap3A_22, %swap3A_23] : memref<8x128x128xf32, #tpu.memory_space<vmem>>, vector<1x128x128xf32>
    %swap3A_25 = vector.shape_cast %swap3A_24 : vector<1x128x128xf32> to vector<128x128xf32>
    %swap3A_26 = vector.shape_cast %squeeze3A : vector<128x128xf32> to vector<1x128x128xf32>
    tpu.vector_store %arg5[%swap3A_21, %swap3A_22, %swap3A_23], %swap3A_26 {strides = array<i32>} : memref<8x128x128xf32, #tpu.memory_space<vmem>>, vector<1x128x128xf32>,
    %slice3A_27 = vector.extract_strided_slice %reshape3A {offsets = [0, 1, 0], sizes = [128, 1, 128], strides = [1, 1, 1]} : vector<128x8x128xf32> to vector<128x1x128xf32>
    %squeeze3A_28 = vector.shape_cast %slice3A_27 : vector<128x1x128xf32> to vector<128x128xf32>
    %swap3A_29 = arith.constant 1 : index
    %swap3A_30 = arith.constant 0 : index
    %swap3A_31 = arith.constant 0 : index
    %swap3A_32 = vector.load %arg5[%swap3A_29, %swap3A_30, %swap3A_31] : memref<8x128x128xf32, #tpu.memory_space<vmem>>, vector<1x128x128xf32>
    %swap3A_33 = vector.shape_cast %swap3A_32 : vector<1x128x128xf32> to vector<128x128xf32>
    %swap3A_34 = vector.shape_cast %squeeze3A_28 : vector<128x128xf32> to vector<1x128x128xf32>
    tpu.vector_store %arg5[%swap3A_29, %swap3A_30, %swap3A_31], %swap3A_34 {strides = array<i32>} : memref<8x128x128xf32, #tpu.memory_space<vmem>>, vector<1x128x128xf32>,
    %slice3A_35 = vector.extract_strided_slice %reshape3A {offsets = [0, 2, 0], sizes = [128, 1, 128], strides = [1, 1, 1]} : vector<128x8x128xf32> to vector<128x1x128xf32>
    %squeeze3A_36 = vector.shape_cast %slice3A_35 : vector<128x1x128xf32> to vector<128x128xf32>
    %swap3A_37 = arith.constant 2 : index
    %swap3A_38 = arith.constant 0 : index
    %swap3A_39 = arith.constant 0 : index
    %swap3A_40 = vector.load %arg5[%swap3A_37, %swap3A_38, %swap3A_39] : memref<8x128x128xf32, #tpu.memory_space<vmem>>, vector<1x128x128xf32>
    %swap3A_41 = vector.shape_cast %swap3A_40 : vector<1x128x128xf32> to vector<128x128xf32>
    %swap3A_42 = vector.shape_cast %squeeze3A_36 : vector<128x128xf32> to vector<1x128x128xf32>
    tpu.vector_store %arg5[%swap3A_37, %swap3A_38, %swap3A_39], %swap3A_42 {strides = array<i32>} : memref<8x128x128xf32, #tpu.memory_space<vmem>>, vector<1x128x128xf32>,
    %slice3A_43 = vector.extract_strided_slice %reshape3A {offsets = [0, 3, 0], sizes = [128, 1, 128], strides = [1, 1, 1]} : vector<128x8x128xf32> to vector<128x1x128xf32>
    %squeeze3A_44 = vector.shape_cast %slice3A_43 : vector<128x1x128xf32> to vector<128x128xf32>
    %swap3A_45 = arith.constant 3 : index
    %swap3A_46 = arith.constant 0 : index
    %swap3A_47 = arith.constant 0 : index
    %swap3A_48 = vector.load %arg5[%swap3A_45, %swap3A_46, %swap3A_47] : memref<8x128x128xf32, #tpu.memory_space<vmem>>, vector<1x128x128xf32>
    %swap3A_49 = vector.shape_cast %swap3A_48 : vector<1x128x128xf32> to vector<128x128xf32>
    %swap3A_50 = vector.shape_cast %squeeze3A_44 : vector<128x128xf32> to vector<1x128x128xf32>
    tpu.vector_store %arg5[%swap3A_45, %swap3A_46, %swap3A_47], %swap3A_50 {strides = array<i32>} : memref<8x128x128xf32, #tpu.memory_space<vmem>>, vector<1x128x128xf32>,
    %slice3A_51 = vector.extract_strided_slice %reshape3A {offsets = [0, 4, 0], sizes = [128, 1, 128], strides = [1, 1, 1]} : vector<128x8x128xf32> to vector<128x1x128xf32>
    %squeeze3A_52 = vector.shape_cast %slice3A_51 : vector<128x1x128xf32> to vector<128x128xf32>
    %swap3A_53 = arith.constant 4 : index
    %swap3A_54 = arith.constant 0 : index
    %swap3A_55 = arith.constant 0 : index
    %swap3A_56 = vector.load %arg5[%swap3A_53, %swap3A_54, %swap3A_55] : memref<8x128x128xf32, #tpu.memory_space<vmem>>, vector<1x128x128xf32>
    %swap3A_57 = vector.shape_cast %swap3A_56 : vector<1x128x128xf32> to vector<128x128xf32>
    %swap3A_58 = vector.shape_cast %squeeze3A_52 : vector<128x128xf32> to vector<1x128x128xf32>
    tpu.vector_store %arg5[%swap3A_53, %swap3A_54, %swap3A_55], %swap3A_58 {strides = array<i32>} : memref<8x128x128xf32, #tpu.memory_space<vmem>>, vector<1x128x128xf32>,
    %slice3A_59 = vector.extract_strided_slice %reshape3A {offsets = [0, 5, 0], sizes = [128, 1, 128], strides = [1, 1, 1]} : vector<128x8x128xf32> to vector<128x1x128xf32>
    %squeeze3A_60 = vector.shape_cast %slice3A_59 : vector<128x1x128xf32> to vector<128x128xf32>
    %swap3A_61 = arith.constant 5 : index
    %swap3A_62 = arith.constant 0 : index
    %swap3A_63 = arith.constant 0 : index
    %swap3A_64 = vector.load %arg5[%swap3A_61, %swap3A_62, %swap3A_63] : memref<8x128x128xf32, #tpu.memory_space<vmem>>, vector<1x128x128xf32>
    %swap3A_65 = vector.shape_cast %swap3A_64 : vector<1x128x128xf32> to vector<128x128xf32>
    %swap3A_66 = vector.shape_cast %squeeze3A_60 : vector<128x128xf32> to vector<1x128x128xf32>
    tpu.vector_store %arg5[%swap3A_61, %swap3A_62, %swap3A_63], %swap3A_66 {strides = array<i32>} : memref<8x128x128xf32, #tpu.memory_space<vmem>>, vector<1x128x128xf32>,
    %slice3A_67 = vector.extract_strided_slice %reshape3A {offsets = [0, 6, 0], sizes = [128, 1, 128], strides = [1, 1, 1]} : vector<128x8x128xf32> to vector<128x1x128xf32>
    %squeeze3A_68 = vector.shape_cast %slice3A_67 : vector<128x1x128xf32> to vector<128x128xf32>
    %swap3A_69 = arith.constant 6 : index
    %swap3A_70 = arith.constant 0 : index
    %swap3A_71 = arith.constant 0 : index
    %swap3A_72 = vector.load %arg5[%swap3A_69, %swap3A_70, %swap3A_71] : memref<8x128x128xf32, #tpu.memory_space<vmem>>, vector<1x128x128xf32>
    %swap3A_73 = vector.shape_cast %swap3A_72 : vector<1x128x128xf32> to vector<128x128xf32>
    %swap3A_74 = vector.shape_cast %squeeze3A_68 : vector<128x128xf32> to vector<1x128x128xf32>
    tpu.vector_store %arg5[%swap3A_69, %swap3A_70, %swap3A_71], %swap3A_74 {strides = array<i32>} : memref<8x128x128xf32, #tpu.memory_space<vmem>>, vector<1x128x128xf32>,
    %slice3A_75 = vector.extract_strided_slice %reshape3A {offsets = [0, 7, 0], sizes = [128, 1, 128], strides = [1, 1, 1]} : vector<128x8x128xf32> to vector<128x1x128xf32>
    %squeeze3A_76 = vector.shape_cast %slice3A_75 : vector<128x1x128xf32> to vector<128x128xf32>
    %swap3A_77 = arith.constant 7 : index
    %swap3A_78 = arith.constant 0 : index
    %swap3A_79 = arith.constant 0 : index
    %swap3A_80 = vector.load %arg5[%swap3A_77, %swap3A_78, %swap3A_79] : memref<8x128x128xf32, #tpu.memory_space<vmem>>, vector<1x128x128xf32>
    %swap3A_81 = vector.shape_cast %swap3A_80 : vector<1x128x128xf32> to vector<128x128xf32>
    %swap3A_82 = vector.shape_cast %squeeze3A_76 : vector<128x128xf32> to vector<1x128x128xf32>
    tpu.vector_store %arg5[%swap3A_77, %swap3A_78, %swap3A_79], %swap3A_82 {strides = array<i32>} : memref<8x128x128xf32, #tpu.memory_space<vmem>>, vector<1x128x128xf32>,
    return
  }
  func.func @transform_0(%arg0: i32) -> (i32, i32) {
    %c0_i32 = arith.constant 0 : i32
    %c0_i32_0 = arith.constant 0 : i32
    return %arg0, %c0_i32 : i32, i32
  }
  func.func @transform_1(%arg0: i32) -> (i32, i32) {
    %c0_i32 = arith.constant 0 : i32
    %c0_i32_0 = arith.constant 0 : i32
    %c0_i32_1 = arith.constant 0 : i32
    return %c0_i32, %c0_i32_0 : i32, i32
  }
  func.func @transform_2(%arg0: i32) -> (i32, i32) {
    %c0_i32 = arith.constant 0 : i32
    %c0_i32_0 = arith.constant 0 : i32
    %c0_i32_1 = arith.constant 0 : i32
    return %c0_i32, %c0_i32_0 : i32, i32
  }
  func.func @transform_3(%arg0: i32) -> (i32, i32) {
    %c0_i32 = arith.constant 0 : i32
    %c0_i32_0 = arith.constant 0 : i32
    %c0_i32_1 = arith.constant 0 : i32
    return %c0_i32, %c0_i32_0 : i32, i32
  }
  func.func @transform_4(%arg0: i32) -> (i32, i32, i32) {
    %c0_i32 = arith.constant 0 : i32
    %c0_i32_0 = arith.constant 0 : i32
    %c0_i32_1 = arith.constant 0 : i32
    return %c0_i32, %arg0, %c0_i32_0 : i32, i32, i32
  }
  func.func @transform_5(%arg0: i32) -> (i32, i32) {
    %c0_i32 = arith.constant 0 : i32
    %c0_i32_0 = arith.constant 0 : i32
    return %c0_i32, %arg0 : i32, i32
  }
}

module attributes {stable_mosaic.version = 14 : i64} {
  func.func @_norm_body(%arg0: i32, %arg1: memref<8x128x128xf32, #tpu.memory_space<vmem>>, %arg2: memref<8x128xf32, #tpu.memory_space<vmem>>, %arg3: memref<1x128xf32, #tpu.memory_space<vmem>>, %arg4: memref<128x128xf32, #tpu.memory_space<vmem>>) attributes {dimension_semantics = [#tpu.dimension_semantics<arbitrary>], iteration_bounds = array<i64: 80>, scalar_prefetch = 0 : i64, scratch_operands = 0 : i64, tpu.core_type = #tpu.core_type<tc>, window_params = [{transform_indices = @transform_0, window_bounds = array<i64: 8, 128, 128>}, {transform_indices = @transform_1, window_bounds = array<i64: 8, 128>}, {pipeline_mode = #tpu.pipeline_mode<synchronous>, transform_indices = @transform_2, window_bounds = array<i64: 1, 128>}, {transform_indices = @transform_3, window_bounds = array<i64: 128, 128>}]} {
    %get3A = arith.constant 0 : index
    %get3A_0 = arith.constant 0 : index
    %get3A_1 = vector.load %arg2[%get3A, %get3A_0] : memref<8x128xf32, #tpu.memory_space<vmem>>, vector<8x128xf32>
    %broadcast_in_dim3A = vector.shape_cast %get3A_1 : vector<8x128xf32> to vector<8x128x1xf32>
    %get3A_2 = arith.constant 0 : index
    %get3A_3 = arith.constant 0 : index
    %get3A_4 = arith.constant 0 : index
    %get3A_5 = vector.load %arg1[%get3A_2, %get3A_3, %get3A_4] : memref<8x128x128xf32, #tpu.memory_space<vmem>>, vector<8x128x128xf32>
    %add3A = arith.constant 1.000000e-16 : f32
    %add3A_6 = vector.broadcast %add3A : f32 to vector<8x128x1xf32>
    %add3A_7 = arith.addf %broadcast_in_dim3A, %add3A_6 : vector<8x128x1xf32>
    %div3A = vector.broadcast %add3A_7 : vector<8x128x1xf32> to vector<8x128x128xf32>
    %div3A_8 = arith.divf %get3A_5, %div3A : vector<8x128x128xf32>
    %reduce_sum3A = arith.constant dense<0.000000e+00> : vector<128x128xf32>
    %reduce_sum3A_9 = vector.multi_reduction <add>, %div3A_8, %reduce_sum3A [0] : vector<8x128x128xf32> to vector<128x128xf32>
    %mul3A = arith.constant 1.250000e-01 : f32
    %mul3A_10 = vector.broadcast %mul3A : f32 to vector<128x128xf32>
    %mul3A_11 = arith.mulf %reduce_sum3A_9, %mul3A_10 : vector<128x128xf32>
    %get3A_12 = arith.constant 0 : index
    %get3A_13 = arith.constant 0 : index
    %get3A_14 = vector.load %arg3[%get3A_12, %get3A_13] : memref<1x128xf32, #tpu.memory_space<vmem>>, vector<1x128xf32>
    %add3A_15 = vector.broadcast %get3A_14 : vector<1x128xf32> to vector<128x128xf32>
    %add3A_16 = arith.addf %mul3A_11, %add3A_15 : vector<128x128xf32>
    %swap3A = arith.constant 0 : index
    %swap3A_17 = arith.constant 0 : index
    %swap3A_18 = vector.load %arg4[%swap3A, %swap3A_17] : memref<128x128xf32, #tpu.memory_space<vmem>>, vector<128x128xf32>
    tpu.vector_store %arg4[%swap3A, %swap3A_17], %add3A_16 {strides = array<i32>} : memref<128x128xf32, #tpu.memory_space<vmem>>, vector<128x128xf32>,
    return
  }
  func.func @transform_0(%arg0: i32) -> (i32, i32, i32) {
    %c0_i32 = arith.constant 0 : i32
    %c0_i32_0 = arith.constant 0 : i32
    %c0_i32_1 = arith.constant 0 : i32
    return %c0_i32, %arg0, %c0_i32_0 : i32, i32, i32
  }
  func.func @transform_1(%arg0: i32) -> (i32, i32) {
    %c0_i32 = arith.constant 0 : i32
    %c0_i32_0 = arith.constant 0 : i32
    return %c0_i32, %arg0 : i32, i32
  }
  func.func @transform_2(%arg0: i32) -> (i32, i32) {
    %c0_i32 = arith.constant 0 : i32
    %c0_i32_0 = arith.constant 0 : i32
    %c0_i32_1 = arith.constant 0 : i32
    return %c0_i32, %c0_i32_0 : i32, i32
  }
  func.func @transform_3(%arg0: i32) -> (i32, i32) {
    %c0_i32 = arith.constant 0 : i32
    %c0_i32_0 = arith.constant 0 : i32
    return %arg0, %c0_i32 : i32, i32
  }
}

</mosaic_0001>

<sc_bundles>
// kernel: kernel.6.cloned.1.call-start
scs
__scs_entry_jumppad:
0x0: {  	(pc) =	sbr.rel $0x88, $3  }
0x1: {  	(tag) =	ssettag $0x0;
	lr =	simm.s32 $0x1  }
0x2: {  	[smem:$0x3F9B] =	sst lr;
	_ =	strace $0xD0000000  }
0x3: {  	_ = 	snop  }
0x4: {  	_ = 	snop  }
0x5: {  	_ = 	snop  }
0x6: {  	_ = 	snop  }
0x7: {  	_ = 	snop  }
__scs_overlays_trampoline_lowered:
0x8: {  	[smem:$0x3FAA] =	sst s0  }
0x9: {  	[smem:$0x3FAB] =	sst s1  }
0xa: {  	[smem:$0x3FAC] =	sst s2  }
0xb: {  	[smem:$0x3FAD] =	sst s3  }
0xc: {  	[smem:$0x3FAE] =	sst s4  }
0xd: {  	[smem:$0x3FAF] =	sst s5  }
0xe: {  	[smem:$0x3FB0] =	sst s6  }
0xf: {  	[smem:$0x3FB1] =	sst s7  }
0x10: {  	[smem:$0x3FB2] =	sst s8  }
0x11: {  	[smem:$0x3FB3] =	sst s9;
	s0 =	simm.s32 @!p0 $0x0  }
0x12: {  	s1 =	sld [smem:$0x3F99];
	s0 =	simm.s32 @p0 $0x1  }
0x13: {  	[smem:$0x3FB4] =	sst s0;
	s0 =	simm.s32 @!p1 $0x0  }
0x14: {  	s2 =	sld [smem:$0x3F98];
	s0 =	simm.s32 @p1 $0x1  }
0x15: {  	[smem:$0x3FB5] =	sst s0;
	s0 =	simm.s32 @!p2 $0x0  }
0x16: {  	s3 =	sld [smem:$0x3FDB];
	s0 =	simm.s32 @p2 $0x1  }
0x17: {  	s4 =	simm.s32 $0x1BF5;
	[smem:$0x3FB7] =	sst s0  }
0x18: {  	s0 =	sld [smem:$0x3F9A];
	_ =	swait.ge [sflag:s4], $0x0  }
0x19: {  	s7 =	sld [smem:$0x3F9B]  }
0x1a: {  	s8 =	sadd.s32 $0xFFFFE003, lr  }
0x1b: {  	s9 =	sadd.s32 $0xFFFFFEF7, lr;
	s5 =	simm.s32 $0xFFFFFFFF;
	p2 =	slt.u32 s8, $0xFFFFF086  }
0x1c: {  	p1 =	slt.u32 s9, $0xF7A;
	s5 =	simm.s32 @!p2 $0x0  }
0x1d: {  	s5 =	simm.s32 @p1 $0x1;
	p0 =	seq.s32 s7, s2  }
0x1e: {  	s7 =	smul.u32 @!p0 $0xF7A, s2;
	p2 =	seq.s32 @!p0 s5, $0x0  }
0x1f: {  	s9 =	smul.u32 $0xF7A, s1;
	s8 =	simm.s32 @!p0 $0x1BF5;
	p2 =	por !p2, p0  }
0x20: {  	[sflag:s8] =	ssyncset.s32 @!p0 $0xFFFFF086;
	s6 =	sadd.s32 @!p0 s3, s7;
	s7 =	simm.s32 @!p0 $0x108  }
0x21: {  	s3 =	sadd.s32 s3, s9;
	s6 =	sadd.s32 @!p0 $0x88, s6;
	s7 =	simm.s32 @p2 $0x1082  }
0x22: {  	[simem:s7], [sflag:s8] =	dma.local @!p0 [hbm:s6], $0xF7A  }
0x23: {  	s9 =	sor.u32 $0xD0000000, s2;
	s6 =	simm.s32 $0x108;
	_ =	swait.ge @!p0 [sflag:s8], $0x0  }
0x24: {  	s3 =	sadd.s32 $0x88, s3;
	s6 =	simm.s32 @!p1 $0x1082;
	[sflag:s4] =	ssyncset.s32 $0xFFFFF086  }
0x25: {  	[simem:s6], [sflag:s4] =	dma.local [hbm:s3], $0xF7A  }
0x26: {  	[smem:$0x3F9B] =	sst s1;
	(tag) =	ssettag s2;
	_ =	strace s9  }
0x27: {  	s1 =	sld [smem:$0x3FAB]  }
0x28: {  	s2 =	sld [smem:$0x3FAC]  }
0x29: {  	s4 =	sld [smem:$0x3FAE]  }
0x2a: {  	p0 =	seq.s32 s5, $0x0;
	s5 =	sld [smem:$0x3FAF]  }
0x2b: {  	s6 =	sld [smem:$0x3FB0]  }
0x2c: {  	s7 =	sld [smem:$0x3FB1]  }
0x2d: {  	s3 =	simm.s32 $0x108;
	s8 =	sld [smem:$0x3FB2]  }
0x2e: {  	s3 =	simm.s32 @!p0 $0x1082;
	s9 =	sld [smem:$0x3FB3]  }
0x2f: {  	lr =	sadd.s32 s0, s3;
	s0 =	sld [smem:$0x3FAA]  }
0x30: {  	s3 =	sld [smem:$0x3FAD]  }
0x31: {  	[smem:$0x3FB6] =	sst s10  }
0x32: {  	s10 =	sld [smem:$0x3FB4];
	_ =	sdelay $0x3  }
0x33: {  	p0 =	seq.s32 s10, $0x1;
	s10 =	sld [smem:$0x3FB6];
	_ =	sdelay $0x3  }
0x34: {  	[smem:$0x3FB6] =	sst s10  }
0x35: {  	s10 =	sld [smem:$0x3FB5];
	_ =	sdelay $0x3  }
0x36: {  	p1 =	seq.s32 s10, $0x1;
	s10 =	sld [smem:$0x3FB6];
	_ =	sdelay $0x3  }
0x37: {  	[smem:$0x3FB6] =	sst s10  }
0x38: {  	s10 =	sld [smem:$0x3FB7]  }
0x39: {  	_ = 	snop;
	(pc) =	sbr.ind lr, $3  }
0x3a: {  	_ = 	snop  }
0x3b: {  	_ = 	snop  }
0x3c: {  	p2 =	seq.s32 s10, $0x1;
	s10 =	sld [smem:$0x3FB6]  }
0x3d: {  	_ =	shalt  }
0x3e: {  	_ =	shalt  }
0x3f: {  	_ =	shalt  }
0x40: {  	_ =	shalt  }
0x41: {  	_ =	shalt  }
0x42: {  	_ =	shalt  }
0x43: {  	_ =	shalt  }
0x44: {  	_ =	shalt  }
0x45: {  	_ =	shalt  }
0x46: {  	_ =	shalt  }
0x47: {  	_ =	shalt  }
0x48: {  	_ =	shalt  }
0x49: {  	_ =	shalt  }
0x4a: {  	_ =	shalt  }
0x4b: {  	_ =	shalt  }
0x4c: {  	_ =	shalt  }
0x4d: {  	_ =	shalt  }
0x4e: {  	_ =	shalt  }
0x4f: {  	_ =	shalt  }
0x50: {  	_ =	shalt  }
0x51: {  	_ =	shalt  }
0x52: {  	_ =	shalt  }
0x53: {  	_ =	shalt  }
0x54: {  	_ =	shalt  }
0x55: {  	_ =	shalt  }
0x56: {  	_ =	shalt  }
0x57: {  	_ =	shalt  }
0x58: {  	_ =	shalt  }
0x59: {  	_ =	shalt  }
0x5a: {  	_ =	shalt  }
0x5b: {  	_ =	shalt  }
0x5c: {  	_ =	shalt  }
0x5d: {  	_ =	shalt  }
0x5e: {  	_ =	shalt  }
0x5f: {  	_ =	shalt  }
0x60: {  	_ =	shalt  }
0x61: {  	_ =	shalt  }
0x62: {  	_ =	shalt  }
0x63: {  	_ =	shalt  }
0x64: {  	_ =	shalt  }
0x65: {  	_ =	shalt  }
0x66: {  	_ =	shalt  }
0x67: {  	_ =	shalt  }
0x68: {  	_ =	shalt  }
0x69: {  	_ =	shalt  }
0x6a: {  	_ =	shalt  }
0x6b: {  	_ =	shalt  }
0x6c: {  	_ =	shalt  }
0x6d: {  	_ =	shalt  }
0x6e: {  	_ =	shalt  }
0x6f: {  	_ =	shalt  }
0x70: {  	_ =	shalt  }
0x71: {  	_ =	shalt  }
0x72: {  	_ =	shalt  }
0x73: {  	_ =	shalt  }
0x74: {  	_ =	shalt  }
0x75: {  	_ =	shalt  }
0x76: {  	_ =	shalt  }
0x77: {  	_ =	shalt  }
0x78: {  	_ =	shalt  }
0x79: {  	_ =	shalt  }
0x7a: {  	_ =	shalt  }
0x7b: {  	_ =	shalt  }
0x7c: {  	_ =	shalt  }
0x7d: {  	_ =	shalt  }
0x7e: {  	_ =	shalt  }
0x7f: {  	_ =	shalt  }
0x80: {  	_ =	shalt  }
0x81: {  	_ =	shalt  }
0x82: {  	_ =	shalt  }
0x83: {  	_ =	shalt  }
0x84: {  	_ =	shalt  }
0x85: {  	_ =	shalt  }
0x86: {  	_ =	shalt  }
0x87: {  	_ =	shalt  }
.Lfunc_end0:
.L_simem_size_0:
called_computation_lowered:
.L_overlay_start_0:
0x88: {  	s2 =	sld [smem:$0x3FD9]  }
0x89: {  	s3 =	sld [smem:$0x3FFE];
	_ =	sdelay $0x1  }
0x8a: {  	s1 =	srdreg.scid  }
0x8b: {  	s0 =	sand.u32 $0x1, s1  }
0x8c: {  	s17 =	sshll.u32 s0, $0xA;
	s2 =	sadd.s32 s3, s2  }
0x8d: {  	s2 =	sadd.s32 s2, s17  }
0x8e: {  	[smem:$0x3FC2] =	sst s2  }
0x8f: {  	_ = 	snop  }
0x90: {  	s2 =	sld [smem:$0x3FD0];
	(tm) =	ssettm $0x1  }
0x91: {  	s18 =	sld [smem:$0x3FFB];
	_ =	sdelay $0x3  }
0x92: {  	_ =	strace s18  }
0x93: {  	s3 =	sld [smem:$0x3FFC];
	_ =	sdelay $0x3  }
0x94: {  	_ =	strace s3  }
0x95: {  	s3 =	sld [smem:$0x3FFD];
	_ =	sdelay $0x3  }
0x96: {  	_ =	strace s3  }
0x97: {  	_ =	strace $0x8FFFFFFF  }
0x98: {  	s19 =	sld [smem:$0x3FDB];
	_ =	sdelay $0x1  }
0x99: {  	s4 =	simm.s32 $_scs_section_size  }
0x9a: {  	s5 =	simm.s32 $_size__tile_overlayer_lowered;
	s6 =	simm.s32 $_tile_overlayer_lowered  }
0x9b: {  	s22 =	simm.s32 $0x1BFF;
	s21 =	sshll.u32 s6, $0x1;
	s3 =	sadd.s32 s4, s19  }
0x9c: {  	s7 =	simm.s32 $0x0;
	s20 =	sshll.u32 s5, $0x1;
	s5 =	sadd.s32 s21, s3  }
0x9d: {  	[timem:s7], [sflag:s22] =	dma.local [hbm:s5], s20  }
0x9e: {  	_ =	swait.ge [sflag:s22], s20  }
0x9f: {  	s4 =	ssub.s32 $0x0, s20;
	[sflag:s22] =	ssyncset.done $0x0  }
0xa0: {  	[sflag:s22] =	ssyncadd.s32 s4;
	_ =	sdelay $0x1  }
0xa1: {  	s23 =	simm.s32 $0x1B8B  }
0xa2: {  	_ =	swait.ge [sflag:s23], $0x1  }
0xa3: {  	[sflag:s23] =	ssyncset.done $0x0  }
0xa4: {  	s25 =	simm.s32 $0x1B8E;
	s24 =	sld [smem:$0x3FFE];
	[sflag:s23] =	ssyncadd.s32 $0xFFFFFFFF  }
0xa5: {  	s26 =	simm.s32 $execute0_lowered;
	[smem:$0x3FD2] =	sst s25  }
0xa6: {  	s5 =	sshll.u32 s26, $0x1;
	_ =	strace $0x80000046;
	[dreg:$0x1] =	wrdreg $0xFFFFFFFF  }
0xa7: {  	s28 =	simm.s32 $_size_execute0_lowered;
	s3 =	sadd.s32 s3, s5;
	[dreg:$0x0] =	wrdreg $0x0  }
0xa8: {  	s5 =	sshll.u32 s28, $0x1;
	[dreg:$0x2] =	wrdreg s3  }
0xa9: {  	[dreg:$0x3] =	wrdreg s5  }
0xaa: {  	[dreg:$0x4] =	wrdreg $0xC0  }
0xab: {  	_ =	task [dreg:s7], $0x5FFFF  }
0xac: {  	[dreg:$0x1] =	wrdreg $0xFFFFFFFF  }
0xad: {  	[dreg:$0x0] =	wrdreg $0x60  }
0xae: {  	[dreg:$0x2] =	wrdreg s2  }
0xaf: {  	[dreg:$0x3] =	wrdreg s24  }
0xb0: {  	[dreg:$0x4] =	wrdreg $0x9  }
0xb1: {  	_ =	task.clear_ibuf [dreg:s7], $0x5FFFF;
	_ =	strace $0x90000046  }
0xb2: {  	s29 =	simm.s32 $0x9;
	_ =	strace $0x80000048  }
0xb3: {  	_ =	swait.ge [sflag:s29], $0x1  }
0xb4: {  	[sflag:s29] =	ssyncadd.s32 $0xFFFFFFFF  }
0xb5: {  	_ =	strace $0x90000048  }
0xb6: {  	_ =	sfence  }
0xb7: {  	s30 =	sld [smem:$0x0];
	_ =	sdelay $0x2  }
0xb8: {  	s31 =	sshll.u32 s1, $0xD;
	s1 =	sshrl.u32 s1, $0x2  }
0xb9: {  	s3 =	sand.u32 $0x4000, s31;
	s1 =	sadd.s32 s1, s30  }
0xba: {  	s0 =	sor.u32 s3, s0;
	s1 =	sshll.u32 s1, $0x11  }
0xbb: {  	s0 =	sor.u32 s1, s0  }
0xbc: {  	s0 =	sadd.s32 $0x8F2B, s0  }
0xbd: {  	[sflag:s0] =	ssyncadd.remote.s32 $0x1  }
0xbe: {  	_ =	sfence.sel $0xFFFF  }
0xbf: {  	[dreg:$0x0] =	wrdreg $0xFFFFFFFF;
	(pc) =	sbr.abs _section_cstart, $3  }
0xc0: {  	[dreg:$0x1] =	wrdreg $0xFFFFFFFF  }
0xc1: {  	_ =	task.clear_ibuf [dreg:s7], $0x2FFFF;
	_ =	strace $0x9FFFFFFF  }
0xc2: {  	(tm) =	ssettm $0x7FFFFFFF  }
0xc3: {  	_ =	shalt  }
tec
execute0_lowered:
.L_overlay_start_1:
0x0: {  	(tag) =	ssettag $0x1  }
0x1: {  	s3 =	rddreg [dreg:$0x1]  }
0x2: {  	s5 =	sadd.s32 $0x14B200, s3  }
0x3: {  	s0 =	srdreg.scid;
	s6 =	sadd.s32 $0x14DA00, s3;
	s24 =	sadd.s32 $0x14B700, s3  }
0x4: {  	s2 =	stileid.u32;
	s25 =	sadd.s32 $0x14DF00, s3;
	s8 =	sadd.s32 $0x14BC00, s3  }
0x5: {  	s1 =	rddreg [dreg:$0x0];
	s9 =	sadd.s32 $0x14E400, s3;
	s10 =	sadd.s32 $0x14C100, s3  }
0x6: {  	s31 =	simm.s32 $0x1;
	s11 =	sadd.s32 $0x14E900, s3;
	s12 =	sadd.s32 $0x14C600, s3  }
0x7: {  	s0 =	sand.u32 $0x1, s0;
	s13 =	sadd.s32 $0x14EE00, s3;
	s14 =	sadd.s32 $0x14CB00, s3  }
0x8: {  	s2 =	sshll.u32 s2, $0x1;
	s16 =	sadd.s32 $0x14F300, s3;
	s17 =	sadd.s32 $0x14D000, s3  }
0x9: {  	s18 =	sadd.s32 $0x14F800, s3;
	s4 =	sor.u32 s0, s2;
	s2 =	simm.s32 $0x0  }
0xa: {  	s19 =	sadd.s32 $0x14D500, s3;
	s0 =	ssub.s32 $0x2, s0;
	[smem:$0x7FF] =	sst s2  }
0xb: {  	s4 =	smul.u32 $0x2850, s4;
	_ =	strace $0x80000047;
	[dreg:$0x3] =	wrdreg s5  }
0xc: {  	s20 =	sadd.s32 $0x14FD00, s3;
	s26 =	sshrl.u32 s0, $0x1;
	[dreg:$0x4] =	wrdreg s6  }
0xd: {  	[dreg:$0x6] =	wrdreg s24;
	s0 =	ssub.s32 s0, s26;
	s4 =	sshrl.u32 s4, $0x3  }
0xe: {  	s30 =	smax.u32 s0, $0x1;
	s0 =	simm.s32 $0x5100;
	s7 =	sadd.s32 s4, s3  }
0xf: {  	s24 =	sadd.s32 s1, s4;
	s1 =	simm.s32 $0x7900;
	s23 =	sadd.s32 $0x150200, s7  }
0x10: {  	s3 =	simm.s32 $0xA100;
	s15 =	sadd.s32 $0x1000, s7;
	s21 =	sadd.s32 $0x15A340, s7  }
0x11: {  	[dreg:$0x7] =	wrdreg s25;
	s22 =	sadd.s32 $0x164480, s7;
	s25 =	sadd.s32 $0x178700, s7  }
0x12: {  	s4 =	simm.s32 $0x0;
	s26 =	sadd.s32 $0x182840, s7;
	s28 =	sadd.s32 $0x18C980, s7  }
0x13: {  	s29 =	sadd.s32 $0x196AC0, s7;
	[dreg:$0x5] =	wrdreg s23;
	s23 =	sadd.s32 $0x16E5C0, s7  }
.LBB2_1:
0x14: {  	[tilespmem:s2], [sflag:$0x1] =	stream.linear.gather [hbm4b:s24+s2], $0x2850, $0x38;
	[tilespmem:$0xC980] =	vst v63  }
0x15: {  	_ =	swait.ge [sflag:s31], $0x2850  }
0x16: {  	[sflag:s31] =	ssyncset.done $0x0  }
0x17: {  	s5 =	simm.s32 $0x2880;
	[sflag:s31] =	ssyncadd.s32 $0xFFFFD7B0  }
0x18: {  	[tilespmem:s5], [sflag:$0x1] =	stream.linear.gather [hbm4b:s15+s2], $0x2850, $0x38;
	[tilespmem:$0xC980] =	vst v63  }
0x19: {  	_ =	swait.ge [sflag:s31], $0x2850  }
0x1a: {  	[sflag:s31] =	ssyncset.done $0x0  }
0x1b: {  	s6 =	rddreg [dreg:$0x3];
	[sflag:s31] =	ssyncadd.s32 $0xFFFFD7B0  }
0x1c: {  	[tilespmem:s0], [sflag:$0x1] =	stream.linear.gather [hbm4b:s6+s2], $0x2800, $0x38;
	[tilespmem:$0xC980] =	vst v63  }
0x1d: {  	_ =	swait.ge [sflag:s31], $0x2800  }
0x1e: {  	[sflag:s31] =	ssyncset.done $0x0  }
0x1f: {  	s7 =	rddreg [dreg:$0x4];
	[sflag:s31] =	ssyncadd.s32 $0xFFFFD800  }
0x20: {  	[tilespmem:s1], [sflag:$0x1] =	stream.linear.gather [hbm4b:s7+s2], $0x2800, $0x38;
	[tilespmem:$0xC980] =	vst v63  }
0x21: {  	_ =	swait.ge [sflag:s31], $0x2800  }
0x22: {  	[sflag:s31] =	ssyncset.done $0x0  }
0x23: {  	s5 =	simm.s32 $0x0;
	[sflag:s31] =	ssyncadd.s32 $0xFFFFD800  }
0x24: {  	v0 =	vld [tilespmem:s5+$0x2880]  }
0x25: {  	v1 =	vld [tilespmem:s5+$0x0];
	_ =	sdelay $0x6  }
0x26: {  	v0 =	vld.idx.msk [tilespmem:v0+s1+$0x0], $0xffff  }
0x27: {  	v1 =	vld.idx.msk [tilespmem:v1+s0+$0x0], $0xffff;
	_ =	sdelay $0x4  }
0x28: {  	v0 =	vadd.f32 v0, v1;
	_ =	sdelay $0x1  }
0x29: {  	v1 =	vmul.f32 $2.000000030e-01, v0  }
0x2a: {  	vm0 =	vge.f32 v0, $0.0e+00  }
0x2b: {  	v0 =	vsel vm0, v0, v1  }
0x2c: {  	v0 =	vmul.f32 $1.442695020e+00, v0;
	_ =	sdelay $0x1  }
0x2d: {  	(erf) = vpow2.f32 v0;
	_ =	sdelay $0x1  }
0x2e: {  	s7 =	simm.s32 $0x10  }
0x2f: {  	s6 =	simm.s32 $0x80;
	v0 =	vld [tilespmem:s7+$0x2880]  }
.LBB2_2:
0x30: {  	p0 =	sne.s32 s6, $0xA100;
	v1 =	vld [tilespmem:s7+$0x0];
	_ =	sdelay $0x4  }
0x31: {  	v2 =	vpop (erf)  }
0x32: {  	[tilespmem:s5+$0xA100] =	vst v2;
	s5 =	smov.u32 s7  }
0x33: {  	v0 =	vld.idx.msk [tilespmem:v0+s1+$0x0], $0xffff  }
0x34: {  	v1 =	vld.idx.msk [tilespmem:v1+s0+$0x0], $0xffff;
	_ =	sdelay $0x5  }
0x35: {  	v0 =	vadd.f32 v0, v1;
	_ =	sdelay $0x1  }
0x36: {  	v1 =	vmul.f32 $2.000000030e-01, v0  }
0x37: {  	vm0 =	vge.f32 v0, $0.0e+00  }
0x38: {  	v0 =	vsel vm0, v0, v1  }
0x39: {  	v0 =	vmul.f32 $1.442695020e+00, v0  }
.Ltmp0:
0x3a: {  	(pc) =	sbr.rel @p0 .LBB2_2-.Ltmp0, $3  }
0x3b: {  	(erf) = vpow2.f32 v0;
	_ =	sdelay $0x1  }
0x3c: {  	s7 =	sshra.s32 s6, $0x2  }
0x3d: {  	s6 =	sadd.s32 $0x40, s6;
	v0 =	vld [tilespmem:s7+$0x2880]  }
0x3e: {  	_ = 	snop  }
0x3f: {  	v1 =	vld [tilespmem:s7+$0x0];
	_ =	sdelay $0x4  }
0x40: {  	v2 =	vpop (erf)  }
0x41: {  	[tilespmem:s5+$0xA100] =	vst v2  }
0x42: {  	v0 =	vld.idx.msk [tilespmem:v0+s1+$0x0], $0xffff  }
0x43: {  	v1 =	vld.idx.msk [tilespmem:v1+s0+$0x0], $0xffff;
	_ =	sdelay $0x4  }
0x44: {  	v0 =	vadd.f32 v0, v1;
	_ =	sdelay $0x1  }
0x45: {  	v1 =	vmul.f32 $2.000000030e-01, v0  }
0x46: {  	vm0 =	vge.f32 v0, $0.0e+00  }
0x47: {  	v0 =	vsel vm0, v0, v1  }
0x48: {  	v0 =	vmul.f32 $1.442695020e+00, v0;
	_ =	sdelay $0x1  }
0x49: {  	(erf) = vpow2.f32 v0;
	_ =	sdelay $0x8  }
0x4a: {  	v0 =	vpop (erf)  }
0x4b: {  	s6 =	rddreg [dreg:$0x5];
	s5 =	simm.s32 $0x0;
	[tilespmem:s7+$0xA100] =	vst v0  }
0x4c: {  	[hbm4b:s6+s5] =	stream.linear.scatter [tilespmem:s3], [sflag:$0x1], $0x2850, $0x38;
	[tilespmem:$0xC980] =	vst v63  }
0x4d: {  	_ =	swait.ge [sflag:s31], $0x2850  }
0x4e: {  	[sflag:s31] =	ssyncset.done $0x0  }
0x4f: {  	s7 =	rddreg [dreg:$0x6];
	[sflag:s31] =	ssyncadd.s32 $0xFFFFD7B0  }
0x50: {  	[tilespmem:s0], [sflag:$0x1] =	stream.linear.gather [hbm4b:s7+s5], $0x2800, $0x38;
	[tilespmem:$0xC980] =	vst v63  }
0x51: {  	_ =	swait.ge [sflag:s31], $0x2800  }
0x52: {  	[sflag:s31] =	ssyncset.done $0x0  }
0x53: {  	s7 =	rddreg [dreg:$0x7];
	[sflag:s31] =	ssyncadd.s32 $0xFFFFD800  }
0x54: {  	[tilespmem:s1], [sflag:$0x1] =	stream.linear.gather [hbm4b:s7+s5], $0x2800, $0x38;
	[tilespmem:$0xC980] =	vst v63  }
0x55: {  	_ =	swait.ge [sflag:s31], $0x2800  }
0x56: {  	[sflag:s31] =	ssyncset.done $0x0  }
0x57: {  	s5 =	simm.s32 $0x0;
	[sflag:s31] =	ssyncadd.s32 $0xFFFFD800  }
0x58: {  	v0 =	vld [tilespmem:s5+$0x2880]  }
0x59: {  	v1 =	vld [tilespmem:s5+$0x0];
	_ =	sdelay $0x6  }
0x5a: {  	v0 =	vld.idx.msk [tilespmem:v0+s1+$0x0], $0xffff  }
0x5b: {  	v1 =	vld.idx.msk [tilespmem:v1+s0+$0x0], $0xffff;
	_ =	sdelay $0x4  }
0x5c: {  	v0 =	vadd.f32 v0, v1;
	_ =	sdelay $0x1  }
0x5d: {  	v1 =	vmul.f32 $2.000000030e-01, v0  }
0x5e: {  	vm15 =	vge.f32 v0, $0.0e+00  }
0x5f: {  	v0 =	vsel vm15, v0, v1  }
0x60: {  	v0 =	vmul.f32 $1.442695020e+00, v0;
	_ =	sdelay $0x1  }
0x61: {  	(erf) = vpow2.f32 v0;
	_ =	sdelay $0x1  }
0x62: {  	s7 =	simm.s32 $0x10  }
0x63: {  	s6 =	simm.s32 $0x80;
	v0 =	vld [tilespmem:s7+$0x2880]  }
.LBB2_4:
0x64: {  	p0 =	sne.s32 s6, $0xA100;
	v1 =	vld [tilespmem:s7+$0x0];
	_ =	sdelay $0x4  }
0x65: {  	v2 =	vpop (erf)  }
0x66: {  	[tilespmem:s5+$0xA100] =	vst v2;
	s5 =	smov.u32 s7  }
0x67: {  	v0 =	vld.idx.msk [tilespmem:v0+s1+$0x0], $0xffff  }
0x68: {  	v1 =	vld.idx.msk [tilespmem:v1+s0+$0x0], $0xffff;
	_ =	sdelay $0x5  }
0x69: {  	v0 =	vadd.f32 v0, v1;
	_ =	sdelay $0x1  }
0x6a: {  	v1 =	vmul.f32 $2.000000030e-01, v0  }
0x6b: {  	vm0 =	vge.f32 v0, $0.0e+00  }
0x6c: {  	v0 =	vsel vm0, v0, v1  }
0x6d: {  	v0 =	vmul.f32 $1.442695020e+00, v0  }
.Ltmp1:
0x6e: {  	(pc) =	sbr.rel @p0 .LBB2_4-.Ltmp1, $3  }
0x6f: {  	(erf) = vpow2.f32 v0;
	_ =	sdelay $0x1  }
0x70: {  	s7 =	sshra.s32 s6, $0x2  }
0x71: {  	s6 =	sadd.s32 $0x40, s6;
	v0 =	vld [tilespmem:s7+$0x2880]  }
0x72: {  	_ = 	snop  }
0x73: {  	v1 =	vld [tilespmem:s7+$0x0];
	_ =	sdelay $0x4  }
0x74: {  	v2 =	vpop (erf)  }
0x75: {  	[tilespmem:s5+$0xA100] =	vst v2  }
0x76: {  	v0 =	vld.idx.msk [tilespmem:v0+s1+$0x0], $0xffff  }
0x77: {  	v1 =	vld.idx.msk [tilespmem:v1+s0+$0x0], $0xffff;
	_ =	sdelay $0x4  }
0x78: {  	v0 =	vadd.f32 v0, v1;
	_ =	sdelay $0x1  }
0x79: {  	v1 =	vmul.f32 $2.000000030e-01, v0  }
0x7a: {  	vm0 =	vge.f32 v0, $0.0e+00  }
0x7b: {  	v0 =	vsel vm0, v0, v1  }
0x7c: {  	v0 =	vmul.f32 $1.442695020e+00, v0;
	_ =	sdelay $0x1  }
0x7d: {  	(erf) = vpow2.f32 v0;
	_ =	sdelay $0x8  }
0x7e: {  	v0 =	vpop (erf)  }
0x7f: {  	[tilespmem:s7+$0xA100] =	vst v0;
	s7 =	simm.s32 $0x0  }
0x80: {  	[hbm4b:s21+s7] =	stream.linear.scatter [tilespmem:s3], [sflag:$0x1], $0x2850, $0x38;
	[tilespmem:$0xC980] =	vst v63  }
0x81: {  	_ =	swait.ge [sflag:s31], $0x2850  }
0x82: {  	[sflag:s31] =	ssyncset.done $0x0  }
0x83: {  	[sflag:s31] =	ssyncadd.s32 $0xFFFFD7B0  }
0x84: {  	[tilespmem:s0], [sflag:$0x1] =	stream.linear.gather [hbm4b:s8+s7], $0x2800, $0x38;
	[tilespmem:$0xC980] =	vst v63  }
0x85: {  	_ =	swait.ge [sflag:s31], $0x2800  }
0x86: {  	[sflag:s31] =	ssyncset.done $0x0  }
0x87: {  	[sflag:s31] =	ssyncadd.s32 $0xFFFFD800  }
0x88: {  	[tilespmem:s1], [sflag:$0x1] =	stream.linear.gather [hbm4b:s9+s7], $0x2800, $0x38;
	[tilespmem:$0xC980] =	vst v63  }
0x89: {  	_ =	swait.ge [sflag:s31], $0x2800  }
0x8a: {  	[sflag:s31] =	ssyncset.done $0x0  }
0x8b: {  	s5 =	simm.s32 $0x0;
	[sflag:s31] =	ssyncadd.s32 $0xFFFFD800  }
0x8c: {  	v0 =	vld [tilespmem:s5+$0x2880]  }
0x8d: {  	v1 =	vld [tilespmem:s5+$0x0];
	_ =	sdelay $0x6  }
0x8e: {  	v0 =	vld.idx.msk [tilespmem:v0+s1+$0x0], $0xffff  }
0x8f: {  	v1 =	vld.idx.msk [tilespmem:v1+s0+$0x0], $0xffff;
	_ =	sdelay $0x4  }
0x90: {  	v0 =	vadd.f32 v0, v1;
	_ =	sdelay $0x1  }
0x91: {  	v1 =	vmul.f32 $2.000000030e-01, v0  }
0x92: {  	vm15 =	vge.f32 v0, $0.0e+00  }
0x93: {  	v0 =	vsel vm15, v0, v1  }
0x94: {  	v0 =	vmul.f32 $1.442695020e+00, v0;
	_ =	sdelay $0x1  }
0x95: {  	(erf) = vpow2.f32 v0;
	_ =	sdelay $0x1  }
0x96: {  	s7 =	simm.s32 $0x10  }
0x97: {  	s6 =	simm.s32 $0x80;
	v0 =	vld [tilespmem:s7+$0x2880]  }
.LBB2_6:
0x98: {  	p0 =	sne.s32 s6, $0xA100;
	v1 =	vld [tilespmem:s7+$0x0];
	_ =	sdelay $0x4  }
0x99: {  	v2 =	vpop (erf)  }
0x9a: {  	[tilespmem:s5+$0xA100] =	vst v2;
	s5 =	smov.u32 s7  }
0x9b: {  	v0 =	vld.idx.msk [tilespmem:v0+s1+$0x0], $0xffff  }
0x9c: {  	v1 =	vld.idx.msk [tilespmem:v1+s0+$0x0], $0xffff;
	_ =	sdelay $0x5  }
0x9d: {  	v0 =	vadd.f32 v0, v1;
	_ =	sdelay $0x1  }
0x9e: {  	v1 =	vmul.f32 $2.000000030e-01, v0  }
0x9f: {  	vm0 =	vge.f32 v0, $0.0e+00  }
0xa0: {  	v0 =	vsel vm0, v0, v1  }
0xa1: {  	v0 =	vmul.f32 $1.442695020e+00, v0  }
.Ltmp2:
0xa2: {  	(pc) =	sbr.rel @p0 .LBB2_6-.Ltmp2, $3  }
0xa3: {  	(erf) = vpow2.f32 v0;
	_ =	sdelay $0x1  }
0xa4: {  	s7 =	sshra.s32 s6, $0x2  }
0xa5: {  	s6 =	sadd.s32 $0x40, s6;
	v0 =	vld [tilespmem:s7+$0x2880]  }
0xa6: {  	_ = 	snop  }
0xa7: {  	v1 =	vld [tilespmem:s7+$0x0];
	_ =	sdelay $0x4  }
0xa8: {  	v2 =	vpop (erf)  }
0xa9: {  	[tilespmem:s5+$0xA100] =	vst v2  }
0xaa: {  	v0 =	vld.idx.msk [tilespmem:v0+s1+$0x0], $0xffff  }
0xab: {  	v1 =	vld.idx.msk [tilespmem:v1+s0+$0x0], $0xffff;
	_ =	sdelay $0x4  }
0xac: {  	v0 =	vadd.f32 v0, v1;
	_ =	sdelay $0x1  }
0xad: {  	v1 =	vmul.f32 $2.000000030e-01, v0  }
0xae: {  	vm0 =	vge.f32 v0, $0.0e+00  }
0xaf: {  	v0 =	vsel vm0, v0, v1  }
0xb0: {  	v0 =	vmul.f32 $1.442695020e+00, v0;
	_ =	sdelay $0x1  }
0xb1: {  	(erf) = vpow2.f32 v0;
	_ =	sdelay $0x8  }
0xb2: {  	v0 =	vpop (erf)  }
0xb3: {  	[tilespmem:s7+$0xA100] =	vst v0;
	s7 =	simm.s32 $0x0  }
0xb4: {  	[hbm4b:s22+s7] =	stream.linear.scatter [tilespmem:s3], [sflag:$0x1], $0x2850, $0x38;
	[tilespmem:$0xC980] =	vst v63  }
0xb5: {  	_ =	swait.ge [sflag:s31], $0x2850  }
0xb6: {  	[sflag:s31] =	ssyncset.done $0x0  }
0xb7: {  	[sflag:s31] =	ssyncadd.s32 $0xFFFFD7B0  }
0xb8: {  	[tilespmem:s0], [sflag:$0x1] =	stream.linear.gather [hbm4b:s10+s7], $0x2800, $0x38;
	[tilespmem:$0xC980] =	vst v63  }
0xb9: {  	_ =	swait.ge [sflag:s31], $0x2800  }
0xba: {  	[sflag:s31] =	ssyncset.done $0x0  }
0xbb: {  	[sflag:s31] =	ssyncadd.s32 $0xFFFFD800  }
0xbc: {  	[tilespmem:s1], [sflag:$0x1] =	stream.linear.gather [hbm4b:s11+s7], $0x2800, $0x38;
	[tilespmem:$0xC980] =	vst v63  }
0xbd: {  	_ =	swait.ge [sflag:s31], $0x2800  }
0xbe: {  	[sflag:s31] =	ssyncset.done $0x0  }
0xbf: {  	s5 =	simm.s32 $0x0;
	[sflag:s31] =	ssyncadd.s32 $0xFFFFD800  }
0xc0: {  	v0 =	vld [tilespmem:s5+$0x2880]  }
0xc1: {  	v1 =	vld [tilespmem:s5+$0x0];
	_ =	sdelay $0x6  }
0xc2: {  	v0 =	vld.idx.msk [tilespmem:v0+s1+$0x0], $0xffff  }
0xc3: {  	v1 =	vld.idx.msk [tilespmem:v1+s0+$0x0], $0xffff;
	_ =	sdelay $0x4  }
0xc4: {  	v0 =	vadd.f32 v0, v1;
	_ =	sdelay $0x1  }
0xc5: {  	v1 =	vmul.f32 $2.000000030e-01, v0  }
0xc6: {  	vm15 =	vge.f32 v0, $0.0e+00  }
0xc7: {  	v0 =	vsel vm15, v0, v1  }
0xc8: {  	v0 =	vmul.f32 $1.442695020e+00, v0;
	_ =	sdelay $0x1  }
0xc9: {  	(erf) = vpow2.f32 v0;
	_ =	sdelay $0x1  }
0xca: {  	s7 =	simm.s32 $0x10  }
0xcb: {  	s6 =	simm.s32 $0x80;
	v0 =	vld [tilespmem:s7+$0x2880]  }
.LBB2_8:
0xcc: {  	p0 =	sne.s32 s6, $0xA100;
	v1 =	vld [tilespmem:s7+$0x0];
	_ =	sdelay $0x4  }
0xcd: {  	v2 =	vpop (erf)  }
0xce: {  	[tilespmem:s5+$0xA100] =	vst v2;
	s5 =	smov.u32 s7  }
0xcf: {  	v0 =	vld.idx.msk [tilespmem:v0+s1+$0x0], $0xffff  }
0xd0: {  	v1 =	vld.idx.msk [tilespmem:v1+s0+$0x0], $0xffff;
	_ =	sdelay $0x5  }
0xd1: {  	v0 =	vadd.f32 v0, v1;
	_ =	sdelay $0x1  }
0xd2: {  	v1 =	vmul.f32 $2.000000030e-01, v0  }
0xd3: {  	vm0 =	vge.f32 v0, $0.0e+00  }
0xd4: {  	v0 =	vsel vm0, v0, v1  }
0xd5: {  	v0 =	vmul.f32 $1.442695020e+00, v0  }
.Ltmp3:
0xd6: {  	(pc) =	sbr.rel @p0 .LBB2_8-.Ltmp3, $3  }
0xd7: {  	(erf) = vpow2.f32 v0;
	_ =	sdelay $0x1  }
0xd8: {  	s7 =	sshra.s32 s6, $0x2  }
0xd9: {  	s6 =	sadd.s32 $0x40, s6;
	v0 =	vld [tilespmem:s7+$0x2880]  }
0xda: {  	_ = 	snop  }
0xdb: {  	v1 =	vld [tilespmem:s7+$0x0];
	_ =	sdelay $0x4  }
0xdc: {  	v2 =	vpop (erf)  }
0xdd: {  	[tilespmem:s5+$0xA100] =	vst v2  }
0xde: {  	v0 =	vld.idx.msk [tilespmem:v0+s1+$0x0], $0xffff  }
0xdf: {  	v1 =	vld.idx.msk [tilespmem:v1+s0+$0x0], $0xffff;
	_ =	sdelay $0x4  }
0xe0: {  	v0 =	vadd.f32 v0, v1;
	_ =	sdelay $0x1  }
0xe1: {  	v1 =	vmul.f32 $2.000000030e-01, v0  }
0xe2: {  	vm0 =	vge.f32 v0, $0.0e+00  }
0xe3: {  	v0 =	vsel vm0, v0, v1  }
0xe4: {  	v0 =	vmul.f32 $1.442695020e+00, v0;
	_ =	sdelay $0x1  }
0xe5: {  	(erf) = vpow2.f32 v0;
	_ =	sdelay $0x8  }
0xe6: {  	v0 =	vpop (erf)  }
0xe7: {  	[tilespmem:s7+$0xA100] =	vst v0;
	s7 =	simm.s32 $0x0  }
0xe8: {  	[hbm4b:s23+s7] =	stream.linear.scatter [tilespmem:s3], [sflag:$0x1], $0x2850, $0x38;
	[tilespmem:$0xC980] =	vst v63  }
0xe9: {  	_ =	swait.ge [sflag:s31], $0x2850  }
0xea: {  	[sflag:s31] =	ssyncset.done $0x0  }
0xeb: {  	[sflag:s31] =	ssyncadd.s32 $0xFFFFD7B0  }
0xec: {  	[tilespmem:s0], [sflag:$0x1] =	stream.linear.gather [hbm4b:s12+s7], $0x2800, $0x38;
	[tilespmem:$0xC980] =	vst v63  }
0xed: {  	_ =	swait.ge [sflag:s31], $0x2800  }
0xee: {  	[sflag:s31] =	ssyncset.done $0x0  }
0xef: {  	[sflag:s31] =	ssyncadd.s32 $0xFFFFD800  }
0xf0: {  	[tilespmem:s1], [sflag:$0x1] =	stream.linear.gather [hbm4b:s13+s7], $0x2800, $0x38;
	[tilespmem:$0xC980] =	vst v63  }
0xf1: {  	_ =	swait.ge [sflag:s31], $0x2800  }
0xf2: {  	[sflag:s31] =	ssyncset.done $0x0  }
0xf3: {  	s5 =	simm.s32 $0x0;
	[sflag:s31] =	ssyncadd.s32 $0xFFFFD800  }
0xf4: {  	v0 =	vld [tilespmem:s5+$0x2880]  }
0xf5: {  	v1 =	vld [tilespmem:s5+$0x0];
	_ =	sdelay $0x6  }
0xf6: {  	v0 =	vld.idx.msk [tilespmem:v0+s1+$0x0], $0xffff  }
0xf7: {  	v1 =	vld.idx.msk [tilespmem:v1+s0+$0x0], $0xffff;
	_ =	sdelay $0x4  }
0xf8: {  	v0 =	vadd.f32 v0, v1;
	_ =	sdelay $0x1  }
0xf9: {  	v1 =	vmul.f32 $2.000000030e-01, v0  }
0xfa: {  	vm15 =	vge.f32 v0, $0.0e+00  }
0xfb: {  	v0 =	vsel vm15, v0, v1  }
0xfc: {  	v0 =	vmul.f32 $1.442695020e+00, v0;
	_ =	sdelay $0x1  }
0xfd: {  	(erf) = vpow2.f32 v0;
	_ =	sdelay $0x1  }
0xfe: {  	s7 =	simm.s32 $0x10  }
0xff: {  	s6 =	simm.s32 $0x80;
	v0 =	vld [tilespmem:s7+$0x2880]  }
.LBB2_10:
0x100: {  	p0 =	sne.s32 s6, $0xA100;
	v1 =	vld [tilespmem:s7+$0x0];
	_ =	sdelay $0x4  }
0x101: {  	v2 =	vpop (erf)  }
0x102: {  	[tilespmem:s5+$0xA100] =	vst v2;
	s5 =	smov.u32 s7  }
0x103: {  	v0 =	vld.idx.msk [tilespmem:v0+s1+$0x0], $0xffff  }
0x104: {  	v1 =	vld.idx.msk [tilespmem:v1+s0+$0x0], $0xffff;
	_ =	sdelay $0x5  }
0x105: {  	v0 =	vadd.f32 v0, v1;
	_ =	sdelay $0x1  }
0x106: {  	v1 =	vmul.f32 $2.000000030e-01, v0  }
0x107: {  	vm0 =	vge.f32 v0, $0.0e+00  }
0x108: {  	v0 =	vsel vm0, v0, v1  }
0x109: {  	v0 =	vmul.f32 $1.442695020e+00, v0  }
.Ltmp4:
0x10a: {  	(pc) =	sbr.rel @p0 .LBB2_10-.Ltmp4, $3  }
0x10b: {  	(erf) = vpow2.f32 v0;
	_ =	sdelay $0x1  }
0x10c: {  	s7 =	sshra.s32 s6, $0x2  }
0x10d: {  	s6 =	sadd.s32 $0x40, s6;
	v0 =	vld [tilespmem:s7+$0x2880]  }
0x10e: {  	_ = 	snop  }
0x10f: {  	v1 =	vld [tilespmem:s7+$0x0];
	_ =	sdelay $0x4  }
0x110: {  	v2 =	vpop (erf)  }
0x111: {  	[tilespmem:s5+$0xA100] =	vst v2  }
0x112: {  	v0 =	vld.idx.msk [tilespmem:v0+s1+$0x0], $0xffff  }
0x113: {  	v1 =	vld.idx.msk [tilespmem:v1+s0+$0x0], $0xffff;
	_ =	sdelay $0x4  }
0x114: {  	v0 =	vadd.f32 v0, v1;
	_ =	sdelay $0x1  }
0x115: {  	v1 =	vmul.f32 $2.000000030e-01, v0  }
0x116: {  	vm0 =	vge.f32 v0, $0.0e+00  }
0x117: {  	v0 =	vsel vm0, v0, v1  }
0x118: {  	v0 =	vmul.f32 $1.442695020e+00, v0;
	_ =	sdelay $0x1  }
0x119: {  	(erf) = vpow2.f32 v0;
	_ =	sdelay $0x8  }
0x11a: {  	v0 =	vpop (erf)  }
0x11b: {  	[tilespmem:s7+$0xA100] =	vst v0;
	s7 =	simm.s32 $0x0  }
0x11c: {  	[hbm4b:s25+s7] =	stream.linear.scatter [tilespmem:s3], [sflag:$0x1], $0x2850, $0x38;
	[tilespmem:$0xC980] =	vst v63  }
0x11d: {  	_ =	swait.ge [sflag:s31], $0x2850  }
0x11e: {  	[sflag:s31] =	ssyncset.done $0x0  }
0x11f: {  	[sflag:s31] =	ssyncadd.s32 $0xFFFFD7B0  }
0x120: {  	[tilespmem:s0], [sflag:$0x1] =	stream.linear.gather [hbm4b:s14+s7], $0x2800, $0x38;
	[tilespmem:$0xC980] =	vst v63  }
0x121: {  	_ =	swait.ge [sflag:s31], $0x2800  }
0x122: {  	[sflag:s31] =	ssyncset.done $0x0  }
0x123: {  	[sflag:s31] =	ssyncadd.s32 $0xFFFFD800  }
0x124: {  	[tilespmem:s1], [sflag:$0x1] =	stream.linear.gather [hbm4b:s16+s7], $0x2800, $0x38;
	[tilespmem:$0xC980] =	vst v63  }
0x125: {  	_ =	swait.ge [sflag:s31], $0x2800  }
0x126: {  	[sflag:s31] =	ssyncset.done $0x0  }
0x127: {  	s5 =	simm.s32 $0x0;
	[sflag:s31] =	ssyncadd.s32 $0xFFFFD800  }
0x128: {  	v0 =	vld [tilespmem:s5+$0x2880]  }
0x129: {  	v1 =	vld [tilespmem:s5+$0x0];
	_ =	sdelay $0x6  }
0x12a: {  	v0 =	vld.idx.msk [tilespmem:v0+s1+$0x0], $0xffff  }
0x12b: {  	v1 =	vld.idx.msk [tilespmem:v1+s0+$0x0], $0xffff;
	_ =	sdelay $0x4  }
0x12c: {  	v0 =	vadd.f32 v0, v1;
	_ =	sdelay $0x1  }
0x12d: {  	v1 =	vmul.f32 $2.000000030e-01, v0  }
0x12e: {  	vm15 =	vge.f32 v0, $0.0e+00  }
0x12f: {  	v0 =	vsel vm15, v0, v1  }
0x130: {  	v0 =	vmul.f32 $1.442695020e+00, v0;
	_ =	sdelay $0x1  }
0x131: {  	(erf) = vpow2.f32 v0;
	_ =	sdelay $0x1  }
0x132: {  	s7 =	simm.s32 $0x10  }
0x133: {  	s6 =	simm.s32 $0x80;
	v0 =	vld [tilespmem:s7+$0x2880]  }
.LBB2_12:
0x134: {  	p0 =	sne.s32 s6, $0xA100;
	v1 =	vld [tilespmem:s7+$0x0];
	_ =	sdelay $0x4  }
0x135: {  	v2 =	vpop (erf)  }
0x136: {  	[tilespmem:s5+$0xA100] =	vst v2;
	s5 =	smov.u32 s7  }
0x137: {  	v0 =	vld.idx.msk [tilespmem:v0+s1+$0x0], $0xffff  }
0x138: {  	v1 =	vld.idx.msk [tilespmem:v1+s0+$0x0], $0xffff;
	_ =	sdelay $0x5  }
0x139: {  	v0 =	vadd.f32 v0, v1;
	_ =	sdelay $0x1  }
0x13a: {  	v1 =	vmul.f32 $2.000000030e-01, v0  }
0x13b: {  	vm0 =	vge.f32 v0, $0.0e+00  }
0x13c: {  	v0 =	vsel vm0, v0, v1  }
0x13d: {  	v0 =	vmul.f32 $1.442695020e+00, v0  }
.Ltmp5:
0x13e: {  	(pc) =	sbr.rel @p0 .LBB2_12-.Ltmp5, $3  }
0x13f: {  	(erf) = vpow2.f32 v0;
	_ =	sdelay $0x1  }
0x140: {  	s7 =	sshra.s32 s6, $0x2  }
0x141: {  	s6 =	sadd.s32 $0x40, s6;
	v0 =	vld [tilespmem:s7+$0x2880]  }
0x142: {  	_ = 	snop  }
0x143: {  	v1 =	vld [tilespmem:s7+$0x0];
	_ =	sdelay $0x4  }
0x144: {  	v2 =	vpop (erf)  }
0x145: {  	[tilespmem:s5+$0xA100] =	vst v2  }
0x146: {  	v0 =	vld.idx.msk [tilespmem:v0+s1+$0x0], $0xffff  }
0x147: {  	v1 =	vld.idx.msk [tilespmem:v1+s0+$0x0], $0xffff;
	_ =	sdelay $0x4  }
0x148: {  	v0 =	vadd.f32 v0, v1;
	_ =	sdelay $0x1  }
0x149: {  	v1 =	vmul.f32 $2.000000030e-01, v0  }
0x14a: {  	vm0 =	vge.f32 v0, $0.0e+00  }
0x14b: {  	v0 =	vsel vm0, v0, v1  }
0x14c: {  	v0 =	vmul.f32 $1.442695020e+00, v0;
	_ =	sdelay $0x1  }
0x14d: {  	(erf) = vpow2.f32 v0;
	_ =	sdelay $0x8  }
0x14e: {  	v0 =	vpop (erf)  }
0x14f: {  	[tilespmem:s7+$0xA100] =	vst v0;
	s7 =	simm.s32 $0x0  }
0x150: {  	[hbm4b:s26+s7] =	stream.linear.scatter [tilespmem:s3], [sflag:$0x1], $0x2850, $0x38;
	[tilespmem:$0xC980] =	vst v63  }
0x151: {  	_ =	swait.ge [sflag:s31], $0x2850  }
0x152: {  	[sflag:s31] =	ssyncset.done $0x0  }
0x153: {  	[sflag:s31] =	ssyncadd.s32 $0xFFFFD7B0  }
0x154: {  	[tilespmem:s0], [sflag:$0x1] =	stream.linear.gather [hbm4b:s17+s7], $0x2800, $0x38;
	[tilespmem:$0xC980] =	vst v63  }
0x155: {  	_ =	swait.ge [sflag:s31], $0x2800  }
0x156: {  	[sflag:s31] =	ssyncset.done $0x0  }
0x157: {  	[sflag:s31] =	ssyncadd.s32 $0xFFFFD800  }
0x158: {  	[tilespmem:s1], [sflag:$0x1] =	stream.linear.gather [hbm4b:s18+s7], $0x2800, $0x38;
	[tilespmem:$0xC980] =	vst v63  }
0x159: {  	_ =	swait.ge [sflag:s31], $0x2800  }
0x15a: {  	[sflag:s31] =	ssyncset.done $0x0  }
0x15b: {  	s5 =	simm.s32 $0x0;
	[sflag:s31] =	ssyncadd.s32 $0xFFFFD800  }
0x15c: {  	v0 =	vld [tilespmem:s5+$0x2880]  }
0x15d: {  	v1 =	vld [tilespmem:s5+$0x0];
	_ =	sdelay $0x6  }
0x15e: {  	v0 =	vld.idx.msk [tilespmem:v0+s1+$0x0], $0xffff  }
0x15f: {  	v1 =	vld.idx.msk [tilespmem:v1+s0+$0x0], $0xffff;
	_ =	sdelay $0x4  }
0x160: {  	v0 =	vadd.f32 v0, v1;
	_ =	sdelay $0x1  }
0x161: {  	v1 =	vmul.f32 $2.000000030e-01, v0  }
0x162: {  	vm15 =	vge.f32 v0, $0.0e+00  }
0x163: {  	v0 =	vsel vm15, v0, v1  }
0x164: {  	v0 =	vmul.f32 $1.442695020e+00, v0;
	_ =	sdelay $0x1  }
0x165: {  	(erf) = vpow2.f32 v0;
	_ =	sdelay $0x1  }
0x166: {  	s7 =	simm.s32 $0x10  }
0x167: {  	s6 =	simm.s32 $0x80;
	v0 =	vld [tilespmem:s7+$0x2880]  }
.LBB2_14:
0x168: {  	p0 =	sne.s32 s6, $0xA100;
	v1 =	vld [tilespmem:s7+$0x0];
	_ =	sdelay $0x4  }
0x169: {  	v2 =	vpop (erf)  }
0x16a: {  	[tilespmem:s5+$0xA100] =	vst v2;
	s5 =	smov.u32 s7  }
0x16b: {  	v0 =	vld.idx.msk [tilespmem:v0+s1+$0x0], $0xffff  }
0x16c: {  	v1 =	vld.idx.msk [tilespmem:v1+s0+$0x0], $0xffff;
	_ =	sdelay $0x5  }
0x16d: {  	v0 =	vadd.f32 v0, v1;
	_ =	sdelay $0x1  }
0x16e: {  	v1 =	vmul.f32 $2.000000030e-01, v0  }
0x16f: {  	vm0 =	vge.f32 v0, $0.0e+00  }
0x170: {  	v0 =	vsel vm0, v0, v1  }
0x171: {  	v0 =	vmul.f32 $1.442695020e+00, v0  }
.Ltmp6:
0x172: {  	(pc) =	sbr.rel @p0 .LBB2_14-.Ltmp6, $3  }
0x173: {  	(erf) = vpow2.f32 v0;
	_ =	sdelay $0x1  }
0x174: {  	s7 =	sshra.s32 s6, $0x2  }
0x175: {  	s6 =	sadd.s32 $0x40, s6;
	v0 =	vld [tilespmem:s7+$0x2880]  }
0x176: {  	_ = 	snop  }
0x177: {  	v1 =	vld [tilespmem:s7+$0x0];
	_ =	sdelay $0x4  }
0x178: {  	v2 =	vpop (erf)  }
0x179: {  	[tilespmem:s5+$0xA100] =	vst v2  }
0x17a: {  	v0 =	vld.idx.msk [tilespmem:v0+s1+$0x0], $0xffff  }
0x17b: {  	v1 =	vld.idx.msk [tilespmem:v1+s0+$0x0], $0xffff;
	_ =	sdelay $0x4  }
0x17c: {  	v0 =	vadd.f32 v0, v1;
	_ =	sdelay $0x1  }
0x17d: {  	v1 =	vmul.f32 $2.000000030e-01, v0  }
0x17e: {  	vm0 =	vge.f32 v0, $0.0e+00  }
0x17f: {  	v0 =	vsel vm0, v0, v1  }
0x180: {  	v0 =	vmul.f32 $1.442695020e+00, v0;
	_ =	sdelay $0x1  }
0x181: {  	(erf) = vpow2.f32 v0;
	_ =	sdelay $0x8  }
0x182: {  	v0 =	vpop (erf)  }
0x183: {  	[tilespmem:s7+$0xA100] =	vst v0;
	s7 =	simm.s32 $0x0  }
0x184: {  	[hbm4b:s28+s7] =	stream.linear.scatter [tilespmem:s3], [sflag:$0x1], $0x2850, $0x38;
	[tilespmem:$0xC980] =	vst v63  }
0x185: {  	_ =	swait.ge [sflag:s31], $0x2850  }
0x186: {  	[sflag:s31] =	ssyncset.done $0x0  }
0x187: {  	[sflag:s31] =	ssyncadd.s32 $0xFFFFD7B0  }
0x188: {  	[tilespmem:s0], [sflag:$0x1] =	stream.linear.gather [hbm4b:s19+s7], $0x2800, $0x38;
	[tilespmem:$0xC980] =	vst v63  }
0x189: {  	_ =	swait.ge [sflag:s31], $0x2800  }
0x18a: {  	[sflag:s31] =	ssyncset.done $0x0  }
0x18b: {  	[sflag:s31] =	ssyncadd.s32 $0xFFFFD800  }
0x18c: {  	[tilespmem:s1], [sflag:$0x1] =	stream.linear.gather [hbm4b:s20+s7], $0x2800, $0x38;
	[tilespmem:$0xC980] =	vst v63  }
0x18d: {  	_ =	swait.ge [sflag:s31], $0x2800  }
0x18e: {  	[sflag:s31] =	ssyncset.done $0x0  }
0x18f: {  	s5 =	simm.s32 $0x0;
	[sflag:s31] =	ssyncadd.s32 $0xFFFFD800  }
0x190: {  	v0 =	vld [tilespmem:s5+$0x2880]  }
0x191: {  	v1 =	vld [tilespmem:s5+$0x0];
	_ =	sdelay $0x6  }
0x192: {  	v0 =	vld.idx.msk [tilespmem:v0+s1+$0x0], $0xffff  }
0x193: {  	v1 =	vld.idx.msk [tilespmem:v1+s0+$0x0], $0xffff;
	_ =	sdelay $0x4  }
0x194: {  	v0 =	vadd.f32 v0, v1;
	_ =	sdelay $0x1  }
0x195: {  	v1 =	vmul.f32 $2.000000030e-01, v0  }
0x196: {  	vm15 =	vge.f32 v0, $0.0e+00  }
0x197: {  	v0 =	vsel vm15, v0, v1  }
0x198: {  	v0 =	vmul.f32 $1.442695020e+00, v0;
	_ =	sdelay $0x1  }
0x199: {  	(erf) = vpow2.f32 v0;
	_ =	sdelay $0x1  }
0x19a: {  	s7 =	simm.s32 $0x10  }
0x19b: {  	s6 =	simm.s32 $0x80;
	v0 =	vld [tilespmem:s7+$0x2880]  }
.LBB2_16:
0x19c: {  	p0 =	sne.s32 s6, $0xA100;
	v1 =	vld [tilespmem:s7+$0x0];
	_ =	sdelay $0x4  }
0x19d: {  	v2 =	vpop (erf)  }
0x19e: {  	[tilespmem:s5+$0xA100] =	vst v2;
	s5 =	smov.u32 s7  }
0x19f: {  	v0 =	vld.idx.msk [tilespmem:v0+s1+$0x0], $0xffff  }
0x1a0: {  	v1 =	vld.idx.msk [tilespmem:v1+s0+$0x0], $0xffff;
	_ =	sdelay $0x5  }
0x1a1: {  	v0 =	vadd.f32 v0, v1;
	_ =	sdelay $0x1  }
0x1a2: {  	v1 =	vmul.f32 $2.000000030e-01, v0  }
0x1a3: {  	vm0 =	vge.f32 v0, $0.0e+00  }
0x1a4: {  	v0 =	vsel vm0, v0, v1  }
0x1a5: {  	v0 =	vmul.f32 $1.442695020e+00, v0  }
.Ltmp7:
0x1a6: {  	(pc) =	sbr.rel @p0 .LBB2_16-.Ltmp7, $3  }
0x1a7: {  	(erf) = vpow2.f32 v0;
	_ =	sdelay $0x1  }
0x1a8: {  	s7 =	sshra.s32 s6, $0x2  }
0x1a9: {  	s6 =	sadd.s32 $0x40, s6;
	v0 =	vld [tilespmem:s7+$0x2880]  }
0x1aa: {  	_ = 	snop  }
0x1ab: {  	v1 =	vld [tilespmem:s7+$0x0];
	_ =	sdelay $0x4  }
0x1ac: {  	v2 =	vpop (erf)  }
0x1ad: {  	[tilespmem:s5+$0xA100] =	vst v2  }
0x1ae: {  	v0 =	vld.idx.msk [tilespmem:v0+s1+$0x0], $0xffff  }
0x1af: {  	v1 =	vld.idx.msk [tilespmem:v1+s0+$0x0], $0xffff;
	_ =	sdelay $0x4  }
0x1b0: {  	v0 =	vadd.f32 v0, v1;
	_ =	sdelay $0x1  }
0x1b1: {  	v1 =	vmul.f32 $2.000000030e-01, v0  }
0x1b2: {  	vm0 =	vge.f32 v0, $0.0e+00  }
0x1b3: {  	v0 =	vsel vm0, v0, v1  }
0x1b4: {  	v0 =	vmul.f32 $1.442695020e+00, v0;
	_ =	sdelay $0x1  }
0x1b5: {  	(erf) = vpow2.f32 v0;
	_ =	sdelay $0x7  }
0x1b6: {  	s4 =	sadd.s32 $0x1, s4  }
0x1b7: {  	p0 =	sne.s32 s4, s30;
	v0 =	vpop (erf)  }
.Ltmp8:
0x1b8: {  	[tilespmem:s7+$0xA100] =	vst v0;
	(pc) =	sbr.rel @p0 .LBB2_1-.Ltmp8, $4  }
0x1b9: {  	[hbm4b:s29+s2] =	stream.linear.scatter [tilespmem:s3], [sflag:$0x1], $0x2850, $0x38;
	[tilespmem:$0xC980] =	vst v63  }
0x1ba: {  	_ =	swait.ge [sflag:s31], $0x2850  }
0x1bb: {  	[sflag:s31] =	ssyncset.done $0x0  }
0x1bc: {  	[sflag:s31] =	ssyncadd.s32 $0xFFFFD7B0  }
0x1bd: {  	_ =	sfence.sel $0x180000  }
0x1be: {  	[bflag:$0x0] =	sbarrier.arrive $0xFFFF  }
0x1bf: {  	_ =	strace $0x90000047  }
0x1c0: {  	s0 =	stileid.u32;
	[bflag:$0x2] =	sbarrier.arrive $0xFFFF  }
0x1c1: {  	p0 =	sne.s32 s0, $0x0;
	s0 =	rddreg [dreg:$0x2]  }
0x1c2: {  	s0 =	sadd.s32 @!p0 $0x100000, s0  }
0x1c3: {  	[sflag:s0] =	ssyncadd.tile.s32 @!p0 $0x1;
	_ =	shalt  }
.Lfunc_end2:
_tile_overlayer_lowered:
.L_overlay_start_2:
0x1c4: {  	(tag) =	ssettag $0x2  }
0x1c5: {  	s0 =	rddreg [dreg:$0x0];
	s2 =	stileid.u32  }
0x1c6: {  	s1 =	rddreg [dreg:$0x1];
	p0 =	sne.s32 s2, $0x0  }
0x1c7: {  	s3 =	rddreg [dreg:$0x2];
	[bflag:$0x3] =	sbarrier.arrive $0xFFFF;
	s2 =	simm.s32 @!p0 $0x1C01  }
0x1c8: {  	[timem:s3], [sflag:s2] =	dma.local @!p0 [hbm:s0], s1  }
0x1c9: {  	s0 =	simm.s32 @!p0 $0x1  }
0x1ca: {  	_ =	swait.ge @!p0 [sflag:s0], s1  }
0x1cb: {  	s1 =	ssub.s32 @!p0 $0x0, s1;
	[sflag:s0] =	ssyncset.done @!p0 $0x0  }
0x1cc: {  	[sflag:s0] =	ssyncadd.s32 @!p0 s1  }
0x1cd: {  	[bflag:$0x3] =	sbarrier.arrive $0xFFFF  }
0x1ce: {  	_ =	shalt  }

// kernel: kernel.9.cloned.1.call-start
scs
__scs_entry_jumppad:
0x0: {  	(pc) =	sbr.rel $0x88, $3  }
0x1: {  	(tag) =	ssettag $0x0;
	lr =	simm.s32 $0x1  }
0x2: {  	[smem:$0x3F9B] =	sst lr;
	_ =	strace $0xD0000000  }
0x3: {  	_ = 	snop  }
0x4: {  	_ = 	snop  }
0x5: {  	_ = 	snop  }
0x6: {  	_ = 	snop  }
0x7: {  	_ = 	snop  }
__scs_overlays_trampoline_lowered:
0x8: {  	[smem:$0x3FAA] =	sst s0  }
0x9: {  	[smem:$0x3FAB] =	sst s1  }
0xa: {  	[smem:$0x3FAC] =	sst s2  }
0xb: {  	[smem:$0x3FAD] =	sst s3  }
0xc: {  	[smem:$0x3FAE] =	sst s4  }
0xd: {  	[smem:$0x3FAF] =	sst s5  }
0xe: {  	[smem:$0x3FB0] =	sst s6  }
0xf: {  	[smem:$0x3FB1] =	sst s7  }
0x10: {  	[smem:$0x3FB2] =	sst s8  }
0x11: {  	[smem:$0x3FB3] =	sst s9;
	s0 =	simm.s32 @!p0 $0x0  }
0x12: {  	s1 =	sld [smem:$0x3F99];
	s0 =	simm.s32 @p0 $0x1  }
0x13: {  	[smem:$0x3FB4] =	sst s0;
	s0 =	simm.s32 @!p1 $0x0  }
0x14: {  	s2 =	sld [smem:$0x3F98];
	s0 =	simm.s32 @p1 $0x1  }
0x15: {  	[smem:$0x3FB5] =	sst s0;
	s0 =	simm.s32 @!p2 $0x0  }
0x16: {  	s3 =	sld [smem:$0x3FDB];
	s0 =	simm.s32 @p2 $0x1  }
0x17: {  	s4 =	simm.s32 $0x1BF5;
	[smem:$0x3FB7] =	sst s0  }
0x18: {  	s0 =	sld [smem:$0x3F9A];
	_ =	swait.ge [sflag:s4], $0x0  }
0x19: {  	s7 =	sld [smem:$0x3F9B]  }
0x1a: {  	s8 =	sadd.s32 $0xFFFFE003, lr  }
0x1b: {  	s9 =	sadd.s32 $0xFFFFFEF7, lr;
	s5 =	simm.s32 $0xFFFFFFFF;
	p2 =	slt.u32 s8, $0xFFFFF086  }
0x1c: {  	p1 =	slt.u32 s9, $0xF7A;
	s5 =	simm.s32 @!p2 $0x0  }
0x1d: {  	s5 =	simm.s32 @p1 $0x1;
	p0 =	seq.s32 s7, s2  }
0x1e: {  	s7 =	smul.u32 @!p0 $0xF7A, s2;
	p2 =	seq.s32 @!p0 s5, $0x0  }
0x1f: {  	s9 =	smul.u32 $0xF7A, s1;
	s8 =	simm.s32 @!p0 $0x1BF5;
	p2 =	por !p2, p0  }
0x20: {  	[sflag:s8] =	ssyncset.s32 @!p0 $0xFFFFF086;
	s6 =	sadd.s32 @!p0 s3, s7;
	s7 =	simm.s32 @!p0 $0x108  }
0x21: {  	s3 =	sadd.s32 s3, s9;
	s6 =	sadd.s32 @!p0 $0x88, s6;
	s7 =	simm.s32 @p2 $0x1082  }
0x22: {  	[simem:s7], [sflag:s8] =	dma.local @!p0 [hbm:s6], $0xF7A  }
0x23: {  	s9 =	sor.u32 $0xD0000000, s2;
	s6 =	simm.s32 $0x108;
	_ =	swait.ge @!p0 [sflag:s8], $0x0  }
0x24: {  	s3 =	sadd.s32 $0x88, s3;
	s6 =	simm.s32 @!p1 $0x1082;
	[sflag:s4] =	ssyncset.s32 $0xFFFFF086  }
0x25: {  	[simem:s6], [sflag:s4] =	dma.local [hbm:s3], $0xF7A  }
0x26: {  	[smem:$0x3F9B] =	sst s1;
	(tag) =	ssettag s2;
	_ =	strace s9  }
0x27: {  	s1 =	sld [smem:$0x3FAB]  }
0x28: {  	s2 =	sld [smem:$0x3FAC]  }
0x29: {  	s4 =	sld [smem:$0x3FAE]  }
0x2a: {  	p0 =	seq.s32 s5, $0x0;
	s5 =	sld [smem:$0x3FAF]  }
0x2b: {  	s6 =	sld [smem:$0x3FB0]  }
0x2c: {  	s7 =	sld [smem:$0x3FB1]  }
0x2d: {  	s3 =	simm.s32 $0x108;
	s8 =	sld [smem:$0x3FB2]  }
0x2e: {  	s3 =	simm.s32 @!p0 $0x1082;
	s9 =	sld [smem:$0x3FB3]  }
0x2f: {  	lr =	sadd.s32 s0, s3;
	s0 =	sld [smem:$0x3FAA]  }
0x30: {  	s3 =	sld [smem:$0x3FAD]  }
0x31: {  	[smem:$0x3FB6] =	sst s10  }
0x32: {  	s10 =	sld [smem:$0x3FB4];
	_ =	sdelay $0x3  }
0x33: {  	p0 =	seq.s32 s10, $0x1;
	s10 =	sld [smem:$0x3FB6];
	_ =	sdelay $0x3  }
0x34: {  	[smem:$0x3FB6] =	sst s10  }
0x35: {  	s10 =	sld [smem:$0x3FB5];
	_ =	sdelay $0x3  }
0x36: {  	p1 =	seq.s32 s10, $0x1;
	s10 =	sld [smem:$0x3FB6];
	_ =	sdelay $0x3  }
0x37: {  	[smem:$0x3FB6] =	sst s10  }
0x38: {  	s10 =	sld [smem:$0x3FB7]  }
0x39: {  	_ = 	snop;
	(pc) =	sbr.ind lr, $3  }
0x3a: {  	_ = 	snop  }
0x3b: {  	_ = 	snop  }
0x3c: {  	p2 =	seq.s32 s10, $0x1;
	s10 =	sld [smem:$0x3FB6]  }
0x3d: {  	_ =	shalt  }
0x3e: {  	_ =	shalt  }
0x3f: {  	_ =	shalt  }
0x40: {  	_ =	shalt  }
0x41: {  	_ =	shalt  }
0x42: {  	_ =	shalt  }
0x43: {  	_ =	shalt  }
0x44: {  	_ =	shalt  }
0x45: {  	_ =	shalt  }
0x46: {  	_ =	shalt  }
0x47: {  	_ =	shalt  }
0x48: {  	_ =	shalt  }
0x49: {  	_ =	shalt  }
0x4a: {  	_ =	shalt  }
0x4b: {  	_ =	shalt  }
0x4c: {  	_ =	shalt  }
0x4d: {  	_ =	shalt  }
0x4e: {  	_ =	shalt  }
0x4f: {  	_ =	shalt  }
0x50: {  	_ =	shalt  }
0x51: {  	_ =	shalt  }
0x52: {  	_ =	shalt  }
0x53: {  	_ =	shalt  }
0x54: {  	_ =	shalt  }
0x55: {  	_ =	shalt  }
0x56: {  	_ =	shalt  }
0x57: {  	_ =	shalt  }
0x58: {  	_ =	shalt  }
0x59: {  	_ =	shalt  }
0x5a: {  	_ =	shalt  }
0x5b: {  	_ =	shalt  }
0x5c: {  	_ =	shalt  }
0x5d: {  	_ =	shalt  }
0x5e: {  	_ =	shalt  }
0x5f: {  	_ =	shalt  }
0x60: {  	_ =	shalt  }
0x61: {  	_ =	shalt  }
0x62: {  	_ =	shalt  }
0x63: {  	_ =	shalt  }
0x64: {  	_ =	shalt  }
0x65: {  	_ =	shalt  }
0x66: {  	_ =	shalt  }
0x67: {  	_ =	shalt  }
0x68: {  	_ =	shalt  }
0x69: {  	_ =	shalt  }
0x6a: {  	_ =	shalt  }
0x6b: {  	_ =	shalt  }
0x6c: {  	_ =	shalt  }
0x6d: {  	_ =	shalt  }
0x6e: {  	_ =	shalt  }
0x6f: {  	_ =	shalt  }
0x70: {  	_ =	shalt  }
0x71: {  	_ =	shalt  }
0x72: {  	_ =	shalt  }
0x73: {  	_ =	shalt  }
0x74: {  	_ =	shalt  }
0x75: {  	_ =	shalt  }
0x76: {  	_ =	shalt  }
0x77: {  	_ =	shalt  }
0x78: {  	_ =	shalt  }
0x79: {  	_ =	shalt  }
0x7a: {  	_ =	shalt  }
0x7b: {  	_ =	shalt  }
0x7c: {  	_ =	shalt  }
0x7d: {  	_ =	shalt  }
0x7e: {  	_ =	shalt  }
0x7f: {  	_ =	shalt  }
0x80: {  	_ =	shalt  }
0x81: {  	_ =	shalt  }
0x82: {  	_ =	shalt  }
0x83: {  	_ =	shalt  }
0x84: {  	_ =	shalt  }
0x85: {  	_ =	shalt  }
0x86: {  	_ =	shalt  }
0x87: {  	_ =	shalt  }
.Lfunc_end0:
.L_simem_size_0:
called_computation.1_lowered:
.L_overlay_start_0:
0x88: {  	s2 =	sld [smem:$0x3FD9]  }
0x89: {  	s3 =	sld [smem:$0x3FFE];
	_ =	sdelay $0x1  }
0x8a: {  	s1 =	srdreg.scid  }
0x8b: {  	s0 =	sand.u32 $0x1, s1  }
0x8c: {  	s17 =	sshll.u32 s0, $0xA;
	s2 =	sadd.s32 s3, s2  }
0x8d: {  	s2 =	sadd.s32 s2, s17  }
0x8e: {  	[smem:$0x3FC2] =	sst s2  }
0x8f: {  	_ = 	snop  }
0x90: {  	s2 =	sld [smem:$0x3FD0];
	(tm) =	ssettm $0x1  }
0x91: {  	s18 =	sld [smem:$0x3FFB];
	_ =	sdelay $0x3  }
0x92: {  	_ =	strace s18  }
0x93: {  	s3 =	sld [smem:$0x3FFC];
	_ =	sdelay $0x3  }
0x94: {  	_ =	strace s3  }
0x95: {  	s3 =	sld [smem:$0x3FFD];
	_ =	sdelay $0x3  }
0x96: {  	_ =	strace s3  }
0x97: {  	_ =	strace $0x8FFFFFFF  }
0x98: {  	s19 =	sld [smem:$0x3FDB];
	_ =	sdelay $0x1  }
0x99: {  	s4 =	simm.s32 $_scs_section_size  }
0x9a: {  	s5 =	simm.s32 $_size__tile_overlayer_lowered;
	s6 =	simm.s32 $_tile_overlayer_lowered  }
0x9b: {  	s22 =	simm.s32 $0x1BFF;
	s21 =	sshll.u32 s6, $0x1;
	s3 =	sadd.s32 s4, s19  }
0x9c: {  	s7 =	simm.s32 $0x0;
	s20 =	sshll.u32 s5, $0x1;
	s5 =	sadd.s32 s21, s3  }
0x9d: {  	[timem:s7], [sflag:s22] =	dma.local [hbm:s5], s20  }
0x9e: {  	_ =	swait.ge [sflag:s22], s20  }
0x9f: {  	s4 =	ssub.s32 $0x0, s20;
	[sflag:s22] =	ssyncset.done $0x0  }
0xa0: {  	[sflag:s22] =	ssyncadd.s32 s4;
	_ =	sdelay $0x1  }
0xa1: {  	s23 =	simm.s32 $0x1B8B  }
0xa2: {  	_ =	swait.ge [sflag:s23], $0x1  }
0xa3: {  	[sflag:s23] =	ssyncset.done $0x0  }
0xa4: {  	s25 =	simm.s32 $0x1B8E;
	s24 =	sld [smem:$0x3FFE];
	[sflag:s23] =	ssyncadd.s32 $0xFFFFFFFF  }
0xa5: {  	s26 =	simm.s32 $execute0_lowered;
	[smem:$0x3FD2] =	sst s25  }
0xa6: {  	s5 =	sshll.u32 s26, $0x1;
	_ =	strace $0x80000049;
	[dreg:$0x1] =	wrdreg $0xFFFFFFFF  }
0xa7: {  	s28 =	simm.s32 $_size_execute0_lowered;
	s3 =	sadd.s32 s3, s5;
	[dreg:$0x0] =	wrdreg $0x0  }
0xa8: {  	s5 =	sshll.u32 s28, $0x1;
	[dreg:$0x2] =	wrdreg s3  }
0xa9: {  	[dreg:$0x3] =	wrdreg s5  }
0xaa: {  	[dreg:$0x4] =	wrdreg $0xC0  }
0xab: {  	_ =	task [dreg:s7], $0x5FFFF  }
0xac: {  	[dreg:$0x1] =	wrdreg $0xFFFFFFFF  }
0xad: {  	[dreg:$0x0] =	wrdreg $0x60  }
0xae: {  	[dreg:$0x2] =	wrdreg s2  }
0xaf: {  	[dreg:$0x3] =	wrdreg s24  }
0xb0: {  	[dreg:$0x4] =	wrdreg $0x0  }
0xb1: {  	[dreg:$0x5] =	wrdreg $0x140000  }
0xb2: {  	[dreg:$0x6] =	wrdreg $0x9  }
0xb3: {  	_ =	task.clear_ibuf [dreg:s7], $0x7FFFF;
	_ =	strace $0x90000049  }
0xb4: {  	s29 =	simm.s32 $0x9;
	_ =	strace $0x8000004B  }
0xb5: {  	_ =	swait.ge [sflag:s29], $0x1  }
0xb6: {  	[sflag:s29] =	ssyncadd.s32 $0xFFFFFFFF  }
0xb7: {  	_ =	strace $0x9000004B  }
0xb8: {  	_ =	sfence  }
0xb9: {  	s30 =	sld [smem:$0x0];
	_ =	sdelay $0x2  }
0xba: {  	s31 =	sshll.u32 s1, $0xD;
	s1 =	sshrl.u32 s1, $0x2  }
0xbb: {  	s3 =	sand.u32 $0x4000, s31;
	s1 =	sadd.s32 s1, s30  }
0xbc: {  	s0 =	sor.u32 s3, s0;
	s1 =	sshll.u32 s1, $0x11  }
0xbd: {  	s0 =	sor.u32 s1, s0  }
0xbe: {  	s0 =	sadd.s32 $0x8F2B, s0  }
0xbf: {  	[sflag:s0] =	ssyncadd.remote.s32 $0x1  }
0xc0: {  	_ =	sfence.sel $0xFFFF  }
0xc1: {  	[dreg:$0x0] =	wrdreg $0xFFFFFFFF;
	(pc) =	sbr.abs _section_cstart, $3  }
0xc2: {  	[dreg:$0x1] =	wrdreg $0xFFFFFFFF  }
0xc3: {  	_ =	task.clear_ibuf [dreg:s7], $0x2FFFF;
	_ =	strace $0x9FFFFFFF  }
0xc4: {  	(tm) =	ssettm $0x7FFFFFFF  }
0xc5: {  	_ =	shalt  }
tec
execute0_lowered:
.L_overlay_start_1:
0x0: {  	(tag) =	ssettag $0x1  }
0x1: {  	s0 =	rddreg [dreg:$0x1]  }
0x2: {  	s2 =	rddreg [dreg:$0x2];
	s11 =	stileid.u32  }
0x3: {  	s1 =	srdreg.scid;
	s19 =	smul.u32 $0x50A0, s11  }
0x4: {  	s5 =	rddreg [dreg:$0x3];
	s6 =	smul.u32 $0x280, s11  }
0x5: {  	s7 =	simm.s32 $0x0;
	s1 =	sand.u32 $0x1, s1;
	s11 =	smul.u32 $0x14000, s11  }
0x6: {  	s28 =	simm.s32 $0x20;
	s29 =	simm.s32 $0x1A580;
	s4 =	smul.u32 $0xA000, s1  }
0x7: {  	s30 =	simm.s32 $0x8;
	s3 =	sshll.u32 s1, $0x2;
	s8 =	smul.u32 $0x142800, s1  }
0x8: {  	s31 =	simm.s32 $0x80;
	s18 =	smul.u32 $0x500000, s1;
	s9 =	sor.u32 $0x1, s3  }
0x9: {  	[smem:$0x7FF] =	sst s7;
	s12 =	sadd.s32 $0x1A0C00, s0;
	s10 =	smul.u32 $0x2800, s9  }
0xa: {  	s16 =	sadd.s32 $0x14B200, s0;
	s3 =	sor.u32 $0x2, s3;
	s9 =	smul.u32 $0x50A00, s9  }
0xb: {  	s20 =	ssub.s32 $0x2, s1;
	s1 =	sshllo.u32 s1, $0x2;
	s22 =	smul.u32 $0x2800, s3  }
0xc: {  	s13 =	sshrl.u32 s20, $0x1;
	[dreg:$0x6] =	wrdreg s8;
	s3 =	smul.u32 $0x50A00, s3  }
0xd: {  	s21 =	sadd.s32 s11, s18;
	s17 =	sadd.s32 s6, s4;
	v0 =	vmov s4;
	s4 =	simm.s32 $0x0  }
0xe: {  	_ =	strace $0x8000004A;
	s8 =	sshrl.u32 s21, $0x3;
	s23 =	sshrl.u32 s17, $0x3  }
0xf: {  	s24 =	sadd.s32 $0x140000, s21;
	s14 =	sadd.s32 $0x280000, s21;
	[dreg:$0x5] =	wrdreg s19  }
0x10: {  	s18 =	sadd.s32 $0x2800, s17;
	[dreg:$0x7] =	wrdreg s9;
	s9 =	ssub.s32 s20, s13  }
0x11: {  	[dreg:$0x8] =	wrdreg s3;
	s11 =	sadd.s32 s8, s12;
	s8 =	sadd.s32 s23, s16  }
0x12: {  	s15 =	sshrl.u32 s18, $0x3;
	s18 =	sadd.s32 $0x1000, s0;
	[dreg:$0x9] =	wrdreg s8  }
0x13: {  	s25 =	sshrl.u32 s24, $0x3;
	s20 =	sadd.s32 $0x150200, s0;
	[dreg:$0xd] =	wrdreg s18  }
0x14: {  	s26 =	sshrl.u32 s14, $0x3;
	s0 =	sadd.s32 $0xB200, s0;
	[dreg:$0xe] =	wrdreg s20  }
0x15: {  	s3 =	sadd.s32 $0x3C0000, s21;
	s14 =	sadd.s32 $0x7800, s17;
	[dreg:$0xf] =	wrdreg s0  }
0x16: {  	s23 =	smul.u32 $0x50A00, s1;
	s8 =	sadd.s32 s25, s12;
	[dreg:$0x14] =	wrdreg s11  }
0x17: {  	s21 =	smul.u32 $0x2800, s1;
	v1 =	vmov s10;
	s10 =	simm.s32 $0x16D80;
	[dreg:$0x15] =	wrdreg s8  }
0x18: {  	s3 =	sshrl.u32 s3, $0x3;
	s24 =	smax.u32 s9, $0x1;
	[dreg:$0x10] =	wrdreg s23  }
0x19: {  	s25 =	sadd.s32 $0x50, s19;
	s0 =	simm.s32 $0x1A600;
	[dreg:$0x11] =	wrdreg s24  }
0x1a: {  	s18 =	simm.s32 $0x14580;
	s8 =	sadd.s32 s26, s12;
	[dreg:$0x12] =	wrdreg s25  }
0x1b: {  	s9 =	simm.s32 $0x14500;
	s26 =	sor.u32 $0x10, s6;
	[dreg:$0x16] =	wrdreg s8  }
0x1c: {  	s13 =	sadd.s32 s3, s12;
	s12 =	sadd.s32 $0x5000, s17;
	[dreg:$0x13] =	wrdreg s26  }
0x1d: {  	s3 =	sshrl.u32 s12, $0x3;
	s12 =	sadd.s32 s15, s16;
	[dreg:$0x18] =	wrdreg s13  }
0x1e: {  	v3 =	vlaneseq.u32;
	v5 =	vimm.f32 $0.0e+00;
	s8 =	sshrl.u32 s14, $0x3;
	s26 =	simm.s32 $0x19580;
	[dreg:$0xa] =	wrdreg s12  }
0x1f: {  	v6 =	vor.u32 $0x10, v3;
	v7 =	vor.u32 $0x20, v3;
	v8 =	vor.u32 $0x30, v3;
	s3 =	sadd.s32 s3, s16;
	s17 =	sadd.s32 s8, s16;
	s16 =	simm.s32 $0x14480  }
0x20: {  	v9 =	vor.u32 $0x40, v3;
	v10 =	vor.u32 $0x50, v3;
	v11 =	vor.u32 $0x60, v3;
	s12 =	simm.s32 $0x1;
	s8 =	simm.s32 $0x1A680;
	[dreg:$0xb] =	wrdreg s3  }
0x21: {  	v12 =	vor.u32 $0x70, v3;
	v2 =	vmov s22;
	v4 =	vmov s21;
	[dreg:$0xc] =	wrdreg s17;
	s3 =	simm.s32 $0x1A700;
	s17 =	simm.s32 $0x14380  }
.LBB2_1:
0x22: {  	[tilespmem:$0x1A600] =	vst v5  }
0x23: {  	[tilespmem:$0x1A610] =	vst v5  }
0x24: {  	[tilespmem:$0x1A620] =	vst v5;
	s25 =	simm.s32 $0x0  }
0x25: {  	[tilespmem:$0x1A630] =	vst v5;
	v16 =	vor.u32 s25, v3  }
0x26: {  	[tilespmem:$0x1A640] =	vst v5  }
0x27: {  	[tilespmem:$0x1A650] =	vst v5;
	v18 =	vor.u32 s25, v6  }
0x28: {  	[tilespmem:$0x1A660] =	vst v5;
	v15 =	vor.u32 s25, v7  }
0x29: {  	[tilespmem:$0x1A670] =	vst v5;
	v14 =	vor.u32 s25, v8  }
0x2a: {  	[tilespmem:v16+s26+$0x0] =	vst.idx.msk $0xffff, v5;
	v16 =	vor.u32 s25, v9  }
0x2b: {  	v17 =	vor.u32 s25, v10  }
0x2c: {  	[dreg:$0x17] =	wrdreg s4;
	s1 =	simm.s32 $0x1;
	v13 =	vor.u32 s25, v12;
	[tilespmem:v18+s26+$0x0] =	vst.idx.msk $0xffff, v5;
	v18 =	vor.u32 s25, v11  }
.LBB2_2:
0x2d: {  	s4 =	sshll.u32 s1, $0x7;
	p0 =	seq.s32 s1, $0x1F;
	s1 =	sadd.s32 $0x1, s1;
	[tilespmem:v15+s26+$0x0] =	vst.idx.msk $0xffff, v5  }
0x2e: {  	v19 =	vor.u32 s4, v3;
	v20 =	vor.u32 s4, v12;
	[tilespmem:v14+s26+$0x0] =	vst.idx.msk $0xffff, v5  }
0x2f: {  	v21 =	vor.u32 s4, v6;
	[tilespmem:v16+s26+$0x0] =	vst.idx.msk $0xffff, v5  }
.Ltmp0:
0x30: {  	v15 =	vor.u32 s4, v7;
	[tilespmem:v17+s26+$0x0] =	vst.idx.msk $0xffff, v5;
	(pc) =	sbr.rel @!p0 .LBB2_2-.Ltmp0, $4  }
0x31: {  	v14 =	vor.u32 s4, v8;
	[tilespmem:v18+s26+$0x0] =	vst.idx.msk $0xffff, v5  }
0x32: {  	v16 =	vor.u32 s4, v9;
	[tilespmem:v13+s26+$0x0] =	vst.idx.msk $0xffff, v5;
	v13 =	vmov v20  }
0x33: {  	v17 =	vor.u32 s4, v10;
	[tilespmem:v19+s26+$0x0] =	vst.idx.msk $0xffff, v5  }
0x34: {  	v18 =	vor.u32 s4, v11;
	[tilespmem:v21+s26+$0x0] =	vst.idx.msk $0xffff, v5  }
0x35: {  	_ =	sdelay $0x3  }
0x36: {  	[tilespmem:v15+s26+$0x0] =	vst.idx.msk $0xffff, v5  }
0x37: {  	[tilespmem:v14+s26+$0x0] =	vst.idx.msk $0xffff, v5  }
0x38: {  	[tilespmem:v16+s26+$0x0] =	vst.idx.msk $0xffff, v5  }
0x39: {  	[tilespmem:v17+s26+$0x0] =	vst.idx.msk $0xffff, v5  }
0x3a: {  	s4 =	sadd.s32 $0x0, s6;
	[tilespmem:v18+s26+$0x0] =	vst.idx.msk $0xffff, v5  }
0x3b: {  	s1 =	sadd.s32 $0x10, s4;
	[tilespmem:v13+s26+$0x0] =	vst.idx.msk $0xffff, v5;
	v13 =	vor.u32 s4, v3  }
0x3c: {  	v14 =	vor.u32 s1, v3;
	[tilespmem:$0x1A580] =	vst v13  }
0x3d: {  	[tilespmem:$0x1A590] =	vst v14  }
0x3e: {  	[spmem:s2] =	stream.indirect.scatter [tilespmem:s26], [sflag:$0x8], $0x80, s29, s28, $0xb8;
	[tilespmem:$0x1A780] =	vst v63  }
0x3f: {  	s22 =	simm.s32 $0x20;
	_ =	swait.ge [sflag:s30], $0x1000  }
.LBB2_4:
0x40: {  	s23 =	sadd.s32 s22, s6;
	[sflag:s30] =	ssyncset.done $0x0;
	p0 =	sne.s32 s22, $0x260  }
.Ltmp1:
0x41: {  	v14 =	vor.u32 s23, v3;
	s23 =	sadd.s32 $0x10, s23;
	[sflag:s30] =	ssyncadd.s32 $0xFFFFF000;
	(pc) =	sbr.rel @p0 .LBB2_4-.Ltmp1, $4  }
0x42: {  	s22 =	sadd.s32 $0x20, s22;
	[tilespmem:$0x1A580] =	vst v14;
	v14 =	vor.u32 s23, v3  }
0x43: {  	[tilespmem:$0x1A590] =	vst v14  }
0x44: {  	[spmem:s2] =	stream.indirect.scatter [tilespmem:s26], [sflag:$0x8], $0x80, s29, s28, $0xb8;
	[tilespmem:$0x1A780] =	vst v63  }
0x45: {  	_ =	swait.ge [sflag:s30], $0x1000  }
0x46: {  	[sflag:s30] =	ssyncset.done $0x0  }
0x47: {  	s23 =	sadd.s32 $0x60, s4;
	[sflag:s30] =	ssyncadd.s32 $0xFFFFF000  }
0x48: {  	s24 =	sadd.s32 $0x30, s4;
	v14 =	vor.u32 s23, v3;
	[tilespmem:$0x1A700] =	vst v13  }
0x49: {  	s22 =	sadd.s32 $0x70, s4;
	v15 =	vor.u32 s24, v3;
	[tilespmem:$0x1A760] =	vst v14  }
0x4a: {  	s21 =	sadd.s32 $0x40, s4;
	v13 =	vor.u32 s22, v3;
	[tilespmem:$0x1A730] =	vst v15  }
0x4b: {  	s20 =	sadd.s32 $0x50, s4;
	v14 =	vor.u32 s21, v3;
	[tilespmem:$0x1A770] =	vst v13  }
0x4c: {  	s25 =	sadd.s32 $0x20, s4;
	v13 =	vor.u32 s20, v3;
	[tilespmem:$0x1A740] =	vst v14  }
0x4d: {  	s4 =	simm.s32 $0x80;
	[tilespmem:$0x1A750] =	vst v13;
	v13 =	vor.u32 s25, v3  }
.LBB2_6:
0x4e: {  	p0 =	sne.s32 s4, $0x200;
	v14 =	vor.u32 s1, v3;
	[tilespmem:$0x1A720] =	vst v13  }
0x4f: {  	[tilespmem:$0x1A710] =	vst v14;
	[spmem:s5] =	stream.indirect.scatter [tilespmem:s0], [sflag:$0x8], $0x1, s3, s31, $0xb8  }
0x50: {  	_ =	swait.ge [sflag:s30], $0x80  }
0x51: {  	s1 =	sadd.s32 s4, s6;
	[sflag:s30] =	ssyncset.done $0x0  }
0x52: {  	v13 =	vor.u32 s1, v3;
	s22 =	sadd.s32 $0x70, s1;
	[sflag:s30] =	ssyncadd.s32 $0xFFFFFF80  }
0x53: {  	s23 =	sadd.s32 $0x60, s1;
	[tilespmem:$0x1A700] =	vst v13;
	v13 =	vor.u32 s22, v3  }
.Ltmp2:
0x54: {  	v14 =	vor.u32 s23, v3;
	s22 =	sadd.s32 $0x50, s1;
	[tilespmem:$0x1A770] =	vst v13;
	(pc) =	sbr.rel @p0 .LBB2_6-.Ltmp2, $4  }
0x55: {  	s23 =	sadd.s32 $0x40, s1;
	v13 =	vor.u32 s22, v3;
	[tilespmem:$0x1A760] =	vst v14  }
0x56: {  	s22 =	sadd.s32 $0x30, s1;
	v14 =	vor.u32 s23, v3;
	[tilespmem:$0x1A750] =	vst v13  }
0x57: {  	s23 =	sadd.s32 $0x20, s1;
	v15 =	vor.u32 s22, v3;
	[tilespmem:$0x1A740] =	vst v14  }
0x58: {  	s4 =	sadd.s32 $0x80, s4;
	s1 =	sadd.s32 $0x10, s1;
	v13 =	vor.u32 s23, v3;
	[tilespmem:$0x1A730] =	vst v15  }
0x59: {  	v14 =	vor.u32 s1, v3;
	[tilespmem:$0x1A720] =	vst v13  }
0x5a: {  	[tilespmem:$0x1A710] =	vst v14  }
0x5b: {  	[spmem:s5] =	stream.indirect.scatter [tilespmem:s0], [sflag:$0x8], $0x1, s3, s31, $0xb8;
	[tilespmem:$0x1A780] =	vst v63  }
0x5c: {  	_ =	swait.ge [sflag:s30], $0x80  }
0x5d: {  	[sflag:s30] =	ssyncset.done $0x0  }
0x5e: {  	s1 =	simm.s32 $0x0;
	[sflag:s30] =	ssyncadd.s32 $0xFFFFFF80  }
0x5f: {  	s22 =	simm.s32 $0x50;
	s14 =	simm.s32 $0x14400;
	[bflag:$0x0] =	sbarrier.arrive $0xFFFF  }
.LBB2_8:
0x60: {  	s4 =	smul.u32 $0xA0, s1  }
0x61: {  	s19 =	rddreg [dreg:$0x5]  }
0x62: {  	[dreg:$0x19] =	wrdreg s1;
	s23 =	sadd.s32 s19, s4  }
0x63: {  	s19 =	rddreg [dreg:$0x0];
	s24 =	sshrl.u32 s23, $0x3  }
0x64: {  	s20 =	simm.s32 $0x14280;
	s1 =	simm.s32 $0x0;
	s25 =	sadd.s32 s19, s24  }
0x65: {  	[tilespmem:s20], [sflag:$0x8] =	stream.linear.gather [hbm4b:s25+s1], $0x50, $0x38;
	[tilespmem:$0x1A780] =	vst v63  }
0x66: {  	_ =	swait.ge [sflag:s30], $0x50  }
0x67: {  	[sflag:s30] =	ssyncset.done $0x0;
	s21 =	rddreg [dreg:$0xd]  }
0x68: {  	[sflag:s30] =	ssyncadd.s32 $0xFFFFFFB0;
	s24 =	sadd.s32 s21, s24  }
0x69: {  	[tilespmem:s17], [sflag:$0x8] =	stream.linear.gather [hbm4b:s24+s1], $0x50, $0x38;
	[tilespmem:$0x1A780] =	vst v63  }
0x6a: {  	_ =	swait.ge [sflag:s30], $0x50  }
0x6b: {  	s15 =	rddreg [dreg:$0x6]  }
0x6c: {  	s23 =	sadd.s32 s15, s23  }
0x6d: {  	[sflag:s30] =	ssyncset.done $0x0;
	s25 =	rddreg [dreg:$0xe];
	s23 =	sshrl.u32 s23, $0x3  }
0x6e: {  	[sflag:s30] =	ssyncadd.s32 $0xFFFFFFB0;
	s23 =	sadd.s32 s25, s23  }
0x6f: {  	[tilespmem:s16], [sflag:$0x8] =	stream.linear.gather [hbm4b:s23+s1], $0x50, $0x38;
	[tilespmem:$0x1A780] =	vst v63  }
0x70: {  	_ =	swait.ge [sflag:s30], $0x50  }
0x71: {  	[sflag:s30] =	ssyncset.done $0x0  }
0x72: {  	[sflag:s30] =	ssyncadd.s32 $0xFFFFFFB0  }
0x73: {  	v13 =	vld [tilespmem:$0x14280]  }
0x74: {  	v14 =	vld [tilespmem:$0x14290]  }
0x75: {  	v15 =	vld [tilespmem:$0x142A0]  }
0x76: {  	v16 =	vld [tilespmem:$0x142B0]  }
0x77: {  	v17 =	vld [tilespmem:$0x142C0]  }
0x78: {  	v13 =	vadd.s32 v0, v13  }
0x79: {  	[tilespmem:$0x14280] =	vst v13;
	v13 =	vadd.s32 v0, v14  }
0x7a: {  	[tilespmem:$0x14290] =	vst v13;
	v13 =	vadd.s32 v0, v15  }
0x7b: {  	s13 =	rddreg [dreg:$0x12];
	[tilespmem:$0x142A0] =	vst v13;
	v13 =	vadd.s32 v0, v16  }
0x7c: {  	s4 =	sadd.s32 s4, s13;
	[tilespmem:$0x142B0] =	vst v13;
	v13 =	vadd.s32 v0, v17  }
0x7d: {  	s17 =	rddreg [dreg:$0xf];
	s23 =	sshrl.u32 s4, $0x3;
	[tilespmem:$0x142C0] =	vst v13  }
0x7e: {  	[tilespmem:s18], [sflag:$0x2] =	stream.indirect.gather [hbm4b:s17+s22], $0x80, s20, s22, $0xb8;
	[tilespmem:$0x1A780] =	vst v63  }
0x7f: {  	s13 =	simm.s32 $0x14300;
	s20 =	sadd.s32 s19, s23  }
0x80: {  	[tilespmem:s13], [sflag:$0x8] =	stream.linear.gather [hbm4b:s20+s1], $0x50, $0x38;
	[tilespmem:$0x1A780] =	vst v63  }
0x81: {  	_ =	swait.ge [sflag:s30], $0x50  }
0x82: {  	[sflag:s30] =	ssyncset.done $0x0  }
0x83: {  	s23 =	sadd.s32 s21, s23;
	[sflag:s30] =	ssyncadd.s32 $0xFFFFFFB0  }
0x84: {  	[tilespmem:s14], [sflag:$0x8] =	stream.linear.gather [hbm4b:s23+s1], $0x50, $0x38;
	[tilespmem:$0x1A780] =	vst v63  }
0x85: {  	s4 =	sadd.s32 s15, s4;
	_ =	swait.ge [sflag:s30], $0x50  }
0x86: {  	s4 =	sshrl.u32 s4, $0x3;
	[sflag:s30] =	ssyncset.done $0x0  }
0x87: {  	s4 =	sadd.s32 s25, s4;
	[sflag:s30] =	ssyncadd.s32 $0xFFFFFFB0  }
0x88: {  	[tilespmem:s9], [sflag:$0x8] =	stream.linear.gather [hbm4b:s4+s1], $0x50, $0x38;
	[tilespmem:$0x1A780] =	vst v63  }
0x89: {  	_ =	swait.ge [sflag:s30], $0x50  }
0x8a: {  	[sflag:s30] =	ssyncset.done $0x0  }
0x8b: {  	[sflag:s30] =	ssyncadd.s32 $0xFFFFFFB0  }
0x8c: {  	v13 =	vld [tilespmem:$0x14300]  }
0x8d: {  	v14 =	vld [tilespmem:$0x14310]  }
0x8e: {  	v15 =	vld [tilespmem:$0x14320]  }
0x8f: {  	v16 =	vld [tilespmem:$0x14330]  }
0x90: {  	v17 =	vld [tilespmem:$0x14340]  }
0x91: {  	v13 =	vadd.s32 v0, v13  }
0x92: {  	[tilespmem:$0x14300] =	vst v13;
	v13 =	vadd.s32 v0, v14  }
0x93: {  	[tilespmem:$0x14310] =	vst v13;
	v13 =	vadd.s32 v0, v15  }
0x94: {  	[tilespmem:$0x14320] =	vst v13;
	v13 =	vadd.s32 v0, v16  }
0x95: {  	v14 =	vmov s1;
	[tilespmem:$0x14330] =	vst v13;
	v13 =	vadd.s32 v0, v17  }
0x96: {  	s24 =	simm.s32 $0x2;
	[tilespmem:$0x14340] =	vst v13;
	v13 =	vshll.u32 v14, $0x7  }
0x97: {  	[tilespmem:s10], [sflag:$0x3] =	stream.indirect.gather [hbm4b:s17+s22], $0x80, s13, s22, $0xb8;
	v15 =	vor.u32 v3, v13;
	[tilespmem:$0x1A780] =	vst v63  }
0x98: {  	_ =	swait.ge [sflag:s24], $0x2800  }
0x99: {  	[sflag:s24] =	ssyncset.done $0x0  }
0x9a: {  	[sflag:s24] =	ssyncadd.s32 $0xFFFFD800  }
0x9b: {  	v17 =	vld.idx.msk [tilespmem:v14+s16+$0x0], $0xffff  }
0x9c: {  	v14 =	vld.idx.msk [tilespmem:v15+s18+$0x0], $0xffff;
	_ =	sdelay $0x2  }
0x9d: {  	v16 =	vor.u32 v6, v13;
	_ =	sdelay $0x1  }
0x9e: {  	v14 =	vmul.f32 v14, v17;
	_ =	sdelay $0x1  }
0x9f: {  	[tilespmem:v15+s18+$0x0] =	vst.idx.msk $0xffff, v14  }
0xa0: {  	v14 =	vld.idx.msk [tilespmem:v16+s18+$0x0], $0xffff;
	_ =	sdelay $0x2  }
0xa1: {  	v15 =	vor.u32 v7, v13;
	_ =	sdelay $0x1  }
0xa2: {  	v14 =	vmul.f32 v14, v17;
	_ =	sdelay $0x1  }
0xa3: {  	[tilespmem:v16+s18+$0x0] =	vst.idx.msk $0xffff, v14  }
0xa4: {  	v14 =	vld.idx.msk [tilespmem:v15+s18+$0x0], $0xffff;
	_ =	sdelay $0x2  }
0xa5: {  	v16 =	vor.u32 v8, v13;
	_ =	sdelay $0x1  }
0xa6: {  	v14 =	vmul.f32 v14, v17;
	_ =	sdelay $0x1  }
0xa7: {  	[tilespmem:v15+s18+$0x0] =	vst.idx.msk $0xffff, v14  }
0xa8: {  	v14 =	vld.idx.msk [tilespmem:v16+s18+$0x0], $0xffff;
	_ =	sdelay $0x2  }
0xa9: {  	v15 =	vor.u32 v9, v13;
	_ =	sdelay $0x1  }
0xaa: {  	v14 =	vmul.f32 v14, v17;
	_ =	sdelay $0x1  }
0xab: {  	[tilespmem:v16+s18+$0x0] =	vst.idx.msk $0xffff, v14  }
0xac: {  	v14 =	vld.idx.msk [tilespmem:v15+s18+$0x0], $0xffff;
	_ =	sdelay $0x2  }
0xad: {  	v16 =	vor.u32 v10, v13;
	_ =	sdelay $0x1  }
0xae: {  	v14 =	vmul.f32 v14, v17;
	_ =	sdelay $0x1  }
0xaf: {  	[tilespmem:v15+s18+$0x0] =	vst.idx.msk $0xffff, v14  }
0xb0: {  	v14 =	vld.idx.msk [tilespmem:v16+s18+$0x0], $0xffff;
	_ =	sdelay $0x2  }
0xb1: {  	v15 =	vor.u32 v11, v13;
	_ =	sdelay $0x1  }
0xb2: {  	v14 =	vmul.f32 v14, v17;
	_ =	sdelay $0x1  }
0xb3: {  	[tilespmem:v16+s18+$0x0] =	vst.idx.msk $0xffff, v14  }
0xb4: {  	v16 =	vld.idx.msk [tilespmem:v15+s18+$0x0], $0xffff;
	_ =	sdelay $0x2  }
0xb5: {  	v14 =	vor.u32 v12, v13;
	_ =	sdelay $0x1  }
0xb6: {  	v13 =	vmul.f32 v16, v17;
	_ =	sdelay $0x1  }
0xb7: {  	[tilespmem:v15+s18+$0x0] =	vst.idx.msk $0xffff, v13  }
0xb8: {  	v18 =	vld.idx.msk [tilespmem:v14+s18+$0x0], $0xffff  }
0xb9: {  	s25 =	simm.s32 $0x1  }
0xba: {  	v16 =	vmov s25  }
0xbb: {  	v13 =	vshll.u32 v16, $0x7  }
0xbc: {  	v15 =	vor.u32 v3, v13  }
0xbd: {  	s19 =	simm.s32 $0x50;
	s4 =	simm.s32 $0x2;
	s13 =	simm.s32 $0x14400;
	v17 =	vmul.f32 v18, v17  }
.LBB2_9:
0xbe: {  	_ = 	snop  }
0xbf: {  	p0 =	sne.s32 s4, $0x4F;
	s24 =	smov.u32 s4;
	s4 =	sadd.s32 $0x1, s4;
	[tilespmem:v14+s18+$0x0] =	vst.idx.msk $0xffff, v17  }
0xc0: {  	v17 =	vld.idx.msk [tilespmem:v16+s16+$0x0], $0xffff  }
0xc1: {  	v14 =	vld.idx.msk [tilespmem:v15+s18+$0x0], $0xffff;
	_ =	sdelay $0x3  }
0xc2: {  	v16 =	vor.u32 v6, v13;
	_ =	sdelay $0x1  }
0xc3: {  	v14 =	vmul.f32 v14, v17;
	_ =	sdelay $0x1  }
0xc4: {  	[tilespmem:v15+s18+$0x0] =	vst.idx.msk $0xffff, v14  }
0xc5: {  	v14 =	vld.idx.msk [tilespmem:v16+s18+$0x0], $0xffff;
	_ =	sdelay $0x3  }
0xc6: {  	v15 =	vor.u32 v7, v13;
	_ =	sdelay $0x1  }
0xc7: {  	v14 =	vmul.f32 v14, v17;
	_ =	sdelay $0x1  }
0xc8: {  	[tilespmem:v16+s18+$0x0] =	vst.idx.msk $0xffff, v14  }
0xc9: {  	v14 =	vld.idx.msk [tilespmem:v15+s18+$0x0], $0xffff;
	_ =	sdelay $0x3  }
0xca: {  	v16 =	vor.u32 v8, v13;
	_ =	sdelay $0x1  }
0xcb: {  	v14 =	vmul.f32 v14, v17;
	_ =	sdelay $0x1  }
0xcc: {  	[tilespmem:v15+s18+$0x0] =	vst.idx.msk $0xffff, v14  }
0xcd: {  	v14 =	vld.idx.msk [tilespmem:v16+s18+$0x0], $0xffff;
	_ =	sdelay $0x3  }
0xce: {  	v15 =	vor.u32 v9, v13;
	_ =	sdelay $0x1  }
0xcf: {  	v14 =	vmul.f32 v14, v17;
	_ =	sdelay $0x1  }
0xd0: {  	[tilespmem:v16+s18+$0x0] =	vst.idx.msk $0xffff, v14  }
0xd1: {  	v14 =	vld.idx.msk [tilespmem:v15+s18+$0x0], $0xffff;
	_ =	sdelay $0x3  }
0xd2: {  	v16 =	vor.u32 v10, v13;
	_ =	sdelay $0x1  }
0xd3: {  	v14 =	vmul.f32 v14, v17;
	_ =	sdelay $0x1  }
0xd4: {  	[tilespmem:v15+s18+$0x0] =	vst.idx.msk $0xffff, v14  }
0xd5: {  	v14 =	vld.idx.msk [tilespmem:v16+s18+$0x0], $0xffff;
	_ =	sdelay $0x3  }
0xd6: {  	v15 =	vor.u32 v11, v13;
	_ =	sdelay $0x1  }
0xd7: {  	v14 =	vmul.f32 v14, v17;
	_ =	sdelay $0x1  }
0xd8: {  	[tilespmem:v16+s18+$0x0] =	vst.idx.msk $0xffff, v14  }
0xd9: {  	v16 =	vld.idx.msk [tilespmem:v15+s18+$0x0], $0xffff;
	_ =	sdelay $0x3  }
0xda: {  	v14 =	vor.u32 v12, v13;
	_ =	sdelay $0x1  }
0xdb: {  	v13 =	vmul.f32 v16, v17;
	_ =	sdelay $0x1  }
0xdc: {  	[tilespmem:v15+s18+$0x0] =	vst.idx.msk $0xffff, v13  }
0xdd: {  	v18 =	vld.idx.msk [tilespmem:v14+s18+$0x0], $0xffff;
	_ =	sdelay $0x1  }
.Ltmp3:
0xde: {  	(pc) =	sbr.rel @p0 .LBB2_9-.Ltmp3, $4  }
0xdf: {  	v16 =	vmov s24  }
0xe0: {  	v13 =	vshll.u32 v16, $0x7  }
0xe1: {  	v15 =	vor.u32 v3, v13  }
0xe2: {  	v17 =	vmul.f32 v18, v17  }
0xe3: {  	_ =	sdelay $0x3  }
0xe4: {  	[tilespmem:v14+s18+$0x0] =	vst.idx.msk $0xffff, v17  }
0xe5: {  	v14 =	vld.idx.msk [tilespmem:v16+s16+$0x0], $0xffff  }
0xe6: {  	v16 =	vld.idx.msk [tilespmem:v15+s18+$0x0], $0xffff;
	_ =	sdelay $0x2  }
0xe7: {  	v17 =	vor.u32 v6, v13;
	_ =	sdelay $0x1  }
0xe8: {  	v16 =	vmul.f32 v16, v14;
	_ =	sdelay $0x1  }
0xe9: {  	[tilespmem:v15+s18+$0x0] =	vst.idx.msk $0xffff, v16  }
0xea: {  	v15 =	vld.idx.msk [tilespmem:v17+s18+$0x0], $0xffff;
	_ =	sdelay $0x2  }
0xeb: {  	v16 =	vor.u32 v7, v13;
	_ =	sdelay $0x1  }
0xec: {  	v15 =	vmul.f32 v15, v14;
	_ =	sdelay $0x1  }
0xed: {  	[tilespmem:v17+s18+$0x0] =	vst.idx.msk $0xffff, v15  }
0xee: {  	v15 =	vld.idx.msk [tilespmem:v16+s18+$0x0], $0xffff;
	_ =	sdelay $0x2  }
0xef: {  	v17 =	vor.u32 v8, v13;
	_ =	sdelay $0x1  }
0xf0: {  	v15 =	vmul.f32 v15, v14;
	_ =	sdelay $0x1  }
0xf1: {  	[tilespmem:v16+s18+$0x0] =	vst.idx.msk $0xffff, v15  }
0xf2: {  	v15 =	vld.idx.msk [tilespmem:v17+s18+$0x0], $0xffff;
	_ =	sdelay $0x2  }
0xf3: {  	v16 =	vor.u32 v9, v13;
	_ =	sdelay $0x1  }
0xf4: {  	v15 =	vmul.f32 v15, v14;
	_ =	sdelay $0x1  }
0xf5: {  	[tilespmem:v17+s18+$0x0] =	vst.idx.msk $0xffff, v15  }
0xf6: {  	v15 =	vld.idx.msk [tilespmem:v16+s18+$0x0], $0xffff;
	_ =	sdelay $0x2  }
0xf7: {  	v17 =	vor.u32 v10, v13;
	_ =	sdelay $0x1  }
0xf8: {  	v15 =	vmul.f32 v15, v14;
	_ =	sdelay $0x1  }
0xf9: {  	[tilespmem:v16+s18+$0x0] =	vst.idx.msk $0xffff, v15  }
0xfa: {  	v15 =	vld.idx.msk [tilespmem:v17+s18+$0x0], $0xffff;
	_ =	sdelay $0x2  }
0xfb: {  	v16 =	vor.u32 v11, v13;
	_ =	sdelay $0x1  }
0xfc: {  	v15 =	vmul.f32 v15, v14;
	_ =	sdelay $0x1  }
0xfd: {  	[tilespmem:v17+s18+$0x0] =	vst.idx.msk $0xffff, v15  }
0xfe: {  	v15 =	vld.idx.msk [tilespmem:v16+s18+$0x0], $0xffff;
	_ =	sdelay $0x2  }
0xff: {  	v13 =	vor.u32 v12, v13;
	_ =	sdelay $0x1  }
0x100: {  	v15 =	vmul.f32 v15, v14;
	_ =	sdelay $0x1  }
0x101: {  	[tilespmem:v16+s18+$0x0] =	vst.idx.msk $0xffff, v15  }
0x102: {  	v15 =	vld.idx.msk [tilespmem:v13+s18+$0x0], $0xffff;
	_ =	sdelay $0x4  }
0x103: {  	v14 =	vmul.f32 v15, v14;
	_ =	sdelay $0x1  }
0x104: {  	s4 =	simm.s32 $0x0;
	s17 =	simm.s32 $0x14380;
	[tilespmem:v13+s18+$0x0] =	vst.idx.msk $0xffff, v14  }
0x105: {  	v13 =	vmov s4;
	[spmem:s2] =	stream.indirect.scatter.add.f32 [tilespmem:s18], [sflag:$0x4], $0x80, s17, s19, $0xb8;
	[tilespmem:$0x1A780] =	vst v63  }
0x106: {  	s24 =	simm.s32 $0x3;
	v14 =	vshll.u32 v13, $0x7  }
0x107: {  	v15 =	vor.u32 v3, v14;
	[spmem:s5] =	stream.indirect.scatter.add.f32 [tilespmem:s16], [sflag:$0x5], $0x1, s17, s19, $0xb8;
	[tilespmem:$0x1A780] =	vst v63  }
0x108: {  	_ =	swait.ge [sflag:s24], $0x2800  }
0x109: {  	[sflag:s24] =	ssyncset.done $0x0  }
0x10a: {  	[sflag:s24] =	ssyncadd.s32 $0xFFFFD800  }
0x10b: {  	v17 =	vld.idx.msk [tilespmem:v13+s9+$0x0], $0xffff  }
0x10c: {  	v13 =	vld.idx.msk [tilespmem:v15+s10+$0x0], $0xffff;
	_ =	sdelay $0x2  }
0x10d: {  	v16 =	vor.u32 v6, v14;
	_ =	sdelay $0x1  }
0x10e: {  	v13 =	vmul.f32 v13, v17;
	_ =	sdelay $0x1  }
0x10f: {  	[tilespmem:v15+s10+$0x0] =	vst.idx.msk $0xffff, v13  }
0x110: {  	v13 =	vld.idx.msk [tilespmem:v16+s10+$0x0], $0xffff;
	_ =	sdelay $0x2  }
0x111: {  	v15 =	vor.u32 v7, v14;
	_ =	sdelay $0x1  }
0x112: {  	v13 =	vmul.f32 v13, v17;
	_ =	sdelay $0x1  }
0x113: {  	[tilespmem:v16+s10+$0x0] =	vst.idx.msk $0xffff, v13  }
0x114: {  	v13 =	vld.idx.msk [tilespmem:v15+s10+$0x0], $0xffff;
	_ =	sdelay $0x2  }
0x115: {  	v16 =	vor.u32 v8, v14;
	_ =	sdelay $0x1  }
0x116: {  	v13 =	vmul.f32 v13, v17;
	_ =	sdelay $0x1  }
0x117: {  	[tilespmem:v15+s10+$0x0] =	vst.idx.msk $0xffff, v13  }
0x118: {  	v13 =	vld.idx.msk [tilespmem:v16+s10+$0x0], $0xffff;
	_ =	sdelay $0x2  }
0x119: {  	v15 =	vor.u32 v9, v14;
	_ =	sdelay $0x1  }
0x11a: {  	v13 =	vmul.f32 v13, v17;
	_ =	sdelay $0x1  }
0x11b: {  	[tilespmem:v16+s10+$0x0] =	vst.idx.msk $0xffff, v13  }
0x11c: {  	v13 =	vld.idx.msk [tilespmem:v15+s10+$0x0], $0xffff;
	_ =	sdelay $0x2  }
0x11d: {  	v16 =	vor.u32 v10, v14;
	_ =	sdelay $0x1  }
0x11e: {  	v13 =	vmul.f32 v13, v17;
	_ =	sdelay $0x1  }
0x11f: {  	[tilespmem:v15+s10+$0x0] =	vst.idx.msk $0xffff, v13  }
0x120: {  	v13 =	vld.idx.msk [tilespmem:v16+s10+$0x0], $0xffff;
	_ =	sdelay $0x2  }
0x121: {  	v15 =	vor.u32 v11, v14;
	_ =	sdelay $0x1  }
0x122: {  	v13 =	vmul.f32 v13, v17;
	_ =	sdelay $0x1  }
0x123: {  	[tilespmem:v16+s10+$0x0] =	vst.idx.msk $0xffff, v13  }
0x124: {  	v13 =	vld.idx.msk [tilespmem:v15+s10+$0x0], $0xffff;
	_ =	sdelay $0x2  }
0x125: {  	v14 =	vor.u32 v12, v14;
	_ =	sdelay $0x1  }
0x126: {  	v13 =	vmul.f32 v13, v17;
	_ =	sdelay $0x1  }
0x127: {  	[tilespmem:v15+s10+$0x0] =	vst.idx.msk $0xffff, v13  }
0x128: {  	v18 =	vld.idx.msk [tilespmem:v14+s10+$0x0], $0xffff  }
0x129: {  	s25 =	simm.s32 $0x1  }
0x12a: {  	v16 =	vmov s25  }
0x12b: {  	v13 =	vshll.u32 v16, $0x7  }
0x12c: {  	v15 =	vor.u32 v3, v13  }
0x12d: {  	s4 =	simm.s32 $0x2;
	v17 =	vmul.f32 v18, v17  }
.LBB2_11:
0x12e: {  	_ = 	snop  }
0x12f: {  	p0 =	sne.s32 s4, $0x4F;
	s24 =	smov.u32 s4;
	s4 =	sadd.s32 $0x1, s4;
	[tilespmem:v14+s10+$0x0] =	vst.idx.msk $0xffff, v17  }
0x130: {  	v17 =	vld.idx.msk [tilespmem:v16+s9+$0x0], $0xffff  }
0x131: {  	v14 =	vld.idx.msk [tilespmem:v15+s10+$0x0], $0xffff;
	_ =	sdelay $0x3  }
0x132: {  	v16 =	vor.u32 v6, v13;
	_ =	sdelay $0x1  }
0x133: {  	v14 =	vmul.f32 v14, v17;
	_ =	sdelay $0x1  }
0x134: {  	[tilespmem:v15+s10+$0x0] =	vst.idx.msk $0xffff, v14  }
0x135: {  	v14 =	vld.idx.msk [tilespmem:v16+s10+$0x0], $0xffff;
	_ =	sdelay $0x3  }
0x136: {  	v15 =	vor.u32 v7, v13;
	_ =	sdelay $0x1  }
0x137: {  	v14 =	vmul.f32 v14, v17;
	_ =	sdelay $0x1  }
0x138: {  	[tilespmem:v16+s10+$0x0] =	vst.idx.msk $0xffff, v14  }
0x139: {  	v14 =	vld.idx.msk [tilespmem:v15+s10+$0x0], $0xffff;
	_ =	sdelay $0x3  }
0x13a: {  	v16 =	vor.u32 v8, v13;
	_ =	sdelay $0x1  }
0x13b: {  	v14 =	vmul.f32 v14, v17;
	_ =	sdelay $0x1  }
0x13c: {  	[tilespmem:v15+s10+$0x0] =	vst.idx.msk $0xffff, v14  }
0x13d: {  	v14 =	vld.idx.msk [tilespmem:v16+s10+$0x0], $0xffff;
	_ =	sdelay $0x3  }
0x13e: {  	v15 =	vor.u32 v9, v13;
	_ =	sdelay $0x1  }
0x13f: {  	v14 =	vmul.f32 v14, v17;
	_ =	sdelay $0x1  }
0x140: {  	[tilespmem:v16+s10+$0x0] =	vst.idx.msk $0xffff, v14  }
0x141: {  	v14 =	vld.idx.msk [tilespmem:v15+s10+$0x0], $0xffff;
	_ =	sdelay $0x3  }
0x142: {  	v16 =	vor.u32 v10, v13;
	_ =	sdelay $0x1  }
0x143: {  	v14 =	vmul.f32 v14, v17;
	_ =	sdelay $0x1  }
0x144: {  	[tilespmem:v15+s10+$0x0] =	vst.idx.msk $0xffff, v14  }
0x145: {  	v14 =	vld.idx.msk [tilespmem:v16+s10+$0x0], $0xffff;
	_ =	sdelay $0x3  }
0x146: {  	v15 =	vor.u32 v11, v13;
	_ =	sdelay $0x1  }
0x147: {  	v14 =	vmul.f32 v14, v17;
	_ =	sdelay $0x1  }
0x148: {  	[tilespmem:v16+s10+$0x0] =	vst.idx.msk $0xffff, v14  }
0x149: {  	v16 =	vld.idx.msk [tilespmem:v15+s10+$0x0], $0xffff;
	_ =	sdelay $0x3  }
0x14a: {  	v14 =	vor.u32 v12, v13;
	_ =	sdelay $0x1  }
0x14b: {  	v13 =	vmul.f32 v16, v17;
	_ =	sdelay $0x1  }
0x14c: {  	[tilespmem:v15+s10+$0x0] =	vst.idx.msk $0xffff, v13  }
0x14d: {  	v18 =	vld.idx.msk [tilespmem:v14+s10+$0x0], $0xffff;
	_ =	sdelay $0x1  }
.Ltmp4:
0x14e: {  	(pc) =	sbr.rel @p0 .LBB2_11-.Ltmp4, $4  }
0x14f: {  	v16 =	vmov s24  }
0x150: {  	v13 =	vshll.u32 v16, $0x7  }
0x151: {  	v15 =	vor.u32 v3, v13  }
0x152: {  	v17 =	vmul.f32 v18, v17  }
0x153: {  	_ =	sdelay $0x3  }
0x154: {  	[tilespmem:v14+s10+$0x0] =	vst.idx.msk $0xffff, v17  }
0x155: {  	v14 =	vld.idx.msk [tilespmem:v16+s9+$0x0], $0xffff  }
0x156: {  	v57 =	vld.idx.msk [tilespmem:v15+s10+$0x0], $0xffff;
	_ =	sdelay $0x2  }
0x157: {  	v58 =	vor.u32 v6, v13;
	_ =	sdelay $0x1  }
0x158: {  	v16 =	vmul.f32 v57, v14;
	_ =	sdelay $0x1  }
0x159: {  	[tilespmem:v15+s10+$0x0] =	vst.idx.msk $0xffff, v16  }
0x15a: {  	v15 =	vld.idx.msk [tilespmem:v58+s10+$0x0], $0xffff;
	_ =	sdelay $0x2  }
0x15b: {  	v59 =	vor.u32 v7, v13;
	_ =	sdelay $0x1  }
0x15c: {  	v15 =	vmul.f32 v15, v14;
	_ =	sdelay $0x1  }
0x15d: {  	[tilespmem:v58+s10+$0x0] =	vst.idx.msk $0xffff, v15  }
0x15e: {  	v15 =	vld.idx.msk [tilespmem:v59+s10+$0x0], $0xffff;
	_ =	sdelay $0x2  }
0x15f: {  	v60 =	vor.u32 v8, v13;
	_ =	sdelay $0x1  }
0x160: {  	v15 =	vmul.f32 v15, v14;
	_ =	sdelay $0x1  }
0x161: {  	[tilespmem:v59+s10+$0x0] =	vst.idx.msk $0xffff, v15  }
0x162: {  	v15 =	vld.idx.msk [tilespmem:v60+s10+$0x0], $0xffff;
	_ =	sdelay $0x2  }
0x163: {  	v61 =	vor.u32 v9, v13;
	_ =	sdelay $0x1  }
0x164: {  	v15 =	vmul.f32 v15, v14;
	_ =	sdelay $0x1  }
0x165: {  	[tilespmem:v60+s10+$0x0] =	vst.idx.msk $0xffff, v15  }
0x166: {  	v15 =	vld.idx.msk [tilespmem:v61+s10+$0x0], $0xffff;
	_ =	sdelay $0x2  }
0x167: {  	v62 =	vor.u32 v10, v13;
	_ =	sdelay $0x1  }
0x168: {  	v15 =	vmul.f32 v15, v14;
	_ =	sdelay $0x1  }
0x169: {  	[tilespmem:v61+s10+$0x0] =	vst.idx.msk $0xffff, v15  }
0x16a: {  	v15 =	vld.idx.msk [tilespmem:v62+s10+$0x0], $0xffff;
	_ =	sdelay $0x2  }
0x16b: {  	v63 =	vor.u32 v11, v13;
	_ =	sdelay $0x1  }
0x16c: {  	v15 =	vmul.f32 v15, v14;
	_ =	sdelay $0x1  }
0x16d: {  	[tilespmem:v62+s10+$0x0] =	vst.idx.msk $0xffff, v15  }
0x16e: {  	v15 =	vld.idx.msk [tilespmem:v63+s10+$0x0], $0xffff;
	_ =	sdelay $0x2  }
0x16f: {  	v13 =	vor.u32 v12, v13;
	_ =	sdelay $0x1  }
0x170: {  	v15 =	vmul.f32 v15, v14;
	_ =	sdelay $0x1  }
0x171: {  	[tilespmem:v63+s10+$0x0] =	vst.idx.msk $0xffff, v15  }
0x172: {  	v15 =	vld.idx.msk [tilespmem:v13+s10+$0x0], $0xffff;
	_ =	sdelay $0x4  }
0x173: {  	v14 =	vmul.f32 v15, v14;
	_ =	sdelay $0x1  }
0x174: {  	[tilespmem:v13+s10+$0x0] =	vst.idx.msk $0xffff, v14  }
0x175: {  	[spmem:s2] =	stream.indirect.scatter.add.f32 [tilespmem:s10], [sflag:$0x6], $0x80, s13, s19, $0xb8;
	[tilespmem:$0x1A780] =	vst v63  }
0x176: {  	s4 =	simm.s32 $0x4  }
0x177: {  	[spmem:s5] =	stream.indirect.scatter.add.f32 [tilespmem:s9], [sflag:$0x7], $0x1, s13, s19, $0xb8;
	[tilespmem:$0x1A780] =	vst v63  }
0x178: {  	_ =	swait.ge [sflag:s4], $0x2800  }
0x179: {  	[sflag:s4] =	ssyncset.done $0x0  }
0x17a: {  	s23 =	simm.s32 $0x5;
	[sflag:s4] =	ssyncadd.s32 $0xFFFFD800  }
0x17b: {  	_ =	swait.ge [sflag:s23], $0x50  }
0x17c: {  	[sflag:s23] =	ssyncset.done $0x0  }
0x17d: {  	s24 =	simm.s32 $0x6;
	[sflag:s23] =	ssyncadd.s32 $0xFFFFFFB0  }
0x17e: {  	_ =	swait.ge [sflag:s24], $0x2800  }
0x17f: {  	[sflag:s24] =	ssyncset.done $0x0  }
0x180: {  	s25 =	simm.s32 $0x7;
	[sflag:s24] =	ssyncadd.s32 $0xFFFFD800  }
0x181: {  	_ =	swait.ge [sflag:s25], $0x50  }
0x182: {  	s1 =	rddreg [dreg:$0x19]  }
0x183: {  	s1 =	sadd.s32 $0x1, s1  }
0x184: {  	p0 =	sne.s32 s1, $0x81  }
.Ltmp5:
0x185: {  	_ = 	snop;
	(pc) =	sbr.rel @p0 .LBB2_8-.Ltmp5, $3  }
0x186: {  	_ =	sdelay $0x1  }
0x187: {  	[sflag:s25] =	ssyncset.done $0x0  }
0x188: {  	s22 =	simm.s32 $0x50;
	s14 =	simm.s32 $0x14400;
	[sflag:s25] =	ssyncadd.s32 $0xFFFFFFB0  }
0x189: {  	[bflag:$0x0] =	sbarrier.arrive $0xFFFF  }
0x18a: {  	s4 =	rddreg [dreg:$0x13]  }
0x18b: {  	v14 =	vor.u32 s4, v3;
	s1 =	sadd.s32 $0xFFFFFFF0, s4  }
0x18c: {  	v15 =	vor.u32 s1, v3;
	[tilespmem:$0x1A590] =	vst v14  }
0x18d: {  	[tilespmem:$0x1A580] =	vst v15  }
0x18e: {  	[tilespmem:s26], [sflag:$0x1] =	stream.indirect.gather [spmem:s2], $0x80, s29, s28, $0xb8;
	[tilespmem:$0x1A780] =	vst v63  }
0x18f: {  	_ =	swait.ge [sflag:s12], $0x1000  }
0x190: {  	s24 =	sadd.s32 $0x0, s11;
	[sflag:s12] =	ssyncset.done $0x0  }
0x191: {  	s25 =	sadd.s32 $0x20, s4;
	s1 =	simm.s32 $0x0;
	[sflag:s12] =	ssyncadd.s32 $0xFFFFF000  }
0x192: {  	[hbm4b:s24+s1] =	stream.linear.scatter [tilespmem:s26], [sflag:$0x8], $0x1000, $0x38;
	[tilespmem:$0x1A780] =	vst v63  }
0x193: {  	s23 =	simm.s32 $0x400;
	s4 =	simm.s32 $0x200;
	v13 =	vor.u32 s25, v3;
	_ =	swait.ge [sflag:s30], $0x1000  }
0x194: {  	s22 =	smov.u32 s25;
	v16 =	vmov v13;
	s24 =	sadd.s32 $0x20, s25;
	[sflag:s30] =	ssyncset.done $0x0  }
.LBB2_14:
0x195: {  	v17 =	vor.u32 s24, v3;
	p0 =	sne.s32 s23, $0x2600;
	s22 =	sadd.s32 $0xFFFFFFF0, s22;
	[sflag:s30] =	ssyncadd.s32 $0xFFFFF000  }
0x196: {  	s19 =	smov.u32 s23;
	s23 =	sadd.s32 $0x200, s23;
	v18 =	vor.u32 s22, v3;
	[tilespmem:$0x1A590] =	vst v16;
	v16 =	vmov v17;
	s22 =	smov.u32 s24  }
0x197: {  	[tilespmem:$0x1A580] =	vst v18  }
0x198: {  	[tilespmem:s26], [sflag:$0x1] =	stream.indirect.gather [spmem:s2], $0x80, s29, s28, $0xb8;
	[tilespmem:$0x1A780] =	vst v63  }
0x199: {  	_ =	swait.ge [sflag:s12], $0x1000  }
.Ltmp6:
0x19a: {  	[sflag:s12] =	ssyncset.done $0x0;
	(pc) =	sbr.rel @p0 .LBB2_14-.Ltmp6, $4  }
0x19b: {  	s20 =	sadd.s32 s4, s11;
	s4 =	smov.u32 s19;
	[sflag:s12] =	ssyncadd.s32 $0xFFFFF000  }
0x19c: {  	[hbm4b:s20+s1] =	stream.linear.scatter [tilespmem:s26], [sflag:$0x8], $0x1000, $0x38;
	[tilespmem:$0x1A780] =	vst v63  }
0x19d: {  	_ =	swait.ge [sflag:s30], $0x1000  }
0x19e: {  	s24 =	sadd.s32 $0x20, s24;
	[sflag:s30] =	ssyncset.done $0x0  }
0x19f: {  	s19 =	sadd.s32 $0xFFFFFFF0, s22;
	[sflag:s30] =	ssyncadd.s32 $0xFFFFF000  }
0x1a0: {  	v17 =	vor.u32 s19, v3;
	[tilespmem:$0x1A590] =	vst v16  }
0x1a1: {  	[tilespmem:$0x1A580] =	vst v17  }
0x1a2: {  	[tilespmem:s26], [sflag:$0x1] =	stream.indirect.gather [spmem:s2], $0x80, s29, s28, $0xb8;
	[tilespmem:$0x1A780] =	vst v63  }
0x1a3: {  	_ =	swait.ge [sflag:s12], $0x1000  }
0x1a4: {  	[sflag:s12] =	ssyncset.done $0x0  }
0x1a5: {  	s4 =	sadd.s32 s4, s11;
	[sflag:s12] =	ssyncadd.s32 $0xFFFFF000  }
0x1a6: {  	[hbm4b:s4+s1] =	stream.linear.scatter [tilespmem:s26], [sflag:$0x8], $0x1000, $0x38;
	[tilespmem:$0x1A780] =	vst v63  }
0x1a7: {  	_ =	swait.ge [sflag:s30], $0x1000  }
0x1a8: {  	s15 =	sadd.s32 $0x0, s6;
	[sflag:s30] =	ssyncset.done $0x0  }
0x1a9: {  	v16 =	vor.u32 s15, v3;
	s21 =	sadd.s32 $0x20, s15;
	[sflag:s30] =	ssyncadd.s32 $0xFFFFF000  }
0x1aa: {  	s19 =	sadd.s32 $0x10, s15;
	v17 =	vor.u32 s21, v3;
	[tilespmem:$0x1A700] =	vst v16  }
0x1ab: {  	s23 =	sadd.s32 $0x40, s15;
	v16 =	vor.u32 s19, v3;
	[tilespmem:$0x1A720] =	vst v17  }
0x1ac: {  	s20 =	sadd.s32 $0x70, s15;
	v17 =	vor.u32 s23, v3;
	[tilespmem:$0x1A710] =	vst v16  }
0x1ad: {  	s1 =	sadd.s32 $0x30, s15;
	v16 =	vor.u32 s20, v3;
	[tilespmem:$0x1A740] =	vst v17  }
0x1ae: {  	s22 =	sadd.s32 $0x50, s15;
	v17 =	vor.u32 s1, v3;
	[tilespmem:$0x1A770] =	vst v16  }
0x1af: {  	s24 =	sadd.s32 $0x60, s15;
	v16 =	vor.u32 s22, v3;
	[tilespmem:$0x1A730] =	vst v17  }
0x1b0: {  	s1 =	rddreg [dreg:$0x9];
	[tilespmem:$0x1A750] =	vst v16;
	v16 =	vor.u32 s24, v3  }
0x1b1: {  	s4 =	simm.s32 $0x80;
	s23 =	smov.u32 s1;
	[tilespmem:$0x1A760] =	vst v16  }
0x1b2: {  	[tilespmem:s8], [sflag:$0x1] =	stream.indirect.gather [spmem:s5], $0x1, s3, s31, $0xb8;
	[tilespmem:$0x1A780] =	vst v63  }
.LBB2_16:
0x1b3: {  	p0 =	sne.s32 s4, $0x200;
	_ =	swait.ge [sflag:s12], $0x80;
	s23 =	sadd.s32 $0x10, s23  }
0x1b4: {  	s19 =	smov.u32 s4;
	s4 =	sadd.s32 $0x80, s4;
	[sflag:s12] =	ssyncset.done $0x0  }
0x1b5: {  	[sflag:s12] =	ssyncadd.s32 $0xFFFFFF80  }
0x1b6: {  	[hbm4b:s1+s7] =	stream.linear.scatter [tilespmem:s8], [sflag:$0x8], $0x80, $0x38;
	[tilespmem:$0x1A780] =	vst v63  }
0x1b7: {  	s1 =	smov.u32 s23;
	_ =	swait.ge [sflag:s30], $0x80  }
0x1b8: {  	s19 =	sadd.s32 s19, s6;
	[sflag:s30] =	ssyncset.done $0x0  }
0x1b9: {  	v16 =	vor.u32 s19, v3;
	s20 =	sadd.s32 $0x10, s19;
	s22 =	sadd.s32 $0x20, s19;
	[sflag:s30] =	ssyncadd.s32 $0xFFFFFF80  }
0x1ba: {  	s24 =	sadd.s32 $0x70, s19;
	v17 =	vor.u32 s22, v3;
	s22 =	sadd.s32 $0x50, s19;
	[tilespmem:$0x1A700] =	vst v16;
	v16 =	vor.u32 s20, v3;
	s20 =	sadd.s32 $0x40, s19  }
0x1bb: {  	s21 =	sadd.s32 $0x30, s19;
	v19 =	vor.u32 s24, v3;
	v18 =	vor.u32 s22, v3;
	s19 =	sadd.s32 $0x60, s19;
	[tilespmem:$0x1A710] =	vst v16;
	v16 =	vor.u32 s20, v3  }
0x1bc: {  	v20 =	vor.u32 s21, v3;
	v21 =	vor.u32 s19, v3;
	[tilespmem:$0x1A770] =	vst v19  }
0x1bd: {  	[tilespmem:$0x1A720] =	vst v17  }
.Ltmp7:
0x1be: {  	[tilespmem:$0x1A750] =	vst v18;
	(pc) =	sbr.rel @p0 .LBB2_16-.Ltmp7, $4  }
0x1bf: {  	[tilespmem:$0x1A740] =	vst v16  }
0x1c0: {  	[tilespmem:$0x1A760] =	vst v21  }
0x1c1: {  	[tilespmem:$0x1A730] =	vst v20  }
0x1c2: {  	[tilespmem:s8], [sflag:$0x1] =	stream.indirect.gather [spmem:s5], $0x1, s3, s31, $0xb8;
	[tilespmem:$0x1A780] =	vst v63  }
0x1c3: {  	_ =	swait.ge [sflag:s12], $0x80  }
0x1c4: {  	[sflag:s12] =	ssyncset.done $0x0  }
0x1c5: {  	s4 =	simm.s32 $0x0;
	[sflag:s12] =	ssyncadd.s32 $0xFFFFFF80  }
0x1c6: {  	v19 =	vor.u32 s4, v3;
	[hbm4b:s1+s7] =	stream.linear.scatter [tilespmem:s8], [sflag:$0x8], $0x80, $0x38;
	[tilespmem:$0x1A780] =	vst v63  }
0x1c7: {  	_ =	swait.ge [sflag:s30], $0x80  }
0x1c8: {  	v21 =	vor.u32 s4, v6;
	[sflag:s30] =	ssyncset.done $0x0  }
0x1c9: {  	v18 =	vor.u32 s4, v7;
	[sflag:s30] =	ssyncadd.s32 $0xFFFFFF80  }
0x1ca: {  	v17 =	vor.u32 s4, v8;
	[bflag:$0x0] =	sbarrier.arrive $0xFFFF  }
0x1cb: {  	[tilespmem:v19+s26+$0x0] =	vst.idx.msk $0xffff, v5;
	v19 =	vor.u32 s4, v9  }
0x1cc: {  	v20 =	vor.u32 s4, v10  }
0x1cd: {  	v16 =	vor.u32 s4, v12;
	s1 =	simm.s32 $0x1;
	[tilespmem:v21+s26+$0x0] =	vst.idx.msk $0xffff, v5;
	v21 =	vor.u32 s4, v11  }
.LBB2_18:
0x1ce: {  	s4 =	sshll.u32 s1, $0x7;
	p0 =	sne.s32 s1, $0x1F;
	s1 =	sadd.s32 $0x1, s1;
	[tilespmem:v18+s26+$0x0] =	vst.idx.msk $0xffff, v5  }
0x1cf: {  	v22 =	vor.u32 s4, v3;
	v23 =	vor.u32 s4, v12;
	[tilespmem:v17+s26+$0x0] =	vst.idx.msk $0xffff, v5  }
0x1d0: {  	v24 =	vor.u32 s4, v6;
	[tilespmem:v19+s26+$0x0] =	vst.idx.msk $0xffff, v5  }
.Ltmp8:
0x1d1: {  	v18 =	vor.u32 s4, v7;
	[tilespmem:v20+s26+$0x0] =	vst.idx.msk $0xffff, v5;
	(pc) =	sbr.rel @p0 .LBB2_18-.Ltmp8, $4  }
0x1d2: {  	v17 =	vor.u32 s4, v8;
	[tilespmem:v21+s26+$0x0] =	vst.idx.msk $0xffff, v5  }
0x1d3: {  	v19 =	vor.u32 s4, v9;
	[tilespmem:v16+s26+$0x0] =	vst.idx.msk $0xffff, v5;
	v16 =	vmov v23  }
0x1d4: {  	v20 =	vor.u32 s4, v10;
	[tilespmem:v22+s26+$0x0] =	vst.idx.msk $0xffff, v5  }
0x1d5: {  	v21 =	vor.u32 s4, v11;
	[tilespmem:v24+s26+$0x0] =	vst.idx.msk $0xffff, v5  }
0x1d6: {  	_ =	sdelay $0x3  }
0x1d7: {  	[tilespmem:v18+s26+$0x0] =	vst.idx.msk $0xffff, v5  }
0x1d8: {  	[tilespmem:v17+s26+$0x0] =	vst.idx.msk $0xffff, v5  }
0x1d9: {  	[tilespmem:v19+s26+$0x0] =	vst.idx.msk $0xffff, v5  }
0x1da: {  	[tilespmem:v20+s26+$0x0] =	vst.idx.msk $0xffff, v5  }
0x1db: {  	s1 =	sadd.s32 $0x0, s6;
	[tilespmem:v21+s26+$0x0] =	vst.idx.msk $0xffff, v5  }
0x1dc: {  	[tilespmem:v16+s26+$0x0] =	vst.idx.msk $0xffff, v5;
	v16 =	vor.u32 s1, v3;
	s1 =	sadd.s32 $0x10, s1  }
0x1dd: {  	[tilespmem:$0x1A580] =	vst v16;
	v16 =	vor.u32 s1, v3  }
0x1de: {  	[tilespmem:$0x1A590] =	vst v16  }
0x1df: {  	[spmem:s2] =	stream.indirect.scatter [tilespmem:s26], [sflag:$0x8], $0x80, s29, s28, $0xb8;
	[tilespmem:$0x1A780] =	vst v63  }
0x1e0: {  	s1 =	simm.s32 $0x20;
	_ =	swait.ge [sflag:s30], $0x1000  }
.LBB2_20:
0x1e1: {  	s4 =	sadd.s32 s1, s6;
	[sflag:s30] =	ssyncset.done $0x0;
	p0 =	sne.s32 s1, $0x260  }
.Ltmp9:
0x1e2: {  	v16 =	vor.u32 s4, v3;
	s4 =	sadd.s32 $0x10, s4;
	[sflag:s30] =	ssyncadd.s32 $0xFFFFF000;
	(pc) =	sbr.rel @p0 .LBB2_20-.Ltmp9, $4  }
0x1e3: {  	s1 =	sadd.s32 $0x20, s1;
	[tilespmem:$0x1A580] =	vst v16;
	v16 =	vor.u32 s4, v3  }
0x1e4: {  	[tilespmem:$0x1A590] =	vst v16  }
0x1e5: {  	[spmem:s2] =	stream.indirect.scatter [tilespmem:s26], [sflag:$0x8], $0x80, s29, s28, $0xb8;
	[tilespmem:$0x1A780] =	vst v63  }
0x1e6: {  	_ =	swait.ge [sflag:s30], $0x1000  }
0x1e7: {  	[sflag:s30] =	ssyncset.done $0x0;
	s1 =	sadd.s32 $0x0, s6  }
0x1e8: {  	[sflag:s30] =	ssyncadd.s32 $0xFFFFF000;
	v16 =	vor.u32 s1, v3;
	s4 =	sadd.s32 $0x70, s1  }
0x1e9: {  	s19 =	sadd.s32 $0x60, s1;
	[tilespmem:$0x1A700] =	vst v16;
	v16 =	vor.u32 s4, v3  }
0x1ea: {  	s23 =	sadd.s32 $0x30, s1;
	v17 =	vor.u32 s19, v3;
	[tilespmem:$0x1A770] =	vst v16  }
0x1eb: {  	s21 =	sadd.s32 $0x50, s1;
	v18 =	vor.u32 s23, v3;
	[tilespmem:$0x1A760] =	vst v17  }
0x1ec: {  	s22 =	sadd.s32 $0x40, s1;
	v16 =	vor.u32 s21, v3;
	[tilespmem:$0x1A730] =	vst v18  }
0x1ed: {  	s24 =	sadd.s32 $0x20, s1;
	v17 =	vor.u32 s22, v3;
	[tilespmem:$0x1A750] =	vst v16  }
0x1ee: {  	s4 =	sadd.s32 $0x10, s1;
	s1 =	simm.s32 $0x80;
	[tilespmem:$0x1A740] =	vst v17;
	v16 =	vor.u32 s24, v3  }
.LBB2_22:
0x1ef: {  	p0 =	sne.s32 s1, $0x200;
	v17 =	vor.u32 s4, v3;
	[tilespmem:$0x1A720] =	vst v16  }
0x1f0: {  	[tilespmem:$0x1A710] =	vst v17;
	[spmem:s5] =	stream.indirect.scatter [tilespmem:s0], [sflag:$0x8], $0x1, s3, s31, $0xb8  }
0x1f1: {  	_ =	swait.ge [sflag:s30], $0x80  }
0x1f2: {  	s4 =	sadd.s32 s1, s6;
	[sflag:s30] =	ssyncset.done $0x0  }
0x1f3: {  	v16 =	vor.u32 s4, v3;
	s19 =	sadd.s32 $0x70, s4;
	[sflag:s30] =	ssyncadd.s32 $0xFFFFFF80  }
0x1f4: {  	s20 =	sadd.s32 $0x60, s4;
	[tilespmem:$0x1A700] =	vst v16;
	v16 =	vor.u32 s19, v3  }
.Ltmp10:
0x1f5: {  	v17 =	vor.u32 s20, v3;
	s19 =	sadd.s32 $0x50, s4;
	[tilespmem:$0x1A770] =	vst v16;
	(pc) =	sbr.rel @p0 .LBB2_22-.Ltmp10, $4  }
0x1f6: {  	s20 =	sadd.s32 $0x40, s4;
	v16 =	vor.u32 s19, v3;
	[tilespmem:$0x1A760] =	vst v17  }
0x1f7: {  	s19 =	sadd.s32 $0x30, s4;
	v17 =	vor.u32 s20, v3;
	[tilespmem:$0x1A750] =	vst v16  }
0x1f8: {  	s20 =	sadd.s32 $0x20, s4;
	v18 =	vor.u32 s19, v3;
	[tilespmem:$0x1A740] =	vst v17  }
0x1f9: {  	s1 =	sadd.s32 $0x80, s1;
	s4 =	sadd.s32 $0x10, s4;
	v16 =	vor.u32 s20, v3;
	[tilespmem:$0x1A730] =	vst v18  }
0x1fa: {  	v17 =	vor.u32 s4, v3;
	[tilespmem:$0x1A720] =	vst v16  }
0x1fb: {  	[tilespmem:$0x1A710] =	vst v17  }
0x1fc: {  	[spmem:s5] =	stream.indirect.scatter [tilespmem:s0], [sflag:$0x8], $0x1, s3, s31, $0xb8;
	[tilespmem:$0x1A780] =	vst v63  }
0x1fd: {  	_ =	swait.ge [sflag:s30], $0x80  }
0x1fe: {  	[sflag:s30] =	ssyncset.done $0x0  }
0x1ff: {  	s15 =	simm.s32 $0x0;
	s4 =	simm.s32 $0x0;
	[sflag:s30] =	ssyncadd.s32 $0xFFFFFF80  }
0x200: {  	s13 =	simm.s32 $0x50;
	s14 =	simm.s32 $0x14400;
	[bflag:$0x0] =	sbarrier.arrive $0xFFFF  }
.LBB2_24:
0x201: {  	s19 =	smul.u32 $0xA0, s4  }
0x202: {  	s20 =	rddreg [dreg:$0x5]  }
0x203: {  	s20 =	sadd.s32 s20, s19  }
0x204: {  	s23 =	rddreg [dreg:$0x0];
	s21 =	sshrl.u32 s20, $0x3  }
0x205: {  	s11 =	simm.s32 $0x14280;
	s22 =	sadd.s32 s23, s21  }
0x206: {  	[tilespmem:s11], [sflag:$0x8] =	stream.linear.gather [hbm4b:s22+s15], $0x50, $0x38;
	[tilespmem:$0x1A780] =	vst v63  }
0x207: {  	_ =	swait.ge [sflag:s30], $0x50  }
0x208: {  	[sflag:s30] =	ssyncset.done $0x0;
	s24 =	rddreg [dreg:$0xd]  }
0x209: {  	[sflag:s30] =	ssyncadd.s32 $0xFFFFFFB0;
	s21 =	sadd.s32 s24, s21  }
0x20a: {  	[tilespmem:s17], [sflag:$0x8] =	stream.linear.gather [hbm4b:s21+s15], $0x50, $0x38;
	[tilespmem:$0x1A780] =	vst v63  }
0x20b: {  	_ =	swait.ge [sflag:s30], $0x50  }
0x20c: {  	s22 =	rddreg [dreg:$0x7]  }
0x20d: {  	s20 =	sadd.s32 s22, s20  }
0x20e: {  	[sflag:s30] =	ssyncset.done $0x0;
	s17 =	rddreg [dreg:$0xe];
	s20 =	sshrl.u32 s20, $0x3  }
0x20f: {  	[sflag:s30] =	ssyncadd.s32 $0xFFFFFFB0;
	s20 =	sadd.s32 s17, s20  }
0x210: {  	[tilespmem:s16], [sflag:$0x8] =	stream.linear.gather [hbm4b:s20+s15], $0x50, $0x38;
	[tilespmem:$0x1A780] =	vst v63  }
0x211: {  	_ =	swait.ge [sflag:s30], $0x50  }
0x212: {  	[sflag:s30] =	ssyncset.done $0x0  }
0x213: {  	[sflag:s30] =	ssyncadd.s32 $0xFFFFFFB0  }
0x214: {  	v16 =	vld [tilespmem:$0x14280]  }
0x215: {  	v17 =	vld [tilespmem:$0x14290]  }
0x216: {  	v18 =	vld [tilespmem:$0x142A0]  }
0x217: {  	v19 =	vld [tilespmem:$0x142B0]  }
0x218: {  	v20 =	vld [tilespmem:$0x142C0]  }
0x219: {  	v16 =	vadd.s32 v1, v16  }
0x21a: {  	[tilespmem:$0x14280] =	vst v16;
	v16 =	vadd.s32 v1, v17  }
0x21b: {  	[tilespmem:$0x14290] =	vst v16;
	v16 =	vadd.s32 v1, v18  }
0x21c: {  	s21 =	rddreg [dreg:$0x12];
	[tilespmem:$0x142A0] =	vst v16;
	v16 =	vadd.s32 v1, v19  }
0x21d: {  	s19 =	sadd.s32 s19, s21;
	[tilespmem:$0x142B0] =	vst v16;
	v16 =	vadd.s32 v1, v20  }
0x21e: {  	s1 =	rddreg [dreg:$0xf];
	s20 =	sshrl.u32 s19, $0x3;
	[tilespmem:$0x142C0] =	vst v16  }
0x21f: {  	[tilespmem:s18], [sflag:$0x2] =	stream.indirect.gather [hbm4b:s1+s13], $0x80, s11, s13, $0xb8;
	[tilespmem:$0x1A780] =	vst v63  }
0x220: {  	s11 =	sadd.s32 s23, s20;
	s23 =	simm.s32 $0x14300  }
0x221: {  	[tilespmem:s23], [sflag:$0x8] =	stream.linear.gather [hbm4b:s11+s15], $0x50, $0x38;
	[tilespmem:$0x1A780] =	vst v63  }
0x222: {  	_ =	swait.ge [sflag:s30], $0x50  }
0x223: {  	[sflag:s30] =	ssyncset.done $0x0  }
0x224: {  	s20 =	sadd.s32 s24, s20;
	[sflag:s30] =	ssyncadd.s32 $0xFFFFFFB0  }
0x225: {  	[tilespmem:s14], [sflag:$0x8] =	stream.linear.gather [hbm4b:s20+s15], $0x50, $0x38;
	[tilespmem:$0x1A780] =	vst v63  }
0x226: {  	s19 =	sadd.s32 s22, s19;
	_ =	swait.ge [sflag:s30], $0x50  }
0x227: {  	s19 =	sshrl.u32 s19, $0x3;
	[sflag:s30] =	ssyncset.done $0x0  }
0x228: {  	s19 =	sadd.s32 s17, s19;
	[sflag:s30] =	ssyncadd.s32 $0xFFFFFFB0  }
0x229: {  	[tilespmem:s9], [sflag:$0x8] =	stream.linear.gather [hbm4b:s19+s15], $0x50, $0x38;
	[tilespmem:$0x1A780] =	vst v63  }
0x22a: {  	_ =	swait.ge [sflag:s30], $0x50  }
0x22b: {  	[sflag:s30] =	ssyncset.done $0x0  }
0x22c: {  	[sflag:s30] =	ssyncadd.s32 $0xFFFFFFB0  }
0x22d: {  	v16 =	vld [tilespmem:$0x14300]  }
0x22e: {  	v17 =	vld [tilespmem:$0x14310]  }
0x22f: {  	v18 =	vld [tilespmem:$0x14320]  }
0x230: {  	v19 =	vld [tilespmem:$0x14330]  }
0x231: {  	v20 =	vld [tilespmem:$0x14340]  }
0x232: {  	v16 =	vadd.s32 v1, v16  }
0x233: {  	[tilespmem:$0x14300] =	vst v16;
	v16 =	vadd.s32 v1, v17  }
0x234: {  	[tilespmem:$0x14310] =	vst v16;
	v16 =	vadd.s32 v1, v18  }
0x235: {  	[tilespmem:$0x14320] =	vst v16;
	v16 =	vadd.s32 v1, v19  }
0x236: {  	[tilespmem:$0x14330] =	vst v16;
	v16 =	vadd.s32 v1, v20  }
0x237: {  	v17 =	vmov s15;
	[tilespmem:$0x14340] =	vst v16  }
0x238: {  	v16 =	vshll.u32 v17, $0x7;
	[tilespmem:s10], [sflag:$0x3] =	stream.indirect.gather [hbm4b:s1+s13], $0x80, s23, s13, $0xb8;
	[tilespmem:$0x1A780] =	vst v63  }
0x239: {  	v18 =	vor.u32 v3, v16;
	s23 =	simm.s32 $0x2  }
0x23a: {  	_ =	swait.ge [sflag:s23], $0x2800  }
0x23b: {  	[sflag:s23] =	ssyncset.done $0x0  }
0x23c: {  	[sflag:s23] =	ssyncadd.s32 $0xFFFFD800  }
0x23d: {  	v20 =	vld.idx.msk [tilespmem:v17+s16+$0x0], $0xffff  }
0x23e: {  	v17 =	vld.idx.msk [tilespmem:v18+s18+$0x0], $0xffff;
	_ =	sdelay $0x2  }
0x23f: {  	v19 =	vor.u32 v6, v16;
	_ =	sdelay $0x1  }
0x240: {  	v17 =	vmul.f32 v17, v20;
	_ =	sdelay $0x1  }
0x241: {  	[tilespmem:v18+s18+$0x0] =	vst.idx.msk $0xffff, v17  }
0x242: {  	v17 =	vld.idx.msk [tilespmem:v19+s18+$0x0], $0xffff;
	_ =	sdelay $0x2  }
0x243: {  	v18 =	vor.u32 v7, v16;
	_ =	sdelay $0x1  }
0x244: {  	v17 =	vmul.f32 v17, v20;
	_ =	sdelay $0x1  }
0x245: {  	[tilespmem:v19+s18+$0x0] =	vst.idx.msk $0xffff, v17  }
0x246: {  	v17 =	vld.idx.msk [tilespmem:v18+s18+$0x0], $0xffff;
	_ =	sdelay $0x2  }
0x247: {  	v19 =	vor.u32 v8, v16;
	_ =	sdelay $0x1  }
0x248: {  	v17 =	vmul.f32 v17, v20;
	_ =	sdelay $0x1  }
0x249: {  	[tilespmem:v18+s18+$0x0] =	vst.idx.msk $0xffff, v17  }
0x24a: {  	v17 =	vld.idx.msk [tilespmem:v19+s18+$0x0], $0xffff;
	_ =	sdelay $0x2  }
0x24b: {  	v18 =	vor.u32 v9, v16;
	_ =	sdelay $0x1  }
0x24c: {  	v17 =	vmul.f32 v17, v20;
	_ =	sdelay $0x1  }
0x24d: {  	[tilespmem:v19+s18+$0x0] =	vst.idx.msk $0xffff, v17  }
0x24e: {  	v17 =	vld.idx.msk [tilespmem:v18+s18+$0x0], $0xffff;
	_ =	sdelay $0x2  }
0x24f: {  	v19 =	vor.u32 v10, v16;
	_ =	sdelay $0x1  }
0x250: {  	v17 =	vmul.f32 v17, v20;
	_ =	sdelay $0x1  }
0x251: {  	[tilespmem:v18+s18+$0x0] =	vst.idx.msk $0xffff, v17  }
0x252: {  	v17 =	vld.idx.msk [tilespmem:v19+s18+$0x0], $0xffff;
	_ =	sdelay $0x2  }
0x253: {  	v18 =	vor.u32 v11, v16;
	_ =	sdelay $0x1  }
0x254: {  	v17 =	vmul.f32 v17, v20;
	_ =	sdelay $0x1  }
0x255: {  	[tilespmem:v19+s18+$0x0] =	vst.idx.msk $0xffff, v17  }
0x256: {  	v19 =	vld.idx.msk [tilespmem:v18+s18+$0x0], $0xffff;
	_ =	sdelay $0x2  }
0x257: {  	v17 =	vor.u32 v12, v16;
	_ =	sdelay $0x1  }
0x258: {  	v16 =	vmul.f32 v19, v20;
	_ =	sdelay $0x1  }
0x259: {  	[tilespmem:v18+s18+$0x0] =	vst.idx.msk $0xffff, v16  }
0x25a: {  	v21 =	vld.idx.msk [tilespmem:v17+s18+$0x0], $0xffff  }
0x25b: {  	s24 =	simm.s32 $0x1  }
0x25c: {  	v19 =	vmov s24  }
0x25d: {  	v16 =	vshll.u32 v19, $0x7  }
0x25e: {  	v18 =	vor.u32 v3, v16  }
0x25f: {  	s11 =	simm.s32 $0x14400;
	s1 =	simm.s32 $0x50;
	s24 =	simm.s32 $0x2;
	v20 =	vmul.f32 v21, v20  }
.LBB2_25:
0x260: {  	_ = 	snop  }
0x261: {  	p0 =	sne.s32 s24, $0x4F;
	s23 =	smov.u32 s24;
	s24 =	sadd.s32 $0x1, s24;
	[tilespmem:v17+s18+$0x0] =	vst.idx.msk $0xffff, v20  }
0x262: {  	v20 =	vld.idx.msk [tilespmem:v19+s16+$0x0], $0xffff  }
0x263: {  	v17 =	vld.idx.msk [tilespmem:v18+s18+$0x0], $0xffff;
	_ =	sdelay $0x3  }
0x264: {  	v19 =	vor.u32 v6, v16;
	_ =	sdelay $0x1  }
0x265: {  	v17 =	vmul.f32 v17, v20;
	_ =	sdelay $0x1  }
0x266: {  	[tilespmem:v18+s18+$0x0] =	vst.idx.msk $0xffff, v17  }
0x267: {  	v17 =	vld.idx.msk [tilespmem:v19+s18+$0x0], $0xffff;
	_ =	sdelay $0x3  }
0x268: {  	v18 =	vor.u32 v7, v16;
	_ =	sdelay $0x1  }
0x269: {  	v17 =	vmul.f32 v17, v20;
	_ =	sdelay $0x1  }
0x26a: {  	[tilespmem:v19+s18+$0x0] =	vst.idx.msk $0xffff, v17  }
0x26b: {  	v17 =	vld.idx.msk [tilespmem:v18+s18+$0x0], $0xffff;
	_ =	sdelay $0x3  }
0x26c: {  	v19 =	vor.u32 v8, v16;
	_ =	sdelay $0x1  }
0x26d: {  	v17 =	vmul.f32 v17, v20;
	_ =	sdelay $0x1  }
0x26e: {  	[tilespmem:v18+s18+$0x0] =	vst.idx.msk $0xffff, v17  }
0x26f: {  	v17 =	vld.idx.msk [tilespmem:v19+s18+$0x0], $0xffff;
	_ =	sdelay $0x3  }
0x270: {  	v18 =	vor.u32 v9, v16;
	_ =	sdelay $0x1  }
0x271: {  	v17 =	vmul.f32 v17, v20;
	_ =	sdelay $0x1  }
0x272: {  	[tilespmem:v19+s18+$0x0] =	vst.idx.msk $0xffff, v17  }
0x273: {  	v17 =	vld.idx.msk [tilespmem:v18+s18+$0x0], $0xffff;
	_ =	sdelay $0x3  }
0x274: {  	v19 =	vor.u32 v10, v16;
	_ =	sdelay $0x1  }
0x275: {  	v17 =	vmul.f32 v17, v20;
	_ =	sdelay $0x1  }
0x276: {  	[tilespmem:v18+s18+$0x0] =	vst.idx.msk $0xffff, v17  }
0x277: {  	v17 =	vld.idx.msk [tilespmem:v19+s18+$0x0], $0xffff;
	_ =	sdelay $0x3  }
0x278: {  	v18 =	vor.u32 v11, v16;
	_ =	sdelay $0x1  }
0x279: {  	v17 =	vmul.f32 v17, v20;
	_ =	sdelay $0x1  }
0x27a: {  	[tilespmem:v19+s18+$0x0] =	vst.idx.msk $0xffff, v17  }
0x27b: {  	v19 =	vld.idx.msk [tilespmem:v18+s18+$0x0], $0xffff;
	_ =	sdelay $0x3  }
0x27c: {  	v17 =	vor.u32 v12, v16;
	_ =	sdelay $0x1  }
0x27d: {  	v16 =	vmul.f32 v19, v20;
	_ =	sdelay $0x1  }
0x27e: {  	[tilespmem:v18+s18+$0x0] =	vst.idx.msk $0xffff, v16  }
0x27f: {  	v21 =	vld.idx.msk [tilespmem:v17+s18+$0x0], $0xffff;
	_ =	sdelay $0x1  }
.Ltmp11:
0x280: {  	(pc) =	sbr.rel @p0 .LBB2_25-.Ltmp11, $4  }
0x281: {  	v19 =	vmov s23  }
0x282: {  	v16 =	vshll.u32 v19, $0x7  }
0x283: {  	v18 =	vor.u32 v3, v16  }
0x284: {  	v20 =	vmul.f32 v21, v20  }
0x285: {  	_ =	sdelay $0x3  }
0x286: {  	[tilespmem:v17+s18+$0x0] =	vst.idx.msk $0xffff, v20  }
0x287: {  	v17 =	vld.idx.msk [tilespmem:v19+s16+$0x0], $0xffff  }
0x288: {  	v19 =	vld.idx.msk [tilespmem:v18+s18+$0x0], $0xffff;
	_ =	sdelay $0x2  }
0x289: {  	v20 =	vor.u32 v6, v16;
	_ =	sdelay $0x1  }
0x28a: {  	v19 =	vmul.f32 v19, v17;
	_ =	sdelay $0x1  }
0x28b: {  	[tilespmem:v18+s18+$0x0] =	vst.idx.msk $0xffff, v19  }
0x28c: {  	v18 =	vld.idx.msk [tilespmem:v20+s18+$0x0], $0xffff;
	_ =	sdelay $0x2  }
0x28d: {  	v19 =	vor.u32 v7, v16;
	_ =	sdelay $0x1  }
0x28e: {  	v18 =	vmul.f32 v18, v17;
	_ =	sdelay $0x1  }
0x28f: {  	[tilespmem:v20+s18+$0x0] =	vst.idx.msk $0xffff, v18  }
0x290: {  	v18 =	vld.idx.msk [tilespmem:v19+s18+$0x0], $0xffff;
	_ =	sdelay $0x2  }
0x291: {  	v20 =	vor.u32 v8, v16;
	_ =	sdelay $0x1  }
0x292: {  	v18 =	vmul.f32 v18, v17;
	_ =	sdelay $0x1  }
0x293: {  	[tilespmem:v19+s18+$0x0] =	vst.idx.msk $0xffff, v18  }
0x294: {  	v18 =	vld.idx.msk [tilespmem:v20+s18+$0x0], $0xffff;
	_ =	sdelay $0x2  }
0x295: {  	v19 =	vor.u32 v9, v16;
	_ =	sdelay $0x1  }
0x296: {  	v18 =	vmul.f32 v18, v17;
	_ =	sdelay $0x1  }
0x297: {  	[tilespmem:v20+s18+$0x0] =	vst.idx.msk $0xffff, v18  }
0x298: {  	v18 =	vld.idx.msk [tilespmem:v19+s18+$0x0], $0xffff;
	_ =	sdelay $0x2  }
0x299: {  	v20 =	vor.u32 v10, v16;
	_ =	sdelay $0x1  }
0x29a: {  	v18 =	vmul.f32 v18, v17;
	_ =	sdelay $0x1  }
0x29b: {  	[tilespmem:v19+s18+$0x0] =	vst.idx.msk $0xffff, v18  }
0x29c: {  	v18 =	vld.idx.msk [tilespmem:v20+s18+$0x0], $0xffff;
	_ =	sdelay $0x2  }
0x29d: {  	v19 =	vor.u32 v11, v16;
	_ =	sdelay $0x1  }
0x29e: {  	v18 =	vmul.f32 v18, v17;
	_ =	sdelay $0x1  }
0x29f: {  	[tilespmem:v20+s18+$0x0] =	vst.idx.msk $0xffff, v18  }
0x2a0: {  	v18 =	vld.idx.msk [tilespmem:v19+s18+$0x0], $0xffff;
	_ =	sdelay $0x2  }
0x2a1: {  	v16 =	vor.u32 v12, v16;
	_ =	sdelay $0x1  }
0x2a2: {  	v18 =	vmul.f32 v18, v17;
	_ =	sdelay $0x1  }
0x2a3: {  	[tilespmem:v19+s18+$0x0] =	vst.idx.msk $0xffff, v18  }
0x2a4: {  	v18 =	vld.idx.msk [tilespmem:v16+s18+$0x0], $0xffff;
	_ =	sdelay $0x4  }
0x2a5: {  	v17 =	vmul.f32 v18, v17;
	_ =	sdelay $0x1  }
0x2a6: {  	s19 =	simm.s32 $0x0;
	s17 =	simm.s32 $0x14380;
	[tilespmem:v16+s18+$0x0] =	vst.idx.msk $0xffff, v17  }
0x2a7: {  	v16 =	vmov s19;
	[spmem:s2] =	stream.indirect.scatter.add.f32 [tilespmem:s18], [sflag:$0x4], $0x80, s17, s1, $0xb8;
	[tilespmem:$0x1A780] =	vst v63  }
0x2a8: {  	s13 =	simm.s32 $0x3;
	v17 =	vshll.u32 v16, $0x7  }
0x2a9: {  	v18 =	vor.u32 v3, v17;
	[spmem:s5] =	stream.indirect.scatter.add.f32 [tilespmem:s16], [sflag:$0x5], $0x1, s17, s1, $0xb8;
	[tilespmem:$0x1A780] =	vst v63  }
0x2aa: {  	_ =	swait.ge [sflag:s13], $0x2800  }
0x2ab: {  	[sflag:s13] =	ssyncset.done $0x0  }
0x2ac: {  	[sflag:s13] =	ssyncadd.s32 $0xFFFFD800  }
0x2ad: {  	v20 =	vld.idx.msk [tilespmem:v16+s9+$0x0], $0xffff  }
0x2ae: {  	v16 =	vld.idx.msk [tilespmem:v18+s10+$0x0], $0xffff;
	_ =	sdelay $0x2  }
0x2af: {  	v19 =	vor.u32 v6, v17;
	_ =	sdelay $0x1  }
0x2b0: {  	v16 =	vmul.f32 v16, v20;
	_ =	sdelay $0x1  }
0x2b1: {  	[tilespmem:v18+s10+$0x0] =	vst.idx.msk $0xffff, v16  }
0x2b2: {  	v16 =	vld.idx.msk [tilespmem:v19+s10+$0x0], $0xffff;
	_ =	sdelay $0x2  }
0x2b3: {  	v18 =	vor.u32 v7, v17;
	_ =	sdelay $0x1  }
0x2b4: {  	v16 =	vmul.f32 v16, v20;
	_ =	sdelay $0x1  }
0x2b5: {  	[tilespmem:v19+s10+$0x0] =	vst.idx.msk $0xffff, v16  }
0x2b6: {  	v16 =	vld.idx.msk [tilespmem:v18+s10+$0x0], $0xffff;
	_ =	sdelay $0x2  }
0x2b7: {  	v19 =	vor.u32 v8, v17;
	_ =	sdelay $0x1  }
0x2b8: {  	v16 =	vmul.f32 v16, v20;
	_ =	sdelay $0x1  }
0x2b9: {  	[tilespmem:v18+s10+$0x0] =	vst.idx.msk $0xffff, v16  }
0x2ba: {  	v16 =	vld.idx.msk [tilespmem:v19+s10+$0x0], $0xffff;
	_ =	sdelay $0x2  }
0x2bb: {  	v18 =	vor.u32 v9, v17;
	_ =	sdelay $0x1  }
0x2bc: {  	v16 =	vmul.f32 v16, v20;
	_ =	sdelay $0x1  }
0x2bd: {  	[tilespmem:v19+s10+$0x0] =	vst.idx.msk $0xffff, v16  }
0x2be: {  	v16 =	vld.idx.msk [tilespmem:v18+s10+$0x0], $0xffff;
	_ =	sdelay $0x2  }
0x2bf: {  	v19 =	vor.u32 v10, v17;
	_ =	sdelay $0x1  }
0x2c0: {  	v16 =	vmul.f32 v16, v20;
	_ =	sdelay $0x1  }
0x2c1: {  	[tilespmem:v18+s10+$0x0] =	vst.idx.msk $0xffff, v16  }
0x2c2: {  	v16 =	vld.idx.msk [tilespmem:v19+s10+$0x0], $0xffff;
	_ =	sdelay $0x2  }
0x2c3: {  	v18 =	vor.u32 v11, v17;
	_ =	sdelay $0x1  }
0x2c4: {  	v16 =	vmul.f32 v16, v20;
	_ =	sdelay $0x1  }
0x2c5: {  	[tilespmem:v19+s10+$0x0] =	vst.idx.msk $0xffff, v16  }
0x2c6: {  	v16 =	vld.idx.msk [tilespmem:v18+s10+$0x0], $0xffff;
	_ =	sdelay $0x2  }
0x2c7: {  	v17 =	vor.u32 v12, v17;
	_ =	sdelay $0x1  }
0x2c8: {  	v16 =	vmul.f32 v16, v20;
	_ =	sdelay $0x1  }
0x2c9: {  	[tilespmem:v18+s10+$0x0] =	vst.idx.msk $0xffff, v16  }
0x2ca: {  	v21 =	vld.idx.msk [tilespmem:v17+s10+$0x0], $0xffff  }
0x2cb: {  	s24 =	simm.s32 $0x1  }
0x2cc: {  	v19 =	vmov s24  }
0x2cd: {  	v16 =	vshll.u32 v19, $0x7  }
0x2ce: {  	v18 =	vor.u32 v3, v16  }
0x2cf: {  	s24 =	simm.s32 $0x2;
	v20 =	vmul.f32 v21, v20  }
.LBB2_27:
0x2d0: {  	_ = 	snop  }
0x2d1: {  	p0 =	sne.s32 s24, $0x4F;
	s23 =	smov.u32 s24;
	s24 =	sadd.s32 $0x1, s24;
	[tilespmem:v17+s10+$0x0] =	vst.idx.msk $0xffff, v20  }
0x2d2: {  	v20 =	vld.idx.msk [tilespmem:v19+s9+$0x0], $0xffff  }
0x2d3: {  	v17 =	vld.idx.msk [tilespmem:v18+s10+$0x0], $0xffff;
	_ =	sdelay $0x3  }
0x2d4: {  	v19 =	vor.u32 v6, v16;
	_ =	sdelay $0x1  }
0x2d5: {  	v17 =	vmul.f32 v17, v20;
	_ =	sdelay $0x1  }
0x2d6: {  	[tilespmem:v18+s10+$0x0] =	vst.idx.msk $0xffff, v17  }
0x2d7: {  	v17 =	vld.idx.msk [tilespmem:v19+s10+$0x0], $0xffff;
	_ =	sdelay $0x3  }
0x2d8: {  	v18 =	vor.u32 v7, v16;
	_ =	sdelay $0x1  }
0x2d9: {  	v17 =	vmul.f32 v17, v20;
	_ =	sdelay $0x1  }
0x2da: {  	[tilespmem:v19+s10+$0x0] =	vst.idx.msk $0xffff, v17  }
0x2db: {  	v17 =	vld.idx.msk [tilespmem:v18+s10+$0x0], $0xffff;
	_ =	sdelay $0x3  }
0x2dc: {  	v19 =	vor.u32 v8, v16;
	_ =	sdelay $0x1  }
0x2dd: {  	v17 =	vmul.f32 v17, v20;
	_ =	sdelay $0x1  }
0x2de: {  	[tilespmem:v18+s10+$0x0] =	vst.idx.msk $0xffff, v17  }
0x2df: {  	v17 =	vld.idx.msk [tilespmem:v19+s10+$0x0], $0xffff;
	_ =	sdelay $0x3  }
0x2e0: {  	v18 =	vor.u32 v9, v16;
	_ =	sdelay $0x1  }
0x2e1: {  	v17 =	vmul.f32 v17, v20;
	_ =	sdelay $0x1  }
0x2e2: {  	[tilespmem:v19+s10+$0x0] =	vst.idx.msk $0xffff, v17  }
0x2e3: {  	v17 =	vld.idx.msk [tilespmem:v18+s10+$0x0], $0xffff;
	_ =	sdelay $0x3  }
0x2e4: {  	v19 =	vor.u32 v10, v16;
	_ =	sdelay $0x1  }
0x2e5: {  	v17 =	vmul.f32 v17, v20;
	_ =	sdelay $0x1  }
0x2e6: {  	[tilespmem:v18+s10+$0x0] =	vst.idx.msk $0xffff, v17  }
0x2e7: {  	v17 =	vld.idx.msk [tilespmem:v19+s10+$0x0], $0xffff;
	_ =	sdelay $0x3  }
0x2e8: {  	v18 =	vor.u32 v11, v16;
	_ =	sdelay $0x1  }
0x2e9: {  	v17 =	vmul.f32 v17, v20;
	_ =	sdelay $0x1  }
0x2ea: {  	[tilespmem:v19+s10+$0x0] =	vst.idx.msk $0xffff, v17  }
0x2eb: {  	v19 =	vld.idx.msk [tilespmem:v18+s10+$0x0], $0xffff;
	_ =	sdelay $0x3  }
0x2ec: {  	v17 =	vor.u32 v12, v16;
	_ =	sdelay $0x1  }
0x2ed: {  	v16 =	vmul.f32 v19, v20;
	_ =	sdelay $0x1  }
0x2ee: {  	[tilespmem:v18+s10+$0x0] =	vst.idx.msk $0xffff, v16  }
0x2ef: {  	v21 =	vld.idx.msk [tilespmem:v17+s10+$0x0], $0xffff;
	_ =	sdelay $0x1  }
.Ltmp12:
0x2f0: {  	(pc) =	sbr.rel @p0 .LBB2_27-.Ltmp12, $4  }
0x2f1: {  	v19 =	vmov s23  }
0x2f2: {  	v16 =	vshll.u32 v19, $0x7  }
0x2f3: {  	v18 =	vor.u32 v3, v16  }
0x2f4: {  	v20 =	vmul.f32 v21, v20  }
0x2f5: {  	_ =	sdelay $0x3  }
0x2f6: {  	[tilespmem:v17+s10+$0x0] =	vst.idx.msk $0xffff, v20  }
0x2f7: {  	v17 =	vld.idx.msk [tilespmem:v19+s9+$0x0], $0xffff  }
0x2f8: {  	v57 =	vld.idx.msk [tilespmem:v18+s10+$0x0], $0xffff;
	_ =	sdelay $0x2  }
0x2f9: {  	v58 =	vor.u32 v6, v16;
	_ =	sdelay $0x1  }
0x2fa: {  	v19 =	vmul.f32 v57, v17;
	_ =	sdelay $0x1  }
0x2fb: {  	[tilespmem:v18+s10+$0x0] =	vst.idx.msk $0xffff, v19  }
0x2fc: {  	v18 =	vld.idx.msk [tilespmem:v58+s10+$0x0], $0xffff;
	_ =	sdelay $0x2  }
0x2fd: {  	v59 =	vor.u32 v7, v16;
	_ =	sdelay $0x1  }
0x2fe: {  	v18 =	vmul.f32 v18, v17;
	_ =	sdelay $0x1  }
0x2ff: {  	[tilespmem:v58+s10+$0x0] =	vst.idx.msk $0xffff, v18  }
0x300: {  	v18 =	vld.idx.msk [tilespmem:v59+s10+$0x0], $0xffff;
	_ =	sdelay $0x2  }
0x301: {  	v60 =	vor.u32 v8, v16;
	_ =	sdelay $0x1  }
0x302: {  	v18 =	vmul.f32 v18, v17;
	_ =	sdelay $0x1  }
0x303: {  	[tilespmem:v59+s10+$0x0] =	vst.idx.msk $0xffff, v18  }
0x304: {  	v18 =	vld.idx.msk [tilespmem:v60+s10+$0x0], $0xffff;
	_ =	sdelay $0x2  }
0x305: {  	v61 =	vor.u32 v9, v16;
	_ =	sdelay $0x1  }
0x306: {  	v18 =	vmul.f32 v18, v17;
	_ =	sdelay $0x1  }
0x307: {  	[tilespmem:v60+s10+$0x0] =	vst.idx.msk $0xffff, v18  }
0x308: {  	v18 =	vld.idx.msk [tilespmem:v61+s10+$0x0], $0xffff;
	_ =	sdelay $0x2  }
0x309: {  	v62 =	vor.u32 v10, v16;
	_ =	sdelay $0x1  }
0x30a: {  	v18 =	vmul.f32 v18, v17;
	_ =	sdelay $0x1  }
0x30b: {  	[tilespmem:v61+s10+$0x0] =	vst.idx.msk $0xffff, v18  }
0x30c: {  	v18 =	vld.idx.msk [tilespmem:v62+s10+$0x0], $0xffff;
	_ =	sdelay $0x2  }
0x30d: {  	v63 =	vor.u32 v11, v16;
	_ =	sdelay $0x1  }
0x30e: {  	v18 =	vmul.f32 v18, v17;
	_ =	sdelay $0x1  }
0x30f: {  	[tilespmem:v62+s10+$0x0] =	vst.idx.msk $0xffff, v18  }
0x310: {  	v18 =	vld.idx.msk [tilespmem:v63+s10+$0x0], $0xffff;
	_ =	sdelay $0x2  }
0x311: {  	v16 =	vor.u32 v12, v16;
	_ =	sdelay $0x1  }
0x312: {  	v18 =	vmul.f32 v18, v17;
	_ =	sdelay $0x1  }
0x313: {  	[tilespmem:v63+s10+$0x0] =	vst.idx.msk $0xffff, v18  }
0x314: {  	v18 =	vld.idx.msk [tilespmem:v16+s10+$0x0], $0xffff;
	_ =	sdelay $0x4  }
0x315: {  	v17 =	vmul.f32 v18, v17;
	_ =	sdelay $0x1  }
0x316: {  	[tilespmem:v16+s10+$0x0] =	vst.idx.msk $0xffff, v17  }
0x317: {  	[spmem:s2] =	stream.indirect.scatter.add.f32 [tilespmem:s10], [sflag:$0x6], $0x80, s11, s1, $0xb8;
	[tilespmem:$0x1A780] =	vst v63  }
0x318: {  	s21 =	simm.s32 $0x4  }
0x319: {  	[spmem:s5] =	stream.indirect.scatter.add.f32 [tilespmem:s9], [sflag:$0x7], $0x1, s11, s1, $0xb8;
	[tilespmem:$0x1A780] =	vst v63  }
0x31a: {  	_ =	swait.ge [sflag:s21], $0x2800  }
0x31b: {  	[sflag:s21] =	ssyncset.done $0x0  }
0x31c: {  	s22 =	simm.s32 $0x5;
	[sflag:s21] =	ssyncadd.s32 $0xFFFFD800  }
0x31d: {  	_ =	swait.ge [sflag:s22], $0x50  }
0x31e: {  	[sflag:s22] =	ssyncset.done $0x0  }
0x31f: {  	s23 =	simm.s32 $0x6;
	s4 =	sadd.s32 $0x1, s4;
	[sflag:s22] =	ssyncadd.s32 $0xFFFFFFB0  }
0x320: {  	p0 =	sne.s32 s4, $0x81;
	_ =	swait.ge [sflag:s23], $0x2800  }
.Ltmp13:
0x321: {  	[sflag:s23] =	ssyncset.done $0x0;
	(pc) =	sbr.rel @p0 .LBB2_24-.Ltmp13, $4  }
0x322: {  	s24 =	simm.s32 $0x7;
	[sflag:s23] =	ssyncadd.s32 $0xFFFFD800  }
0x323: {  	_ =	swait.ge [sflag:s24], $0x50  }
0x324: {  	[sflag:s24] =	ssyncset.done $0x0  }
0x325: {  	s13 =	simm.s32 $0x50;
	s14 =	simm.s32 $0x14400;
	[sflag:s24] =	ssyncadd.s32 $0xFFFFFFB0  }
0x326: {  	[bflag:$0x0] =	sbarrier.arrive $0xFFFF  }
0x327: {  	[tilespmem:$0x1A590] =	vst v14  }
0x328: {  	[tilespmem:$0x1A580] =	vst v15  }
0x329: {  	[tilespmem:s26], [sflag:$0x1] =	stream.indirect.gather [spmem:s2], $0x80, s29, s28, $0xb8;
	[tilespmem:$0x1A780] =	vst v63  }
0x32a: {  	_ =	swait.ge [sflag:s12], $0x1000  }
0x32b: {  	[sflag:s12] =	ssyncset.done $0x0;
	s11 =	rddreg [dreg:$0x15]  }
0x32c: {  	s1 =	simm.s32 $0x0;
	[sflag:s12] =	ssyncadd.s32 $0xFFFFF000;
	s4 =	sadd.s32 $0x0, s11  }
0x32d: {  	[hbm4b:s4+s1] =	stream.linear.scatter [tilespmem:s26], [sflag:$0x8], $0x1000, $0x38;
	[tilespmem:$0x1A780] =	vst v63  }
0x32e: {  	s23 =	simm.s32 $0x400;
	s24 =	sadd.s32 $0x20, s25;
	_ =	swait.ge [sflag:s30], $0x1000  }
0x32f: {  	s22 =	smov.u32 s25;
	v16 =	vmov v13;
	s4 =	simm.s32 $0x200;
	[sflag:s30] =	ssyncset.done $0x0  }
.LBB2_30:
0x330: {  	v17 =	vor.u32 s24, v3;
	p0 =	sne.s32 s23, $0x2600;
	s19 =	sadd.s32 $0xFFFFFFF0, s22;
	[sflag:s30] =	ssyncadd.s32 $0xFFFFF000  }
0x331: {  	s22 =	smov.u32 s24;
	v18 =	vor.u32 s19, v3;
	[tilespmem:$0x1A590] =	vst v16;
	v16 =	vmov v17;
	s19 =	smov.u32 s23;
	s23 =	sadd.s32 $0x200, s23  }
0x332: {  	[tilespmem:$0x1A580] =	vst v18  }
0x333: {  	[tilespmem:s26], [sflag:$0x1] =	stream.indirect.gather [spmem:s2], $0x80, s29, s28, $0xb8;
	[tilespmem:$0x1A780] =	vst v63  }
0x334: {  	_ =	swait.ge [sflag:s12], $0x1000  }
.Ltmp14:
0x335: {  	[sflag:s12] =	ssyncset.done $0x0;
	(pc) =	sbr.rel @p0 .LBB2_30-.Ltmp14, $4  }
0x336: {  	s20 =	sadd.s32 s4, s11;
	s4 =	smov.u32 s19;
	[sflag:s12] =	ssyncadd.s32 $0xFFFFF000  }
0x337: {  	[hbm4b:s20+s1] =	stream.linear.scatter [tilespmem:s26], [sflag:$0x8], $0x1000, $0x38;
	[tilespmem:$0x1A780] =	vst v63  }
0x338: {  	_ =	swait.ge [sflag:s30], $0x1000  }
0x339: {  	s24 =	sadd.s32 $0x20, s24;
	[sflag:s30] =	ssyncset.done $0x0  }
0x33a: {  	s19 =	sadd.s32 $0xFFFFFFF0, s22;
	[sflag:s30] =	ssyncadd.s32 $0xFFFFF000  }
0x33b: {  	v17 =	vor.u32 s19, v3;
	[tilespmem:$0x1A590] =	vst v16  }
0x33c: {  	[tilespmem:$0x1A580] =	vst v17  }
0x33d: {  	[tilespmem:s26], [sflag:$0x1] =	stream.indirect.gather [spmem:s2], $0x80, s29, s28, $0xb8;
	[tilespmem:$0x1A780] =	vst v63  }
0x33e: {  	_ =	swait.ge [sflag:s12], $0x1000  }
0x33f: {  	[sflag:s12] =	ssyncset.done $0x0  }
0x340: {  	s4 =	sadd.s32 s4, s11;
	[sflag:s12] =	ssyncadd.s32 $0xFFFFF000  }
0x341: {  	[hbm4b:s4+s1] =	stream.linear.scatter [tilespmem:s26], [sflag:$0x8], $0x1000, $0x38;
	[tilespmem:$0x1A780] =	vst v63  }
0x342: {  	_ =	swait.ge [sflag:s30], $0x1000  }
0x343: {  	s15 =	sadd.s32 $0x0, s6;
	[sflag:s30] =	ssyncset.done $0x0  }
0x344: {  	v16 =	vor.u32 s15, v3;
	s21 =	sadd.s32 $0x20, s15;
	[sflag:s30] =	ssyncadd.s32 $0xFFFFF000  }
0x345: {  	s19 =	sadd.s32 $0x10, s15;
	v17 =	vor.u32 s21, v3;
	[tilespmem:$0x1A700] =	vst v16  }
0x346: {  	s23 =	sadd.s32 $0x40, s15;
	v16 =	vor.u32 s19, v3;
	[tilespmem:$0x1A720] =	vst v17  }
0x347: {  	s20 =	sadd.s32 $0x70, s15;
	v17 =	vor.u32 s23, v3;
	[tilespmem:$0x1A710] =	vst v16  }
0x348: {  	s1 =	sadd.s32 $0x30, s15;
	v16 =	vor.u32 s20, v3;
	[tilespmem:$0x1A740] =	vst v17  }
0x349: {  	s22 =	sadd.s32 $0x50, s15;
	v17 =	vor.u32 s1, v3;
	[tilespmem:$0x1A770] =	vst v16  }
0x34a: {  	s24 =	sadd.s32 $0x60, s15;
	v16 =	vor.u32 s22, v3;
	[tilespmem:$0x1A730] =	vst v17  }
0x34b: {  	s1 =	rddreg [dreg:$0xa];
	[tilespmem:$0x1A750] =	vst v16;
	v16 =	vor.u32 s24, v3  }
0x34c: {  	s4 =	simm.s32 $0x80;
	s23 =	smov.u32 s1;
	[tilespmem:$0x1A760] =	vst v16  }
0x34d: {  	[tilespmem:s8], [sflag:$0x1] =	stream.indirect.gather [spmem:s5], $0x1, s3, s31, $0xb8;
	[tilespmem:$0x1A780] =	vst v63  }
.LBB2_32:
0x34e: {  	p0 =	sne.s32 s4, $0x200;
	_ =	swait.ge [sflag:s12], $0x80;
	s23 =	sadd.s32 $0x10, s23  }
0x34f: {  	s19 =	smov.u32 s4;
	s4 =	sadd.s32 $0x80, s4;
	[sflag:s12] =	ssyncset.done $0x0  }
0x350: {  	[sflag:s12] =	ssyncadd.s32 $0xFFFFFF80  }
0x351: {  	[hbm4b:s1+s7] =	stream.linear.scatter [tilespmem:s8], [sflag:$0x8], $0x80, $0x38;
	[tilespmem:$0x1A780] =	vst v63  }
0x352: {  	s1 =	smov.u32 s23;
	_ =	swait.ge [sflag:s30], $0x80  }
0x353: {  	s19 =	sadd.s32 s19, s6;
	[sflag:s30] =	ssyncset.done $0x0  }
0x354: {  	v16 =	vor.u32 s19, v3;
	s20 =	sadd.s32 $0x10, s19;
	s21 =	sadd.s32 $0x20, s19;
	[sflag:s30] =	ssyncadd.s32 $0xFFFFFF80  }
0x355: {  	s22 =	sadd.s32 $0x70, s19;
	v17 =	vor.u32 s21, v3;
	s21 =	sadd.s32 $0x50, s19;
	[tilespmem:$0x1A700] =	vst v16;
	v16 =	vor.u32 s20, v3;
	s20 =	sadd.s32 $0x40, s19  }
0x356: {  	s24 =	sadd.s32 $0x30, s19;
	v19 =	vor.u32 s22, v3;
	v18 =	vor.u32 s21, v3;
	s19 =	sadd.s32 $0x60, s19;
	[tilespmem:$0x1A710] =	vst v16;
	v16 =	vor.u32 s20, v3  }
0x357: {  	v20 =	vor.u32 s24, v3;
	v21 =	vor.u32 s19, v3;
	[tilespmem:$0x1A770] =	vst v19  }
0x358: {  	[tilespmem:$0x1A720] =	vst v17  }
.Ltmp15:
0x359: {  	[tilespmem:$0x1A750] =	vst v18;
	(pc) =	sbr.rel @p0 .LBB2_32-.Ltmp15, $4  }
0x35a: {  	[tilespmem:$0x1A740] =	vst v16  }
0x35b: {  	[tilespmem:$0x1A760] =	vst v21  }
0x35c: {  	[tilespmem:$0x1A730] =	vst v20  }
0x35d: {  	[tilespmem:s8], [sflag:$0x1] =	stream.indirect.gather [spmem:s5], $0x1, s3, s31, $0xb8;
	[tilespmem:$0x1A780] =	vst v63  }
0x35e: {  	_ =	swait.ge [sflag:s12], $0x80  }
0x35f: {  	[sflag:s12] =	ssyncset.done $0x0  }
0x360: {  	s4 =	simm.s32 $0x0;
	[sflag:s12] =	ssyncadd.s32 $0xFFFFFF80  }
0x361: {  	v19 =	vor.u32 s4, v3;
	[hbm4b:s1+s7] =	stream.linear.scatter [tilespmem:s8], [sflag:$0x8], $0x80, $0x38;
	[tilespmem:$0x1A780] =	vst v63  }
0x362: {  	_ =	swait.ge [sflag:s30], $0x80  }
0x363: {  	v21 =	vor.u32 s4, v6;
	[sflag:s30] =	ssyncset.done $0x0  }
0x364: {  	v18 =	vor.u32 s4, v7;
	[sflag:s30] =	ssyncadd.s32 $0xFFFFFF80  }
0x365: {  	v17 =	vor.u32 s4, v8;
	[bflag:$0x0] =	sbarrier.arrive $0xFFFF  }
0x366: {  	[tilespmem:v19+s26+$0x0] =	vst.idx.msk $0xffff, v5;
	v19 =	vor.u32 s4, v9  }
0x367: {  	v20 =	vor.u32 s4, v10  }
0x368: {  	v16 =	vor.u32 s4, v12;
	s1 =	simm.s32 $0x1;
	[tilespmem:v21+s26+$0x0] =	vst.idx.msk $0xffff, v5;
	v21 =	vor.u32 s4, v11  }
.LBB2_34:
0x369: {  	s4 =	sshll.u32 s1, $0x7;
	p0 =	sne.s32 s1, $0x1F;
	s1 =	sadd.s32 $0x1, s1;
	[tilespmem:v18+s26+$0x0] =	vst.idx.msk $0xffff, v5  }
0x36a: {  	v22 =	vor.u32 s4, v3;
	v23 =	vor.u32 s4, v12;
	[tilespmem:v17+s26+$0x0] =	vst.idx.msk $0xffff, v5  }
0x36b: {  	v24 =	vor.u32 s4, v6;
	[tilespmem:v19+s26+$0x0] =	vst.idx.msk $0xffff, v5  }
.Ltmp16:
0x36c: {  	v18 =	vor.u32 s4, v7;
	[tilespmem:v20+s26+$0x0] =	vst.idx.msk $0xffff, v5;
	(pc) =	sbr.rel @p0 .LBB2_34-.Ltmp16, $4  }
0x36d: {  	v17 =	vor.u32 s4, v8;
	[tilespmem:v21+s26+$0x0] =	vst.idx.msk $0xffff, v5  }
0x36e: {  	v19 =	vor.u32 s4, v9;
	[tilespmem:v16+s26+$0x0] =	vst.idx.msk $0xffff, v5;
	v16 =	vmov v23  }
0x36f: {  	v20 =	vor.u32 s4, v10;
	[tilespmem:v22+s26+$0x0] =	vst.idx.msk $0xffff, v5  }
0x370: {  	v21 =	vor.u32 s4, v11;
	[tilespmem:v24+s26+$0x0] =	vst.idx.msk $0xffff, v5  }
0x371: {  	_ =	sdelay $0x3  }
0x372: {  	[tilespmem:v18+s26+$0x0] =	vst.idx.msk $0xffff, v5  }
0x373: {  	[tilespmem:v17+s26+$0x0] =	vst.idx.msk $0xffff, v5  }
0x374: {  	[tilespmem:v19+s26+$0x0] =	vst.idx.msk $0xffff, v5  }
0x375: {  	[tilespmem:v20+s26+$0x0] =	vst.idx.msk $0xffff, v5  }
0x376: {  	s1 =	sadd.s32 $0x0, s6;
	[tilespmem:v21+s26+$0x0] =	vst.idx.msk $0xffff, v5  }
0x377: {  	[tilespmem:v16+s26+$0x0] =	vst.idx.msk $0xffff, v5;
	v16 =	vor.u32 s1, v3;
	s1 =	sadd.s32 $0x10, s1  }
0x378: {  	[tilespmem:$0x1A580] =	vst v16;
	v16 =	vor.u32 s1, v3  }
0x379: {  	[tilespmem:$0x1A590] =	vst v16  }
0x37a: {  	[spmem:s2] =	stream.indirect.scatter [tilespmem:s26], [sflag:$0x8], $0x80, s29, s28, $0xb8;
	[tilespmem:$0x1A780] =	vst v63  }
0x37b: {  	s1 =	simm.s32 $0x20;
	_ =	swait.ge [sflag:s30], $0x1000  }
.LBB2_36:
0x37c: {  	s4 =	sadd.s32 s1, s6;
	[sflag:s30] =	ssyncset.done $0x0;
	p0 =	sne.s32 s1, $0x260  }
.Ltmp17:
0x37d: {  	v16 =	vor.u32 s4, v3;
	s4 =	sadd.s32 $0x10, s4;
	[sflag:s30] =	ssyncadd.s32 $0xFFFFF000;
	(pc) =	sbr.rel @p0 .LBB2_36-.Ltmp17, $4  }
0x37e: {  	s1 =	sadd.s32 $0x20, s1;
	[tilespmem:$0x1A580] =	vst v16;
	v16 =	vor.u32 s4, v3  }
0x37f: {  	[tilespmem:$0x1A590] =	vst v16  }
0x380: {  	[spmem:s2] =	stream.indirect.scatter [tilespmem:s26], [sflag:$0x8], $0x80, s29, s28, $0xb8;
	[tilespmem:$0x1A780] =	vst v63  }
0x381: {  	_ =	swait.ge [sflag:s30], $0x1000  }
0x382: {  	[sflag:s30] =	ssyncset.done $0x0;
	s1 =	sadd.s32 $0x0, s6  }
0x383: {  	[sflag:s30] =	ssyncadd.s32 $0xFFFFF000;
	v16 =	vor.u32 s1, v3;
	s4 =	sadd.s32 $0x70, s1  }
0x384: {  	s19 =	sadd.s32 $0x60, s1;
	[tilespmem:$0x1A700] =	vst v16;
	v16 =	vor.u32 s4, v3  }
0x385: {  	s23 =	sadd.s32 $0x30, s1;
	v17 =	vor.u32 s19, v3;
	[tilespmem:$0x1A770] =	vst v16  }
0x386: {  	s21 =	sadd.s32 $0x50, s1;
	v18 =	vor.u32 s23, v3;
	[tilespmem:$0x1A760] =	vst v17  }
0x387: {  	s22 =	sadd.s32 $0x40, s1;
	v16 =	vor.u32 s21, v3;
	[tilespmem:$0x1A730] =	vst v18  }
0x388: {  	s24 =	sadd.s32 $0x20, s1;
	v17 =	vor.u32 s22, v3;
	[tilespmem:$0x1A750] =	vst v16  }
0x389: {  	s4 =	sadd.s32 $0x10, s1;
	s1 =	simm.s32 $0x80;
	[tilespmem:$0x1A740] =	vst v17;
	v16 =	vor.u32 s24, v3  }
.LBB2_38:
0x38a: {  	p0 =	sne.s32 s1, $0x200;
	v17 =	vor.u32 s4, v3;
	[tilespmem:$0x1A720] =	vst v16  }
0x38b: {  	[tilespmem:$0x1A710] =	vst v17;
	[spmem:s5] =	stream.indirect.scatter [tilespmem:s0], [sflag:$0x8], $0x1, s3, s31, $0xb8  }
0x38c: {  	_ =	swait.ge [sflag:s30], $0x80  }
0x38d: {  	s4 =	sadd.s32 s1, s6;
	[sflag:s30] =	ssyncset.done $0x0  }
0x38e: {  	v16 =	vor.u32 s4, v3;
	s19 =	sadd.s32 $0x70, s4;
	[sflag:s30] =	ssyncadd.s32 $0xFFFFFF80  }
0x38f: {  	s20 =	sadd.s32 $0x60, s4;
	[tilespmem:$0x1A700] =	vst v16;
	v16 =	vor.u32 s19, v3  }
.Ltmp18:
0x390: {  	v17 =	vor.u32 s20, v3;
	s19 =	sadd.s32 $0x50, s4;
	[tilespmem:$0x1A770] =	vst v16;
	(pc) =	sbr.rel @p0 .LBB2_38-.Ltmp18, $4  }
0x391: {  	s20 =	sadd.s32 $0x40, s4;
	v16 =	vor.u32 s19, v3;
	[tilespmem:$0x1A760] =	vst v17  }
0x392: {  	s19 =	sadd.s32 $0x30, s4;
	v17 =	vor.u32 s20, v3;
	[tilespmem:$0x1A750] =	vst v16  }
0x393: {  	s20 =	sadd.s32 $0x20, s4;
	v18 =	vor.u32 s19, v3;
	[tilespmem:$0x1A740] =	vst v17  }
0x394: {  	s1 =	sadd.s32 $0x80, s1;
	s4 =	sadd.s32 $0x10, s4;
	v16 =	vor.u32 s20, v3;
	[tilespmem:$0x1A730] =	vst v18  }
0x395: {  	v17 =	vor.u32 s4, v3;
	[tilespmem:$0x1A720] =	vst v16  }
0x396: {  	[tilespmem:$0x1A710] =	vst v17  }
0x397: {  	[spmem:s5] =	stream.indirect.scatter [tilespmem:s0], [sflag:$0x8], $0x1, s3, s31, $0xb8;
	[tilespmem:$0x1A780] =	vst v63  }
0x398: {  	_ =	swait.ge [sflag:s30], $0x80  }
0x399: {  	[sflag:s30] =	ssyncset.done $0x0  }
0x39a: {  	s15 =	simm.s32 $0x0;
	s4 =	simm.s32 $0x0;
	[sflag:s30] =	ssyncadd.s32 $0xFFFFFF80  }
0x39b: {  	s13 =	simm.s32 $0x50;
	s14 =	simm.s32 $0x14400;
	[bflag:$0x0] =	sbarrier.arrive $0xFFFF  }
.LBB2_40:
0x39c: {  	s19 =	smul.u32 $0xA0, s4  }
0x39d: {  	s20 =	rddreg [dreg:$0x5]  }
0x39e: {  	s20 =	sadd.s32 s20, s19  }
0x39f: {  	s23 =	rddreg [dreg:$0x0];
	s21 =	sshrl.u32 s20, $0x3  }
0x3a0: {  	s11 =	simm.s32 $0x14280;
	s22 =	sadd.s32 s23, s21  }
0x3a1: {  	[tilespmem:s11], [sflag:$0x8] =	stream.linear.gather [hbm4b:s22+s15], $0x50, $0x38;
	[tilespmem:$0x1A780] =	vst v63  }
0x3a2: {  	_ =	swait.ge [sflag:s30], $0x50  }
0x3a3: {  	[sflag:s30] =	ssyncset.done $0x0;
	s24 =	rddreg [dreg:$0xd]  }
0x3a4: {  	[sflag:s30] =	ssyncadd.s32 $0xFFFFFFB0;
	s21 =	sadd.s32 s24, s21  }
0x3a5: {  	[tilespmem:s17], [sflag:$0x8] =	stream.linear.gather [hbm4b:s21+s15], $0x50, $0x38;
	[tilespmem:$0x1A780] =	vst v63  }
0x3a6: {  	_ =	swait.ge [sflag:s30], $0x50  }
0x3a7: {  	s22 =	rddreg [dreg:$0x8]  }
0x3a8: {  	s20 =	sadd.s32 s22, s20  }
0x3a9: {  	[sflag:s30] =	ssyncset.done $0x0;
	s17 =	rddreg [dreg:$0xe];
	s20 =	sshrl.u32 s20, $0x3  }
0x3aa: {  	[sflag:s30] =	ssyncadd.s32 $0xFFFFFFB0;
	s20 =	sadd.s32 s17, s20  }
0x3ab: {  	[tilespmem:s16], [sflag:$0x8] =	stream.linear.gather [hbm4b:s20+s15], $0x50, $0x38;
	[tilespmem:$0x1A780] =	vst v63  }
0x3ac: {  	_ =	swait.ge [sflag:s30], $0x50  }
0x3ad: {  	[sflag:s30] =	ssyncset.done $0x0  }
0x3ae: {  	[sflag:s30] =	ssyncadd.s32 $0xFFFFFFB0  }
0x3af: {  	v16 =	vld [tilespmem:$0x14280]  }
0x3b0: {  	v17 =	vld [tilespmem:$0x14290]  }
0x3b1: {  	v18 =	vld [tilespmem:$0x142A0]  }
0x3b2: {  	v19 =	vld [tilespmem:$0x142B0]  }
0x3b3: {  	v20 =	vld [tilespmem:$0x142C0]  }
0x3b4: {  	v16 =	vadd.s32 v2, v16  }
0x3b5: {  	[tilespmem:$0x14280] =	vst v16;
	v16 =	vadd.s32 v2, v17  }
0x3b6: {  	[tilespmem:$0x14290] =	vst v16;
	v16 =	vadd.s32 v2, v18  }
0x3b7: {  	s21 =	rddreg [dreg:$0x12];
	[tilespmem:$0x142A0] =	vst v16;
	v16 =	vadd.s32 v2, v19  }
0x3b8: {  	s19 =	sadd.s32 s19, s21;
	[tilespmem:$0x142B0] =	vst v16;
	v16 =	vadd.s32 v2, v20  }
0x3b9: {  	s1 =	rddreg [dreg:$0xf];
	s20 =	sshrl.u32 s19, $0x3;
	[tilespmem:$0x142C0] =	vst v16  }
0x3ba: {  	[tilespmem:s18], [sflag:$0x2] =	stream.indirect.gather [hbm4b:s1+s13], $0x80, s11, s13, $0xb8;
	[tilespmem:$0x1A780] =	vst v63  }
0x3bb: {  	s11 =	sadd.s32 s23, s20;
	s23 =	simm.s32 $0x14300  }
0x3bc: {  	[tilespmem:s23], [sflag:$0x8] =	stream.linear.gather [hbm4b:s11+s15], $0x50, $0x38;
	[tilespmem:$0x1A780] =	vst v63  }
0x3bd: {  	_ =	swait.ge [sflag:s30], $0x50  }
0x3be: {  	[sflag:s30] =	ssyncset.done $0x0  }
0x3bf: {  	s20 =	sadd.s32 s24, s20;
	[sflag:s30] =	ssyncadd.s32 $0xFFFFFFB0  }
0x3c0: {  	[tilespmem:s14], [sflag:$0x8] =	stream.linear.gather [hbm4b:s20+s15], $0x50, $0x38;
	[tilespmem:$0x1A780] =	vst v63  }
0x3c1: {  	s19 =	sadd.s32 s22, s19;
	_ =	swait.ge [sflag:s30], $0x50  }
0x3c2: {  	s19 =	sshrl.u32 s19, $0x3;
	[sflag:s30] =	ssyncset.done $0x0  }
0x3c3: {  	s19 =	sadd.s32 s17, s19;
	[sflag:s30] =	ssyncadd.s32 $0xFFFFFFB0  }
0x3c4: {  	[tilespmem:s9], [sflag:$0x8] =	stream.linear.gather [hbm4b:s19+s15], $0x50, $0x38;
	[tilespmem:$0x1A780] =	vst v63  }
0x3c5: {  	_ =	swait.ge [sflag:s30], $0x50  }
0x3c6: {  	[sflag:s30] =	ssyncset.done $0x0  }
0x3c7: {  	[sflag:s30] =	ssyncadd.s32 $0xFFFFFFB0  }
0x3c8: {  	v16 =	vld [tilespmem:$0x14300]  }
0x3c9: {  	v17 =	vld [tilespmem:$0x14310]  }
0x3ca: {  	v18 =	vld [tilespmem:$0x14320]  }
0x3cb: {  	v19 =	vld [tilespmem:$0x14330]  }
0x3cc: {  	v20 =	vld [tilespmem:$0x14340]  }
0x3cd: {  	v16 =	vadd.s32 v2, v16  }
0x3ce: {  	[tilespmem:$0x14300] =	vst v16;
	v16 =	vadd.s32 v2, v17  }
0x3cf: {  	[tilespmem:$0x14310] =	vst v16;
	v16 =	vadd.s32 v2, v18  }
0x3d0: {  	[tilespmem:$0x14320] =	vst v16;
	v16 =	vadd.s32 v2, v19  }
0x3d1: {  	[tilespmem:$0x14330] =	vst v16;
	v16 =	vadd.s32 v2, v20  }
0x3d2: {  	v17 =	vmov s15;
	[tilespmem:$0x14340] =	vst v16  }
0x3d3: {  	v16 =	vshll.u32 v17, $0x7;
	[tilespmem:s10], [sflag:$0x3] =	stream.indirect.gather [hbm4b:s1+s13], $0x80, s23, s13, $0xb8;
	[tilespmem:$0x1A780] =	vst v63  }
0x3d4: {  	v18 =	vor.u32 v3, v16;
	s23 =	simm.s32 $0x2  }
0x3d5: {  	_ =	swait.ge [sflag:s23], $0x2800  }
0x3d6: {  	[sflag:s23] =	ssyncset.done $0x0  }
0x3d7: {  	[sflag:s23] =	ssyncadd.s32 $0xFFFFD800  }
0x3d8: {  	v20 =	vld.idx.msk [tilespmem:v17+s16+$0x0], $0xffff  }
0x3d9: {  	v17 =	vld.idx.msk [tilespmem:v18+s18+$0x0], $0xffff;
	_ =	sdelay $0x2  }
0x3da: {  	v19 =	vor.u32 v6, v16;
	_ =	sdelay $0x1  }
0x3db: {  	v17 =	vmul.f32 v17, v20;
	_ =	sdelay $0x1  }
0x3dc: {  	[tilespmem:v18+s18+$0x0] =	vst.idx.msk $0xffff, v17  }
0x3dd: {  	v17 =	vld.idx.msk [tilespmem:v19+s18+$0x0], $0xffff;
	_ =	sdelay $0x2  }
0x3de: {  	v18 =	vor.u32 v7, v16;
	_ =	sdelay $0x1  }
0x3df: {  	v17 =	vmul.f32 v17, v20;
	_ =	sdelay $0x1  }
0x3e0: {  	[tilespmem:v19+s18+$0x0] =	vst.idx.msk $0xffff, v17  }
0x3e1: {  	v17 =	vld.idx.msk [tilespmem:v18+s18+$0x0], $0xffff;
	_ =	sdelay $0x2  }
0x3e2: {  	v19 =	vor.u32 v8, v16;
	_ =	sdelay $0x1  }
0x3e3: {  	v17 =	vmul.f32 v17, v20;
	_ =	sdelay $0x1  }
0x3e4: {  	[tilespmem:v18+s18+$0x0] =	vst.idx.msk $0xffff, v17  }
0x3e5: {  	v17 =	vld.idx.msk [tilespmem:v19+s18+$0x0], $0xffff;
	_ =	sdelay $0x2  }
0x3e6: {  	v18 =	vor.u32 v9, v16;
	_ =	sdelay $0x1  }
0x3e7: {  	v17 =	vmul.f32 v17, v20;
	_ =	sdelay $0x1  }
0x3e8: {  	[tilespmem:v19+s18+$0x0] =	vst.idx.msk $0xffff, v17  }
0x3e9: {  	v17 =	vld.idx.msk [tilespmem:v18+s18+$0x0], $0xffff;
	_ =	sdelay $0x2  }
0x3ea: {  	v19 =	vor.u32 v10, v16;
	_ =	sdelay $0x1  }
0x3eb: {  	v17 =	vmul.f32 v17, v20;
	_ =	sdelay $0x1  }
0x3ec: {  	[tilespmem:v18+s18+$0x0] =	vst.idx.msk $0xffff, v17  }
0x3ed: {  	v17 =	vld.idx.msk [tilespmem:v19+s18+$0x0], $0xffff;
	_ =	sdelay $0x2  }
0x3ee: {  	v18 =	vor.u32 v11, v16;
	_ =	sdelay $0x1  }
0x3ef: {  	v17 =	vmul.f32 v17, v20;
	_ =	sdelay $0x1  }
0x3f0: {  	[tilespmem:v19+s18+$0x0] =	vst.idx.msk $0xffff, v17  }
0x3f1: {  	v19 =	vld.idx.msk [tilespmem:v18+s18+$0x0], $0xffff;
	_ =	sdelay $0x2  }
0x3f2: {  	v17 =	vor.u32 v12, v16;
	_ =	sdelay $0x1  }
0x3f3: {  	v16 =	vmul.f32 v19, v20;
	_ =	sdelay $0x1  }
0x3f4: {  	[tilespmem:v18+s18+$0x0] =	vst.idx.msk $0xffff, v16  }
0x3f5: {  	v21 =	vld.idx.msk [tilespmem:v17+s18+$0x0], $0xffff  }
0x3f6: {  	s24 =	simm.s32 $0x1  }
0x3f7: {  	v19 =	vmov s24  }
0x3f8: {  	v16 =	vshll.u32 v19, $0x7  }
0x3f9: {  	v18 =	vor.u32 v3, v16  }
0x3fa: {  	s11 =	simm.s32 $0x14400;
	s1 =	simm.s32 $0x50;
	s24 =	simm.s32 $0x2;
	v20 =	vmul.f32 v21, v20  }
.LBB2_41:
0x3fb: {  	_ = 	snop  }
0x3fc: {  	p0 =	sne.s32 s24, $0x4F;
	s23 =	smov.u32 s24;
	s24 =	sadd.s32 $0x1, s24;
	[tilespmem:v17+s18+$0x0] =	vst.idx.msk $0xffff, v20  }
0x3fd: {  	v20 =	vld.idx.msk [tilespmem:v19+s16+$0x0], $0xffff  }
0x3fe: {  	v17 =	vld.idx.msk [tilespmem:v18+s18+$0x0], $0xffff;
	_ =	sdelay $0x3  }
0x3ff: {  	v19 =	vor.u32 v6, v16;
	_ =	sdelay $0x1  }
0x400: {  	v17 =	vmul.f32 v17, v20;
	_ =	sdelay $0x1  }
0x401: {  	[tilespmem:v18+s18+$0x0] =	vst.idx.msk $0xffff, v17  }
0x402: {  	v17 =	vld.idx.msk [tilespmem:v19+s18+$0x0], $0xffff;
	_ =	sdelay $0x3  }
0x403: {  	v18 =	vor.u32 v7, v16;
	_ =	sdelay $0x1  }
0x404: {  	v17 =	vmul.f32 v17, v20;
	_ =	sdelay $0x1  }
0x405: {  	[tilespmem:v19+s18+$0x0] =	vst.idx.msk $0xffff, v17  }
0x406: {  	v17 =	vld.idx.msk [tilespmem:v18+s18+$0x0], $0xffff;
	_ =	sdelay $0x3  }
0x407: {  	v19 =	vor.u32 v8, v16;
	_ =	sdelay $0x1  }
0x408: {  	v17 =	vmul.f32 v17, v20;
	_ =	sdelay $0x1  }
0x409: {  	[tilespmem:v18+s18+$0x0] =	vst.idx.msk $0xffff, v17  }
0x40a: {  	v17 =	vld.idx.msk [tilespmem:v19+s18+$0x0], $0xffff;
	_ =	sdelay $0x3  }
0x40b: {  	v18 =	vor.u32 v9, v16;
	_ =	sdelay $0x1  }
0x40c: {  	v17 =	vmul.f32 v17, v20;
	_ =	sdelay $0x1  }
0x40d: {  	[tilespmem:v19+s18+$0x0] =	vst.idx.msk $0xffff, v17  }
0x40e: {  	v17 =	vld.idx.msk [tilespmem:v18+s18+$0x0], $0xffff;
	_ =	sdelay $0x3  }
0x40f: {  	v19 =	vor.u32 v10, v16;
	_ =	sdelay $0x1  }
0x410: {  	v17 =	vmul.f32 v17, v20;
	_ =	sdelay $0x1  }
0x411: {  	[tilespmem:v18+s18+$0x0] =	vst.idx.msk $0xffff, v17  }
0x412: {  	v17 =	vld.idx.msk [tilespmem:v19+s18+$0x0], $0xffff;
	_ =	sdelay $0x3  }
0x413: {  	v18 =	vor.u32 v11, v16;
	_ =	sdelay $0x1  }
0x414: {  	v17 =	vmul.f32 v17, v20;
	_ =	sdelay $0x1  }
0x415: {  	[tilespmem:v19+s18+$0x0] =	vst.idx.msk $0xffff, v17  }
0x416: {  	v19 =	vld.idx.msk [tilespmem:v18+s18+$0x0], $0xffff;
	_ =	sdelay $0x3  }
0x417: {  	v17 =	vor.u32 v12, v16;
	_ =	sdelay $0x1  }
0x418: {  	v16 =	vmul.f32 v19, v20;
	_ =	sdelay $0x1  }
0x419: {  	[tilespmem:v18+s18+$0x0] =	vst.idx.msk $0xffff, v16  }
0x41a: {  	v21 =	vld.idx.msk [tilespmem:v17+s18+$0x0], $0xffff;
	_ =	sdelay $0x1  }
.Ltmp19:
0x41b: {  	(pc) =	sbr.rel @p0 .LBB2_41-.Ltmp19, $4  }
0x41c: {  	v19 =	vmov s23  }
0x41d: {  	v16 =	vshll.u32 v19, $0x7  }
0x41e: {  	v18 =	vor.u32 v3, v16  }
0x41f: {  	v20 =	vmul.f32 v21, v20  }
0x420: {  	_ =	sdelay $0x3  }
0x421: {  	[tilespmem:v17+s18+$0x0] =	vst.idx.msk $0xffff, v20  }
0x422: {  	v17 =	vld.idx.msk [tilespmem:v19+s16+$0x0], $0xffff  }
0x423: {  	v19 =	vld.idx.msk [tilespmem:v18+s18+$0x0], $0xffff;
	_ =	sdelay $0x2  }
0x424: {  	v20 =	vor.u32 v6, v16;
	_ =	sdelay $0x1  }
0x425: {  	v19 =	vmul.f32 v19, v17;
	_ =	sdelay $0x1  }
0x426: {  	[tilespmem:v18+s18+$0x0] =	vst.idx.msk $0xffff, v19  }
0x427: {  	v18 =	vld.idx.msk [tilespmem:v20+s18+$0x0], $0xffff;
	_ =	sdelay $0x2  }
0x428: {  	v19 =	vor.u32 v7, v16;
	_ =	sdelay $0x1  }
0x429: {  	v18 =	vmul.f32 v18, v17;
	_ =	sdelay $0x1  }
0x42a: {  	[tilespmem:v20+s18+$0x0] =	vst.idx.msk $0xffff, v18  }
0x42b: {  	v18 =	vld.idx.msk [tilespmem:v19+s18+$0x0], $0xffff;
	_ =	sdelay $0x2  }
0x42c: {  	v20 =	vor.u32 v8, v16;
	_ =	sdelay $0x1  }
0x42d: {  	v18 =	vmul.f32 v18, v17;
	_ =	sdelay $0x1  }
0x42e: {  	[tilespmem:v19+s18+$0x0] =	vst.idx.msk $0xffff, v18  }
0x42f: {  	v18 =	vld.idx.msk [tilespmem:v20+s18+$0x0], $0xffff;
	_ =	sdelay $0x2  }
0x430: {  	v19 =	vor.u32 v9, v16;
	_ =	sdelay $0x1  }
0x431: {  	v18 =	vmul.f32 v18, v17;
	_ =	sdelay $0x1  }
0x432: {  	[tilespmem:v20+s18+$0x0] =	vst.idx.msk $0xffff, v18  }
0x433: {  	v18 =	vld.idx.msk [tilespmem:v19+s18+$0x0], $0xffff;
	_ =	sdelay $0x2  }
0x434: {  	v20 =	vor.u32 v10, v16;
	_ =	sdelay $0x1  }
0x435: {  	v18 =	vmul.f32 v18, v17;
	_ =	sdelay $0x1  }
0x436: {  	[tilespmem:v19+s18+$0x0] =	vst.idx.msk $0xffff, v18  }
0x437: {  	v18 =	vld.idx.msk [tilespmem:v20+s18+$0x0], $0xffff;
	_ =	sdelay $0x2  }
0x438: {  	v19 =	vor.u32 v11, v16;
	_ =	sdelay $0x1  }
0x439: {  	v18 =	vmul.f32 v18, v17;
	_ =	sdelay $0x1  }
0x43a: {  	[tilespmem:v20+s18+$0x0] =	vst.idx.msk $0xffff, v18  }
0x43b: {  	v18 =	vld.idx.msk [tilespmem:v19+s18+$0x0], $0xffff;
	_ =	sdelay $0x2  }
0x43c: {  	v16 =	vor.u32 v12, v16;
	_ =	sdelay $0x1  }
0x43d: {  	v18 =	vmul.f32 v18, v17;
	_ =	sdelay $0x1  }
0x43e: {  	[tilespmem:v19+s18+$0x0] =	vst.idx.msk $0xffff, v18  }
0x43f: {  	v18 =	vld.idx.msk [tilespmem:v16+s18+$0x0], $0xffff;
	_ =	sdelay $0x4  }
0x440: {  	v17 =	vmul.f32 v18, v17;
	_ =	sdelay $0x1  }
0x441: {  	s19 =	simm.s32 $0x0;
	s17 =	simm.s32 $0x14380;
	[tilespmem:v16+s18+$0x0] =	vst.idx.msk $0xffff, v17  }
0x442: {  	v16 =	vmov s19;
	[spmem:s2] =	stream.indirect.scatter.add.f32 [tilespmem:s18], [sflag:$0x4], $0x80, s17, s1, $0xb8;
	[tilespmem:$0x1A780] =	vst v63  }
0x443: {  	s13 =	simm.s32 $0x3;
	v17 =	vshll.u32 v16, $0x7  }
0x444: {  	v18 =	vor.u32 v3, v17;
	[spmem:s5] =	stream.indirect.scatter.add.f32 [tilespmem:s16], [sflag:$0x5], $0x1, s17, s1, $0xb8;
	[tilespmem:$0x1A780] =	vst v63  }
0x445: {  	_ =	swait.ge [sflag:s13], $0x2800  }
0x446: {  	[sflag:s13] =	ssyncset.done $0x0  }
0x447: {  	[sflag:s13] =	ssyncadd.s32 $0xFFFFD800  }
0x448: {  	v20 =	vld.idx.msk [tilespmem:v16+s9+$0x0], $0xffff  }
0x449: {  	v16 =	vld.idx.msk [tilespmem:v18+s10+$0x0], $0xffff;
	_ =	sdelay $0x2  }
0x44a: {  	v19 =	vor.u32 v6, v17;
	_ =	sdelay $0x1  }
0x44b: {  	v16 =	vmul.f32 v16, v20;
	_ =	sdelay $0x1  }
0x44c: {  	[tilespmem:v18+s10+$0x0] =	vst.idx.msk $0xffff, v16  }
0x44d: {  	v16 =	vld.idx.msk [tilespmem:v19+s10+$0x0], $0xffff;
	_ =	sdelay $0x2  }
0x44e: {  	v18 =	vor.u32 v7, v17;
	_ =	sdelay $0x1  }
0x44f: {  	v16 =	vmul.f32 v16, v20;
	_ =	sdelay $0x1  }
0x450: {  	[tilespmem:v19+s10+$0x0] =	vst.idx.msk $0xffff, v16  }
0x451: {  	v16 =	vld.idx.msk [tilespmem:v18+s10+$0x0], $0xffff;
	_ =	sdelay $0x2  }
0x452: {  	v19 =	vor.u32 v8, v17;
	_ =	sdelay $0x1  }
0x453: {  	v16 =	vmul.f32 v16, v20;
	_ =	sdelay $0x1  }
0x454: {  	[tilespmem:v18+s10+$0x0] =	vst.idx.msk $0xffff, v16  }
0x455: {  	v16 =	vld.idx.msk [tilespmem:v19+s10+$0x0], $0xffff;
	_ =	sdelay $0x2  }
0x456: {  	v18 =	vor.u32 v9, v17;
	_ =	sdelay $0x1  }
0x457: {  	v16 =	vmul.f32 v16, v20;
	_ =	sdelay $0x1  }
0x458: {  	[tilespmem:v19+s10+$0x0] =	vst.idx.msk $0xffff, v16  }
0x459: {  	v16 =	vld.idx.msk [tilespmem:v18+s10+$0x0], $0xffff;
	_ =	sdelay $0x2  }
0x45a: {  	v19 =	vor.u32 v10, v17;
	_ =	sdelay $0x1  }
0x45b: {  	v16 =	vmul.f32 v16, v20;
	_ =	sdelay $0x1  }
0x45c: {  	[tilespmem:v18+s10+$0x0] =	vst.idx.msk $0xffff, v16  }
0x45d: {  	v16 =	vld.idx.msk [tilespmem:v19+s10+$0x0], $0xffff;
	_ =	sdelay $0x2  }
0x45e: {  	v18 =	vor.u32 v11, v17;
	_ =	sdelay $0x1  }
0x45f: {  	v16 =	vmul.f32 v16, v20;
	_ =	sdelay $0x1  }
0x460: {  	[tilespmem:v19+s10+$0x0] =	vst.idx.msk $0xffff, v16  }
0x461: {  	v16 =	vld.idx.msk [tilespmem:v18+s10+$0x0], $0xffff;
	_ =	sdelay $0x2  }
0x462: {  	v17 =	vor.u32 v12, v17;
	_ =	sdelay $0x1  }
0x463: {  	v16 =	vmul.f32 v16, v20;
	_ =	sdelay $0x1  }
0x464: {  	[tilespmem:v18+s10+$0x0] =	vst.idx.msk $0xffff, v16  }
0x465: {  	v21 =	vld.idx.msk [tilespmem:v17+s10+$0x0], $0xffff  }
0x466: {  	s24 =	simm.s32 $0x1  }
0x467: {  	v19 =	vmov s24  }
0x468: {  	v16 =	vshll.u32 v19, $0x7  }
0x469: {  	v18 =	vor.u32 v3, v16  }
0x46a: {  	s24 =	simm.s32 $0x2;
	v20 =	vmul.f32 v21, v20  }
.LBB2_43:
0x46b: {  	_ = 	snop  }
0x46c: {  	p0 =	sne.s32 s24, $0x4F;
	s23 =	smov.u32 s24;
	s24 =	sadd.s32 $0x1, s24;
	[tilespmem:v17+s10+$0x0] =	vst.idx.msk $0xffff, v20  }
0x46d: {  	v20 =	vld.idx.msk [tilespmem:v19+s9+$0x0], $0xffff  }
0x46e: {  	v17 =	vld.idx.msk [tilespmem:v18+s10+$0x0], $0xffff;
	_ =	sdelay $0x3  }
0x46f: {  	v19 =	vor.u32 v6, v16;
	_ =	sdelay $0x1  }
0x470: {  	v17 =	vmul.f32 v17, v20;
	_ =	sdelay $0x1  }
0x471: {  	[tilespmem:v18+s10+$0x0] =	vst.idx.msk $0xffff, v17  }
0x472: {  	v17 =	vld.idx.msk [tilespmem:v19+s10+$0x0], $0xffff;
	_ =	sdelay $0x3  }
0x473: {  	v18 =	vor.u32 v7, v16;
	_ =	sdelay $0x1  }
0x474: {  	v17 =	vmul.f32 v17, v20;
	_ =	sdelay $0x1  }
0x475: {  	[tilespmem:v19+s10+$0x0] =	vst.idx.msk $0xffff, v17  }
0x476: {  	v17 =	vld.idx.msk [tilespmem:v18+s10+$0x0], $0xffff;
	_ =	sdelay $0x3  }
0x477: {  	v19 =	vor.u32 v8, v16;
	_ =	sdelay $0x1  }
0x478: {  	v17 =	vmul.f32 v17, v20;
	_ =	sdelay $0x1  }
0x479: {  	[tilespmem:v18+s10+$0x0] =	vst.idx.msk $0xffff, v17  }
0x47a: {  	v17 =	vld.idx.msk [tilespmem:v19+s10+$0x0], $0xffff;
	_ =	sdelay $0x3  }
0x47b: {  	v18 =	vor.u32 v9, v16;
	_ =	sdelay $0x1  }
0x47c: {  	v17 =	vmul.f32 v17, v20;
	_ =	sdelay $0x1  }
0x47d: {  	[tilespmem:v19+s10+$0x0] =	vst.idx.msk $0xffff, v17  }
0x47e: {  	v17 =	vld.idx.msk [tilespmem:v18+s10+$0x0], $0xffff;
	_ =	sdelay $0x3  }
0x47f: {  	v19 =	vor.u32 v10, v16;
	_ =	sdelay $0x1  }
0x480: {  	v17 =	vmul.f32 v17, v20;
	_ =	sdelay $0x1  }
0x481: {  	[tilespmem:v18+s10+$0x0] =	vst.idx.msk $0xffff, v17  }
0x482: {  	v17 =	vld.idx.msk [tilespmem:v19+s10+$0x0], $0xffff;
	_ =	sdelay $0x3  }
0x483: {  	v18 =	vor.u32 v11, v16;
	_ =	sdelay $0x1  }
0x484: {  	v17 =	vmul.f32 v17, v20;
	_ =	sdelay $0x1  }
0x485: {  	[tilespmem:v19+s10+$0x0] =	vst.idx.msk $0xffff, v17  }
0x486: {  	v19 =	vld.idx.msk [tilespmem:v18+s10+$0x0], $0xffff;
	_ =	sdelay $0x3  }
0x487: {  	v17 =	vor.u32 v12, v16;
	_ =	sdelay $0x1  }
0x488: {  	v16 =	vmul.f32 v19, v20;
	_ =	sdelay $0x1  }
0x489: {  	[tilespmem:v18+s10+$0x0] =	vst.idx.msk $0xffff, v16  }
0x48a: {  	v21 =	vld.idx.msk [tilespmem:v17+s10+$0x0], $0xffff;
	_ =	sdelay $0x1  }
.Ltmp20:
0x48b: {  	(pc) =	sbr.rel @p0 .LBB2_43-.Ltmp20, $4  }
0x48c: {  	v19 =	vmov s23  }
0x48d: {  	v16 =	vshll.u32 v19, $0x7  }
0x48e: {  	v18 =	vor.u32 v3, v16  }
0x48f: {  	v20 =	vmul.f32 v21, v20  }
0x490: {  	_ =	sdelay $0x3  }
0x491: {  	[tilespmem:v17+s10+$0x0] =	vst.idx.msk $0xffff, v20  }
0x492: {  	v17 =	vld.idx.msk [tilespmem:v19+s9+$0x0], $0xffff  }
0x493: {  	v57 =	vld.idx.msk [tilespmem:v18+s10+$0x0], $0xffff;
	_ =	sdelay $0x2  }
0x494: {  	v58 =	vor.u32 v6, v16;
	_ =	sdelay $0x1  }
0x495: {  	v19 =	vmul.f32 v57, v17;
	_ =	sdelay $0x1  }
0x496: {  	[tilespmem:v18+s10+$0x0] =	vst.idx.msk $0xffff, v19  }
0x497: {  	v18 =	vld.idx.msk [tilespmem:v58+s10+$0x0], $0xffff;
	_ =	sdelay $0x2  }
0x498: {  	v59 =	vor.u32 v7, v16;
	_ =	sdelay $0x1  }
0x499: {  	v18 =	vmul.f32 v18, v17;
	_ =	sdelay $0x1  }
0x49a: {  	[tilespmem:v58+s10+$0x0] =	vst.idx.msk $0xffff, v18  }
0x49b: {  	v18 =	vld.idx.msk [tilespmem:v59+s10+$0x0], $0xffff;
	_ =	sdelay $0x2  }
0x49c: {  	v60 =	vor.u32 v8, v16;
	_ =	sdelay $0x1  }
0x49d: {  	v18 =	vmul.f32 v18, v17;
	_ =	sdelay $0x1  }
0x49e: {  	[tilespmem:v59+s10+$0x0] =	vst.idx.msk $0xffff, v18  }
0x49f: {  	v18 =	vld.idx.msk [tilespmem:v60+s10+$0x0], $0xffff;
	_ =	sdelay $0x2  }
0x4a0: {  	v61 =	vor.u32 v9, v16;
	_ =	sdelay $0x1  }
0x4a1: {  	v18 =	vmul.f32 v18, v17;
	_ =	sdelay $0x1  }
0x4a2: {  	[tilespmem:v60+s10+$0x0] =	vst.idx.msk $0xffff, v18  }
0x4a3: {  	v18 =	vld.idx.msk [tilespmem:v61+s10+$0x0], $0xffff;
	_ =	sdelay $0x2  }
0x4a4: {  	v62 =	vor.u32 v10, v16;
	_ =	sdelay $0x1  }
0x4a5: {  	v18 =	vmul.f32 v18, v17;
	_ =	sdelay $0x1  }
0x4a6: {  	[tilespmem:v61+s10+$0x0] =	vst.idx.msk $0xffff, v18  }
0x4a7: {  	v18 =	vld.idx.msk [tilespmem:v62+s10+$0x0], $0xffff;
	_ =	sdelay $0x2  }
0x4a8: {  	v63 =	vor.u32 v11, v16;
	_ =	sdelay $0x1  }
0x4a9: {  	v18 =	vmul.f32 v18, v17;
	_ =	sdelay $0x1  }
0x4aa: {  	[tilespmem:v62+s10+$0x0] =	vst.idx.msk $0xffff, v18  }
0x4ab: {  	v18 =	vld.idx.msk [tilespmem:v63+s10+$0x0], $0xffff;
	_ =	sdelay $0x2  }
0x4ac: {  	v16 =	vor.u32 v12, v16;
	_ =	sdelay $0x1  }
0x4ad: {  	v18 =	vmul.f32 v18, v17;
	_ =	sdelay $0x1  }
0x4ae: {  	[tilespmem:v63+s10+$0x0] =	vst.idx.msk $0xffff, v18  }
0x4af: {  	v18 =	vld.idx.msk [tilespmem:v16+s10+$0x0], $0xffff;
	_ =	sdelay $0x4  }
0x4b0: {  	v17 =	vmul.f32 v18, v17;
	_ =	sdelay $0x1  }
0x4b1: {  	[tilespmem:v16+s10+$0x0] =	vst.idx.msk $0xffff, v17  }
0x4b2: {  	[spmem:s2] =	stream.indirect.scatter.add.f32 [tilespmem:s10], [sflag:$0x6], $0x80, s11, s1, $0xb8;
	[tilespmem:$0x1A780] =	vst v63  }
0x4b3: {  	s21 =	simm.s32 $0x4  }
0x4b4: {  	[spmem:s5] =	stream.indirect.scatter.add.f32 [tilespmem:s9], [sflag:$0x7], $0x1, s11, s1, $0xb8;
	[tilespmem:$0x1A780] =	vst v63  }
0x4b5: {  	_ =	swait.ge [sflag:s21], $0x2800  }
0x4b6: {  	[sflag:s21] =	ssyncset.done $0x0  }
0x4b7: {  	s22 =	simm.s32 $0x5;
	[sflag:s21] =	ssyncadd.s32 $0xFFFFD800  }
0x4b8: {  	_ =	swait.ge [sflag:s22], $0x50  }
0x4b9: {  	[sflag:s22] =	ssyncset.done $0x0  }
0x4ba: {  	s23 =	simm.s32 $0x6;
	s4 =	sadd.s32 $0x1, s4;
	[sflag:s22] =	ssyncadd.s32 $0xFFFFFFB0  }
0x4bb: {  	p0 =	sne.s32 s4, $0x81;
	_ =	swait.ge [sflag:s23], $0x2800  }
.Ltmp21:
0x4bc: {  	[sflag:s23] =	ssyncset.done $0x0;
	(pc) =	sbr.rel @p0 .LBB2_40-.Ltmp21, $4  }
0x4bd: {  	s24 =	simm.s32 $0x7;
	[sflag:s23] =	ssyncadd.s32 $0xFFFFD800  }
0x4be: {  	_ =	swait.ge [sflag:s24], $0x50  }
0x4bf: {  	[sflag:s24] =	ssyncset.done $0x0  }
0x4c0: {  	s13 =	simm.s32 $0x50;
	s14 =	simm.s32 $0x14400;
	[sflag:s24] =	ssyncadd.s32 $0xFFFFFFB0  }
0x4c1: {  	[bflag:$0x0] =	sbarrier.arrive $0xFFFF  }
0x4c2: {  	[tilespmem:$0x1A590] =	vst v14  }
0x4c3: {  	[tilespmem:$0x1A580] =	vst v15  }
0x4c4: {  	[tilespmem:s26], [sflag:$0x1] =	stream.indirect.gather [spmem:s2], $0x80, s29, s28, $0xb8;
	[tilespmem:$0x1A780] =	vst v63  }
0x4c5: {  	_ =	swait.ge [sflag:s12], $0x1000  }
0x4c6: {  	[sflag:s12] =	ssyncset.done $0x0;
	s11 =	rddreg [dreg:$0x16]  }
0x4c7: {  	s1 =	simm.s32 $0x0;
	[sflag:s12] =	ssyncadd.s32 $0xFFFFF000;
	s4 =	sadd.s32 $0x0, s11  }
0x4c8: {  	[hbm4b:s4+s1] =	stream.linear.scatter [tilespmem:s26], [sflag:$0x8], $0x1000, $0x38;
	[tilespmem:$0x1A780] =	vst v63  }
0x4c9: {  	s23 =	simm.s32 $0x400;
	s24 =	sadd.s32 $0x20, s25;
	_ =	swait.ge [sflag:s30], $0x1000  }
0x4ca: {  	s22 =	smov.u32 s25;
	v16 =	vmov v13;
	s4 =	simm.s32 $0x200;
	[sflag:s30] =	ssyncset.done $0x0  }
.LBB2_46:
0x4cb: {  	v17 =	vor.u32 s24, v3;
	p0 =	sne.s32 s23, $0x2600;
	s19 =	sadd.s32 $0xFFFFFFF0, s22;
	[sflag:s30] =	ssyncadd.s32 $0xFFFFF000  }
0x4cc: {  	s22 =	smov.u32 s24;
	v18 =	vor.u32 s19, v3;
	[tilespmem:$0x1A590] =	vst v16;
	v16 =	vmov v17;
	s19 =	smov.u32 s23;
	s23 =	sadd.s32 $0x200, s23  }
0x4cd: {  	[tilespmem:$0x1A580] =	vst v18  }
0x4ce: {  	[tilespmem:s26], [sflag:$0x1] =	stream.indirect.gather [spmem:s2], $0x80, s29, s28, $0xb8;
	[tilespmem:$0x1A780] =	vst v63  }
0x4cf: {  	_ =	swait.ge [sflag:s12], $0x1000  }
.Ltmp22:
0x4d0: {  	[sflag:s12] =	ssyncset.done $0x0;
	(pc) =	sbr.rel @p0 .LBB2_46-.Ltmp22, $4  }
0x4d1: {  	s20 =	sadd.s32 s4, s11;
	s4 =	smov.u32 s19;
	[sflag:s12] =	ssyncadd.s32 $0xFFFFF000  }
0x4d2: {  	[hbm4b:s20+s1] =	stream.linear.scatter [tilespmem:s26], [sflag:$0x8], $0x1000, $0x38;
	[tilespmem:$0x1A780] =	vst v63  }
0x4d3: {  	_ =	swait.ge [sflag:s30], $0x1000  }
0x4d4: {  	s24 =	sadd.s32 $0x20, s24;
	[sflag:s30] =	ssyncset.done $0x0  }
0x4d5: {  	s19 =	sadd.s32 $0xFFFFFFF0, s22;
	[sflag:s30] =	ssyncadd.s32 $0xFFFFF000  }
0x4d6: {  	v17 =	vor.u32 s19, v3;
	[tilespmem:$0x1A590] =	vst v16  }
0x4d7: {  	[tilespmem:$0x1A580] =	vst v17  }
0x4d8: {  	[tilespmem:s26], [sflag:$0x1] =	stream.indirect.gather [spmem:s2], $0x80, s29, s28, $0xb8;
	[tilespmem:$0x1A780] =	vst v63  }
0x4d9: {  	_ =	swait.ge [sflag:s12], $0x1000  }
0x4da: {  	[sflag:s12] =	ssyncset.done $0x0  }
0x4db: {  	s4 =	sadd.s32 s4, s11;
	[sflag:s12] =	ssyncadd.s32 $0xFFFFF000  }
0x4dc: {  	[hbm4b:s4+s1] =	stream.linear.scatter [tilespmem:s26], [sflag:$0x8], $0x1000, $0x38;
	[tilespmem:$0x1A780] =	vst v63  }
0x4dd: {  	_ =	swait.ge [sflag:s30], $0x1000  }
0x4de: {  	s15 =	sadd.s32 $0x0, s6;
	[sflag:s30] =	ssyncset.done $0x0  }
0x4df: {  	v16 =	vor.u32 s15, v3;
	s21 =	sadd.s32 $0x20, s15;
	[sflag:s30] =	ssyncadd.s32 $0xFFFFF000  }
0x4e0: {  	s19 =	sadd.s32 $0x10, s15;
	v17 =	vor.u32 s21, v3;
	[tilespmem:$0x1A700] =	vst v16  }
0x4e1: {  	s23 =	sadd.s32 $0x40, s15;
	v16 =	vor.u32 s19, v3;
	[tilespmem:$0x1A720] =	vst v17  }
0x4e2: {  	s20 =	sadd.s32 $0x70, s15;
	v17 =	vor.u32 s23, v3;
	[tilespmem:$0x1A710] =	vst v16  }
0x4e3: {  	s1 =	sadd.s32 $0x30, s15;
	v16 =	vor.u32 s20, v3;
	[tilespmem:$0x1A740] =	vst v17  }
0x4e4: {  	s22 =	sadd.s32 $0x50, s15;
	v17 =	vor.u32 s1, v3;
	[tilespmem:$0x1A770] =	vst v16  }
0x4e5: {  	s24 =	sadd.s32 $0x60, s15;
	v16 =	vor.u32 s22, v3;
	[tilespmem:$0x1A730] =	vst v17  }
0x4e6: {  	s1 =	rddreg [dreg:$0xb];
	[tilespmem:$0x1A750] =	vst v16;
	v16 =	vor.u32 s24, v3  }
0x4e7: {  	s4 =	simm.s32 $0x80;
	s23 =	smov.u32 s1;
	[tilespmem:$0x1A760] =	vst v16  }
0x4e8: {  	[tilespmem:s8], [sflag:$0x1] =	stream.indirect.gather [spmem:s5], $0x1, s3, s31, $0xb8;
	[tilespmem:$0x1A780] =	vst v63  }
.LBB2_48:
0x4e9: {  	p0 =	sne.s32 s4, $0x200;
	_ =	swait.ge [sflag:s12], $0x80;
	s23 =	sadd.s32 $0x10, s23  }
0x4ea: {  	s19 =	smov.u32 s4;
	s4 =	sadd.s32 $0x80, s4;
	[sflag:s12] =	ssyncset.done $0x0  }
0x4eb: {  	[sflag:s12] =	ssyncadd.s32 $0xFFFFFF80  }
0x4ec: {  	[hbm4b:s1+s7] =	stream.linear.scatter [tilespmem:s8], [sflag:$0x8], $0x80, $0x38;
	[tilespmem:$0x1A780] =	vst v63  }
0x4ed: {  	s1 =	smov.u32 s23;
	_ =	swait.ge [sflag:s30], $0x80  }
0x4ee: {  	s19 =	sadd.s32 s19, s6;
	[sflag:s30] =	ssyncset.done $0x0  }
0x4ef: {  	v16 =	vor.u32 s19, v3;
	s20 =	sadd.s32 $0x10, s19;
	s21 =	sadd.s32 $0x20, s19;
	[sflag:s30] =	ssyncadd.s32 $0xFFFFFF80  }
0x4f0: {  	s22 =	sadd.s32 $0x70, s19;
	v17 =	vor.u32 s21, v3;
	s21 =	sadd.s32 $0x50, s19;
	[tilespmem:$0x1A700] =	vst v16;
	v16 =	vor.u32 s20, v3;
	s20 =	sadd.s32 $0x40, s19  }
0x4f1: {  	s24 =	sadd.s32 $0x30, s19;
	v19 =	vor.u32 s22, v3;
	v18 =	vor.u32 s21, v3;
	s19 =	sadd.s32 $0x60, s19;
	[tilespmem:$0x1A710] =	vst v16;
	v16 =	vor.u32 s20, v3  }
0x4f2: {  	v20 =	vor.u32 s24, v3;
	v21 =	vor.u32 s19, v3;
	[tilespmem:$0x1A770] =	vst v19  }
0x4f3: {  	[tilespmem:$0x1A720] =	vst v17  }
.Ltmp23:
0x4f4: {  	[tilespmem:$0x1A750] =	vst v18;
	(pc) =	sbr.rel @p0 .LBB2_48-.Ltmp23, $4  }
0x4f5: {  	[tilespmem:$0x1A740] =	vst v16  }
0x4f6: {  	[tilespmem:$0x1A760] =	vst v21  }
0x4f7: {  	[tilespmem:$0x1A730] =	vst v20  }
0x4f8: {  	[tilespmem:s8], [sflag:$0x1] =	stream.indirect.gather [spmem:s5], $0x1, s3, s31, $0xb8;
	[tilespmem:$0x1A780] =	vst v63  }
0x4f9: {  	_ =	swait.ge [sflag:s12], $0x80  }
0x4fa: {  	[sflag:s12] =	ssyncset.done $0x0  }
0x4fb: {  	s4 =	simm.s32 $0x0;
	[sflag:s12] =	ssyncadd.s32 $0xFFFFFF80  }
0x4fc: {  	v19 =	vor.u32 s4, v3;
	[hbm4b:s1+s7] =	stream.linear.scatter [tilespmem:s8], [sflag:$0x8], $0x80, $0x38;
	[tilespmem:$0x1A780] =	vst v63  }
0x4fd: {  	_ =	swait.ge [sflag:s30], $0x80  }
0x4fe: {  	v21 =	vor.u32 s4, v6;
	[sflag:s30] =	ssyncset.done $0x0  }
0x4ff: {  	v18 =	vor.u32 s4, v7;
	[sflag:s30] =	ssyncadd.s32 $0xFFFFFF80  }
0x500: {  	v17 =	vor.u32 s4, v8;
	[bflag:$0x0] =	sbarrier.arrive $0xFFFF  }
0x501: {  	[tilespmem:v19+s26+$0x0] =	vst.idx.msk $0xffff, v5;
	v19 =	vor.u32 s4, v9  }
0x502: {  	v20 =	vor.u32 s4, v10  }
0x503: {  	v16 =	vor.u32 s4, v12;
	s1 =	simm.s32 $0x1;
	[tilespmem:v21+s26+$0x0] =	vst.idx.msk $0xffff, v5;
	v21 =	vor.u32 s4, v11  }
.LBB2_50:
0x504: {  	s4 =	sshll.u32 s1, $0x7;
	p0 =	sne.s32 s1, $0x1F;
	s1 =	sadd.s32 $0x1, s1;
	[tilespmem:v18+s26+$0x0] =	vst.idx.msk $0xffff, v5  }
0x505: {  	v22 =	vor.u32 s4, v3;
	v23 =	vor.u32 s4, v12;
	[tilespmem:v17+s26+$0x0] =	vst.idx.msk $0xffff, v5  }
0x506: {  	v24 =	vor.u32 s4, v6;
	[tilespmem:v19+s26+$0x0] =	vst.idx.msk $0xffff, v5  }
.Ltmp24:
0x507: {  	v18 =	vor.u32 s4, v7;
	[tilespmem:v20+s26+$0x0] =	vst.idx.msk $0xffff, v5;
	(pc) =	sbr.rel @p0 .LBB2_50-.Ltmp24, $4  }
0x508: {  	v17 =	vor.u32 s4, v8;
	[tilespmem:v21+s26+$0x0] =	vst.idx.msk $0xffff, v5  }
0x509: {  	v19 =	vor.u32 s4, v9;
	[tilespmem:v16+s26+$0x0] =	vst.idx.msk $0xffff, v5;
	v16 =	vmov v23  }
0x50a: {  	v20 =	vor.u32 s4, v10;
	[tilespmem:v22+s26+$0x0] =	vst.idx.msk $0xffff, v5  }
0x50b: {  	v21 =	vor.u32 s4, v11;
	[tilespmem:v24+s26+$0x0] =	vst.idx.msk $0xffff, v5  }
0x50c: {  	_ =	sdelay $0x3  }
0x50d: {  	[tilespmem:v18+s26+$0x0] =	vst.idx.msk $0xffff, v5  }
0x50e: {  	[tilespmem:v17+s26+$0x0] =	vst.idx.msk $0xffff, v5  }
0x50f: {  	[tilespmem:v19+s26+$0x0] =	vst.idx.msk $0xffff, v5  }
0x510: {  	[tilespmem:v20+s26+$0x0] =	vst.idx.msk $0xffff, v5  }
0x511: {  	s1 =	sadd.s32 $0x0, s6;
	[tilespmem:v21+s26+$0x0] =	vst.idx.msk $0xffff, v5  }
0x512: {  	[tilespmem:v16+s26+$0x0] =	vst.idx.msk $0xffff, v5;
	v16 =	vor.u32 s1, v3;
	s1 =	sadd.s32 $0x10, s1  }
0x513: {  	[tilespmem:$0x1A580] =	vst v16;
	v16 =	vor.u32 s1, v3  }
0x514: {  	[tilespmem:$0x1A590] =	vst v16  }
0x515: {  	[spmem:s2] =	stream.indirect.scatter [tilespmem:s26], [sflag:$0x8], $0x80, s29, s28, $0xb8;
	[tilespmem:$0x1A780] =	vst v63  }
0x516: {  	s1 =	simm.s32 $0x20;
	_ =	swait.ge [sflag:s30], $0x1000  }
.LBB2_52:
0x517: {  	s4 =	sadd.s32 s1, s6;
	[sflag:s30] =	ssyncset.done $0x0;
	p0 =	sne.s32 s1, $0x260  }
.Ltmp25:
0x518: {  	v16 =	vor.u32 s4, v3;
	s4 =	sadd.s32 $0x10, s4;
	[sflag:s30] =	ssyncadd.s32 $0xFFFFF000;
	(pc) =	sbr.rel @p0 .LBB2_52-.Ltmp25, $4  }
0x519: {  	s1 =	sadd.s32 $0x20, s1;
	[tilespmem:$0x1A580] =	vst v16;
	v16 =	vor.u32 s4, v3  }
0x51a: {  	[tilespmem:$0x1A590] =	vst v16  }
0x51b: {  	[spmem:s2] =	stream.indirect.scatter [tilespmem:s26], [sflag:$0x8], $0x80, s29, s28, $0xb8;
	[tilespmem:$0x1A780] =	vst v63  }
0x51c: {  	_ =	swait.ge [sflag:s30], $0x1000  }
0x51d: {  	[sflag:s30] =	ssyncset.done $0x0;
	s1 =	sadd.s32 $0x0, s6  }
0x51e: {  	[sflag:s30] =	ssyncadd.s32 $0xFFFFF000;
	v16 =	vor.u32 s1, v3;
	s4 =	sadd.s32 $0x70, s1  }
0x51f: {  	s19 =	sadd.s32 $0x60, s1;
	[tilespmem:$0x1A700] =	vst v16;
	v16 =	vor.u32 s4, v3  }
0x520: {  	s23 =	sadd.s32 $0x30, s1;
	v17 =	vor.u32 s19, v3;
	[tilespmem:$0x1A770] =	vst v16  }
0x521: {  	s21 =	sadd.s32 $0x50, s1;
	v18 =	vor.u32 s23, v3;
	[tilespmem:$0x1A760] =	vst v17  }
0x522: {  	s22 =	sadd.s32 $0x40, s1;
	v16 =	vor.u32 s21, v3;
	[tilespmem:$0x1A730] =	vst v18  }
0x523: {  	s24 =	sadd.s32 $0x20, s1;
	v17 =	vor.u32 s22, v3;
	[tilespmem:$0x1A750] =	vst v16  }
0x524: {  	s4 =	sadd.s32 $0x10, s1;
	s1 =	simm.s32 $0x80;
	[tilespmem:$0x1A740] =	vst v17;
	v16 =	vor.u32 s24, v3  }
.LBB2_54:
0x525: {  	p0 =	sne.s32 s1, $0x200;
	v17 =	vor.u32 s4, v3;
	[tilespmem:$0x1A720] =	vst v16  }
0x526: {  	[tilespmem:$0x1A710] =	vst v17;
	[spmem:s5] =	stream.indirect.scatter [tilespmem:s0], [sflag:$0x8], $0x1, s3, s31, $0xb8  }
0x527: {  	_ =	swait.ge [sflag:s30], $0x80  }
0x528: {  	s4 =	sadd.s32 s1, s6;
	[sflag:s30] =	ssyncset.done $0x0  }
0x529: {  	v16 =	vor.u32 s4, v3;
	s19 =	sadd.s32 $0x70, s4;
	[sflag:s30] =	ssyncadd.s32 $0xFFFFFF80  }
0x52a: {  	s20 =	sadd.s32 $0x60, s4;
	[tilespmem:$0x1A700] =	vst v16;
	v16 =	vor.u32 s19, v3  }
.Ltmp26:
0x52b: {  	v17 =	vor.u32 s20, v3;
	s19 =	sadd.s32 $0x50, s4;
	[tilespmem:$0x1A770] =	vst v16;
	(pc) =	sbr.rel @p0 .LBB2_54-.Ltmp26, $4  }
0x52c: {  	s20 =	sadd.s32 $0x40, s4;
	v16 =	vor.u32 s19, v3;
	[tilespmem:$0x1A760] =	vst v17  }
0x52d: {  	s19 =	sadd.s32 $0x30, s4;
	v17 =	vor.u32 s20, v3;
	[tilespmem:$0x1A750] =	vst v16  }
0x52e: {  	s20 =	sadd.s32 $0x20, s4;
	v18 =	vor.u32 s19, v3;
	[tilespmem:$0x1A740] =	vst v17  }
0x52f: {  	s1 =	sadd.s32 $0x80, s1;
	s4 =	sadd.s32 $0x10, s4;
	v16 =	vor.u32 s20, v3;
	[tilespmem:$0x1A730] =	vst v18  }
0x530: {  	v17 =	vor.u32 s4, v3;
	[tilespmem:$0x1A720] =	vst v16  }
0x531: {  	[tilespmem:$0x1A710] =	vst v17  }
0x532: {  	[spmem:s5] =	stream.indirect.scatter [tilespmem:s0], [sflag:$0x8], $0x1, s3, s31, $0xb8;
	[tilespmem:$0x1A780] =	vst v63  }
0x533: {  	_ =	swait.ge [sflag:s30], $0x80  }
0x534: {  	[sflag:s30] =	ssyncset.done $0x0  }
0x535: {  	s15 =	simm.s32 $0x0;
	s4 =	simm.s32 $0x0;
	[sflag:s30] =	ssyncadd.s32 $0xFFFFFF80  }
0x536: {  	s13 =	simm.s32 $0x50;
	s14 =	simm.s32 $0x14400;
	[bflag:$0x0] =	sbarrier.arrive $0xFFFF  }
.LBB2_56:
0x537: {  	s19 =	smul.u32 $0xA0, s4  }
0x538: {  	s20 =	rddreg [dreg:$0x5]  }
0x539: {  	s20 =	sadd.s32 s20, s19  }
0x53a: {  	s23 =	rddreg [dreg:$0x0];
	s21 =	sshrl.u32 s20, $0x3  }
0x53b: {  	s11 =	simm.s32 $0x14280;
	s22 =	sadd.s32 s23, s21  }
0x53c: {  	[tilespmem:s11], [sflag:$0x8] =	stream.linear.gather [hbm4b:s22+s15], $0x50, $0x38;
	[tilespmem:$0x1A780] =	vst v63  }
0x53d: {  	_ =	swait.ge [sflag:s30], $0x50  }
0x53e: {  	[sflag:s30] =	ssyncset.done $0x0;
	s22 =	rddreg [dreg:$0xd]  }
0x53f: {  	[sflag:s30] =	ssyncadd.s32 $0xFFFFFFB0;
	s21 =	sadd.s32 s22, s21  }
0x540: {  	[tilespmem:s17], [sflag:$0x8] =	stream.linear.gather [hbm4b:s21+s15], $0x50, $0x38;
	[tilespmem:$0x1A780] =	vst v63  }
0x541: {  	_ =	swait.ge [sflag:s30], $0x50  }
0x542: {  	s1 =	rddreg [dreg:$0x10]  }
0x543: {  	s20 =	sadd.s32 s1, s20  }
0x544: {  	[sflag:s30] =	ssyncset.done $0x0;
	s17 =	rddreg [dreg:$0xe];
	s20 =	sshrl.u32 s20, $0x3  }
0x545: {  	[sflag:s30] =	ssyncadd.s32 $0xFFFFFFB0;
	s20 =	sadd.s32 s17, s20  }
0x546: {  	[tilespmem:s16], [sflag:$0x8] =	stream.linear.gather [hbm4b:s20+s15], $0x50, $0x38;
	[tilespmem:$0x1A780] =	vst v63  }
0x547: {  	_ =	swait.ge [sflag:s30], $0x50  }
0x548: {  	[sflag:s30] =	ssyncset.done $0x0  }
0x549: {  	[sflag:s30] =	ssyncadd.s32 $0xFFFFFFB0  }
0x54a: {  	v16 =	vld [tilespmem:$0x14280]  }
0x54b: {  	v17 =	vld [tilespmem:$0x14290]  }
0x54c: {  	v18 =	vld [tilespmem:$0x142A0]  }
0x54d: {  	v19 =	vld [tilespmem:$0x142B0]  }
0x54e: {  	v20 =	vld [tilespmem:$0x142C0]  }
0x54f: {  	v16 =	vadd.s32 v4, v16  }
0x550: {  	[tilespmem:$0x14280] =	vst v16;
	v16 =	vadd.s32 v4, v17  }
0x551: {  	[tilespmem:$0x14290] =	vst v16;
	v16 =	vadd.s32 v4, v18  }
0x552: {  	s21 =	rddreg [dreg:$0x12];
	[tilespmem:$0x142A0] =	vst v16;
	v16 =	vadd.s32 v4, v19  }
0x553: {  	s19 =	sadd.s32 s19, s21;
	[tilespmem:$0x142B0] =	vst v16;
	v16 =	vadd.s32 v4, v20  }
0x554: {  	s24 =	rddreg [dreg:$0xf];
	s20 =	sshrl.u32 s19, $0x3;
	[tilespmem:$0x142C0] =	vst v16  }
0x555: {  	[tilespmem:s18], [sflag:$0x2] =	stream.indirect.gather [hbm4b:s24+s13], $0x80, s11, s13, $0xb8;
	[tilespmem:$0x1A780] =	vst v63  }
0x556: {  	s11 =	sadd.s32 s23, s20;
	s23 =	simm.s32 $0x14300  }
0x557: {  	[tilespmem:s23], [sflag:$0x8] =	stream.linear.gather [hbm4b:s11+s15], $0x50, $0x38;
	[tilespmem:$0x1A780] =	vst v63  }
0x558: {  	_ =	swait.ge [sflag:s30], $0x50  }
0x559: {  	[sflag:s30] =	ssyncset.done $0x0  }
0x55a: {  	s20 =	sadd.s32 s22, s20;
	[sflag:s30] =	ssyncadd.s32 $0xFFFFFFB0  }
0x55b: {  	[tilespmem:s14], [sflag:$0x8] =	stream.linear.gather [hbm4b:s20+s15], $0x50, $0x38;
	[tilespmem:$0x1A780] =	vst v63  }
0x55c: {  	s19 =	sadd.s32 s1, s19;
	_ =	swait.ge [sflag:s30], $0x50  }
0x55d: {  	s19 =	sshrl.u32 s19, $0x3;
	[sflag:s30] =	ssyncset.done $0x0  }
0x55e: {  	s19 =	sadd.s32 s17, s19;
	[sflag:s30] =	ssyncadd.s32 $0xFFFFFFB0  }
0x55f: {  	[tilespmem:s9], [sflag:$0x8] =	stream.linear.gather [hbm4b:s19+s15], $0x50, $0x38;
	[tilespmem:$0x1A780] =	vst v63  }
0x560: {  	_ =	swait.ge [sflag:s30], $0x50  }
0x561: {  	[sflag:s30] =	ssyncset.done $0x0  }
0x562: {  	[sflag:s30] =	ssyncadd.s32 $0xFFFFFFB0  }
0x563: {  	v16 =	vld [tilespmem:$0x14300]  }
0x564: {  	v17 =	vld [tilespmem:$0x14310]  }
0x565: {  	v18 =	vld [tilespmem:$0x14320]  }
0x566: {  	v19 =	vld [tilespmem:$0x14330]  }
0x567: {  	v20 =	vld [tilespmem:$0x14340]  }
0x568: {  	v16 =	vadd.s32 v4, v16  }
0x569: {  	[tilespmem:$0x14300] =	vst v16;
	v16 =	vadd.s32 v4, v17  }
0x56a: {  	[tilespmem:$0x14310] =	vst v16;
	v16 =	vadd.s32 v4, v18  }
0x56b: {  	[tilespmem:$0x14320] =	vst v16;
	v16 =	vadd.s32 v4, v19  }
0x56c: {  	[tilespmem:$0x14330] =	vst v16;
	v16 =	vadd.s32 v4, v20  }
0x56d: {  	v17 =	vmov s15;
	[tilespmem:$0x14340] =	vst v16  }
0x56e: {  	v16 =	vshll.u32 v17, $0x7;
	[tilespmem:s10], [sflag:$0x3] =	stream.indirect.gather [hbm4b:s24+s13], $0x80, s23, s13, $0xb8;
	[tilespmem:$0x1A780] =	vst v63  }
0x56f: {  	v18 =	vor.u32 v3, v16;
	s23 =	simm.s32 $0x2  }
0x570: {  	_ =	swait.ge [sflag:s23], $0x2800  }
0x571: {  	[sflag:s23] =	ssyncset.done $0x0  }
0x572: {  	[sflag:s23] =	ssyncadd.s32 $0xFFFFD800  }
0x573: {  	v20 =	vld.idx.msk [tilespmem:v17+s16+$0x0], $0xffff  }
0x574: {  	v17 =	vld.idx.msk [tilespmem:v18+s18+$0x0], $0xffff;
	_ =	sdelay $0x2  }
0x575: {  	v19 =	vor.u32 v6, v16;
	_ =	sdelay $0x1  }
0x576: {  	v17 =	vmul.f32 v17, v20;
	_ =	sdelay $0x1  }
0x577: {  	[tilespmem:v18+s18+$0x0] =	vst.idx.msk $0xffff, v17  }
0x578: {  	v17 =	vld.idx.msk [tilespmem:v19+s18+$0x0], $0xffff;
	_ =	sdelay $0x2  }
0x579: {  	v18 =	vor.u32 v7, v16;
	_ =	sdelay $0x1  }
0x57a: {  	v17 =	vmul.f32 v17, v20;
	_ =	sdelay $0x1  }
0x57b: {  	[tilespmem:v19+s18+$0x0] =	vst.idx.msk $0xffff, v17  }
0x57c: {  	v17 =	vld.idx.msk [tilespmem:v18+s18+$0x0], $0xffff;
	_ =	sdelay $0x2  }
0x57d: {  	v19 =	vor.u32 v8, v16;
	_ =	sdelay $0x1  }
0x57e: {  	v17 =	vmul.f32 v17, v20;
	_ =	sdelay $0x1  }
0x57f: {  	[tilespmem:v18+s18+$0x0] =	vst.idx.msk $0xffff, v17  }
0x580: {  	v17 =	vld.idx.msk [tilespmem:v19+s18+$0x0], $0xffff;
	_ =	sdelay $0x2  }
0x581: {  	v18 =	vor.u32 v9, v16;
	_ =	sdelay $0x1  }
0x582: {  	v17 =	vmul.f32 v17, v20;
	_ =	sdelay $0x1  }
0x583: {  	[tilespmem:v19+s18+$0x0] =	vst.idx.msk $0xffff, v17  }
0x584: {  	v17 =	vld.idx.msk [tilespmem:v18+s18+$0x0], $0xffff;
	_ =	sdelay $0x2  }
0x585: {  	v19 =	vor.u32 v10, v16;
	_ =	sdelay $0x1  }
0x586: {  	v17 =	vmul.f32 v17, v20;
	_ =	sdelay $0x1  }
0x587: {  	[tilespmem:v18+s18+$0x0] =	vst.idx.msk $0xffff, v17  }
0x588: {  	v17 =	vld.idx.msk [tilespmem:v19+s18+$0x0], $0xffff;
	_ =	sdelay $0x2  }
0x589: {  	v18 =	vor.u32 v11, v16;
	_ =	sdelay $0x1  }
0x58a: {  	v17 =	vmul.f32 v17, v20;
	_ =	sdelay $0x1  }
0x58b: {  	[tilespmem:v19+s18+$0x0] =	vst.idx.msk $0xffff, v17  }
0x58c: {  	v19 =	vld.idx.msk [tilespmem:v18+s18+$0x0], $0xffff;
	_ =	sdelay $0x2  }
0x58d: {  	v17 =	vor.u32 v12, v16;
	_ =	sdelay $0x1  }
0x58e: {  	v16 =	vmul.f32 v19, v20;
	_ =	sdelay $0x1  }
0x58f: {  	[tilespmem:v18+s18+$0x0] =	vst.idx.msk $0xffff, v16  }
0x590: {  	v21 =	vld.idx.msk [tilespmem:v17+s18+$0x0], $0xffff  }
0x591: {  	s24 =	simm.s32 $0x1  }
0x592: {  	v19 =	vmov s24  }
0x593: {  	v16 =	vshll.u32 v19, $0x7  }
0x594: {  	v18 =	vor.u32 v3, v16  }
0x595: {  	s1 =	simm.s32 $0x50;
	s11 =	simm.s32 $0x14400;
	s24 =	simm.s32 $0x2;
	v20 =	vmul.f32 v21, v20  }
.LBB2_57:
0x596: {  	_ = 	snop  }
0x597: {  	p0 =	sne.s32 s24, $0x4F;
	s23 =	smov.u32 s24;
	s24 =	sadd.s32 $0x1, s24;
	[tilespmem:v17+s18+$0x0] =	vst.idx.msk $0xffff, v20  }
0x598: {  	v20 =	vld.idx.msk [tilespmem:v19+s16+$0x0], $0xffff  }
0x599: {  	v17 =	vld.idx.msk [tilespmem:v18+s18+$0x0], $0xffff;
	_ =	sdelay $0x3  }
0x59a: {  	v19 =	vor.u32 v6, v16;
	_ =	sdelay $0x1  }
0x59b: {  	v17 =	vmul.f32 v17, v20;
	_ =	sdelay $0x1  }
0x59c: {  	[tilespmem:v18+s18+$0x0] =	vst.idx.msk $0xffff, v17  }
0x59d: {  	v17 =	vld.idx.msk [tilespmem:v19+s18+$0x0], $0xffff;
	_ =	sdelay $0x3  }
0x59e: {  	v18 =	vor.u32 v7, v16;
	_ =	sdelay $0x1  }
0x59f: {  	v17 =	vmul.f32 v17, v20;
	_ =	sdelay $0x1  }
0x5a0: {  	[tilespmem:v19+s18+$0x0] =	vst.idx.msk $0xffff, v17  }
0x5a1: {  	v17 =	vld.idx.msk [tilespmem:v18+s18+$0x0], $0xffff;
	_ =	sdelay $0x3  }
0x5a2: {  	v19 =	vor.u32 v8, v16;
	_ =	sdelay $0x1  }
0x5a3: {  	v17 =	vmul.f32 v17, v20;
	_ =	sdelay $0x1  }
0x5a4: {  	[tilespmem:v18+s18+$0x0] =	vst.idx.msk $0xffff, v17  }
0x5a5: {  	v17 =	vld.idx.msk [tilespmem:v19+s18+$0x0], $0xffff;
	_ =	sdelay $0x3  }
0x5a6: {  	v18 =	vor.u32 v9, v16;
	_ =	sdelay $0x1  }
0x5a7: {  	v17 =	vmul.f32 v17, v20;
	_ =	sdelay $0x1  }
0x5a8: {  	[tilespmem:v19+s18+$0x0] =	vst.idx.msk $0xffff, v17  }
0x5a9: {  	v17 =	vld.idx.msk [tilespmem:v18+s18+$0x0], $0xffff;
	_ =	sdelay $0x3  }
0x5aa: {  	v19 =	vor.u32 v10, v16;
	_ =	sdelay $0x1  }
0x5ab: {  	v17 =	vmul.f32 v17, v20;
	_ =	sdelay $0x1  }
0x5ac: {  	[tilespmem:v18+s18+$0x0] =	vst.idx.msk $0xffff, v17  }
0x5ad: {  	v17 =	vld.idx.msk [tilespmem:v19+s18+$0x0], $0xffff;
	_ =	sdelay $0x3  }
0x5ae: {  	v18 =	vor.u32 v11, v16;
	_ =	sdelay $0x1  }
0x5af: {  	v17 =	vmul.f32 v17, v20;
	_ =	sdelay $0x1  }
0x5b0: {  	[tilespmem:v19+s18+$0x0] =	vst.idx.msk $0xffff, v17  }
0x5b1: {  	v19 =	vld.idx.msk [tilespmem:v18+s18+$0x0], $0xffff;
	_ =	sdelay $0x3  }
0x5b2: {  	v17 =	vor.u32 v12, v16;
	_ =	sdelay $0x1  }
0x5b3: {  	v16 =	vmul.f32 v19, v20;
	_ =	sdelay $0x1  }
0x5b4: {  	[tilespmem:v18+s18+$0x0] =	vst.idx.msk $0xffff, v16  }
0x5b5: {  	v21 =	vld.idx.msk [tilespmem:v17+s18+$0x0], $0xffff;
	_ =	sdelay $0x1  }
.Ltmp27:
0x5b6: {  	(pc) =	sbr.rel @p0 .LBB2_57-.Ltmp27, $4  }
0x5b7: {  	v19 =	vmov s23  }
0x5b8: {  	v16 =	vshll.u32 v19, $0x7  }
0x5b9: {  	v18 =	vor.u32 v3, v16  }
0x5ba: {  	v20 =	vmul.f32 v21, v20  }
0x5bb: {  	_ =	sdelay $0x3  }
0x5bc: {  	[tilespmem:v17+s18+$0x0] =	vst.idx.msk $0xffff, v20  }
0x5bd: {  	v17 =	vld.idx.msk [tilespmem:v19+s16+$0x0], $0xffff  }
0x5be: {  	v19 =	vld.idx.msk [tilespmem:v18+s18+$0x0], $0xffff;
	_ =	sdelay $0x2  }
0x5bf: {  	v20 =	vor.u32 v6, v16;
	_ =	sdelay $0x1  }
0x5c0: {  	v19 =	vmul.f32 v19, v17;
	_ =	sdelay $0x1  }
0x5c1: {  	[tilespmem:v18+s18+$0x0] =	vst.idx.msk $0xffff, v19  }
0x5c2: {  	v18 =	vld.idx.msk [tilespmem:v20+s18+$0x0], $0xffff;
	_ =	sdelay $0x2  }
0x5c3: {  	v19 =	vor.u32 v7, v16;
	_ =	sdelay $0x1  }
0x5c4: {  	v18 =	vmul.f32 v18, v17;
	_ =	sdelay $0x1  }
0x5c5: {  	[tilespmem:v20+s18+$0x0] =	vst.idx.msk $0xffff, v18  }
0x5c6: {  	v18 =	vld.idx.msk [tilespmem:v19+s18+$0x0], $0xffff;
	_ =	sdelay $0x2  }
0x5c7: {  	v20 =	vor.u32 v8, v16;
	_ =	sdelay $0x1  }
0x5c8: {  	v18 =	vmul.f32 v18, v17;
	_ =	sdelay $0x1  }
0x5c9: {  	[tilespmem:v19+s18+$0x0] =	vst.idx.msk $0xffff, v18  }
0x5ca: {  	v18 =	vld.idx.msk [tilespmem:v20+s18+$0x0], $0xffff;
	_ =	sdelay $0x2  }
0x5cb: {  	v19 =	vor.u32 v9, v16;
	_ =	sdelay $0x1  }
0x5cc: {  	v18 =	vmul.f32 v18, v17;
	_ =	sdelay $0x1  }
0x5cd: {  	[tilespmem:v20+s18+$0x0] =	vst.idx.msk $0xffff, v18  }
0x5ce: {  	v18 =	vld.idx.msk [tilespmem:v19+s18+$0x0], $0xffff;
	_ =	sdelay $0x2  }
0x5cf: {  	v20 =	vor.u32 v10, v16;
	_ =	sdelay $0x1  }
0x5d0: {  	v18 =	vmul.f32 v18, v17;
	_ =	sdelay $0x1  }
0x5d1: {  	[tilespmem:v19+s18+$0x0] =	vst.idx.msk $0xffff, v18  }
0x5d2: {  	v18 =	vld.idx.msk [tilespmem:v20+s18+$0x0], $0xffff;
	_ =	sdelay $0x2  }
0x5d3: {  	v19 =	vor.u32 v11, v16;
	_ =	sdelay $0x1  }
0x5d4: {  	v18 =	vmul.f32 v18, v17;
	_ =	sdelay $0x1  }
0x5d5: {  	[tilespmem:v20+s18+$0x0] =	vst.idx.msk $0xffff, v18  }
0x5d6: {  	v18 =	vld.idx.msk [tilespmem:v19+s18+$0x0], $0xffff;
	_ =	sdelay $0x2  }
0x5d7: {  	v16 =	vor.u32 v12, v16;
	_ =	sdelay $0x1  }
0x5d8: {  	v18 =	vmul.f32 v18, v17;
	_ =	sdelay $0x1  }
0x5d9: {  	[tilespmem:v19+s18+$0x0] =	vst.idx.msk $0xffff, v18  }
0x5da: {  	v18 =	vld.idx.msk [tilespmem:v16+s18+$0x0], $0xffff;
	_ =	sdelay $0x4  }
0x5db: {  	v17 =	vmul.f32 v18, v17;
	_ =	sdelay $0x1  }
0x5dc: {  	s19 =	simm.s32 $0x0;
	s17 =	simm.s32 $0x14380;
	[tilespmem:v16+s18+$0x0] =	vst.idx.msk $0xffff, v17  }
0x5dd: {  	v16 =	vmov s19;
	[spmem:s2] =	stream.indirect.scatter.add.f32 [tilespmem:s18], [sflag:$0x4], $0x80, s17, s1, $0xb8;
	[tilespmem:$0x1A780] =	vst v63  }
0x5de: {  	s13 =	simm.s32 $0x3;
	v17 =	vshll.u32 v16, $0x7  }
0x5df: {  	v18 =	vor.u32 v3, v17;
	[spmem:s5] =	stream.indirect.scatter.add.f32 [tilespmem:s16], [sflag:$0x5], $0x1, s17, s1, $0xb8;
	[tilespmem:$0x1A780] =	vst v63  }
0x5e0: {  	_ =	swait.ge [sflag:s13], $0x2800  }
0x5e1: {  	[sflag:s13] =	ssyncset.done $0x0  }
0x5e2: {  	[sflag:s13] =	ssyncadd.s32 $0xFFFFD800  }
0x5e3: {  	v20 =	vld.idx.msk [tilespmem:v16+s9+$0x0], $0xffff  }
0x5e4: {  	v16 =	vld.idx.msk [tilespmem:v18+s10+$0x0], $0xffff;
	_ =	sdelay $0x2  }
0x5e5: {  	v19 =	vor.u32 v6, v17;
	_ =	sdelay $0x1  }
0x5e6: {  	v16 =	vmul.f32 v16, v20;
	_ =	sdelay $0x1  }
0x5e7: {  	[tilespmem:v18+s10+$0x0] =	vst.idx.msk $0xffff, v16  }
0x5e8: {  	v16 =	vld.idx.msk [tilespmem:v19+s10+$0x0], $0xffff;
	_ =	sdelay $0x2  }
0x5e9: {  	v18 =	vor.u32 v7, v17;
	_ =	sdelay $0x1  }
0x5ea: {  	v16 =	vmul.f32 v16, v20;
	_ =	sdelay $0x1  }
0x5eb: {  	[tilespmem:v19+s10+$0x0] =	vst.idx.msk $0xffff, v16  }
0x5ec: {  	v16 =	vld.idx.msk [tilespmem:v18+s10+$0x0], $0xffff;
	_ =	sdelay $0x2  }
0x5ed: {  	v19 =	vor.u32 v8, v17;
	_ =	sdelay $0x1  }
0x5ee: {  	v16 =	vmul.f32 v16, v20;
	_ =	sdelay $0x1  }
0x5ef: {  	[tilespmem:v18+s10+$0x0] =	vst.idx.msk $0xffff, v16  }
0x5f0: {  	v16 =	vld.idx.msk [tilespmem:v19+s10+$0x0], $0xffff;
	_ =	sdelay $0x2  }
0x5f1: {  	v18 =	vor.u32 v9, v17;
	_ =	sdelay $0x1  }
0x5f2: {  	v16 =	vmul.f32 v16, v20;
	_ =	sdelay $0x1  }
0x5f3: {  	[tilespmem:v19+s10+$0x0] =	vst.idx.msk $0xffff, v16  }
0x5f4: {  	v16 =	vld.idx.msk [tilespmem:v18+s10+$0x0], $0xffff;
	_ =	sdelay $0x2  }
0x5f5: {  	v19 =	vor.u32 v10, v17;
	_ =	sdelay $0x1  }
0x5f6: {  	v16 =	vmul.f32 v16, v20;
	_ =	sdelay $0x1  }
0x5f7: {  	[tilespmem:v18+s10+$0x0] =	vst.idx.msk $0xffff, v16  }
0x5f8: {  	v16 =	vld.idx.msk [tilespmem:v19+s10+$0x0], $0xffff;
	_ =	sdelay $0x2  }
0x5f9: {  	v18 =	vor.u32 v11, v17;
	_ =	sdelay $0x1  }
0x5fa: {  	v16 =	vmul.f32 v16, v20;
	_ =	sdelay $0x1  }
0x5fb: {  	[tilespmem:v19+s10+$0x0] =	vst.idx.msk $0xffff, v16  }
0x5fc: {  	v16 =	vld.idx.msk [tilespmem:v18+s10+$0x0], $0xffff;
	_ =	sdelay $0x2  }
0x5fd: {  	v17 =	vor.u32 v12, v17;
	_ =	sdelay $0x1  }
0x5fe: {  	v16 =	vmul.f32 v16, v20;
	_ =	sdelay $0x1  }
0x5ff: {  	[tilespmem:v18+s10+$0x0] =	vst.idx.msk $0xffff, v16  }
0x600: {  	v21 =	vld.idx.msk [tilespmem:v17+s10+$0x0], $0xffff  }
0x601: {  	s24 =	simm.s32 $0x1  }
0x602: {  	v19 =	vmov s24  }
0x603: {  	v16 =	vshll.u32 v19, $0x7  }
0x604: {  	v18 =	vor.u32 v3, v16  }
0x605: {  	s24 =	simm.s32 $0x2;
	v20 =	vmul.f32 v21, v20  }
.LBB2_59:
0x606: {  	_ = 	snop  }
0x607: {  	p0 =	sne.s32 s24, $0x4F;
	s23 =	smov.u32 s24;
	s24 =	sadd.s32 $0x1, s24;
	[tilespmem:v17+s10+$0x0] =	vst.idx.msk $0xffff, v20  }
0x608: {  	v20 =	vld.idx.msk [tilespmem:v19+s9+$0x0], $0xffff  }
0x609: {  	v17 =	vld.idx.msk [tilespmem:v18+s10+$0x0], $0xffff;
	_ =	sdelay $0x3  }
0x60a: {  	v19 =	vor.u32 v6, v16;
	_ =	sdelay $0x1  }
0x60b: {  	v17 =	vmul.f32 v17, v20;
	_ =	sdelay $0x1  }
0x60c: {  	[tilespmem:v18+s10+$0x0] =	vst.idx.msk $0xffff, v17  }
0x60d: {  	v17 =	vld.idx.msk [tilespmem:v19+s10+$0x0], $0xffff;
	_ =	sdelay $0x3  }
0x60e: {  	v18 =	vor.u32 v7, v16;
	_ =	sdelay $0x1  }
0x60f: {  	v17 =	vmul.f32 v17, v20;
	_ =	sdelay $0x1  }
0x610: {  	[tilespmem:v19+s10+$0x0] =	vst.idx.msk $0xffff, v17  }
0x611: {  	v17 =	vld.idx.msk [tilespmem:v18+s10+$0x0], $0xffff;
	_ =	sdelay $0x3  }
0x612: {  	v19 =	vor.u32 v8, v16;
	_ =	sdelay $0x1  }
0x613: {  	v17 =	vmul.f32 v17, v20;
	_ =	sdelay $0x1  }
0x614: {  	[tilespmem:v18+s10+$0x0] =	vst.idx.msk $0xffff, v17  }
0x615: {  	v17 =	vld.idx.msk [tilespmem:v19+s10+$0x0], $0xffff;
	_ =	sdelay $0x3  }
0x616: {  	v18 =	vor.u32 v9, v16;
	_ =	sdelay $0x1  }
0x617: {  	v17 =	vmul.f32 v17, v20;
	_ =	sdelay $0x1  }
0x618: {  	[tilespmem:v19+s10+$0x0] =	vst.idx.msk $0xffff, v17  }
0x619: {  	v17 =	vld.idx.msk [tilespmem:v18+s10+$0x0], $0xffff;
	_ =	sdelay $0x3  }
0x61a: {  	v19 =	vor.u32 v10, v16;
	_ =	sdelay $0x1  }
0x61b: {  	v17 =	vmul.f32 v17, v20;
	_ =	sdelay $0x1  }
0x61c: {  	[tilespmem:v18+s10+$0x0] =	vst.idx.msk $0xffff, v17  }
0x61d: {  	v17 =	vld.idx.msk [tilespmem:v19+s10+$0x0], $0xffff;
	_ =	sdelay $0x3  }
0x61e: {  	v18 =	vor.u32 v11, v16;
	_ =	sdelay $0x1  }
0x61f: {  	v17 =	vmul.f32 v17, v20;
	_ =	sdelay $0x1  }
0x620: {  	[tilespmem:v19+s10+$0x0] =	vst.idx.msk $0xffff, v17  }
0x621: {  	v19 =	vld.idx.msk [tilespmem:v18+s10+$0x0], $0xffff;
	_ =	sdelay $0x3  }
0x622: {  	v17 =	vor.u32 v12, v16;
	_ =	sdelay $0x1  }
0x623: {  	v16 =	vmul.f32 v19, v20;
	_ =	sdelay $0x1  }
0x624: {  	[tilespmem:v18+s10+$0x0] =	vst.idx.msk $0xffff, v16  }
0x625: {  	v21 =	vld.idx.msk [tilespmem:v17+s10+$0x0], $0xffff;
	_ =	sdelay $0x1  }
.Ltmp28:
0x626: {  	(pc) =	sbr.rel @p0 .LBB2_59-.Ltmp28, $4  }
0x627: {  	v19 =	vmov s23  }
0x628: {  	v16 =	vshll.u32 v19, $0x7  }
0x629: {  	v18 =	vor.u32 v3, v16  }
0x62a: {  	v20 =	vmul.f32 v21, v20  }
0x62b: {  	_ =	sdelay $0x3  }
0x62c: {  	[tilespmem:v17+s10+$0x0] =	vst.idx.msk $0xffff, v20  }
0x62d: {  	v17 =	vld.idx.msk [tilespmem:v19+s9+$0x0], $0xffff  }
0x62e: {  	v57 =	vld.idx.msk [tilespmem:v18+s10+$0x0], $0xffff;
	_ =	sdelay $0x2  }
0x62f: {  	v58 =	vor.u32 v6, v16;
	_ =	sdelay $0x1  }
0x630: {  	v19 =	vmul.f32 v57, v17;
	_ =	sdelay $0x1  }
0x631: {  	[tilespmem:v18+s10+$0x0] =	vst.idx.msk $0xffff, v19  }
0x632: {  	v18 =	vld.idx.msk [tilespmem:v58+s10+$0x0], $0xffff;
	_ =	sdelay $0x2  }
0x633: {  	v59 =	vor.u32 v7, v16;
	_ =	sdelay $0x1  }
0x634: {  	v18 =	vmul.f32 v18, v17;
	_ =	sdelay $0x1  }
0x635: {  	[tilespmem:v58+s10+$0x0] =	vst.idx.msk $0xffff, v18  }
0x636: {  	v18 =	vld.idx.msk [tilespmem:v59+s10+$0x0], $0xffff;
	_ =	sdelay $0x2  }
0x637: {  	v60 =	vor.u32 v8, v16;
	_ =	sdelay $0x1  }
0x638: {  	v18 =	vmul.f32 v18, v17;
	_ =	sdelay $0x1  }
0x639: {  	[tilespmem:v59+s10+$0x0] =	vst.idx.msk $0xffff, v18  }
0x63a: {  	v18 =	vld.idx.msk [tilespmem:v60+s10+$0x0], $0xffff;
	_ =	sdelay $0x2  }
0x63b: {  	v61 =	vor.u32 v9, v16;
	_ =	sdelay $0x1  }
0x63c: {  	v18 =	vmul.f32 v18, v17;
	_ =	sdelay $0x1  }
0x63d: {  	[tilespmem:v60+s10+$0x0] =	vst.idx.msk $0xffff, v18  }
0x63e: {  	v18 =	vld.idx.msk [tilespmem:v61+s10+$0x0], $0xffff;
	_ =	sdelay $0x2  }
0x63f: {  	v62 =	vor.u32 v10, v16;
	_ =	sdelay $0x1  }
0x640: {  	v18 =	vmul.f32 v18, v17;
	_ =	sdelay $0x1  }
0x641: {  	[tilespmem:v61+s10+$0x0] =	vst.idx.msk $0xffff, v18  }
0x642: {  	v18 =	vld.idx.msk [tilespmem:v62+s10+$0x0], $0xffff;
	_ =	sdelay $0x2  }
0x643: {  	v63 =	vor.u32 v11, v16;
	_ =	sdelay $0x1  }
0x644: {  	v18 =	vmul.f32 v18, v17;
	_ =	sdelay $0x1  }
0x645: {  	[tilespmem:v62+s10+$0x0] =	vst.idx.msk $0xffff, v18  }
0x646: {  	v18 =	vld.idx.msk [tilespmem:v63+s10+$0x0], $0xffff;
	_ =	sdelay $0x2  }
0x647: {  	v16 =	vor.u32 v12, v16;
	_ =	sdelay $0x1  }
0x648: {  	v18 =	vmul.f32 v18, v17;
	_ =	sdelay $0x1  }
0x649: {  	[tilespmem:v63+s10+$0x0] =	vst.idx.msk $0xffff, v18  }
0x64a: {  	v18 =	vld.idx.msk [tilespmem:v16+s10+$0x0], $0xffff;
	_ =	sdelay $0x4  }
0x64b: {  	v17 =	vmul.f32 v18, v17;
	_ =	sdelay $0x1  }
0x64c: {  	[tilespmem:v16+s10+$0x0] =	vst.idx.msk $0xffff, v17  }
0x64d: {  	[spmem:s2] =	stream.indirect.scatter.add.f32 [tilespmem:s10], [sflag:$0x6], $0x80, s11, s1, $0xb8;
	[tilespmem:$0x1A780] =	vst v63  }
0x64e: {  	s21 =	simm.s32 $0x4  }
0x64f: {  	[spmem:s5] =	stream.indirect.scatter.add.f32 [tilespmem:s9], [sflag:$0x7], $0x1, s11, s1, $0xb8;
	[tilespmem:$0x1A780] =	vst v63  }
0x650: {  	_ =	swait.ge [sflag:s21], $0x2800  }
0x651: {  	[sflag:s21] =	ssyncset.done $0x0  }
0x652: {  	s22 =	simm.s32 $0x5;
	[sflag:s21] =	ssyncadd.s32 $0xFFFFD800  }
0x653: {  	_ =	swait.ge [sflag:s22], $0x50  }
0x654: {  	[sflag:s22] =	ssyncset.done $0x0  }
0x655: {  	s23 =	simm.s32 $0x6;
	s4 =	sadd.s32 $0x1, s4;
	[sflag:s22] =	ssyncadd.s32 $0xFFFFFFB0  }
0x656: {  	p0 =	sne.s32 s4, $0x81;
	_ =	swait.ge [sflag:s23], $0x2800  }
.Ltmp29:
0x657: {  	[sflag:s23] =	ssyncset.done $0x0;
	(pc) =	sbr.rel @p0 .LBB2_56-.Ltmp29, $4  }
0x658: {  	s24 =	simm.s32 $0x7;
	[sflag:s23] =	ssyncadd.s32 $0xFFFFD800  }
0x659: {  	_ =	swait.ge [sflag:s24], $0x50  }
0x65a: {  	[sflag:s24] =	ssyncset.done $0x0  }
0x65b: {  	s13 =	simm.s32 $0x50;
	s14 =	simm.s32 $0x14400;
	[sflag:s24] =	ssyncadd.s32 $0xFFFFFFB0  }
0x65c: {  	[bflag:$0x0] =	sbarrier.arrive $0xFFFF  }
0x65d: {  	[tilespmem:$0x1A590] =	vst v14  }
0x65e: {  	[tilespmem:$0x1A580] =	vst v15  }
0x65f: {  	[tilespmem:s26], [sflag:$0x1] =	stream.indirect.gather [spmem:s2], $0x80, s29, s28, $0xb8;
	[tilespmem:$0x1A780] =	vst v63  }
0x660: {  	_ =	swait.ge [sflag:s12], $0x1000  }
0x661: {  	[sflag:s12] =	ssyncset.done $0x0;
	s13 =	rddreg [dreg:$0x18]  }
0x662: {  	s1 =	simm.s32 $0x0;
	[sflag:s12] =	ssyncadd.s32 $0xFFFFF000;
	s4 =	sadd.s32 $0x0, s13  }
0x663: {  	[hbm4b:s4+s1] =	stream.linear.scatter [tilespmem:s26], [sflag:$0x8], $0x1000, $0x38;
	[tilespmem:$0x1A780] =	vst v63  }
0x664: {  	s23 =	simm.s32 $0x400;
	_ =	swait.ge [sflag:s30], $0x1000  }
0x665: {  	s24 =	sadd.s32 $0x20, s25;
	s4 =	simm.s32 $0x200;
	[sflag:s30] =	ssyncset.done $0x0  }
.LBB2_62:
0x666: {  	v14 =	vor.u32 s24, v3;
	p0 =	sne.s32 s23, $0x2600;
	s19 =	sadd.s32 $0xFFFFFFF0, s25;
	[sflag:s30] =	ssyncadd.s32 $0xFFFFF000  }
0x667: {  	s25 =	smov.u32 s24;
	v15 =	vor.u32 s19, v3;
	[tilespmem:$0x1A590] =	vst v13;
	v13 =	vmov v14;
	s19 =	smov.u32 s23;
	s23 =	sadd.s32 $0x200, s23  }
0x668: {  	[tilespmem:$0x1A580] =	vst v15  }
0x669: {  	[tilespmem:s26], [sflag:$0x1] =	stream.indirect.gather [spmem:s2], $0x80, s29, s28, $0xb8;
	[tilespmem:$0x1A780] =	vst v63  }
0x66a: {  	_ =	swait.ge [sflag:s12], $0x1000  }
.Ltmp30:
0x66b: {  	[sflag:s12] =	ssyncset.done $0x0;
	(pc) =	sbr.rel @p0 .LBB2_62-.Ltmp30, $4  }
0x66c: {  	s20 =	sadd.s32 s4, s13;
	s4 =	smov.u32 s19;
	[sflag:s12] =	ssyncadd.s32 $0xFFFFF000  }
0x66d: {  	[hbm4b:s20+s1] =	stream.linear.scatter [tilespmem:s26], [sflag:$0x8], $0x1000, $0x38;
	[tilespmem:$0x1A780] =	vst v63  }
0x66e: {  	_ =	swait.ge [sflag:s30], $0x1000  }
0x66f: {  	s24 =	sadd.s32 $0x20, s24;
	[sflag:s30] =	ssyncset.done $0x0  }
0x670: {  	s19 =	sadd.s32 $0xFFFFFFF0, s25;
	[sflag:s30] =	ssyncadd.s32 $0xFFFFF000  }
0x671: {  	v14 =	vor.u32 s19, v3;
	[tilespmem:$0x1A590] =	vst v13  }
0x672: {  	[tilespmem:$0x1A580] =	vst v14  }
0x673: {  	[tilespmem:s26], [sflag:$0x1] =	stream.indirect.gather [spmem:s2], $0x80, s29, s28, $0xb8;
	[tilespmem:$0x1A780] =	vst v63  }
0x674: {  	_ =	swait.ge [sflag:s12], $0x1000  }
0x675: {  	[sflag:s12] =	ssyncset.done $0x0  }
0x676: {  	s4 =	sadd.s32 s4, s13;
	[sflag:s12] =	ssyncadd.s32 $0xFFFFF000  }
0x677: {  	[hbm4b:s4+s1] =	stream.linear.scatter [tilespmem:s26], [sflag:$0x8], $0x1000, $0x38;
	[tilespmem:$0x1A780] =	vst v63  }
0x678: {  	_ =	swait.ge [sflag:s30], $0x1000  }
0x679: {  	s15 =	sadd.s32 $0x0, s6;
	[sflag:s30] =	ssyncset.done $0x0  }
0x67a: {  	v13 =	vor.u32 s15, v3;
	s22 =	sadd.s32 $0x20, s15;
	[sflag:s30] =	ssyncadd.s32 $0xFFFFF000  }
0x67b: {  	s20 =	sadd.s32 $0x10, s15;
	v14 =	vor.u32 s22, v3;
	[tilespmem:$0x1A700] =	vst v13  }
0x67c: {  	s24 =	sadd.s32 $0x40, s15;
	v13 =	vor.u32 s20, v3;
	[tilespmem:$0x1A720] =	vst v14  }
0x67d: {  	s21 =	sadd.s32 $0x70, s15;
	v14 =	vor.u32 s24, v3;
	[tilespmem:$0x1A710] =	vst v13  }
0x67e: {  	s1 =	sadd.s32 $0x30, s15;
	v13 =	vor.u32 s21, v3;
	[tilespmem:$0x1A740] =	vst v14  }
0x67f: {  	s23 =	sadd.s32 $0x50, s15;
	v14 =	vor.u32 s1, v3;
	[tilespmem:$0x1A770] =	vst v13  }
0x680: {  	s25 =	sadd.s32 $0x60, s15;
	v13 =	vor.u32 s23, v3;
	[tilespmem:$0x1A730] =	vst v14  }
0x681: {  	s4 =	rddreg [dreg:$0xc];
	[tilespmem:$0x1A750] =	vst v13;
	v13 =	vor.u32 s25, v3  }
0x682: {  	s11 =	rddreg [dreg:$0x14];
	s22 =	smov.u32 s4;
	s1 =	simm.s32 $0x80;
	[tilespmem:$0x1A760] =	vst v13  }
0x683: {  	[tilespmem:s8], [sflag:$0x1] =	stream.indirect.gather [spmem:s5], $0x1, s3, s31, $0xb8;
	[tilespmem:$0x1A780] =	vst v63  }
.LBB2_64:
0x684: {  	p0 =	sne.s32 s1, $0x200;
	_ =	swait.ge [sflag:s12], $0x80;
	s22 =	sadd.s32 $0x10, s22  }
0x685: {  	s19 =	smov.u32 s1;
	s1 =	sadd.s32 $0x80, s1;
	[sflag:s12] =	ssyncset.done $0x0  }
0x686: {  	[sflag:s12] =	ssyncadd.s32 $0xFFFFFF80  }
0x687: {  	[hbm4b:s4+s7] =	stream.linear.scatter [tilespmem:s8], [sflag:$0x8], $0x80, $0x38;
	[tilespmem:$0x1A780] =	vst v63  }
0x688: {  	s4 =	smov.u32 s22;
	_ =	swait.ge [sflag:s30], $0x80  }
0x689: {  	s19 =	sadd.s32 s19, s6;
	[sflag:s30] =	ssyncset.done $0x0  }
0x68a: {  	v13 =	vor.u32 s19, v3;
	s20 =	sadd.s32 $0x10, s19;
	s21 =	sadd.s32 $0x20, s19;
	[sflag:s30] =	ssyncadd.s32 $0xFFFFFF80  }
0x68b: {  	s23 =	sadd.s32 $0x70, s19;
	v14 =	vor.u32 s21, v3;
	s21 =	sadd.s32 $0x50, s19;
	[tilespmem:$0x1A700] =	vst v13;
	v13 =	vor.u32 s20, v3;
	s20 =	sadd.s32 $0x40, s19  }
0x68c: {  	s24 =	sadd.s32 $0x30, s19;
	v16 =	vor.u32 s23, v3;
	v15 =	vor.u32 s21, v3;
	s19 =	sadd.s32 $0x60, s19;
	[tilespmem:$0x1A710] =	vst v13;
	v13 =	vor.u32 s20, v3  }
0x68d: {  	v17 =	vor.u32 s24, v3;
	v18 =	vor.u32 s19, v3;
	[tilespmem:$0x1A770] =	vst v16  }
0x68e: {  	[tilespmem:$0x1A720] =	vst v14  }
.Ltmp31:
0x68f: {  	[tilespmem:$0x1A750] =	vst v15;
	(pc) =	sbr.rel @p0 .LBB2_64-.Ltmp31, $4  }
0x690: {  	[tilespmem:$0x1A740] =	vst v13  }
0x691: {  	[tilespmem:$0x1A760] =	vst v18  }
0x692: {  	[tilespmem:$0x1A730] =	vst v17  }
0x693: {  	[tilespmem:s8], [sflag:$0x1] =	stream.indirect.gather [spmem:s5], $0x1, s3, s31, $0xb8;
	[tilespmem:$0x1A780] =	vst v63  }
0x694: {  	_ =	swait.ge [sflag:s12], $0x80  }
0x695: {  	[sflag:s12] =	ssyncset.done $0x0  }
0x696: {  	[sflag:s12] =	ssyncadd.s32 $0xFFFFFF80  }
0x697: {  	[hbm4b:s4+s7] =	stream.linear.scatter [tilespmem:s8], [sflag:$0x8], $0x80, $0x38;
	[tilespmem:$0x1A780] =	vst v63  }
0x698: {  	_ =	swait.ge [sflag:s30], $0x80  }
0x699: {  	s25 =	rddreg [dreg:$0x17]  }
0x69a: {  	s1 =	rddreg [dreg:$0x11];
	s4 =	sadd.s32 $0x1, s25  }
0x69b: {  	p0 =	sne.s32 s4, s1  }
.Ltmp32:
0x69c: {  	_ = 	snop;
	(pc) =	sbr.rel @p0 .LBB2_1-.Ltmp32, $3  }
0x69d: {  	[sflag:s30] =	ssyncset.done $0x0  }
0x69e: {  	[sflag:s30] =	ssyncadd.s32 $0xFFFFFF80  }
0x69f: {  	[bflag:$0x0] =	sbarrier.arrive $0xFFFF;
	_ =	sdelay $0x1  }
0x6a0: {  	_ =	sfence.sel $0x180000  }
0x6a1: {  	[bflag:$0x0] =	sbarrier.arrive $0xFFFF  }
0x6a2: {  	_ =	strace $0x9000004A  }
0x6a3: {  	s0 =	stileid.u32;
	[bflag:$0x2] =	sbarrier.arrive $0xFFFF  }
0x6a4: {  	p0 =	sne.s32 s0, $0x0;
	s0 =	rddreg [dreg:$0x4]  }
0x6a5: {  	s0 =	sadd.s32 @!p0 $0x100000, s0  }
0x6a6: {  	[sflag:s0] =	ssyncadd.tile.s32 @!p0 $0x1;
	_ =	shalt  }
.Lfunc_end2:
_tile_overlayer_lowered:
.L_overlay_start_2:
0x6a7: {  	(tag) =	ssettag $0x2  }
0x6a8: {  	s0 =	rddreg [dreg:$0x0];
	s2 =	stileid.u32  }
0x6a9: {  	s1 =	rddreg [dreg:$0x1];
	p0 =	sne.s32 s2, $0x0  }
0x6aa: {  	s3 =	rddreg [dreg:$0x2];
	[bflag:$0x3] =	sbarrier.arrive $0xFFFF;
	s2 =	simm.s32 @!p0 $0x1C08  }
0x6ab: {  	[timem:s3], [sflag:s2] =	dma.local @!p0 [hbm:s0], s1  }
0x6ac: {  	s0 =	simm.s32 @!p0 $0x8  }
0x6ad: {  	_ =	swait.ge @!p0 [sflag:s0], s1  }
0x6ae: {  	s1 =	ssub.s32 @!p0 $0x0, s1;
	[sflag:s0] =	ssyncset.done @!p0 $0x0  }
0x6af: {  	[sflag:s0] =	ssyncadd.s32 @!p0 s1  }
0x6b0: {  	[bflag:$0x3] =	sbarrier.arrive $0xFFFF  }
0x6b1: {  	_ =	shalt  }

</sc_bundles>
